<compile_context>
chip_gen: v7x
topology: tpu7x:2x2x1
jax: 0.10.2.dev20260603
libtpu: 0.0.44.dev20260713+nightly
codegen_flags: <defaults>
</compile_context>

<pallas_src>
import jax
import jax.numpy as jnp
from jax import lax
from jax.experimental import pallas as pl
from jax.experimental.pallas import tpu as pltpu
from jax.experimental.pallas import tpu_sc as plsc

V = 1000000
D = 64
B = 16384
C = 20
NEG = 3
CN = C + NEG
NC = 2
NS = 16
NW = NC * NS
BPW = B // NW
CHUNK = 16
NSTEPS = BPW // CHUNK
IDXN = CHUNK * CN + 16


def _gather_body(cidx_hbm, ctx_tbl_hbm, tgt_sel_hbm, out_hbm,
                 cidx_v, cpk0_v, cpk1_v,
                 ctx_rows0, ctx_rows1, tgt_rows0, tgt_rows1,
                 out_v0, out_v1, sem_c0, sem_c1, sem_t0, sem_t1):
    cid = lax.axis_index("c")
    sid = lax.axis_index("s")
    wid = sid * NC + cid
    base = wid * BPW

    pltpu.sync_copy(cidx_hbm.at[pl.ds(base * CN, BPW * CN)],
                    cidx_v.at[pl.ds(0, BPW * CN)])

    ctx_rows = (ctx_rows0, ctx_rows1)
    tgt_rows = (tgt_rows0, tgt_rows1)
    outs = (out_v0, out_v1)
    sems_c = (sem_c0, sem_c1)
    sems_t = (sem_t0, sem_t1)
    cpks = (cpk0_v, cpk1_v)

    def issue(s, b):
        s0 = s * (CHUNK * CN)
        for w in range(CHUNK * CN // 16):
            cpks[b][pl.ds(w * 16, 16)] = \
                lax.shift_right_logical(cidx_v[pl.ds(s0 + w * 16, 16)], 1)
        if CHUNK * CN % 16:
            tl = CHUNK * CN - 16
            cpks[b][pl.ds(tl, 16)] = \
                lax.shift_right_logical(cidx_v[pl.ds(s0 + tl, 16)], 1)
        pltpu.async_copy(ctx_tbl_hbm.at[cpks[b]], ctx_rows[b], sems_c[b])
        pltpu.async_copy(tgt_sel_hbm.at[pl.ds(base + s * CHUNK, CHUNK), :],
                         tgt_rows[b], sems_t[b])

    def wait_bufs(b):
        pltpu.make_async_copy(ctx_tbl_hbm.at[cpks[b]],
                              ctx_rows[b], sems_c[b]).wait()
        pltpu.make_async_copy(tgt_sel_hbm.at[pl.ds(0, CHUNK), :],
                              tgt_rows[b], sems_t[b]).wait()

    def step_b(s, b):
        ib = base + s * CHUNK

        @pl.when(s + 1 < NSTEPS)
        def _():
            issue(s + 1, 1 - b)

        wait_bufs(b)
        crv = ctx_rows[b]
        trv = tgt_rows[b]
        ov = outs[b]

        def item(i, carry2):
            ib23 = i * CN
            gi23 = s * (CHUNK * CN) + ib23
            t0 = trv[i, pl.ds(0, 16)]
            t1 = trv[i, pl.ds(16, 16)]
            t2 = trv[i, pl.ds(32, 16)]
            t3 = trv[i, pl.ds(48, 16)]
            cs0 = jnp.zeros((16,), jnp.float32)
            cs1 = jnp.zeros((16,), jnp.float32)
            cs2 = jnp.zeros((16,), jnp.float32)
            cs3 = jnp.zeros((16,), jnp.float32)
            for j in range(C):
                pc = (cidx_v[pl.ds(gi23 + j, 16)][0] & 1) * 64
                cs0 = cs0 + crv[ib23 + j, pl.ds(pc, 16)]
                cs1 = cs1 + crv[ib23 + j, pl.ds(pc + 16, 16)]
                cs2 = cs2 + crv[ib23 + j, pl.ds(pc + 32, 16)]
                cs3 = cs3 + crv[ib23 + j, pl.ds(pc + 48, 16)]
            ns0 = jnp.zeros((16,), jnp.float32)
            ns1 = jnp.zeros((16,), jnp.float32)
            ns2 = jnp.zeros((16,), jnp.float32)
            ns3 = jnp.zeros((16,), jnp.float32)
            for j in range(C, CN):
                pn = (cidx_v[pl.ds(gi23 + j, 16)][0] & 1) * 64
                ns0 = ns0 + crv[ib23 + j, pl.ds(pn, 16)]
                ns1 = ns1 + crv[ib23 + j, pl.ds(pn + 16, 16)]
                ns2 = ns2 + crv[ib23 + j, pl.ds(pn + 32, 16)]
                ns3 = ns3 + crv[ib23 + j, pl.ds(pn + 48, 16)]
            pacc = cs0 * t0 + cs1 * t1 + cs2 * t2 + cs3 * t3
            nacc = ns0 * t0 + ns1 * t1 + ns2 * t2 + ns3 * t3
            ov[i, pl.ds(0, 16)] = pacc
            ov[i, pl.ds(16, 16)] = nacc
            return carry2

        lax.fori_loop(0, CHUNK, item, 0, unroll=False)
        pltpu.sync_copy(ov, out_hbm.at[pl.ds(ib, CHUNK)])

    issue(0, 0)

    def step(s, carry):
        b = lax.rem(s, 2)

        @pl.when(b == 0)
        def _():
            step_b(s, 0)

        @pl.when(b == 1)
        def _():
            step_b(s, 1)

        return carry

    lax.fori_loop(0, NSTEPS, step, 0, unroll=False)


def _tc_body(part_ref, out_ref):
    x = part_ref[...]
    p = jnp.sum(x[:, :16], axis=1) * (1.0 / C)
    n = -jnp.sum(x[:, 16:], axis=1)

    def logsig(v):
        return jnp.minimum(v, 0.0) - jnp.log1p(jnp.exp(-jnp.abs(v)))

    total = jnp.sum(logsig(p) + logsig(n))
    out_ref[0, 0] = -total * (1.0 / B)


def kernel(targets, contexts, negsamples, context_emb, target_emb):
    cidx = jnp.concatenate(
        [contexts.astype(jnp.int32), negsamples.astype(jnp.int32)],
        axis=1).reshape(B * CN)
    ctx_tbl = context_emb.reshape(V // 2, 2 * D)
    tgt_sel = jnp.take(target_emb, targets, axis=0)

    mesh = plsc.VectorSubcoreMesh(core_axis_name="c", subcore_axis_name="s",
                                  num_cores=NC, num_subcores=NS)
    gather = pl.kernel(
        _gather_body,
        out_type=jax.ShapeDtypeStruct((B, 32), jnp.float32),
        mesh=mesh,
        compiler_params=pltpu.CompilerParams(use_tc_tiling_on_sc=False),
        scratch_types=[
            pltpu.VMEM((BPW * CN + 16,), jnp.int32),
            pltpu.VMEM((CHUNK * CN,), jnp.int32),
            pltpu.VMEM((CHUNK * CN,), jnp.int32),
            pltpu.VMEM((CHUNK * CN, 2 * D), jnp.float32),
            pltpu.VMEM((CHUNK * CN, 2 * D), jnp.float32),
            pltpu.VMEM((CHUNK, D), jnp.float32),
            pltpu.VMEM((CHUNK, D), jnp.float32),
            pltpu.VMEM((CHUNK, 32), jnp.float32),
            pltpu.VMEM((CHUNK, 32), jnp.float32),
            pltpu.SemaphoreType.DMA,
            pltpu.SemaphoreType.DMA,
            pltpu.SemaphoreType.DMA,
            pltpu.SemaphoreType.DMA,
        ],
    )
    part = gather(cidx, ctx_tbl, tgt_sel)

    loss = pl.pallas_call(
        _tc_body,
        out_shape=jax.ShapeDtypeStruct((1, 1), jnp.float32),
        in_specs=[pl.BlockSpec(memory_space=pltpu.VMEM)],
        out_specs=pl.BlockSpec(memory_space=pltpu.SMEM),
    )(part)
    return loss

# --- scband reference (transcript-rebuilt; emitter-appended) ---
"""Pipeline reference for scband-cbowns-1125281432287 (READ-ONLY COPY).

The authoritative reference and input builder live on the scoring server;
editing this copy changes nothing except your own understanding.
"""

import jax, jax.numpy as jnp
import numpy as np

V = 1000000
D = 64
B = 16384
C = 20
NEG = 3

def setup_inputs(seed: int = 0) -> dict:
    key = jax.random.key(seed)
    k1, k2, k3, k4, k5 = jax.random.split(key, 5)
    targets = jax.random.randint(k1, (B,), 0, V)
    contexts = jax.random.randint(k2, (B, C), 0, V)
    negsamples = jax.random.randint(k3, (B, NEG), 0, V)
    # context_emb initialized uniform(-0.005, 0.005) as in the torch module.
    context_emb = jax.random.uniform(k4, (V, D), minval=-0.005, maxval=0.005, dtype=jnp.float32)
    # target_emb is zero-init in torch; use small uniform here for numerical non-triviality.
    target_emb = jax.random.uniform(k5, (V, D), minval=-0.005, maxval=0.005, dtype=jnp.float32)
    return {"targets": targets, "contexts": contexts, "negsamples": negsamples,
            "context_emb": context_emb, "target_emb": target_emb}

def reference(targets, contexts, negsamples, context_emb, target_emb):
    # Vectorized over the python zip-loop of the original: each batch item has
    # 1 target, C context words, NEG negative samples.
    tgt = jnp.take(target_emb, targets, axis=0)            # (B, D)  == target_embeds (Kt=1)
    ctx = jnp.take(context_emb, contexts, axis=0)          # (B, C, D)
    ctx_mean = jnp.mean(ctx, axis=1)                       # (B, D)  == context_embeds.mean(0)
    neg = -jnp.take(context_emb, negsamples, axis=0)       # (B, NEG, D) == neg_embeds
    positive_score = jnp.sum(ctx_mean * tgt, axis=1)       # (B,)  bmm (1,1,D)x(1,D,1)
    negative_score = jnp.sum(jnp.einsum('bnd,bd->bn', neg, tgt), axis=1)  # (B,)
    loss_per_item = jax.nn.log_sigmoid(positive_score) + jax.nn.log_sigmoid(negative_score)
    losses = jnp.sum(loss_per_item)
    loss = -losses / targets.shape[0]
    return loss.reshape(1, 1)

if __name__ == "__main__":
    import jax
    _d = setup_inputs()
    print(jax.jit(kernel)(*tuple(_d.values())))

</pallas_src>

<mosaic_0001>
#map = affine_map<(d0, d1) -> (0)>
#map1 = affine_map<(d0, d1) -> (0, 0)>
module attributes {stable_mosaic.version = 14 : i64} {
  func.func @_gather_body(%arg0: i32, %arg1: i32, %arg2: memref<376832xi32, #tpu.memory_space<hbm>>, %arg3: memref<500000x128xf32, #tpu.memory_space<hbm>>, %arg4: memref<16384x64xf32, #tpu.memory_space<hbm>>, %arg5: memref<16384x32xf32, #tpu.memory_space<hbm>>, %arg6: memref<11792xi32, #tpu.memory_space<vmem>>, %arg7: memref<368xi32, #tpu.memory_space<vmem>>, %arg8: memref<368xi32, #tpu.memory_space<vmem>>, %arg9: memref<368x128xf32, #tpu.memory_space<vmem>>, %arg10: memref<368x128xf32, #tpu.memory_space<vmem>>, %arg11: memref<16x64xf32, #tpu.memory_space<vmem>>, %arg12: memref<16x64xf32, #tpu.memory_space<vmem>>, %arg13: memref<16x32xf32, #tpu.memory_space<vmem>>, %arg14: memref<16x32xf32, #tpu.memory_space<vmem>>, %arg15: memref<!tpu.dma_semaphore, #tpu.memory_space<semaphore_mem>>, %arg16: memref<!tpu.dma_semaphore, #tpu.memory_space<semaphore_mem>>, %arg17: memref<!tpu.dma_semaphore, #tpu.memory_space<semaphore_mem>>, %arg18: memref<!tpu.dma_semaphore, #tpu.memory_space<semaphore_mem>>) attributes {dimension_semantics = [#tpu.dimension_semantics<core_parallel>, #tpu.dimension_semantics<subcore_parallel>], iteration_bounds = array<i64: 2, 16>, scalar_prefetch = 0 : i64, scratch_operands = 13 : i64, tpu.core_type = #tpu.core_type<sc_vector_subcore>, window_params = [{transform_indices = #map}, {transform_indices = #map1}, {transform_indices = #map1}, {transform_indices = #map1}]} {
    %mul3A = arith.constant 2 : i32
    %mul3A_0 = arith.muli %arg1, %mul3A : i32
    %add3A = arith.addi %mul3A_0, %arg0 : i32
    %mul3A_1 = arith.constant 512 : i32
    %mul3A_2 = arith.muli %add3A, %mul3A_1 : i32
    %mul3A_3 = arith.constant 23 : i32
    %mul3A_4 = arith.muli %mul3A_2, %mul3A_3 : i32
    "tpu.region"() ({
      %run_scoped3A = tpu.sem_alloc : memref<!tpu.dma_semaphore, #tpu.memory_space<semaphore_mem>>
      %dma_start3A_245 = arith.constant 0 : i32
      %dma_start3A_246 = tpu.memref_slice %arg6[%dma_start3A_245] : memref<11792xi32, #tpu.memory_space<vmem>> -> memref<11776xi32, #tpu.memory_space<vmem>>
      %dma_start3A_247 = tpu.memref_slice %arg2[%mul3A_4] : memref<376832xi32, #tpu.memory_space<hbm>> -> memref<11776xi32, #tpu.memory_space<hbm>>
      %dma_start3A_248 = arith.constant 0 : i32
      %dma_start3A_249 = tpu.memref_slice %arg6[%dma_start3A_248] : memref<11792xi32, #tpu.memory_space<vmem>> -> memref<11776xi32, #tpu.memory_space<vmem>>
      %dma_start3A_250 = tpu.memref_slice %arg2[%mul3A_4] : memref<376832xi32, #tpu.memory_space<hbm>> -> memref<11776xi32, #tpu.memory_space<hbm>>
      tpu.enqueue_dma source(%dma_start3A_250 : memref<11776xi32, #tpu.memory_space<hbm>>) target(%dma_start3A_249 : memref<11776xi32, #tpu.memory_space<vmem>>) target_semaphore(%run_scoped3A : memref<!tpu.dma_semaphore, #tpu.memory_space<semaphore_mem>>)
      %dma_wait3A = arith.constant 0 : i32
      %dma_wait3A_251 = tpu.memref_slice %arg6[%dma_wait3A] : memref<11792xi32, #tpu.memory_space<vmem>> -> memref<11776xi32, #tpu.memory_space<vmem>>
      %dma_wait3A_252 = tpu.memref_slice %arg2[%mul3A_4] : memref<376832xi32, #tpu.memory_space<hbm>> -> memref<11776xi32, #tpu.memory_space<hbm>>
      %dma_wait3A_253 = arith.constant 0 : i32
      %dma_wait3A_254 = tpu.memref_slice %arg6[%dma_wait3A_253] : memref<11792xi32, #tpu.memory_space<vmem>> -> memref<11776xi32, #tpu.memory_space<vmem>>
      %dma_wait3A_255 = tpu.memref_slice %arg2[%mul3A_4] : memref<376832xi32, #tpu.memory_space<hbm>> -> memref<11776xi32, #tpu.memory_space<hbm>>
      tpu.wait_dma2 semaphore(%run_scoped3A : memref<!tpu.dma_semaphore, #tpu.memory_space<semaphore_mem>>) src(%dma_wait3A_255 : memref<11776xi32, #tpu.memory_space<hbm>>) dst(%dma_wait3A_254 : memref<11776xi32, #tpu.memory_space<vmem>>)
      tpu.yield
    }) : () -> ()
    %get3A = arith.constant 0 : index
    %get3A_5 = tpu.vector_load %arg6[%get3A] {strides = array<i32>} : memref<11792xi32, #tpu.memory_space<vmem>>, vector<16xi32>,
    %get3A_6 = vector.shape_cast %get3A_5 : vector<16xi32> to vector<16xi32>
    %shift_right_logical3A = arith.constant 1 : i32
    %shift_right_logical3A_7 = vector.broadcast %shift_right_logical3A : i32 to vector<16xi32>
    %shift_right_logical3A_8 = arith.shrui %get3A_6, %shift_right_logical3A_7 : vector<16xi32>
    %swap3A = arith.constant 0 : index
    %swap3A_9 = tpu.vector_load %arg7[%swap3A] {strides = array<i32>} : memref<368xi32, #tpu.memory_space<vmem>>, vector<16xi32>,
    %swap3A_10 = vector.shape_cast %swap3A_9 : vector<16xi32> to vector<16xi32>
    %swap3A_11 = vector.shape_cast %shift_right_logical3A_8 : vector<16xi32> to vector<16xi32>
    tpu.vector_store %arg7[%swap3A], %swap3A_11 {strides = array<i32>} : memref<368xi32, #tpu.memory_space<vmem>>, vector<16xi32>,
    %get3A_12 = arith.constant 16 : index
    %get3A_13 = tpu.vector_load %arg6[%get3A_12] {strides = array<i32>} : memref<11792xi32, #tpu.memory_space<vmem>>, vector<16xi32>,
    %get3A_14 = vector.shape_cast %get3A_13 : vector<16xi32> to vector<16xi32>
    %shift_right_logical3A_15 = arith.constant 1 : i32
    %shift_right_logical3A_16 = vector.broadcast %shift_right_logical3A_15 : i32 to vector<16xi32>
    %shift_right_logical3A_17 = arith.shrui %get3A_14, %shift_right_logical3A_16 : vector<16xi32>
    %swap3A_18 = arith.constant 16 : index
    %swap3A_19 = tpu.vector_load %arg7[%swap3A_18] {strides = array<i32>} : memref<368xi32, #tpu.memory_space<vmem>>, vector<16xi32>,
    %swap3A_20 = vector.shape_cast %swap3A_19 : vector<16xi32> to vector<16xi32>
    %swap3A_21 = vector.shape_cast %shift_right_logical3A_17 : vector<16xi32> to vector<16xi32>
    tpu.vector_store %arg7[%swap3A_18], %swap3A_21 {strides = array<i32>} : memref<368xi32, #tpu.memory_space<vmem>>, vector<16xi32>,
    %get3A_22 = arith.constant 32 : index
    %get3A_23 = tpu.vector_load %arg6[%get3A_22] {strides = array<i32>} : memref<11792xi32, #tpu.memory_space<vmem>>, vector<16xi32>,
    %get3A_24 = vector.shape_cast %get3A_23 : vector<16xi32> to vector<16xi32>
    %shift_right_logical3A_25 = arith.constant 1 : i32
    %shift_right_logical3A_26 = vector.broadcast %shift_right_logical3A_25 : i32 to vector<16xi32>
    %shift_right_logical3A_27 = arith.shrui %get3A_24, %shift_right_logical3A_26 : vector<16xi32>
    %swap3A_28 = arith.constant 32 : index
    %swap3A_29 = tpu.vector_load %arg7[%swap3A_28] {strides = array<i32>} : memref<368xi32, #tpu.memory_space<vmem>>, vector<16xi32>,
    %swap3A_30 = vector.shape_cast %swap3A_29 : vector<16xi32> to vector<16xi32>
    %swap3A_31 = vector.shape_cast %shift_right_logical3A_27 : vector<16xi32> to vector<16xi32>
    tpu.vector_store %arg7[%swap3A_28], %swap3A_31 {strides = array<i32>} : memref<368xi32, #tpu.memory_space<vmem>>, vector<16xi32>,
    %get3A_32 = arith.constant 48 : index
    %get3A_33 = tpu.vector_load %arg6[%get3A_32] {strides = array<i32>} : memref<11792xi32, #tpu.memory_space<vmem>>, vector<16xi32>,
    %get3A_34 = vector.shape_cast %get3A_33 : vector<16xi32> to vector<16xi32>
    %shift_right_logical3A_35 = arith.constant 1 : i32
    %shift_right_logical3A_36 = vector.broadcast %shift_right_logical3A_35 : i32 to vector<16xi32>
    %shift_right_logical3A_37 = arith.shrui %get3A_34, %shift_right_logical3A_36 : vector<16xi32>
    %swap3A_38 = arith.constant 48 : index
    %swap3A_39 = tpu.vector_load %arg7[%swap3A_38] {strides = array<i32>} : memref<368xi32, #tpu.memory_space<vmem>>, vector<16xi32>,
    %swap3A_40 = vector.shape_cast %swap3A_39 : vector<16xi32> to vector<16xi32>
    %swap3A_41 = vector.shape_cast %shift_right_logical3A_37 : vector<16xi32> to vector<16xi32>
    tpu.vector_store %arg7[%swap3A_38], %swap3A_41 {strides = array<i32>} : memref<368xi32, #tpu.memory_space<vmem>>, vector<16xi32>,
    %get3A_42 = arith.constant 64 : index
    %get3A_43 = tpu.vector_load %arg6[%get3A_42] {strides = array<i32>} : memref<11792xi32, #tpu.memory_space<vmem>>, vector<16xi32>,
    %get3A_44 = vector.shape_cast %get3A_43 : vector<16xi32> to vector<16xi32>
    %shift_right_logical3A_45 = arith.constant 1 : i32
    %shift_right_logical3A_46 = vector.broadcast %shift_right_logical3A_45 : i32 to vector<16xi32>
    %shift_right_logical3A_47 = arith.shrui %get3A_44, %shift_right_logical3A_46 : vector<16xi32>
    %swap3A_48 = arith.constant 64 : index
    %swap3A_49 = tpu.vector_load %arg7[%swap3A_48] {strides = array<i32>} : memref<368xi32, #tpu.memory_space<vmem>>, vector<16xi32>,
    %swap3A_50 = vector.shape_cast %swap3A_49 : vector<16xi32> to vector<16xi32>
    %swap3A_51 = vector.shape_cast %shift_right_logical3A_47 : vector<16xi32> to vector<16xi32>
    tpu.vector_store %arg7[%swap3A_48], %swap3A_51 {strides = array<i32>} : memref<368xi32, #tpu.memory_space<vmem>>, vector<16xi32>,
    %get3A_52 = arith.constant 80 : index
    %get3A_53 = tpu.vector_load %arg6[%get3A_52] {strides = array<i32>} : memref<11792xi32, #tpu.memory_space<vmem>>, vector<16xi32>,
    %get3A_54 = vector.shape_cast %get3A_53 : vector<16xi32> to vector<16xi32>
    %shift_right_logical3A_55 = arith.constant 1 : i32
    %shift_right_logical3A_56 = vector.broadcast %shift_right_logical3A_55 : i32 to vector<16xi32>
    %shift_right_logical3A_57 = arith.shrui %get3A_54, %shift_right_logical3A_56 : vector<16xi32>
    %swap3A_58 = arith.constant 80 : index
    %swap3A_59 = tpu.vector_load %arg7[%swap3A_58] {strides = array<i32>} : memref<368xi32, #tpu.memory_space<vmem>>, vector<16xi32>,
    %swap3A_60 = vector.shape_cast %swap3A_59 : vector<16xi32> to vector<16xi32>
    %swap3A_61 = vector.shape_cast %shift_right_logical3A_57 : vector<16xi32> to vector<16xi32>
    tpu.vector_store %arg7[%swap3A_58], %swap3A_61 {strides = array<i32>} : memref<368xi32, #tpu.memory_space<vmem>>, vector<16xi32>,
    %get3A_62 = arith.constant 96 : index
    %get3A_63 = tpu.vector_load %arg6[%get3A_62] {strides = array<i32>} : memref<11792xi32, #tpu.memory_space<vmem>>, vector<16xi32>,
    %get3A_64 = vector.shape_cast %get3A_63 : vector<16xi32> to vector<16xi32>
    %shift_right_logical3A_65 = arith.constant 1 : i32
    %shift_right_logical3A_66 = vector.broadcast %shift_right_logical3A_65 : i32 to vector<16xi32>
    %shift_right_logical3A_67 = arith.shrui %get3A_64, %shift_right_logical3A_66 : vector<16xi32>
    %swap3A_68 = arith.constant 96 : index
    %swap3A_69 = tpu.vector_load %arg7[%swap3A_68] {strides = array<i32>} : memref<368xi32, #tpu.memory_space<vmem>>, vector<16xi32>,
    %swap3A_70 = vector.shape_cast %swap3A_69 : vector<16xi32> to vector<16xi32>
    %swap3A_71 = vector.shape_cast %shift_right_logical3A_67 : vector<16xi32> to vector<16xi32>
    tpu.vector_store %arg7[%swap3A_68], %swap3A_71 {strides = array<i32>} : memref<368xi32, #tpu.memory_space<vmem>>, vector<16xi32>,
    %get3A_72 = arith.constant 112 : index
    %get3A_73 = tpu.vector_load %arg6[%get3A_72] {strides = array<i32>} : memref<11792xi32, #tpu.memory_space<vmem>>, vector<16xi32>,
    %get3A_74 = vector.shape_cast %get3A_73 : vector<16xi32> to vector<16xi32>
    %shift_right_logical3A_75 = arith.constant 1 : i32
    %shift_right_logical3A_76 = vector.broadcast %shift_right_logical3A_75 : i32 to vector<16xi32>
    %shift_right_logical3A_77 = arith.shrui %get3A_74, %shift_right_logical3A_76 : vector<16xi32>
    %swap3A_78 = arith.constant 112 : index
    %swap3A_79 = tpu.vector_load %arg7[%swap3A_78] {strides = array<i32>} : memref<368xi32, #tpu.memory_space<vmem>>, vector<16xi32>,
    %swap3A_80 = vector.shape_cast %swap3A_79 : vector<16xi32> to vector<16xi32>
    %swap3A_81 = vector.shape_cast %shift_right_logical3A_77 : vector<16xi32> to vector<16xi32>
    tpu.vector_store %arg7[%swap3A_78], %swap3A_81 {strides = array<i32>} : memref<368xi32, #tpu.memory_space<vmem>>, vector<16xi32>,
    %get3A_82 = arith.constant 128 : index
    %get3A_83 = tpu.vector_load %arg6[%get3A_82] {strides = array<i32>} : memref<11792xi32, #tpu.memory_space<vmem>>, vector<16xi32>,
    %get3A_84 = vector.shape_cast %get3A_83 : vector<16xi32> to vector<16xi32>
    %shift_right_logical3A_85 = arith.constant 1 : i32
    %shift_right_logical3A_86 = vector.broadcast %shift_right_logical3A_85 : i32 to vector<16xi32>
    %shift_right_logical3A_87 = arith.shrui %get3A_84, %shift_right_logical3A_86 : vector<16xi32>
    %swap3A_88 = arith.constant 128 : index
    %swap3A_89 = tpu.vector_load %arg7[%swap3A_88] {strides = array<i32>} : memref<368xi32, #tpu.memory_space<vmem>>, vector<16xi32>,
    %swap3A_90 = vector.shape_cast %swap3A_89 : vector<16xi32> to vector<16xi32>
    %swap3A_91 = vector.shape_cast %shift_right_logical3A_87 : vector<16xi32> to vector<16xi32>
    tpu.vector_store %arg7[%swap3A_88], %swap3A_91 {strides = array<i32>} : memref<368xi32, #tpu.memory_space<vmem>>, vector<16xi32>,
    %get3A_92 = arith.constant 144 : index
    %get3A_93 = tpu.vector_load %arg6[%get3A_92] {strides = array<i32>} : memref<11792xi32, #tpu.memory_space<vmem>>, vector<16xi32>,
    %get3A_94 = vector.shape_cast %get3A_93 : vector<16xi32> to vector<16xi32>
    %shift_right_logical3A_95 = arith.constant 1 : i32
    %shift_right_logical3A_96 = vector.broadcast %shift_right_logical3A_95 : i32 to vector<16xi32>
    %shift_right_logical3A_97 = arith.shrui %get3A_94, %shift_right_logical3A_96 : vector<16xi32>
    %swap3A_98 = arith.constant 144 : index
    %swap3A_99 = tpu.vector_load %arg7[%swap3A_98] {strides = array<i32>} : memref<368xi32, #tpu.memory_space<vmem>>, vector<16xi32>,
    %swap3A_100 = vector.shape_cast %swap3A_99 : vector<16xi32> to vector<16xi32>
    %swap3A_101 = vector.shape_cast %shift_right_logical3A_97 : vector<16xi32> to vector<16xi32>
    tpu.vector_store %arg7[%swap3A_98], %swap3A_101 {strides = array<i32>} : memref<368xi32, #tpu.memory_space<vmem>>, vector<16xi32>,
    %get3A_102 = arith.constant 160 : index
    %get3A_103 = tpu.vector_load %arg6[%get3A_102] {strides = array<i32>} : memref<11792xi32, #tpu.memory_space<vmem>>, vector<16xi32>,
    %get3A_104 = vector.shape_cast %get3A_103 : vector<16xi32> to vector<16xi32>
    %shift_right_logical3A_105 = arith.constant 1 : i32
    %shift_right_logical3A_106 = vector.broadcast %shift_right_logical3A_105 : i32 to vector<16xi32>
    %shift_right_logical3A_107 = arith.shrui %get3A_104, %shift_right_logical3A_106 : vector<16xi32>
    %swap3A_108 = arith.constant 160 : index
    %swap3A_109 = tpu.vector_load %arg7[%swap3A_108] {strides = array<i32>} : memref<368xi32, #tpu.memory_space<vmem>>, vector<16xi32>,
    %swap3A_110 = vector.shape_cast %swap3A_109 : vector<16xi32> to vector<16xi32>
    %swap3A_111 = vector.shape_cast %shift_right_logical3A_107 : vector<16xi32> to vector<16xi32>
    tpu.vector_store %arg7[%swap3A_108], %swap3A_111 {strides = array<i32>} : memref<368xi32, #tpu.memory_space<vmem>>, vector<16xi32>,
    %get3A_112 = arith.constant 176 : index
    %get3A_113 = tpu.vector_load %arg6[%get3A_112] {strides = array<i32>} : memref<11792xi32, #tpu.memory_space<vmem>>, vector<16xi32>,
    %get3A_114 = vector.shape_cast %get3A_113 : vector<16xi32> to vector<16xi32>
    %shift_right_logical3A_115 = arith.constant 1 : i32
    %shift_right_logical3A_116 = vector.broadcast %shift_right_logical3A_115 : i32 to vector<16xi32>
    %shift_right_logical3A_117 = arith.shrui %get3A_114, %shift_right_logical3A_116 : vector<16xi32>
    %swap3A_118 = arith.constant 176 : index
    %swap3A_119 = tpu.vector_load %arg7[%swap3A_118] {strides = array<i32>} : memref<368xi32, #tpu.memory_space<vmem>>, vector<16xi32>,
    %swap3A_120 = vector.shape_cast %swap3A_119 : vector<16xi32> to vector<16xi32>
    %swap3A_121 = vector.shape_cast %shift_right_logical3A_117 : vector<16xi32> to vector<16xi32>
    tpu.vector_store %arg7[%swap3A_118], %swap3A_121 {strides = array<i32>} : memref<368xi32, #tpu.memory_space<vmem>>, vector<16xi32>,
    %get3A_122 = arith.constant 192 : index
    %get3A_123 = tpu.vector_load %arg6[%get3A_122] {strides = array<i32>} : memref<11792xi32, #tpu.memory_space<vmem>>, vector<16xi32>,
    %get3A_124 = vector.shape_cast %get3A_123 : vector<16xi32> to vector<16xi32>
    %shift_right_logical3A_125 = arith.constant 1 : i32
    %shift_right_logical3A_126 = vector.broadcast %shift_right_logical3A_125 : i32 to vector<16xi32>
    %shift_right_logical3A_127 = arith.shrui %get3A_124, %shift_right_logical3A_126 : vector<16xi32>
    %swap3A_128 = arith.constant 192 : index
    %swap3A_129 = tpu.vector_load %arg7[%swap3A_128] {strides = array<i32>} : memref<368xi32, #tpu.memory_space<vmem>>, vector<16xi32>,
    %swap3A_130 = vector.shape_cast %swap3A_129 : vector<16xi32> to vector<16xi32>
    %swap3A_131 = vector.shape_cast %shift_right_logical3A_127 : vector<16xi32> to vector<16xi32>
    tpu.vector_store %arg7[%swap3A_128], %swap3A_131 {strides = array<i32>} : memref<368xi32, #tpu.memory_space<vmem>>, vector<16xi32>,
    %get3A_132 = arith.constant 208 : index
    %get3A_133 = tpu.vector_load %arg6[%get3A_132] {strides = array<i32>} : memref<11792xi32, #tpu.memory_space<vmem>>, vector<16xi32>,
    %get3A_134 = vector.shape_cast %get3A_133 : vector<16xi32> to vector<16xi32>
    %shift_right_logical3A_135 = arith.constant 1 : i32
    %shift_right_logical3A_136 = vector.broadcast %shift_right_logical3A_135 : i32 to vector<16xi32>
    %shift_right_logical3A_137 = arith.shrui %get3A_134, %shift_right_logical3A_136 : vector<16xi32>
    %swap3A_138 = arith.constant 208 : index
    %swap3A_139 = tpu.vector_load %arg7[%swap3A_138] {strides = array<i32>} : memref<368xi32, #tpu.memory_space<vmem>>, vector<16xi32>,
    %swap3A_140 = vector.shape_cast %swap3A_139 : vector<16xi32> to vector<16xi32>
    %swap3A_141 = vector.shape_cast %shift_right_logical3A_137 : vector<16xi32> to vector<16xi32>
    tpu.vector_store %arg7[%swap3A_138], %swap3A_141 {strides = array<i32>} : memref<368xi32, #tpu.memory_space<vmem>>, vector<16xi32>,
    %get3A_142 = arith.constant 224 : index
    %get3A_143 = tpu.vector_load %arg6[%get3A_142] {strides = array<i32>} : memref<11792xi32, #tpu.memory_space<vmem>>, vector<16xi32>,
    %get3A_144 = vector.shape_cast %get3A_143 : vector<16xi32> to vector<16xi32>
    %shift_right_logical3A_145 = arith.constant 1 : i32
    %shift_right_logical3A_146 = vector.broadcast %shift_right_logical3A_145 : i32 to vector<16xi32>
    %shift_right_logical3A_147 = arith.shrui %get3A_144, %shift_right_logical3A_146 : vector<16xi32>
    %swap3A_148 = arith.constant 224 : index
    %swap3A_149 = tpu.vector_load %arg7[%swap3A_148] {strides = array<i32>} : memref<368xi32, #tpu.memory_space<vmem>>, vector<16xi32>,
    %swap3A_150 = vector.shape_cast %swap3A_149 : vector<16xi32> to vector<16xi32>
    %swap3A_151 = vector.shape_cast %shift_right_logical3A_147 : vector<16xi32> to vector<16xi32>
    tpu.vector_store %arg7[%swap3A_148], %swap3A_151 {strides = array<i32>} : memref<368xi32, #tpu.memory_space<vmem>>, vector<16xi32>,
    %get3A_152 = arith.constant 240 : index
    %get3A_153 = tpu.vector_load %arg6[%get3A_152] {strides = array<i32>} : memref<11792xi32, #tpu.memory_space<vmem>>, vector<16xi32>,
    %get3A_154 = vector.shape_cast %get3A_153 : vector<16xi32> to vector<16xi32>
    %shift_right_logical3A_155 = arith.constant 1 : i32
    %shift_right_logical3A_156 = vector.broadcast %shift_right_logical3A_155 : i32 to vector<16xi32>
    %shift_right_logical3A_157 = arith.shrui %get3A_154, %shift_right_logical3A_156 : vector<16xi32>
    %swap3A_158 = arith.constant 240 : index
    %swap3A_159 = tpu.vector_load %arg7[%swap3A_158] {strides = array<i32>} : memref<368xi32, #tpu.memory_space<vmem>>, vector<16xi32>,
    %swap3A_160 = vector.shape_cast %swap3A_159 : vector<16xi32> to vector<16xi32>
    %swap3A_161 = vector.shape_cast %shift_right_logical3A_157 : vector<16xi32> to vector<16xi32>
    tpu.vector_store %arg7[%swap3A_158], %swap3A_161 {strides = array<i32>} : memref<368xi32, #tpu.memory_space<vmem>>, vector<16xi32>,
    %get3A_162 = arith.constant 256 : index
    %get3A_163 = tpu.vector_load %arg6[%get3A_162] {strides = array<i32>} : memref<11792xi32, #tpu.memory_space<vmem>>, vector<16xi32>,
    %get3A_164 = vector.shape_cast %get3A_163 : vector<16xi32> to vector<16xi32>
    %shift_right_logical3A_165 = arith.constant 1 : i32
    %shift_right_logical3A_166 = vector.broadcast %shift_right_logical3A_165 : i32 to vector<16xi32>
    %shift_right_logical3A_167 = arith.shrui %get3A_164, %shift_right_logical3A_166 : vector<16xi32>
    %swap3A_168 = arith.constant 256 : index
    %swap3A_169 = tpu.vector_load %arg7[%swap3A_168] {strides = array<i32>} : memref<368xi32, #tpu.memory_space<vmem>>, vector<16xi32>,
    %swap3A_170 = vector.shape_cast %swap3A_169 : vector<16xi32> to vector<16xi32>
    %swap3A_171 = vector.shape_cast %shift_right_logical3A_167 : vector<16xi32> to vector<16xi32>
    tpu.vector_store %arg7[%swap3A_168], %swap3A_171 {strides = array<i32>} : memref<368xi32, #tpu.memory_space<vmem>>, vector<16xi32>,
    %get3A_172 = arith.constant 272 : index
    %get3A_173 = tpu.vector_load %arg6[%get3A_172] {strides = array<i32>} : memref<11792xi32, #tpu.memory_space<vmem>>, vector<16xi32>,
    %get3A_174 = vector.shape_cast %get3A_173 : vector<16xi32> to vector<16xi32>
    %shift_right_logical3A_175 = arith.constant 1 : i32
    %shift_right_logical3A_176 = vector.broadcast %shift_right_logical3A_175 : i32 to vector<16xi32>
    %shift_right_logical3A_177 = arith.shrui %get3A_174, %shift_right_logical3A_176 : vector<16xi32>
    %swap3A_178 = arith.constant 272 : index
    %swap3A_179 = tpu.vector_load %arg7[%swap3A_178] {strides = array<i32>} : memref<368xi32, #tpu.memory_space<vmem>>, vector<16xi32>,
    %swap3A_180 = vector.shape_cast %swap3A_179 : vector<16xi32> to vector<16xi32>
    %swap3A_181 = vector.shape_cast %shift_right_logical3A_177 : vector<16xi32> to vector<16xi32>
    tpu.vector_store %arg7[%swap3A_178], %swap3A_181 {strides = array<i32>} : memref<368xi32, #tpu.memory_space<vmem>>, vector<16xi32>,
    %get3A_182 = arith.constant 288 : index
    %get3A_183 = tpu.vector_load %arg6[%get3A_182] {strides = array<i32>} : memref<11792xi32, #tpu.memory_space<vmem>>, vector<16xi32>,
    %get3A_184 = vector.shape_cast %get3A_183 : vector<16xi32> to vector<16xi32>
    %shift_right_logical3A_185 = arith.constant 1 : i32
    %shift_right_logical3A_186 = vector.broadcast %shift_right_logical3A_185 : i32 to vector<16xi32>
    %shift_right_logical3A_187 = arith.shrui %get3A_184, %shift_right_logical3A_186 : vector<16xi32>
    %swap3A_188 = arith.constant 288 : index
    %swap3A_189 = tpu.vector_load %arg7[%swap3A_188] {strides = array<i32>} : memref<368xi32, #tpu.memory_space<vmem>>, vector<16xi32>,
    %swap3A_190 = vector.shape_cast %swap3A_189 : vector<16xi32> to vector<16xi32>
    %swap3A_191 = vector.shape_cast %shift_right_logical3A_187 : vector<16xi32> to vector<16xi32>
    tpu.vector_store %arg7[%swap3A_188], %swap3A_191 {strides = array<i32>} : memref<368xi32, #tpu.memory_space<vmem>>, vector<16xi32>,
    %get3A_192 = arith.constant 304 : index
    %get3A_193 = tpu.vector_load %arg6[%get3A_192] {strides = array<i32>} : memref<11792xi32, #tpu.memory_space<vmem>>, vector<16xi32>,
    %get3A_194 = vector.shape_cast %get3A_193 : vector<16xi32> to vector<16xi32>
    %shift_right_logical3A_195 = arith.constant 1 : i32
    %shift_right_logical3A_196 = vector.broadcast %shift_right_logical3A_195 : i32 to vector<16xi32>
    %shift_right_logical3A_197 = arith.shrui %get3A_194, %shift_right_logical3A_196 : vector<16xi32>
    %swap3A_198 = arith.constant 304 : index
    %swap3A_199 = tpu.vector_load %arg7[%swap3A_198] {strides = array<i32>} : memref<368xi32, #tpu.memory_space<vmem>>, vector<16xi32>,
    %swap3A_200 = vector.shape_cast %swap3A_199 : vector<16xi32> to vector<16xi32>
    %swap3A_201 = vector.shape_cast %shift_right_logical3A_197 : vector<16xi32> to vector<16xi32>
    tpu.vector_store %arg7[%swap3A_198], %swap3A_201 {strides = array<i32>} : memref<368xi32, #tpu.memory_space<vmem>>, vector<16xi32>,
    %get3A_202 = arith.constant 320 : index
    %get3A_203 = tpu.vector_load %arg6[%get3A_202] {strides = array<i32>} : memref<11792xi32, #tpu.memory_space<vmem>>, vector<16xi32>,
    %get3A_204 = vector.shape_cast %get3A_203 : vector<16xi32> to vector<16xi32>
    %shift_right_logical3A_205 = arith.constant 1 : i32
    %shift_right_logical3A_206 = vector.broadcast %shift_right_logical3A_205 : i32 to vector<16xi32>
    %shift_right_logical3A_207 = arith.shrui %get3A_204, %shift_right_logical3A_206 : vector<16xi32>
    %swap3A_208 = arith.constant 320 : index
    %swap3A_209 = tpu.vector_load %arg7[%swap3A_208] {strides = array<i32>} : memref<368xi32, #tpu.memory_space<vmem>>, vector<16xi32>,
    %swap3A_210 = vector.shape_cast %swap3A_209 : vector<16xi32> to vector<16xi32>
    %swap3A_211 = vector.shape_cast %shift_right_logical3A_207 : vector<16xi32> to vector<16xi32>
    tpu.vector_store %arg7[%swap3A_208], %swap3A_211 {strides = array<i32>} : memref<368xi32, #tpu.memory_space<vmem>>, vector<16xi32>,
    %get3A_212 = arith.constant 336 : index
    %get3A_213 = tpu.vector_load %arg6[%get3A_212] {strides = array<i32>} : memref<11792xi32, #tpu.memory_space<vmem>>, vector<16xi32>,
    %get3A_214 = vector.shape_cast %get3A_213 : vector<16xi32> to vector<16xi32>
    %shift_right_logical3A_215 = arith.constant 1 : i32
    %shift_right_logical3A_216 = vector.broadcast %shift_right_logical3A_215 : i32 to vector<16xi32>
    %shift_right_logical3A_217 = arith.shrui %get3A_214, %shift_right_logical3A_216 : vector<16xi32>
    %swap3A_218 = arith.constant 336 : index
    %swap3A_219 = tpu.vector_load %arg7[%swap3A_218] {strides = array<i32>} : memref<368xi32, #tpu.memory_space<vmem>>, vector<16xi32>,
    %swap3A_220 = vector.shape_cast %swap3A_219 : vector<16xi32> to vector<16xi32>
    %swap3A_221 = vector.shape_cast %shift_right_logical3A_217 : vector<16xi32> to vector<16xi32>
    tpu.vector_store %arg7[%swap3A_218], %swap3A_221 {strides = array<i32>} : memref<368xi32, #tpu.memory_space<vmem>>, vector<16xi32>,
    %get3A_222 = arith.constant 352 : index
    %get3A_223 = tpu.vector_load %arg6[%get3A_222] {strides = array<i32>} : memref<11792xi32, #tpu.memory_space<vmem>>, vector<16xi32>,
    %get3A_224 = vector.shape_cast %get3A_223 : vector<16xi32> to vector<16xi32>
    %shift_right_logical3A_225 = arith.constant 1 : i32
    %shift_right_logical3A_226 = vector.broadcast %shift_right_logical3A_225 : i32 to vector<16xi32>
    %shift_right_logical3A_227 = arith.shrui %get3A_224, %shift_right_logical3A_226 : vector<16xi32>
    %swap3A_228 = arith.constant 352 : index
    %swap3A_229 = tpu.vector_load %arg7[%swap3A_228] {strides = array<i32>} : memref<368xi32, #tpu.memory_space<vmem>>, vector<16xi32>,
    %swap3A_230 = vector.shape_cast %swap3A_229 : vector<16xi32> to vector<16xi32>
    %swap3A_231 = vector.shape_cast %shift_right_logical3A_227 : vector<16xi32> to vector<16xi32>
    tpu.vector_store %arg7[%swap3A_228], %swap3A_231 {strides = array<i32>} : memref<368xi32, #tpu.memory_space<vmem>>, vector<16xi32>,
    %dma_start3A = arith.constant 0 : i32
    %dma_start3A_232 = arith.constant 0 : i32
    %dma_start3A_233 = tpu.memref_slice %arg3[%dma_start3A, %dma_start3A_232] : memref<500000x128xf32, #tpu.memory_space<hbm>> -> memref<500000x128xf32, #tpu.memory_space<hbm>>
    tpu.enqueue_indirect_dma source(%dma_start3A_233 : memref<500000x128xf32, #tpu.memory_space<hbm>>) target(%arg9 : memref<368x128xf32, #tpu.memory_space<vmem>>) offsets(%arg7 : memref<368xi32, #tpu.memory_space<vmem>>) semaphore(%arg15 : memref<!tpu.dma_semaphore, #tpu.memory_space<semaphore_mem>>)
    %add3A_234 = arith.constant 0 : i32
    %add3A_235 = arith.addi %mul3A_2, %add3A_234 : i32
    %dma_start3A_236 = arith.constant 0 : i32
    %dma_start3A_237 = tpu.memref_slice %arg4[%add3A_235, %dma_start3A_236] : memref<16384x64xf32, #tpu.memory_space<hbm>> -> memref<16x64xf32, #tpu.memory_space<hbm>>
    %dma_start3A_238 = arith.constant 0 : i32
    %dma_start3A_239 = tpu.memref_slice %arg4[%add3A_235, %dma_start3A_238] : memref<16384x64xf32, #tpu.memory_space<hbm>> -> memref<16x64xf32, #tpu.memory_space<hbm>>
    tpu.enqueue_dma source(%dma_start3A_239 : memref<16x64xf32, #tpu.memory_space<hbm>>) target(%arg11 : memref<16x64xf32, #tpu.memory_space<vmem>>) target_semaphore(%arg17 : memref<!tpu.dma_semaphore, #tpu.memory_space<semaphore_mem>>)
    %scan3A = arith.constant 0 : i32
    %scan3A_240 = arith.constant 0 : i32
    %scan3A_241 = arith.constant 32 : i32
    %scan3A_242 = arith.addi %scan3A_240, %scan3A_241 : i32
    %scan3A_243 = arith.constant 1 : i32
    scf.for %scan3A_245 = %scan3A_240 to %scan3A_242 step %scan3A_243  : i32 {
      %rem3A = arith.constant 2 : i32
      %rem3A_246 = arith.remsi %scan3A_245, %rem3A : i32
      %eq3A = arith.constant 0 : i32
      %eq3A_247 = arith.cmpi eq, %rem3A_246, %eq3A : i32
      %convert_element_type3A = arith.extui %eq3A_247 : i1 to i32
      %cond3A = arith.constant 0 : i32
      %cond3A_248 = arith.cmpi ne, %convert_element_type3A, %cond3A : i32
      scf.if %cond3A_248 {
        %mul3A_254 = arith.constant 16 : i32
        %mul3A_255 = arith.muli %scan3A_245, %mul3A_254 : i32
        %add3A_256 = arith.addi %mul3A_2, %mul3A_255 : i32
        %add3A_257 = arith.constant 1 : i32
        %add3A_258 = arith.addi %scan3A_245, %add3A_257 : i32
        %lt3A = arith.constant 32 : i32
        %lt3A_259 = arith.cmpi slt, %add3A_258, %lt3A : i32
        %convert_element_type3A_260 = arith.extui %lt3A_259 : i1 to i32
        %cond3A_261 = arith.constant 0 : i32
        %cond3A_262 = arith.cmpi ne, %convert_element_type3A_260, %cond3A_261 : i32
        scf.if %cond3A_262 {
          %add3A_277 = arith.constant 1 : i32
          %add3A_278 = arith.addi %scan3A_245, %add3A_277 : i32
          %mul3A_279 = arith.constant 368 : i32
          %mul3A_280 = arith.muli %add3A_278, %mul3A_279 : i32
          %add3A_281 = arith.constant 0 : i32
          %add3A_282 = arith.addi %mul3A_280, %add3A_281 : i32
          %get3A_283 = arith.index_cast %add3A_282 : i32 to index
          %get3A_284 = tpu.vector_load %arg6[%get3A_283] {strides = array<i32>} : memref<11792xi32, #tpu.memory_space<vmem>>, vector<16xi32>,
          %get3A_285 = vector.shape_cast %get3A_284 : vector<16xi32> to vector<16xi32>
          %shift_right_logical3A_286 = arith.constant 1 : i32
          %shift_right_logical3A_287 = vector.broadcast %shift_right_logical3A_286 : i32 to vector<16xi32>
          %shift_right_logical3A_288 = arith.shrui %get3A_285, %shift_right_logical3A_287 : vector<16xi32>
          %swap3A_289 = arith.constant 0 : index
          %swap3A_290 = tpu.vector_load %arg8[%swap3A_289] {strides = array<i32>} : memref<368xi32, #tpu.memory_space<vmem>>, vector<16xi32>,
          %swap3A_291 = vector.shape_cast %swap3A_290 : vector<16xi32> to vector<16xi32>
          %swap3A_292 = vector.shape_cast %shift_right_logical3A_288 : vector<16xi32> to vector<16xi32>
          tpu.vector_store %arg8[%swap3A_289], %swap3A_292 {strides = array<i32>} : memref<368xi32, #tpu.memory_space<vmem>>, vector<16xi32>,
          %add3A_293 = arith.constant 16 : i32
          %add3A_294 = arith.addi %mul3A_280, %add3A_293 : i32
          %get3A_295 = arith.index_cast %add3A_294 : i32 to index
          %get3A_296 = tpu.vector_load %arg6[%get3A_295] {strides = array<i32>} : memref<11792xi32, #tpu.memory_space<vmem>>, vector<16xi32>,
          %get3A_297 = vector.shape_cast %get3A_296 : vector<16xi32> to vector<16xi32>
          %shift_right_logical3A_298 = arith.constant 1 : i32
          %shift_right_logical3A_299 = vector.broadcast %shift_right_logical3A_298 : i32 to vector<16xi32>
          %shift_right_logical3A_300 = arith.shrui %get3A_297, %shift_right_logical3A_299 : vector<16xi32>
          %swap3A_301 = arith.constant 16 : index
          %swap3A_302 = tpu.vector_load %arg8[%swap3A_301] {strides = array<i32>} : memref<368xi32, #tpu.memory_space<vmem>>, vector<16xi32>,
          %swap3A_303 = vector.shape_cast %swap3A_302 : vector<16xi32> to vector<16xi32>
          %swap3A_304 = vector.shape_cast %shift_right_logical3A_300 : vector<16xi32> to vector<16xi32>
          tpu.vector_store %arg8[%swap3A_301], %swap3A_304 {strides = array<i32>} : memref<368xi32, #tpu.memory_space<vmem>>, vector<16xi32>,
          %add3A_305 = arith.constant 32 : i32
          %add3A_306 = arith.addi %mul3A_280, %add3A_305 : i32
          %get3A_307 = arith.index_cast %add3A_306 : i32 to index
          %get3A_308 = tpu.vector_load %arg6[%get3A_307] {strides = array<i32>} : memref<11792xi32, #tpu.memory_space<vmem>>, vector<16xi32>,
          %get3A_309 = vector.shape_cast %get3A_308 : vector<16xi32> to vector<16xi32>
          %shift_right_logical3A_310 = arith.constant 1 : i32
          %shift_right_logical3A_311 = vector.broadcast %shift_right_logical3A_310 : i32 to vector<16xi32>
          %shift_right_logical3A_312 = arith.shrui %get3A_309, %shift_right_logical3A_311 : vector<16xi32>
          %swap3A_313 = arith.constant 32 : index
          %swap3A_314 = tpu.vector_load %arg8[%swap3A_313] {strides = array<i32>} : memref<368xi32, #tpu.memory_space<vmem>>, vector<16xi32>,
          %swap3A_315 = vector.shape_cast %swap3A_314 : vector<16xi32> to vector<16xi32>
          %swap3A_316 = vector.shape_cast %shift_right_logical3A_312 : vector<16xi32> to vector<16xi32>
          tpu.vector_store %arg8[%swap3A_313], %swap3A_316 {strides = array<i32>} : memref<368xi32, #tpu.memory_space<vmem>>, vector<16xi32>,
          %add3A_317 = arith.constant 48 : i32
          %add3A_318 = arith.addi %mul3A_280, %add3A_317 : i32
          %get3A_319 = arith.index_cast %add3A_318 : i32 to index
          %get3A_320 = tpu.vector_load %arg6[%get3A_319] {strides = array<i32>} : memref<11792xi32, #tpu.memory_space<vmem>>, vector<16xi32>,
          %get3A_321 = vector.shape_cast %get3A_320 : vector<16xi32> to vector<16xi32>
          %shift_right_logical3A_322 = arith.constant 1 : i32
          %shift_right_logical3A_323 = vector.broadcast %shift_right_logical3A_322 : i32 to vector<16xi32>
          %shift_right_logical3A_324 = arith.shrui %get3A_321, %shift_right_logical3A_323 : vector<16xi32>
          %swap3A_325 = arith.constant 48 : index
          %swap3A_326 = tpu.vector_load %arg8[%swap3A_325] {strides = array<i32>} : memref<368xi32, #tpu.memory_space<vmem>>, vector<16xi32>,
          %swap3A_327 = vector.shape_cast %swap3A_326 : vector<16xi32> to vector<16xi32>
          %swap3A_328 = vector.shape_cast %shift_right_logical3A_324 : vector<16xi32> to vector<16xi32>
          tpu.vector_store %arg8[%swap3A_325], %swap3A_328 {strides = array<i32>} : memref<368xi32, #tpu.memory_space<vmem>>, vector<16xi32>,
          %add3A_329 = arith.constant 64 : i32
          %add3A_330 = arith.addi %mul3A_280, %add3A_329 : i32
          %get3A_331 = arith.index_cast %add3A_330 : i32 to index
          %get3A_332 = tpu.vector_load %arg6[%get3A_331] {strides = array<i32>} : memref<11792xi32, #tpu.memory_space<vmem>>, vector<16xi32>,
          %get3A_333 = vector.shape_cast %get3A_332 : vector<16xi32> to vector<16xi32>
          %shift_right_logical3A_334 = arith.constant 1 : i32
          %shift_right_logical3A_335 = vector.broadcast %shift_right_logical3A_334 : i32 to vector<16xi32>
          %shift_right_logical3A_336 = arith.shrui %get3A_333, %shift_right_logical3A_335 : vector<16xi32>
          %swap3A_337 = arith.constant 64 : index
          %swap3A_338 = tpu.vector_load %arg8[%swap3A_337] {strides = array<i32>} : memref<368xi32, #tpu.memory_space<vmem>>, vector<16xi32>,
          %swap3A_339 = vector.shape_cast %swap3A_338 : vector<16xi32> to vector<16xi32>
          %swap3A_340 = vector.shape_cast %shift_right_logical3A_336 : vector<16xi32> to vector<16xi32>
          tpu.vector_store %arg8[%swap3A_337], %swap3A_340 {strides = array<i32>} : memref<368xi32, #tpu.memory_space<vmem>>, vector<16xi32>,
          %add3A_341 = arith.constant 80 : i32
          %add3A_342 = arith.addi %mul3A_280, %add3A_341 : i32
          %get3A_343 = arith.index_cast %add3A_342 : i32 to index
          %get3A_344 = tpu.vector_load %arg6[%get3A_343] {strides = array<i32>} : memref<11792xi32, #tpu.memory_space<vmem>>, vector<16xi32>,
          %get3A_345 = vector.shape_cast %get3A_344 : vector<16xi32> to vector<16xi32>
          %shift_right_logical3A_346 = arith.constant 1 : i32
          %shift_right_logical3A_347 = vector.broadcast %shift_right_logical3A_346 : i32 to vector<16xi32>
          %shift_right_logical3A_348 = arith.shrui %get3A_345, %shift_right_logical3A_347 : vector<16xi32>
          %swap3A_349 = arith.constant 80 : index
          %swap3A_350 = tpu.vector_load %arg8[%swap3A_349] {strides = array<i32>} : memref<368xi32, #tpu.memory_space<vmem>>, vector<16xi32>,
          %swap3A_351 = vector.shape_cast %swap3A_350 : vector<16xi32> to vector<16xi32>
          %swap3A_352 = vector.shape_cast %shift_right_logical3A_348 : vector<16xi32> to vector<16xi32>
          tpu.vector_store %arg8[%swap3A_349], %swap3A_352 {strides = array<i32>} : memref<368xi32, #tpu.memory_space<vmem>>, vector<16xi32>,
          %add3A_353 = arith.constant 96 : i32
          %add3A_354 = arith.addi %mul3A_280, %add3A_353 : i32
          %get3A_355 = arith.index_cast %add3A_354 : i32 to index
          %get3A_356 = tpu.vector_load %arg6[%get3A_355] {strides = array<i32>} : memref<11792xi32, #tpu.memory_space<vmem>>, vector<16xi32>,
          %get3A_357 = vector.shape_cast %get3A_356 : vector<16xi32> to vector<16xi32>
          %shift_right_logical3A_358 = arith.constant 1 : i32
          %shift_right_logical3A_359 = vector.broadcast %shift_right_logical3A_358 : i32 to vector<16xi32>
          %shift_right_logical3A_360 = arith.shrui %get3A_357, %shift_right_logical3A_359 : vector<16xi32>
          %swap3A_361 = arith.constant 96 : index
          %swap3A_362 = tpu.vector_load %arg8[%swap3A_361] {strides = array<i32>} : memref<368xi32, #tpu.memory_space<vmem>>, vector<16xi32>,
          %swap3A_363 = vector.shape_cast %swap3A_362 : vector<16xi32> to vector<16xi32>
          %swap3A_364 = vector.shape_cast %shift_right_logical3A_360 : vector<16xi32> to vector<16xi32>
          tpu.vector_store %arg8[%swap3A_361], %swap3A_364 {strides = array<i32>} : memref<368xi32, #tpu.memory_space<vmem>>, vector<16xi32>,
          %add3A_365 = arith.constant 112 : i32
          %add3A_366 = arith.addi %mul3A_280, %add3A_365 : i32
          %get3A_367 = arith.index_cast %add3A_366 : i32 to index
          %get3A_368 = tpu.vector_load %arg6[%get3A_367] {strides = array<i32>} : memref<11792xi32, #tpu.memory_space<vmem>>, vector<16xi32>,
          %get3A_369 = vector.shape_cast %get3A_368 : vector<16xi32> to vector<16xi32>
          %shift_right_logical3A_370 = arith.constant 1 : i32
          %shift_right_logical3A_371 = vector.broadcast %shift_right_logical3A_370 : i32 to vector<16xi32>
          %shift_right_logical3A_372 = arith.shrui %get3A_369, %shift_right_logical3A_371 : vector<16xi32>
          %swap3A_373 = arith.constant 112 : index
          %swap3A_374 = tpu.vector_load %arg8[%swap3A_373] {strides = array<i32>} : memref<368xi32, #tpu.memory_space<vmem>>, vector<16xi32>,
          %swap3A_375 = vector.shape_cast %swap3A_374 : vector<16xi32> to vector<16xi32>
          %swap3A_376 = vector.shape_cast %shift_right_logical3A_372 : vector<16xi32> to vector<16xi32>
          tpu.vector_store %arg8[%swap3A_373], %swap3A_376 {strides = array<i32>} : memref<368xi32, #tpu.memory_space<vmem>>, vector<16xi32>,
          %add3A_377 = arith.constant 128 : i32
          %add3A_378 = arith.addi %mul3A_280, %add3A_377 : i32
          %get3A_379 = arith.index_cast %add3A_378 : i32 to index
          %get3A_380 = tpu.vector_load %arg6[%get3A_379] {strides = array<i32>} : memref<11792xi32, #tpu.memory_space<vmem>>, vector<16xi32>,
          %get3A_381 = vector.shape_cast %get3A_380 : vector<16xi32> to vector<16xi32>
          %shift_right_logical3A_382 = arith.constant 1 : i32
          %shift_right_logical3A_383 = vector.broadcast %shift_right_logical3A_382 : i32 to vector<16xi32>
          %shift_right_logical3A_384 = arith.shrui %get3A_381, %shift_right_logical3A_383 : vector<16xi32>
          %swap3A_385 = arith.constant 128 : index
          %swap3A_386 = tpu.vector_load %arg8[%swap3A_385] {strides = array<i32>} : memref<368xi32, #tpu.memory_space<vmem>>, vector<16xi32>,
          %swap3A_387 = vector.shape_cast %swap3A_386 : vector<16xi32> to vector<16xi32>
          %swap3A_388 = vector.shape_cast %shift_right_logical3A_384 : vector<16xi32> to vector<16xi32>
          tpu.vector_store %arg8[%swap3A_385], %swap3A_388 {strides = array<i32>} : memref<368xi32, #tpu.memory_space<vmem>>, vector<16xi32>,
          %add3A_389 = arith.constant 144 : i32
          %add3A_390 = arith.addi %mul3A_280, %add3A_389 : i32
          %get3A_391 = arith.index_cast %add3A_390 : i32 to index
          %get3A_392 = tpu.vector_load %arg6[%get3A_391] {strides = array<i32>} : memref<11792xi32, #tpu.memory_space<vmem>>, vector<16xi32>,
          %get3A_393 = vector.shape_cast %get3A_392 : vector<16xi32> to vector<16xi32>
          %shift_right_logical3A_394 = arith.constant 1 : i32
          %shift_right_logical3A_395 = vector.broadcast %shift_right_logical3A_394 : i32 to vector<16xi32>
          %shift_right_logical3A_396 = arith.shrui %get3A_393, %shift_right_logical3A_395 : vector<16xi32>
          %swap3A_397 = arith.constant 144 : index
          %swap3A_398 = tpu.vector_load %arg8[%swap3A_397] {strides = array<i32>} : memref<368xi32, #tpu.memory_space<vmem>>, vector<16xi32>,
          %swap3A_399 = vector.shape_cast %swap3A_398 : vector<16xi32> to vector<16xi32>
          %swap3A_400 = vector.shape_cast %shift_right_logical3A_396 : vector<16xi32> to vector<16xi32>
          tpu.vector_store %arg8[%swap3A_397], %swap3A_400 {strides = array<i32>} : memref<368xi32, #tpu.memory_space<vmem>>, vector<16xi32>,
          %add3A_401 = arith.constant 160 : i32
          %add3A_402 = arith.addi %mul3A_280, %add3A_401 : i32
          %get3A_403 = arith.index_cast %add3A_402 : i32 to index
          %get3A_404 = tpu.vector_load %arg6[%get3A_403] {strides = array<i32>} : memref<11792xi32, #tpu.memory_space<vmem>>, vector<16xi32>,
          %get3A_405 = vector.shape_cast %get3A_404 : vector<16xi32> to vector<16xi32>
          %shift_right_logical3A_406 = arith.constant 1 : i32
          %shift_right_logical3A_407 = vector.broadcast %shift_right_logical3A_406 : i32 to vector<16xi32>
          %shift_right_logical3A_408 = arith.shrui %get3A_405, %shift_right_logical3A_407 : vector<16xi32>
          %swap3A_409 = arith.constant 160 : index
          %swap3A_410 = tpu.vector_load %arg8[%swap3A_409] {strides = array<i32>} : memref<368xi32, #tpu.memory_space<vmem>>, vector<16xi32>,
          %swap3A_411 = vector.shape_cast %swap3A_410 : vector<16xi32> to vector<16xi32>
          %swap3A_412 = vector.shape_cast %shift_right_logical3A_408 : vector<16xi32> to vector<16xi32>
          tpu.vector_store %arg8[%swap3A_409], %swap3A_412 {strides = array<i32>} : memref<368xi32, #tpu.memory_space<vmem>>, vector<16xi32>,
          %add3A_413 = arith.constant 176 : i32
          %add3A_414 = arith.addi %mul3A_280, %add3A_413 : i32
          %get3A_415 = arith.index_cast %add3A_414 : i32 to index
          %get3A_416 = tpu.vector_load %arg6[%get3A_415] {strides = array<i32>} : memref<11792xi32, #tpu.memory_space<vmem>>, vector<16xi32>,
          %get3A_417 = vector.shape_cast %get3A_416 : vector<16xi32> to vector<16xi32>
          %shift_right_logical3A_418 = arith.constant 1 : i32
          %shift_right_logical3A_419 = vector.broadcast %shift_right_logical3A_418 : i32 to vector<16xi32>
          %shift_right_logical3A_420 = arith.shrui %get3A_417, %shift_right_logical3A_419 : vector<16xi32>
          %swap3A_421 = arith.constant 176 : index
          %swap3A_422 = tpu.vector_load %arg8[%swap3A_421] {strides = array<i32>} : memref<368xi32, #tpu.memory_space<vmem>>, vector<16xi32>,
          %swap3A_423 = vector.shape_cast %swap3A_422 : vector<16xi32> to vector<16xi32>
          %swap3A_424 = vector.shape_cast %shift_right_logical3A_420 : vector<16xi32> to vector<16xi32>
          tpu.vector_store %arg8[%swap3A_421], %swap3A_424 {strides = array<i32>} : memref<368xi32, #tpu.memory_space<vmem>>, vector<16xi32>,
          %add3A_425 = arith.constant 192 : i32
          %add3A_426 = arith.addi %mul3A_280, %add3A_425 : i32
          %get3A_427 = arith.index_cast %add3A_426 : i32 to index
          %get3A_428 = tpu.vector_load %arg6[%get3A_427] {strides = array<i32>} : memref<11792xi32, #tpu.memory_space<vmem>>, vector<16xi32>,
          %get3A_429 = vector.shape_cast %get3A_428 : vector<16xi32> to vector<16xi32>
          %shift_right_logical3A_430 = arith.constant 1 : i32
          %shift_right_logical3A_431 = vector.broadcast %shift_right_logical3A_430 : i32 to vector<16xi32>
          %shift_right_logical3A_432 = arith.shrui %get3A_429, %shift_right_logical3A_431 : vector<16xi32>
          %swap3A_433 = arith.constant 192 : index
          %swap3A_434 = tpu.vector_load %arg8[%swap3A_433] {strides = array<i32>} : memref<368xi32, #tpu.memory_space<vmem>>, vector<16xi32>,
          %swap3A_435 = vector.shape_cast %swap3A_434 : vector<16xi32> to vector<16xi32>
          %swap3A_436 = vector.shape_cast %shift_right_logical3A_432 : vector<16xi32> to vector<16xi32>
          tpu.vector_store %arg8[%swap3A_433], %swap3A_436 {strides = array<i32>} : memref<368xi32, #tpu.memory_space<vmem>>, vector<16xi32>,
          %add3A_437 = arith.constant 208 : i32
          %add3A_438 = arith.addi %mul3A_280, %add3A_437 : i32
          %get3A_439 = arith.index_cast %add3A_438 : i32 to index
          %get3A_440 = tpu.vector_load %arg6[%get3A_439] {strides = array<i32>} : memref<11792xi32, #tpu.memory_space<vmem>>, vector<16xi32>,
          %get3A_441 = vector.shape_cast %get3A_440 : vector<16xi32> to vector<16xi32>
          %shift_right_logical3A_442 = arith.constant 1 : i32
          %shift_right_logical3A_443 = vector.broadcast %shift_right_logical3A_442 : i32 to vector<16xi32>
          %shift_right_logical3A_444 = arith.shrui %get3A_441, %shift_right_logical3A_443 : vector<16xi32>
          %swap3A_445 = arith.constant 208 : index
          %swap3A_446 = tpu.vector_load %arg8[%swap3A_445] {strides = array<i32>} : memref<368xi32, #tpu.memory_space<vmem>>, vector<16xi32>,
          %swap3A_447 = vector.shape_cast %swap3A_446 : vector<16xi32> to vector<16xi32>
          %swap3A_448 = vector.shape_cast %shift_right_logical3A_444 : vector<16xi32> to vector<16xi32>
          tpu.vector_store %arg8[%swap3A_445], %swap3A_448 {strides = array<i32>} : memref<368xi32, #tpu.memory_space<vmem>>, vector<16xi32>,
          %add3A_449 = arith.constant 224 : i32
          %add3A_450 = arith.addi %mul3A_280, %add3A_449 : i32
          %get3A_451 = arith.index_cast %add3A_450 : i32 to index
          %get3A_452 = tpu.vector_load %arg6[%get3A_451] {strides = array<i32>} : memref<11792xi32, #tpu.memory_space<vmem>>, vector<16xi32>,
          %get3A_453 = vector.shape_cast %get3A_452 : vector<16xi32> to vector<16xi32>
          %shift_right_logical3A_454 = arith.constant 1 : i32
          %shift_right_logical3A_455 = vector.broadcast %shift_right_logical3A_454 : i32 to vector<16xi32>
          %shift_right_logical3A_456 = arith.shrui %get3A_453, %shift_right_logical3A_455 : vector<16xi32>
          %swap3A_457 = arith.constant 224 : index
          %swap3A_458 = tpu.vector_load %arg8[%swap3A_457] {strides = array<i32>} : memref<368xi32, #tpu.memory_space<vmem>>, vector<16xi32>,
          %swap3A_459 = vector.shape_cast %swap3A_458 : vector<16xi32> to vector<16xi32>
          %swap3A_460 = vector.shape_cast %shift_right_logical3A_456 : vector<16xi32> to vector<16xi32>
          tpu.vector_store %arg8[%swap3A_457], %swap3A_460 {strides = array<i32>} : memref<368xi32, #tpu.memory_space<vmem>>, vector<16xi32>,
          %add3A_461 = arith.constant 240 : i32
          %add3A_462 = arith.addi %mul3A_280, %add3A_461 : i32
          %get3A_463 = arith.index_cast %add3A_462 : i32 to index
          %get3A_464 = tpu.vector_load %arg6[%get3A_463] {strides = array<i32>} : memref<11792xi32, #tpu.memory_space<vmem>>, vector<16xi32>,
          %get3A_465 = vector.shape_cast %get3A_464 : vector<16xi32> to vector<16xi32>
          %shift_right_logical3A_466 = arith.constant 1 : i32
          %shift_right_logical3A_467 = vector.broadcast %shift_right_logical3A_466 : i32 to vector<16xi32>
          %shift_right_logical3A_468 = arith.shrui %get3A_465, %shift_right_logical3A_467 : vector<16xi32>
          %swap3A_469 = arith.constant 240 : index
          %swap3A_470 = tpu.vector_load %arg8[%swap3A_469] {strides = array<i32>} : memref<368xi32, #tpu.memory_space<vmem>>, vector<16xi32>,
          %swap3A_471 = vector.shape_cast %swap3A_470 : vector<16xi32> to vector<16xi32>
          %swap3A_472 = vector.shape_cast %shift_right_logical3A_468 : vector<16xi32> to vector<16xi32>
          tpu.vector_store %arg8[%swap3A_469], %swap3A_472 {strides = array<i32>} : memref<368xi32, #tpu.memory_space<vmem>>, vector<16xi32>,
          %add3A_473 = arith.constant 256 : i32
          %add3A_474 = arith.addi %mul3A_280, %add3A_473 : i32
          %get3A_475 = arith.index_cast %add3A_474 : i32 to index
          %get3A_476 = tpu.vector_load %arg6[%get3A_475] {strides = array<i32>} : memref<11792xi32, #tpu.memory_space<vmem>>, vector<16xi32>,
          %get3A_477 = vector.shape_cast %get3A_476 : vector<16xi32> to vector<16xi32>
          %shift_right_logical3A_478 = arith.constant 1 : i32
          %shift_right_logical3A_479 = vector.broadcast %shift_right_logical3A_478 : i32 to vector<16xi32>
          %shift_right_logical3A_480 = arith.shrui %get3A_477, %shift_right_logical3A_479 : vector<16xi32>
          %swap3A_481 = arith.constant 256 : index
          %swap3A_482 = tpu.vector_load %arg8[%swap3A_481] {strides = array<i32>} : memref<368xi32, #tpu.memory_space<vmem>>, vector<16xi32>,
          %swap3A_483 = vector.shape_cast %swap3A_482 : vector<16xi32> to vector<16xi32>
          %swap3A_484 = vector.shape_cast %shift_right_logical3A_480 : vector<16xi32> to vector<16xi32>
          tpu.vector_store %arg8[%swap3A_481], %swap3A_484 {strides = array<i32>} : memref<368xi32, #tpu.memory_space<vmem>>, vector<16xi32>,
          %add3A_485 = arith.constant 272 : i32
          %add3A_486 = arith.addi %mul3A_280, %add3A_485 : i32
          %get3A_487 = arith.index_cast %add3A_486 : i32 to index
          %get3A_488 = tpu.vector_load %arg6[%get3A_487] {strides = array<i32>} : memref<11792xi32, #tpu.memory_space<vmem>>, vector<16xi32>,
          %get3A_489 = vector.shape_cast %get3A_488 : vector<16xi32> to vector<16xi32>
          %shift_right_logical3A_490 = arith.constant 1 : i32
          %shift_right_logical3A_491 = vector.broadcast %shift_right_logical3A_490 : i32 to vector<16xi32>
          %shift_right_logical3A_492 = arith.shrui %get3A_489, %shift_right_logical3A_491 : vector<16xi32>
          %swap3A_493 = arith.constant 272 : index
          %swap3A_494 = tpu.vector_load %arg8[%swap3A_493] {strides = array<i32>} : memref<368xi32, #tpu.memory_space<vmem>>, vector<16xi32>,
          %swap3A_495 = vector.shape_cast %swap3A_494 : vector<16xi32> to vector<16xi32>
          %swap3A_496 = vector.shape_cast %shift_right_logical3A_492 : vector<16xi32> to vector<16xi32>
          tpu.vector_store %arg8[%swap3A_493], %swap3A_496 {strides = array<i32>} : memref<368xi32, #tpu.memory_space<vmem>>, vector<16xi32>,
          %add3A_497 = arith.constant 288 : i32
          %add3A_498 = arith.addi %mul3A_280, %add3A_497 : i32
          %get3A_499 = arith.index_cast %add3A_498 : i32 to index
          %get3A_500 = tpu.vector_load %arg6[%get3A_499] {strides = array<i32>} : memref<11792xi32, #tpu.memory_space<vmem>>, vector<16xi32>,
          %get3A_501 = vector.shape_cast %get3A_500 : vector<16xi32> to vector<16xi32>
          %shift_right_logical3A_502 = arith.constant 1 : i32
          %shift_right_logical3A_503 = vector.broadcast %shift_right_logical3A_502 : i32 to vector<16xi32>
          %shift_right_logical3A_504 = arith.shrui %get3A_501, %shift_right_logical3A_503 : vector<16xi32>
          %swap3A_505 = arith.constant 288 : index
          %swap3A_506 = tpu.vector_load %arg8[%swap3A_505] {strides = array<i32>} : memref<368xi32, #tpu.memory_space<vmem>>, vector<16xi32>,
          %swap3A_507 = vector.shape_cast %swap3A_506 : vector<16xi32> to vector<16xi32>
          %swap3A_508 = vector.shape_cast %shift_right_logical3A_504 : vector<16xi32> to vector<16xi32>
          tpu.vector_store %arg8[%swap3A_505], %swap3A_508 {strides = array<i32>} : memref<368xi32, #tpu.memory_space<vmem>>, vector<16xi32>,
          %add3A_509 = arith.constant 304 : i32
          %add3A_510 = arith.addi %mul3A_280, %add3A_509 : i32
          %get3A_511 = arith.index_cast %add3A_510 : i32 to index
          %get3A_512 = tpu.vector_load %arg6[%get3A_511] {strides = array<i32>} : memref<11792xi32, #tpu.memory_space<vmem>>, vector<16xi32>,
          %get3A_513 = vector.shape_cast %get3A_512 : vector<16xi32> to vector<16xi32>
          %shift_right_logical3A_514 = arith.constant 1 : i32
          %shift_right_logical3A_515 = vector.broadcast %shift_right_logical3A_514 : i32 to vector<16xi32>
          %shift_right_logical3A_516 = arith.shrui %get3A_513, %shift_right_logical3A_515 : vector<16xi32>
          %swap3A_517 = arith.constant 304 : index
          %swap3A_518 = tpu.vector_load %arg8[%swap3A_517] {strides = array<i32>} : memref<368xi32, #tpu.memory_space<vmem>>, vector<16xi32>,
          %swap3A_519 = vector.shape_cast %swap3A_518 : vector<16xi32> to vector<16xi32>
          %swap3A_520 = vector.shape_cast %shift_right_logical3A_516 : vector<16xi32> to vector<16xi32>
          tpu.vector_store %arg8[%swap3A_517], %swap3A_520 {strides = array<i32>} : memref<368xi32, #tpu.memory_space<vmem>>, vector<16xi32>,
          %add3A_521 = arith.constant 320 : i32
          %add3A_522 = arith.addi %mul3A_280, %add3A_521 : i32
          %get3A_523 = arith.index_cast %add3A_522 : i32 to index
          %get3A_524 = tpu.vector_load %arg6[%get3A_523] {strides = array<i32>} : memref<11792xi32, #tpu.memory_space<vmem>>, vector<16xi32>,
          %get3A_525 = vector.shape_cast %get3A_524 : vector<16xi32> to vector<16xi32>
          %shift_right_logical3A_526 = arith.constant 1 : i32
          %shift_right_logical3A_527 = vector.broadcast %shift_right_logical3A_526 : i32 to vector<16xi32>
          %shift_right_logical3A_528 = arith.shrui %get3A_525, %shift_right_logical3A_527 : vector<16xi32>
          %swap3A_529 = arith.constant 320 : index
          %swap3A_530 = tpu.vector_load %arg8[%swap3A_529] {strides = array<i32>} : memref<368xi32, #tpu.memory_space<vmem>>, vector<16xi32>,
          %swap3A_531 = vector.shape_cast %swap3A_530 : vector<16xi32> to vector<16xi32>
          %swap3A_532 = vector.shape_cast %shift_right_logical3A_528 : vector<16xi32> to vector<16xi32>
          tpu.vector_store %arg8[%swap3A_529], %swap3A_532 {strides = array<i32>} : memref<368xi32, #tpu.memory_space<vmem>>, vector<16xi32>,
          %add3A_533 = arith.constant 336 : i32
          %add3A_534 = arith.addi %mul3A_280, %add3A_533 : i32
          %get3A_535 = arith.index_cast %add3A_534 : i32 to index
          %get3A_536 = tpu.vector_load %arg6[%get3A_535] {strides = array<i32>} : memref<11792xi32, #tpu.memory_space<vmem>>, vector<16xi32>,
          %get3A_537 = vector.shape_cast %get3A_536 : vector<16xi32> to vector<16xi32>
          %shift_right_logical3A_538 = arith.constant 1 : i32
          %shift_right_logical3A_539 = vector.broadcast %shift_right_logical3A_538 : i32 to vector<16xi32>
          %shift_right_logical3A_540 = arith.shrui %get3A_537, %shift_right_logical3A_539 : vector<16xi32>
          %swap3A_541 = arith.constant 336 : index
          %swap3A_542 = tpu.vector_load %arg8[%swap3A_541] {strides = array<i32>} : memref<368xi32, #tpu.memory_space<vmem>>, vector<16xi32>,
          %swap3A_543 = vector.shape_cast %swap3A_542 : vector<16xi32> to vector<16xi32>
          %swap3A_544 = vector.shape_cast %shift_right_logical3A_540 : vector<16xi32> to vector<16xi32>
          tpu.vector_store %arg8[%swap3A_541], %swap3A_544 {strides = array<i32>} : memref<368xi32, #tpu.memory_space<vmem>>, vector<16xi32>,
          %add3A_545 = arith.constant 352 : i32
          %add3A_546 = arith.addi %mul3A_280, %add3A_545 : i32
          %get3A_547 = arith.index_cast %add3A_546 : i32 to index
          %get3A_548 = tpu.vector_load %arg6[%get3A_547] {strides = array<i32>} : memref<11792xi32, #tpu.memory_space<vmem>>, vector<16xi32>,
          %get3A_549 = vector.shape_cast %get3A_548 : vector<16xi32> to vector<16xi32>
          %shift_right_logical3A_550 = arith.constant 1 : i32
          %shift_right_logical3A_551 = vector.broadcast %shift_right_logical3A_550 : i32 to vector<16xi32>
          %shift_right_logical3A_552 = arith.shrui %get3A_549, %shift_right_logical3A_551 : vector<16xi32>
          %swap3A_553 = arith.constant 352 : index
          %swap3A_554 = tpu.vector_load %arg8[%swap3A_553] {strides = array<i32>} : memref<368xi32, #tpu.memory_space<vmem>>, vector<16xi32>,
          %swap3A_555 = vector.shape_cast %swap3A_554 : vector<16xi32> to vector<16xi32>
          %swap3A_556 = vector.shape_cast %shift_right_logical3A_552 : vector<16xi32> to vector<16xi32>
          tpu.vector_store %arg8[%swap3A_553], %swap3A_556 {strides = array<i32>} : memref<368xi32, #tpu.memory_space<vmem>>, vector<16xi32>,
          %dma_start3A_557 = arith.constant 0 : i32
          %dma_start3A_558 = arith.constant 0 : i32
          %dma_start3A_559 = tpu.memref_slice %arg3[%dma_start3A_557, %dma_start3A_558] : memref<500000x128xf32, #tpu.memory_space<hbm>> -> memref<500000x128xf32, #tpu.memory_space<hbm>>
          tpu.enqueue_indirect_dma source(%dma_start3A_559 : memref<500000x128xf32, #tpu.memory_space<hbm>>) target(%arg10 : memref<368x128xf32, #tpu.memory_space<vmem>>) offsets(%arg8 : memref<368xi32, #tpu.memory_space<vmem>>) semaphore(%arg16 : memref<!tpu.dma_semaphore, #tpu.memory_space<semaphore_mem>>)
          %mul3A_560 = arith.constant 16 : i32
          %mul3A_561 = arith.muli %add3A_278, %mul3A_560 : i32
          %add3A_562 = arith.addi %mul3A_2, %mul3A_561 : i32
          %dma_start3A_563 = arith.constant 0 : i32
          %dma_start3A_564 = tpu.memref_slice %arg4[%add3A_562, %dma_start3A_563] : memref<16384x64xf32, #tpu.memory_space<hbm>> -> memref<16x64xf32, #tpu.memory_space<hbm>>
          %dma_start3A_565 = arith.constant 0 : i32
          %dma_start3A_566 = tpu.memref_slice %arg4[%add3A_562, %dma_start3A_565] : memref<16384x64xf32, #tpu.memory_space<hbm>> -> memref<16x64xf32, #tpu.memory_space<hbm>>
          tpu.enqueue_dma source(%dma_start3A_566 : memref<16x64xf32, #tpu.memory_space<hbm>>) target(%arg12 : memref<16x64xf32, #tpu.memory_space<vmem>>) target_semaphore(%arg18 : memref<!tpu.dma_semaphore, #tpu.memory_space<semaphore_mem>>)
        } else {
        }
        %dma_wait3A = arith.constant 0 : i32
        %dma_wait3A_263 = arith.constant 0 : i32
        %dma_wait3A_264 = tpu.memref_slice %arg3[%dma_wait3A, %dma_wait3A_263] : memref<500000x128xf32, #tpu.memory_space<hbm>> -> memref<500000x128xf32, #tpu.memory_space<hbm>>
        tpu.wait_indirect_dma semaphore(%arg15 : memref<!tpu.dma_semaphore, #tpu.memory_space<semaphore_mem>>) src(%dma_wait3A_264 : memref<500000x128xf32, #tpu.memory_space<hbm>>) dst(%arg9 : memref<368x128xf32, #tpu.memory_space<vmem>>)
        %dma_wait3A_265 = arith.constant 0 : i32
        %dma_wait3A_266 = arith.constant 0 : i32
        %dma_wait3A_267 = tpu.memref_slice %arg4[%dma_wait3A_265, %dma_wait3A_266] : memref<16384x64xf32, #tpu.memory_space<hbm>> -> memref<16x64xf32, #tpu.memory_space<hbm>>
        %dma_wait3A_268 = arith.constant 0 : i32
        %dma_wait3A_269 = arith.constant 0 : i32
        %dma_wait3A_270 = tpu.memref_slice %arg4[%dma_wait3A_268, %dma_wait3A_269] : memref<16384x64xf32, #tpu.memory_space<hbm>> -> memref<16x64xf32, #tpu.memory_space<hbm>>
        tpu.wait_dma2 semaphore(%arg17 : memref<!tpu.dma_semaphore, #tpu.memory_space<semaphore_mem>>) src(%dma_wait3A_270 : memref<16x64xf32, #tpu.memory_space<hbm>>) dst(%arg11 : memref<16x64xf32, #tpu.memory_space<vmem>>)
        %scan3A_271 = arith.constant 0 : i32
        %scan3A_272 = arith.constant 0 : i32
        %scan3A_273 = arith.constant 16 : i32
        %scan3A_274 = arith.addi %scan3A_272, %scan3A_273 : i32
        %scan3A_275 = arith.constant 1 : i32
        scf.for %scan3A_277 = %scan3A_272 to %scan3A_274 step %scan3A_275  : i32 {
          %mul3A_278 = arith.constant 23 : i32
          %mul3A_279 = arith.muli %scan3A_277, %mul3A_278 : i32
          %mul3A_280 = arith.constant 368 : i32
          %mul3A_281 = arith.muli %scan3A_245, %mul3A_280 : i32
          %add3A_282 = arith.addi %mul3A_281, %mul3A_279 : i32
          %get3A_283 = arith.index_cast %scan3A_277 : i32 to index
          %get3A_284 = arith.constant 0 : index
          %get3A_285 = tpu.vector_load %arg11[%get3A_283, %get3A_284] {strides = array<i32>} : memref<16x64xf32, #tpu.memory_space<vmem>>, vector<1x16xf32>,
          %get3A_286 = vector.shape_cast %get3A_285 : vector<1x16xf32> to vector<16xf32>
          %get3A_287 = arith.index_cast %scan3A_277 : i32 to index
          %get3A_288 = arith.constant 16 : index
          %get3A_289 = tpu.vector_load %arg11[%get3A_287, %get3A_288] {strides = array<i32>} : memref<16x64xf32, #tpu.memory_space<vmem>>, vector<1x16xf32>,
          %get3A_290 = vector.shape_cast %get3A_289 : vector<1x16xf32> to vector<16xf32>
          %get3A_291 = arith.index_cast %scan3A_277 : i32 to index
          %get3A_292 = arith.constant 32 : index
          %get3A_293 = tpu.vector_load %arg11[%get3A_291, %get3A_292] {strides = array<i32>} : memref<16x64xf32, #tpu.memory_space<vmem>>, vector<1x16xf32>,
          %get3A_294 = vector.shape_cast %get3A_293 : vector<1x16xf32> to vector<16xf32>
          %get3A_295 = arith.index_cast %scan3A_277 : i32 to index
          %get3A_296 = arith.constant 48 : index
          %get3A_297 = tpu.vector_load %arg11[%get3A_295, %get3A_296] {strides = array<i32>} : memref<16x64xf32, #tpu.memory_space<vmem>>, vector<1x16xf32>,
          %get3A_298 = vector.shape_cast %get3A_297 : vector<1x16xf32> to vector<16xf32>
          %broadcast_in_dim3A = arith.constant 0.000000e+00 : f32
          %broadcast_in_dim3A_299 = vector.broadcast %broadcast_in_dim3A : f32 to vector<16xf32>
          %broadcast_in_dim3A_300 = arith.constant 0.000000e+00 : f32
          %broadcast_in_dim3A_301 = vector.broadcast %broadcast_in_dim3A_300 : f32 to vector<16xf32>
          %broadcast_in_dim3A_302 = arith.constant 0.000000e+00 : f32
          %broadcast_in_dim3A_303 = vector.broadcast %broadcast_in_dim3A_302 : f32 to vector<16xf32>
          %broadcast_in_dim3A_304 = arith.constant 0.000000e+00 : f32
          %broadcast_in_dim3A_305 = vector.broadcast %broadcast_in_dim3A_304 : f32 to vector<16xf32>
          %add3A_306 = arith.constant 0 : i32
          %add3A_307 = arith.addi %add3A_282, %add3A_306 : i32
          %get3A_308 = arith.index_cast %add3A_307 : i32 to index
          %get3A_309 = tpu.vector_load %arg6[%get3A_308] {strides = array<i32>} : memref<11792xi32, #tpu.memory_space<vmem>>, vector<16xi32>,
          %get3A_310 = vector.shape_cast %get3A_309 : vector<16xi32> to vector<16xi32>
          %slice3A = vector.extract_strided_slice %get3A_310 {offsets = [0], sizes = [1], strides = [1]} : vector<16xi32> to vector<1xi32>
          %squeeze3A = vector.extract %slice3A[0] : i32 from vector<1xi32>
          %and3A = arith.constant 1 : i32
          %and3A_311 = arith.andi %squeeze3A, %and3A : i32
          %mul3A_312 = arith.constant 64 : i32
          %mul3A_313 = arith.muli %and3A_311, %mul3A_312 : i32
          %add3A_314 = arith.constant 0 : i32
          %add3A_315 = arith.addi %mul3A_279, %add3A_314 : i32
          %get3A_316 = arith.index_cast %add3A_315 : i32 to index
          %get3A_317 = arith.index_cast %mul3A_313 : i32 to index
          %get3A_318 = tpu.vector_load %arg9[%get3A_316, %get3A_317] {strides = array<i32>} : memref<368x128xf32, #tpu.memory_space<vmem>>, vector<1x16xf32>,
          %get3A_319 = vector.shape_cast %get3A_318 : vector<1x16xf32> to vector<16xf32>
          %add3A_320 = arith.addf %broadcast_in_dim3A_299, %get3A_319 : vector<16xf32>
          %add3A_321 = arith.constant 0 : i32
          %add3A_322 = arith.addi %mul3A_279, %add3A_321 : i32
          %add3A_323 = arith.constant 16 : i32
          %add3A_324 = arith.addi %mul3A_313, %add3A_323 : i32
          %get3A_325 = arith.index_cast %add3A_322 : i32 to index
          %get3A_326 = arith.index_cast %add3A_324 : i32 to index
          %get3A_327 = tpu.vector_load %arg9[%get3A_325, %get3A_326] {strides = array<i32>} : memref<368x128xf32, #tpu.memory_space<vmem>>, vector<1x16xf32>,
          %get3A_328 = vector.shape_cast %get3A_327 : vector<1x16xf32> to vector<16xf32>
          %add3A_329 = arith.addf %broadcast_in_dim3A_301, %get3A_328 : vector<16xf32>
          %add3A_330 = arith.constant 0 : i32
          %add3A_331 = arith.addi %mul3A_279, %add3A_330 : i32
          %add3A_332 = arith.constant 32 : i32
          %add3A_333 = arith.addi %mul3A_313, %add3A_332 : i32
          %get3A_334 = arith.index_cast %add3A_331 : i32 to index
          %get3A_335 = arith.index_cast %add3A_333 : i32 to index
          %get3A_336 = tpu.vector_load %arg9[%get3A_334, %get3A_335] {strides = array<i32>} : memref<368x128xf32, #tpu.memory_space<vmem>>, vector<1x16xf32>,
          %get3A_337 = vector.shape_cast %get3A_336 : vector<1x16xf32> to vector<16xf32>
          %add3A_338 = arith.addf %broadcast_in_dim3A_303, %get3A_337 : vector<16xf32>
          %add3A_339 = arith.constant 0 : i32
          %add3A_340 = arith.addi %mul3A_279, %add3A_339 : i32
          %add3A_341 = arith.constant 48 : i32
          %add3A_342 = arith.addi %mul3A_313, %add3A_341 : i32
          %get3A_343 = arith.index_cast %add3A_340 : i32 to index
          %get3A_344 = arith.index_cast %add3A_342 : i32 to index
          %get3A_345 = tpu.vector_load %arg9[%get3A_343, %get3A_344] {strides = array<i32>} : memref<368x128xf32, #tpu.memory_space<vmem>>, vector<1x16xf32>,
          %get3A_346 = vector.shape_cast %get3A_345 : vector<1x16xf32> to vector<16xf32>
          %add3A_347 = arith.addf %broadcast_in_dim3A_305, %get3A_346 : vector<16xf32>
          %add3A_348 = arith.constant 1 : i32
          %add3A_349 = arith.addi %add3A_282, %add3A_348 : i32
          %get3A_350 = arith.index_cast %add3A_349 : i32 to index
          %get3A_351 = tpu.vector_load %arg6[%get3A_350] {strides = array<i32>} : memref<11792xi32, #tpu.memory_space<vmem>>, vector<16xi32>,
          %get3A_352 = vector.shape_cast %get3A_351 : vector<16xi32> to vector<16xi32>
          %slice3A_353 = vector.extract_strided_slice %get3A_352 {offsets = [0], sizes = [1], strides = [1]} : vector<16xi32> to vector<1xi32>
          %squeeze3A_354 = vector.extract %slice3A_353[0] : i32 from vector<1xi32>
          %and3A_355 = arith.constant 1 : i32
          %and3A_356 = arith.andi %squeeze3A_354, %and3A_355 : i32
          %mul3A_357 = arith.constant 64 : i32
          %mul3A_358 = arith.muli %and3A_356, %mul3A_357 : i32
          %add3A_359 = arith.constant 1 : i32
          %add3A_360 = arith.addi %mul3A_279, %add3A_359 : i32
          %get3A_361 = arith.index_cast %add3A_360 : i32 to index
          %get3A_362 = arith.index_cast %mul3A_358 : i32 to index
          %get3A_363 = tpu.vector_load %arg9[%get3A_361, %get3A_362] {strides = array<i32>} : memref<368x128xf32, #tpu.memory_space<vmem>>, vector<1x16xf32>,
          %get3A_364 = vector.shape_cast %get3A_363 : vector<1x16xf32> to vector<16xf32>
          %add3A_365 = arith.addf %add3A_320, %get3A_364 : vector<16xf32>
          %add3A_366 = arith.constant 1 : i32
          %add3A_367 = arith.addi %mul3A_279, %add3A_366 : i32
          %add3A_368 = arith.constant 16 : i32
          %add3A_369 = arith.addi %mul3A_358, %add3A_368 : i32
          %get3A_370 = arith.index_cast %add3A_367 : i32 to index
          %get3A_371 = arith.index_cast %add3A_369 : i32 to index
          %get3A_372 = tpu.vector_load %arg9[%get3A_370, %get3A_371] {strides = array<i32>} : memref<368x128xf32, #tpu.memory_space<vmem>>, vector<1x16xf32>,
          %get3A_373 = vector.shape_cast %get3A_372 : vector<1x16xf32> to vector<16xf32>
          %add3A_374 = arith.addf %add3A_329, %get3A_373 : vector<16xf32>
          %add3A_375 = arith.constant 1 : i32
          %add3A_376 = arith.addi %mul3A_279, %add3A_375 : i32
          %add3A_377 = arith.constant 32 : i32
          %add3A_378 = arith.addi %mul3A_358, %add3A_377 : i32
          %get3A_379 = arith.index_cast %add3A_376 : i32 to index
          %get3A_380 = arith.index_cast %add3A_378 : i32 to index
          %get3A_381 = tpu.vector_load %arg9[%get3A_379, %get3A_380] {strides = array<i32>} : memref<368x128xf32, #tpu.memory_space<vmem>>, vector<1x16xf32>,
          %get3A_382 = vector.shape_cast %get3A_381 : vector<1x16xf32> to vector<16xf32>
          %add3A_383 = arith.addf %add3A_338, %get3A_382 : vector<16xf32>
          %add3A_384 = arith.constant 1 : i32
          %add3A_385 = arith.addi %mul3A_279, %add3A_384 : i32
          %add3A_386 = arith.constant 48 : i32
          %add3A_387 = arith.addi %mul3A_358, %add3A_386 : i32
          %get3A_388 = arith.index_cast %add3A_385 : i32 to index
          %get3A_389 = arith.index_cast %add3A_387 : i32 to index
          %get3A_390 = tpu.vector_load %arg9[%get3A_388, %get3A_389] {strides = array<i32>} : memref<368x128xf32, #tpu.memory_space<vmem>>, vector<1x16xf32>,
          %get3A_391 = vector.shape_cast %get3A_390 : vector<1x16xf32> to vector<16xf32>
          %add3A_392 = arith.addf %add3A_347, %get3A_391 : vector<16xf32>
          %add3A_393 = arith.constant 2 : i32
          %add3A_394 = arith.addi %add3A_282, %add3A_393 : i32
          %get3A_395 = arith.index_cast %add3A_394 : i32 to index
          %get3A_396 = tpu.vector_load %arg6[%get3A_395] {strides = array<i32>} : memref<11792xi32, #tpu.memory_space<vmem>>, vector<16xi32>,
          %get3A_397 = vector.shape_cast %get3A_396 : vector<16xi32> to vector<16xi32>
          %slice3A_398 = vector.extract_strided_slice %get3A_397 {offsets = [0], sizes = [1], strides = [1]} : vector<16xi32> to vector<1xi32>
          %squeeze3A_399 = vector.extract %slice3A_398[0] : i32 from vector<1xi32>
          %and3A_400 = arith.constant 1 : i32
          %and3A_401 = arith.andi %squeeze3A_399, %and3A_400 : i32
          %mul3A_402 = arith.constant 64 : i32
          %mul3A_403 = arith.muli %and3A_401, %mul3A_402 : i32
          %add3A_404 = arith.constant 2 : i32
          %add3A_405 = arith.addi %mul3A_279, %add3A_404 : i32
          %get3A_406 = arith.index_cast %add3A_405 : i32 to index
          %get3A_407 = arith.index_cast %mul3A_403 : i32 to index
          %get3A_408 = tpu.vector_load %arg9[%get3A_406, %get3A_407] {strides = array<i32>} : memref<368x128xf32, #tpu.memory_space<vmem>>, vector<1x16xf32>,
          %get3A_409 = vector.shape_cast %get3A_408 : vector<1x16xf32> to vector<16xf32>
          %add3A_410 = arith.addf %add3A_365, %get3A_409 : vector<16xf32>
          %add3A_411 = arith.constant 2 : i32
          %add3A_412 = arith.addi %mul3A_279, %add3A_411 : i32
          %add3A_413 = arith.constant 16 : i32
          %add3A_414 = arith.addi %mul3A_403, %add3A_413 : i32
          %get3A_415 = arith.index_cast %add3A_412 : i32 to index
          %get3A_416 = arith.index_cast %add3A_414 : i32 to index
          %get3A_417 = tpu.vector_load %arg9[%get3A_415, %get3A_416] {strides = array<i32>} : memref<368x128xf32, #tpu.memory_space<vmem>>, vector<1x16xf32>,
          %get3A_418 = vector.shape_cast %get3A_417 : vector<1x16xf32> to vector<16xf32>
          %add3A_419 = arith.addf %add3A_374, %get3A_418 : vector<16xf32>
          %add3A_420 = arith.constant 2 : i32
          %add3A_421 = arith.addi %mul3A_279, %add3A_420 : i32
          %add3A_422 = arith.constant 32 : i32
          %add3A_423 = arith.addi %mul3A_403, %add3A_422 : i32
          %get3A_424 = arith.index_cast %add3A_421 : i32 to index
          %get3A_425 = arith.index_cast %add3A_423 : i32 to index
          %get3A_426 = tpu.vector_load %arg9[%get3A_424, %get3A_425] {strides = array<i32>} : memref<368x128xf32, #tpu.memory_space<vmem>>, vector<1x16xf32>,
          %get3A_427 = vector.shape_cast %get3A_426 : vector<1x16xf32> to vector<16xf32>
          %add3A_428 = arith.addf %add3A_383, %get3A_427 : vector<16xf32>
          %add3A_429 = arith.constant 2 : i32
          %add3A_430 = arith.addi %mul3A_279, %add3A_429 : i32
          %add3A_431 = arith.constant 48 : i32
          %add3A_432 = arith.addi %mul3A_403, %add3A_431 : i32
          %get3A_433 = arith.index_cast %add3A_430 : i32 to index
          %get3A_434 = arith.index_cast %add3A_432 : i32 to index
          %get3A_435 = tpu.vector_load %arg9[%get3A_433, %get3A_434] {strides = array<i32>} : memref<368x128xf32, #tpu.memory_space<vmem>>, vector<1x16xf32>,
          %get3A_436 = vector.shape_cast %get3A_435 : vector<1x16xf32> to vector<16xf32>
          %add3A_437 = arith.addf %add3A_392, %get3A_436 : vector<16xf32>
          %add3A_438 = arith.constant 3 : i32
          %add3A_439 = arith.addi %add3A_282, %add3A_438 : i32
          %get3A_440 = arith.index_cast %add3A_439 : i32 to index
          %get3A_441 = tpu.vector_load %arg6[%get3A_440] {strides = array<i32>} : memref<11792xi32, #tpu.memory_space<vmem>>, vector<16xi32>,
          %get3A_442 = vector.shape_cast %get3A_441 : vector<16xi32> to vector<16xi32>
          %slice3A_443 = vector.extract_strided_slice %get3A_442 {offsets = [0], sizes = [1], strides = [1]} : vector<16xi32> to vector<1xi32>
          %squeeze3A_444 = vector.extract %slice3A_443[0] : i32 from vector<1xi32>
          %and3A_445 = arith.constant 1 : i32
          %and3A_446 = arith.andi %squeeze3A_444, %and3A_445 : i32
          %mul3A_447 = arith.constant 64 : i32
          %mul3A_448 = arith.muli %and3A_446, %mul3A_447 : i32
          %add3A_449 = arith.constant 3 : i32
          %add3A_450 = arith.addi %mul3A_279, %add3A_449 : i32
          %get3A_451 = arith.index_cast %add3A_450 : i32 to index
          %get3A_452 = arith.index_cast %mul3A_448 : i32 to index
          %get3A_453 = tpu.vector_load %arg9[%get3A_451, %get3A_452] {strides = array<i32>} : memref<368x128xf32, #tpu.memory_space<vmem>>, vector<1x16xf32>,
          %get3A_454 = vector.shape_cast %get3A_453 : vector<1x16xf32> to vector<16xf32>
          %add3A_455 = arith.addf %add3A_410, %get3A_454 : vector<16xf32>
          %add3A_456 = arith.constant 3 : i32
          %add3A_457 = arith.addi %mul3A_279, %add3A_456 : i32
          %add3A_458 = arith.constant 16 : i32
          %add3A_459 = arith.addi %mul3A_448, %add3A_458 : i32
          %get3A_460 = arith.index_cast %add3A_457 : i32 to index
          %get3A_461 = arith.index_cast %add3A_459 : i32 to index
          %get3A_462 = tpu.vector_load %arg9[%get3A_460, %get3A_461] {strides = array<i32>} : memref<368x128xf32, #tpu.memory_space<vmem>>, vector<1x16xf32>,
          %get3A_463 = vector.shape_cast %get3A_462 : vector<1x16xf32> to vector<16xf32>
          %add3A_464 = arith.addf %add3A_419, %get3A_463 : vector<16xf32>
          %add3A_465 = arith.constant 3 : i32
          %add3A_466 = arith.addi %mul3A_279, %add3A_465 : i32
          %add3A_467 = arith.constant 32 : i32
          %add3A_468 = arith.addi %mul3A_448, %add3A_467 : i32
          %get3A_469 = arith.index_cast %add3A_466 : i32 to index
          %get3A_470 = arith.index_cast %add3A_468 : i32 to index
          %get3A_471 = tpu.vector_load %arg9[%get3A_469, %get3A_470] {strides = array<i32>} : memref<368x128xf32, #tpu.memory_space<vmem>>, vector<1x16xf32>,
          %get3A_472 = vector.shape_cast %get3A_471 : vector<1x16xf32> to vector<16xf32>
          %add3A_473 = arith.addf %add3A_428, %get3A_472 : vector<16xf32>
          %add3A_474 = arith.constant 3 : i32
          %add3A_475 = arith.addi %mul3A_279, %add3A_474 : i32
          %add3A_476 = arith.constant 48 : i32
          %add3A_477 = arith.addi %mul3A_448, %add3A_476 : i32
          %get3A_478 = arith.index_cast %add3A_475 : i32 to index
          %get3A_479 = arith.index_cast %add3A_477 : i32 to index
          %get3A_480 = tpu.vector_load %arg9[%get3A_478, %get3A_479] {strides = array<i32>} : memref<368x128xf32, #tpu.memory_space<vmem>>, vector<1x16xf32>,
          %get3A_481 = vector.shape_cast %get3A_480 : vector<1x16xf32> to vector<16xf32>
          %add3A_482 = arith.addf %add3A_437, %get3A_481 : vector<16xf32>
          %add3A_483 = arith.constant 4 : i32
          %add3A_484 = arith.addi %add3A_282, %add3A_483 : i32
          %get3A_485 = arith.index_cast %add3A_484 : i32 to index
          %get3A_486 = tpu.vector_load %arg6[%get3A_485] {strides = array<i32>} : memref<11792xi32, #tpu.memory_space<vmem>>, vector<16xi32>,
          %get3A_487 = vector.shape_cast %get3A_486 : vector<16xi32> to vector<16xi32>
          %slice3A_488 = vector.extract_strided_slice %get3A_487 {offsets = [0], sizes = [1], strides = [1]} : vector<16xi32> to vector<1xi32>
          %squeeze3A_489 = vector.extract %slice3A_488[0] : i32 from vector<1xi32>
          %and3A_490 = arith.constant 1 : i32
          %and3A_491 = arith.andi %squeeze3A_489, %and3A_490 : i32
          %mul3A_492 = arith.constant 64 : i32
          %mul3A_493 = arith.muli %and3A_491, %mul3A_492 : i32
          %add3A_494 = arith.constant 4 : i32
          %add3A_495 = arith.addi %mul3A_279, %add3A_494 : i32
          %get3A_496 = arith.index_cast %add3A_495 : i32 to index
          %get3A_497 = arith.index_cast %mul3A_493 : i32 to index
          %get3A_498 = tpu.vector_load %arg9[%get3A_496, %get3A_497] {strides = array<i32>} : memref<368x128xf32, #tpu.memory_space<vmem>>, vector<1x16xf32>,
          %get3A_499 = vector.shape_cast %get3A_498 : vector<1x16xf32> to vector<16xf32>
          %add3A_500 = arith.addf %add3A_455, %get3A_499 : vector<16xf32>
          %add3A_501 = arith.constant 4 : i32
          %add3A_502 = arith.addi %mul3A_279, %add3A_501 : i32
          %add3A_503 = arith.constant 16 : i32
          %add3A_504 = arith.addi %mul3A_493, %add3A_503 : i32
          %get3A_505 = arith.index_cast %add3A_502 : i32 to index
          %get3A_506 = arith.index_cast %add3A_504 : i32 to index
          %get3A_507 = tpu.vector_load %arg9[%get3A_505, %get3A_506] {strides = array<i32>} : memref<368x128xf32, #tpu.memory_space<vmem>>, vector<1x16xf32>,
          %get3A_508 = vector.shape_cast %get3A_507 : vector<1x16xf32> to vector<16xf32>
          %add3A_509 = arith.addf %add3A_464, %get3A_508 : vector<16xf32>
          %add3A_510 = arith.constant 4 : i32
          %add3A_511 = arith.addi %mul3A_279, %add3A_510 : i32
          %add3A_512 = arith.constant 32 : i32
          %add3A_513 = arith.addi %mul3A_493, %add3A_512 : i32
          %get3A_514 = arith.index_cast %add3A_511 : i32 to index
          %get3A_515 = arith.index_cast %add3A_513 : i32 to index
          %get3A_516 = tpu.vector_load %arg9[%get3A_514, %get3A_515] {strides = array<i32>} : memref<368x128xf32, #tpu.memory_space<vmem>>, vector<1x16xf32>,
          %get3A_517 = vector.shape_cast %get3A_516 : vector<1x16xf32> to vector<16xf32>
          %add3A_518 = arith.addf %add3A_473, %get3A_517 : vector<16xf32>
          %add3A_519 = arith.constant 4 : i32
          %add3A_520 = arith.addi %mul3A_279, %add3A_519 : i32
          %add3A_521 = arith.constant 48 : i32
          %add3A_522 = arith.addi %mul3A_493, %add3A_521 : i32
          %get3A_523 = arith.index_cast %add3A_520 : i32 to index
          %get3A_524 = arith.index_cast %add3A_522 : i32 to index
          %get3A_525 = tpu.vector_load %arg9[%get3A_523, %get3A_524] {strides = array<i32>} : memref<368x128xf32, #tpu.memory_space<vmem>>, vector<1x16xf32>,
          %get3A_526 = vector.shape_cast %get3A_525 : vector<1x16xf32> to vector<16xf32>
          %add3A_527 = arith.addf %add3A_482, %get3A_526 : vector<16xf32>
          %add3A_528 = arith.constant 5 : i32
          %add3A_529 = arith.addi %add3A_282, %add3A_528 : i32
          %get3A_530 = arith.index_cast %add3A_529 : i32 to index
          %get3A_531 = tpu.vector_load %arg6[%get3A_530] {strides = array<i32>} : memref<11792xi32, #tpu.memory_space<vmem>>, vector<16xi32>,
          %get3A_532 = vector.shape_cast %get3A_531 : vector<16xi32> to vector<16xi32>
          %slice3A_533 = vector.extract_strided_slice %get3A_532 {offsets = [0], sizes = [1], strides = [1]} : vector<16xi32> to vector<1xi32>
          %squeeze3A_534 = vector.extract %slice3A_533[0] : i32 from vector<1xi32>
          %and3A_535 = arith.constant 1 : i32
          %and3A_536 = arith.andi %squeeze3A_534, %and3A_535 : i32
          %mul3A_537 = arith.constant 64 : i32
          %mul3A_538 = arith.muli %and3A_536, %mul3A_537 : i32
          %add3A_539 = arith.constant 5 : i32
          %add3A_540 = arith.addi %mul3A_279, %add3A_539 : i32
          %get3A_541 = arith.index_cast %add3A_540 : i32 to index
          %get3A_542 = arith.index_cast %mul3A_538 : i32 to index
          %get3A_543 = tpu.vector_load %arg9[%get3A_541, %get3A_542] {strides = array<i32>} : memref<368x128xf32, #tpu.memory_space<vmem>>, vector<1x16xf32>,
          %get3A_544 = vector.shape_cast %get3A_543 : vector<1x16xf32> to vector<16xf32>
          %add3A_545 = arith.addf %add3A_500, %get3A_544 : vector<16xf32>
          %add3A_546 = arith.constant 5 : i32
          %add3A_547 = arith.addi %mul3A_279, %add3A_546 : i32
          %add3A_548 = arith.constant 16 : i32
          %add3A_549 = arith.addi %mul3A_538, %add3A_548 : i32
          %get3A_550 = arith.index_cast %add3A_547 : i32 to index
          %get3A_551 = arith.index_cast %add3A_549 : i32 to index
          %get3A_552 = tpu.vector_load %arg9[%get3A_550, %get3A_551] {strides = array<i32>} : memref<368x128xf32, #tpu.memory_space<vmem>>, vector<1x16xf32>,
          %get3A_553 = vector.shape_cast %get3A_552 : vector<1x16xf32> to vector<16xf32>
          %add3A_554 = arith.addf %add3A_509, %get3A_553 : vector<16xf32>
          %add3A_555 = arith.constant 5 : i32
          %add3A_556 = arith.addi %mul3A_279, %add3A_555 : i32
          %add3A_557 = arith.constant 32 : i32
          %add3A_558 = arith.addi %mul3A_538, %add3A_557 : i32
          %get3A_559 = arith.index_cast %add3A_556 : i32 to index
          %get3A_560 = arith.index_cast %add3A_558 : i32 to index
          %get3A_561 = tpu.vector_load %arg9[%get3A_559, %get3A_560] {strides = array<i32>} : memref<368x128xf32, #tpu.memory_space<vmem>>, vector<1x16xf32>,
          %get3A_562 = vector.shape_cast %get3A_561 : vector<1x16xf32> to vector<16xf32>
          %add3A_563 = arith.addf %add3A_518, %get3A_562 : vector<16xf32>
          %add3A_564 = arith.constant 5 : i32
          %add3A_565 = arith.addi %mul3A_279, %add3A_564 : i32
          %add3A_566 = arith.constant 48 : i32
          %add3A_567 = arith.addi %mul3A_538, %add3A_566 : i32
          %get3A_568 = arith.index_cast %add3A_565 : i32 to index
          %get3A_569 = arith.index_cast %add3A_567 : i32 to index
          %get3A_570 = tpu.vector_load %arg9[%get3A_568, %get3A_569] {strides = array<i32>} : memref<368x128xf32, #tpu.memory_space<vmem>>, vector<1x16xf32>,
          %get3A_571 = vector.shape_cast %get3A_570 : vector<1x16xf32> to vector<16xf32>
          %add3A_572 = arith.addf %add3A_527, %get3A_571 : vector<16xf32>
          %add3A_573 = arith.constant 6 : i32
          %add3A_574 = arith.addi %add3A_282, %add3A_573 : i32
          %get3A_575 = arith.index_cast %add3A_574 : i32 to index
          %get3A_576 = tpu.vector_load %arg6[%get3A_575] {strides = array<i32>} : memref<11792xi32, #tpu.memory_space<vmem>>, vector<16xi32>,
          %get3A_577 = vector.shape_cast %get3A_576 : vector<16xi32> to vector<16xi32>
          %slice3A_578 = vector.extract_strided_slice %get3A_577 {offsets = [0], sizes = [1], strides = [1]} : vector<16xi32> to vector<1xi32>
          %squeeze3A_579 = vector.extract %slice3A_578[0] : i32 from vector<1xi32>
          %and3A_580 = arith.constant 1 : i32
          %and3A_581 = arith.andi %squeeze3A_579, %and3A_580 : i32
          %mul3A_582 = arith.constant 64 : i32
          %mul3A_583 = arith.muli %and3A_581, %mul3A_582 : i32
          %add3A_584 = arith.constant 6 : i32
          %add3A_585 = arith.addi %mul3A_279, %add3A_584 : i32
          %get3A_586 = arith.index_cast %add3A_585 : i32 to index
          %get3A_587 = arith.index_cast %mul3A_583 : i32 to index
          %get3A_588 = tpu.vector_load %arg9[%get3A_586, %get3A_587] {strides = array<i32>} : memref<368x128xf32, #tpu.memory_space<vmem>>, vector<1x16xf32>,
          %get3A_589 = vector.shape_cast %get3A_588 : vector<1x16xf32> to vector<16xf32>
          %add3A_590 = arith.addf %add3A_545, %get3A_589 : vector<16xf32>
          %add3A_591 = arith.constant 6 : i32
          %add3A_592 = arith.addi %mul3A_279, %add3A_591 : i32
          %add3A_593 = arith.constant 16 : i32
          %add3A_594 = arith.addi %mul3A_583, %add3A_593 : i32
          %get3A_595 = arith.index_cast %add3A_592 : i32 to index
          %get3A_596 = arith.index_cast %add3A_594 : i32 to index
          %get3A_597 = tpu.vector_load %arg9[%get3A_595, %get3A_596] {strides = array<i32>} : memref<368x128xf32, #tpu.memory_space<vmem>>, vector<1x16xf32>,
          %get3A_598 = vector.shape_cast %get3A_597 : vector<1x16xf32> to vector<16xf32>
          %add3A_599 = arith.addf %add3A_554, %get3A_598 : vector<16xf32>
          %add3A_600 = arith.constant 6 : i32
          %add3A_601 = arith.addi %mul3A_279, %add3A_600 : i32
          %add3A_602 = arith.constant 32 : i32
          %add3A_603 = arith.addi %mul3A_583, %add3A_602 : i32
          %get3A_604 = arith.index_cast %add3A_601 : i32 to index
          %get3A_605 = arith.index_cast %add3A_603 : i32 to index
          %get3A_606 = tpu.vector_load %arg9[%get3A_604, %get3A_605] {strides = array<i32>} : memref<368x128xf32, #tpu.memory_space<vmem>>, vector<1x16xf32>,
          %get3A_607 = vector.shape_cast %get3A_606 : vector<1x16xf32> to vector<16xf32>
          %add3A_608 = arith.addf %add3A_563, %get3A_607 : vector<16xf32>
          %add3A_609 = arith.constant 6 : i32
          %add3A_610 = arith.addi %mul3A_279, %add3A_609 : i32
          %add3A_611 = arith.constant 48 : i32
          %add3A_612 = arith.addi %mul3A_583, %add3A_611 : i32
          %get3A_613 = arith.index_cast %add3A_610 : i32 to index
          %get3A_614 = arith.index_cast %add3A_612 : i32 to index
          %get3A_615 = tpu.vector_load %arg9[%get3A_613, %get3A_614] {strides = array<i32>} : memref<368x128xf32, #tpu.memory_space<vmem>>, vector<1x16xf32>,
          %get3A_616 = vector.shape_cast %get3A_615 : vector<1x16xf32> to vector<16xf32>
          %add3A_617 = arith.addf %add3A_572, %get3A_616 : vector<16xf32>
          %add3A_618 = arith.constant 7 : i32
          %add3A_619 = arith.addi %add3A_282, %add3A_618 : i32
          %get3A_620 = arith.index_cast %add3A_619 : i32 to index
          %get3A_621 = tpu.vector_load %arg6[%get3A_620] {strides = array<i32>} : memref<11792xi32, #tpu.memory_space<vmem>>, vector<16xi32>,
          %get3A_622 = vector.shape_cast %get3A_621 : vector<16xi32> to vector<16xi32>
          %slice3A_623 = vector.extract_strided_slice %get3A_622 {offsets = [0], sizes = [1], strides = [1]} : vector<16xi32> to vector<1xi32>
          %squeeze3A_624 = vector.extract %slice3A_623[0] : i32 from vector<1xi32>
          %and3A_625 = arith.constant 1 : i32
          %and3A_626 = arith.andi %squeeze3A_624, %and3A_625 : i32
          %mul3A_627 = arith.constant 64 : i32
          %mul3A_628 = arith.muli %and3A_626, %mul3A_627 : i32
          %add3A_629 = arith.constant 7 : i32
          %add3A_630 = arith.addi %mul3A_279, %add3A_629 : i32
          %get3A_631 = arith.index_cast %add3A_630 : i32 to index
          %get3A_632 = arith.index_cast %mul3A_628 : i32 to index
          %get3A_633 = tpu.vector_load %arg9[%get3A_631, %get3A_632] {strides = array<i32>} : memref<368x128xf32, #tpu.memory_space<vmem>>, vector<1x16xf32>,
          %get3A_634 = vector.shape_cast %get3A_633 : vector<1x16xf32> to vector<16xf32>
          %add3A_635 = arith.addf %add3A_590, %get3A_634 : vector<16xf32>
          %add3A_636 = arith.constant 7 : i32
          %add3A_637 = arith.addi %mul3A_279, %add3A_636 : i32
          %add3A_638 = arith.constant 16 : i32
          %add3A_639 = arith.addi %mul3A_628, %add3A_638 : i32
          %get3A_640 = arith.index_cast %add3A_637 : i32 to index
          %get3A_641 = arith.index_cast %add3A_639 : i32 to index
          %get3A_642 = tpu.vector_load %arg9[%get3A_640, %get3A_641] {strides = array<i32>} : memref<368x128xf32, #tpu.memory_space<vmem>>, vector<1x16xf32>,
          %get3A_643 = vector.shape_cast %get3A_642 : vector<1x16xf32> to vector<16xf32>
          %add3A_644 = arith.addf %add3A_599, %get3A_643 : vector<16xf32>
          %add3A_645 = arith.constant 7 : i32
          %add3A_646 = arith.addi %mul3A_279, %add3A_645 : i32
          %add3A_647 = arith.constant 32 : i32
          %add3A_648 = arith.addi %mul3A_628, %add3A_647 : i32
          %get3A_649 = arith.index_cast %add3A_646 : i32 to index
          %get3A_650 = arith.index_cast %add3A_648 : i32 to index
          %get3A_651 = tpu.vector_load %arg9[%get3A_649, %get3A_650] {strides = array<i32>} : memref<368x128xf32, #tpu.memory_space<vmem>>, vector<1x16xf32>,
          %get3A_652 = vector.shape_cast %get3A_651 : vector<1x16xf32> to vector<16xf32>
          %add3A_653 = arith.addf %add3A_608, %get3A_652 : vector<16xf32>
          %add3A_654 = arith.constant 7 : i32
          %add3A_655 = arith.addi %mul3A_279, %add3A_654 : i32
          %add3A_656 = arith.constant 48 : i32
          %add3A_657 = arith.addi %mul3A_628, %add3A_656 : i32
          %get3A_658 = arith.index_cast %add3A_655 : i32 to index
          %get3A_659 = arith.index_cast %add3A_657 : i32 to index
          %get3A_660 = tpu.vector_load %arg9[%get3A_658, %get3A_659] {strides = array<i32>} : memref<368x128xf32, #tpu.memory_space<vmem>>, vector<1x16xf32>,
          %get3A_661 = vector.shape_cast %get3A_660 : vector<1x16xf32> to vector<16xf32>
          %add3A_662 = arith.addf %add3A_617, %get3A_661 : vector<16xf32>
          %add3A_663 = arith.constant 8 : i32
          %add3A_664 = arith.addi %add3A_282, %add3A_663 : i32
          %get3A_665 = arith.index_cast %add3A_664 : i32 to index
          %get3A_666 = tpu.vector_load %arg6[%get3A_665] {strides = array<i32>} : memref<11792xi32, #tpu.memory_space<vmem>>, vector<16xi32>,
          %get3A_667 = vector.shape_cast %get3A_666 : vector<16xi32> to vector<16xi32>
          %slice3A_668 = vector.extract_strided_slice %get3A_667 {offsets = [0], sizes = [1], strides = [1]} : vector<16xi32> to vector<1xi32>
          %squeeze3A_669 = vector.extract %slice3A_668[0] : i32 from vector<1xi32>
          %and3A_670 = arith.constant 1 : i32
          %and3A_671 = arith.andi %squeeze3A_669, %and3A_670 : i32
          %mul3A_672 = arith.constant 64 : i32
          %mul3A_673 = arith.muli %and3A_671, %mul3A_672 : i32
          %add3A_674 = arith.constant 8 : i32
          %add3A_675 = arith.addi %mul3A_279, %add3A_674 : i32
          %get3A_676 = arith.index_cast %add3A_675 : i32 to index
          %get3A_677 = arith.index_cast %mul3A_673 : i32 to index
          %get3A_678 = tpu.vector_load %arg9[%get3A_676, %get3A_677] {strides = array<i32>} : memref<368x128xf32, #tpu.memory_space<vmem>>, vector<1x16xf32>,
          %get3A_679 = vector.shape_cast %get3A_678 : vector<1x16xf32> to vector<16xf32>
          %add3A_680 = arith.addf %add3A_635, %get3A_679 : vector<16xf32>
          %add3A_681 = arith.constant 8 : i32
          %add3A_682 = arith.addi %mul3A_279, %add3A_681 : i32
          %add3A_683 = arith.constant 16 : i32
          %add3A_684 = arith.addi %mul3A_673, %add3A_683 : i32
          %get3A_685 = arith.index_cast %add3A_682 : i32 to index
          %get3A_686 = arith.index_cast %add3A_684 : i32 to index
          %get3A_687 = tpu.vector_load %arg9[%get3A_685, %get3A_686] {strides = array<i32>} : memref<368x128xf32, #tpu.memory_space<vmem>>, vector<1x16xf32>,
          %get3A_688 = vector.shape_cast %get3A_687 : vector<1x16xf32> to vector<16xf32>
          %add3A_689 = arith.addf %add3A_644, %get3A_688 : vector<16xf32>
          %add3A_690 = arith.constant 8 : i32
          %add3A_691 = arith.addi %mul3A_279, %add3A_690 : i32
          %add3A_692 = arith.constant 32 : i32
          %add3A_693 = arith.addi %mul3A_673, %add3A_692 : i32
          %get3A_694 = arith.index_cast %add3A_691 : i32 to index
          %get3A_695 = arith.index_cast %add3A_693 : i32 to index
          %get3A_696 = tpu.vector_load %arg9[%get3A_694, %get3A_695] {strides = array<i32>} : memref<368x128xf32, #tpu.memory_space<vmem>>, vector<1x16xf32>,
          %get3A_697 = vector.shape_cast %get3A_696 : vector<1x16xf32> to vector<16xf32>
          %add3A_698 = arith.addf %add3A_653, %get3A_697 : vector<16xf32>
          %add3A_699 = arith.constant 8 : i32
          %add3A_700 = arith.addi %mul3A_279, %add3A_699 : i32
          %add3A_701 = arith.constant 48 : i32
          %add3A_702 = arith.addi %mul3A_673, %add3A_701 : i32
          %get3A_703 = arith.index_cast %add3A_700 : i32 to index
          %get3A_704 = arith.index_cast %add3A_702 : i32 to index
          %get3A_705 = tpu.vector_load %arg9[%get3A_703, %get3A_704] {strides = array<i32>} : memref<368x128xf32, #tpu.memory_space<vmem>>, vector<1x16xf32>,
          %get3A_706 = vector.shape_cast %get3A_705 : vector<1x16xf32> to vector<16xf32>
          %add3A_707 = arith.addf %add3A_662, %get3A_706 : vector<16xf32>
          %add3A_708 = arith.constant 9 : i32
          %add3A_709 = arith.addi %add3A_282, %add3A_708 : i32
          %get3A_710 = arith.index_cast %add3A_709 : i32 to index
          %get3A_711 = tpu.vector_load %arg6[%get3A_710] {strides = array<i32>} : memref<11792xi32, #tpu.memory_space<vmem>>, vector<16xi32>,
          %get3A_712 = vector.shape_cast %get3A_711 : vector<16xi32> to vector<16xi32>
          %slice3A_713 = vector.extract_strided_slice %get3A_712 {offsets = [0], sizes = [1], strides = [1]} : vector<16xi32> to vector<1xi32>
          %squeeze3A_714 = vector.extract %slice3A_713[0] : i32 from vector<1xi32>
          %and3A_715 = arith.constant 1 : i32
          %and3A_716 = arith.andi %squeeze3A_714, %and3A_715 : i32
          %mul3A_717 = arith.constant 64 : i32
          %mul3A_718 = arith.muli %and3A_716, %mul3A_717 : i32
          %add3A_719 = arith.constant 9 : i32
          %add3A_720 = arith.addi %mul3A_279, %add3A_719 : i32
          %get3A_721 = arith.index_cast %add3A_720 : i32 to index
          %get3A_722 = arith.index_cast %mul3A_718 : i32 to index
          %get3A_723 = tpu.vector_load %arg9[%get3A_721, %get3A_722] {strides = array<i32>} : memref<368x128xf32, #tpu.memory_space<vmem>>, vector<1x16xf32>,
          %get3A_724 = vector.shape_cast %get3A_723 : vector<1x16xf32> to vector<16xf32>
          %add3A_725 = arith.addf %add3A_680, %get3A_724 : vector<16xf32>
          %add3A_726 = arith.constant 9 : i32
          %add3A_727 = arith.addi %mul3A_279, %add3A_726 : i32
          %add3A_728 = arith.constant 16 : i32
          %add3A_729 = arith.addi %mul3A_718, %add3A_728 : i32
          %get3A_730 = arith.index_cast %add3A_727 : i32 to index
          %get3A_731 = arith.index_cast %add3A_729 : i32 to index
          %get3A_732 = tpu.vector_load %arg9[%get3A_730, %get3A_731] {strides = array<i32>} : memref<368x128xf32, #tpu.memory_space<vmem>>, vector<1x16xf32>,
          %get3A_733 = vector.shape_cast %get3A_732 : vector<1x16xf32> to vector<16xf32>
          %add3A_734 = arith.addf %add3A_689, %get3A_733 : vector<16xf32>
          %add3A_735 = arith.constant 9 : i32
          %add3A_736 = arith.addi %mul3A_279, %add3A_735 : i32
          %add3A_737 = arith.constant 32 : i32
          %add3A_738 = arith.addi %mul3A_718, %add3A_737 : i32
          %get3A_739 = arith.index_cast %add3A_736 : i32 to index
          %get3A_740 = arith.index_cast %add3A_738 : i32 to index
          %get3A_741 = tpu.vector_load %arg9[%get3A_739, %get3A_740] {strides = array<i32>} : memref<368x128xf32, #tpu.memory_space<vmem>>, vector<1x16xf32>,
          %get3A_742 = vector.shape_cast %get3A_741 : vector<1x16xf32> to vector<16xf32>
          %add3A_743 = arith.addf %add3A_698, %get3A_742 : vector<16xf32>
          %add3A_744 = arith.constant 9 : i32
          %add3A_745 = arith.addi %mul3A_279, %add3A_744 : i32
          %add3A_746 = arith.constant 48 : i32
          %add3A_747 = arith.addi %mul3A_718, %add3A_746 : i32
          %get3A_748 = arith.index_cast %add3A_745 : i32 to index
          %get3A_749 = arith.index_cast %add3A_747 : i32 to index
          %get3A_750 = tpu.vector_load %arg9[%get3A_748, %get3A_749] {strides = array<i32>} : memref<368x128xf32, #tpu.memory_space<vmem>>, vector<1x16xf32>,
          %get3A_751 = vector.shape_cast %get3A_750 : vector<1x16xf32> to vector<16xf32>
          %add3A_752 = arith.addf %add3A_707, %get3A_751 : vector<16xf32>
          %add3A_753 = arith.constant 10 : i32
          %add3A_754 = arith.addi %add3A_282, %add3A_753 : i32
          %get3A_755 = arith.index_cast %add3A_754 : i32 to index
          %get3A_756 = tpu.vector_load %arg6[%get3A_755] {strides = array<i32>} : memref<11792xi32, #tpu.memory_space<vmem>>, vector<16xi32>,
          %get3A_757 = vector.shape_cast %get3A_756 : vector<16xi32> to vector<16xi32>
          %slice3A_758 = vector.extract_strided_slice %get3A_757 {offsets = [0], sizes = [1], strides = [1]} : vector<16xi32> to vector<1xi32>
          %squeeze3A_759 = vector.extract %slice3A_758[0] : i32 from vector<1xi32>
          %and3A_760 = arith.constant 1 : i32
          %and3A_761 = arith.andi %squeeze3A_759, %and3A_760 : i32
          %mul3A_762 = arith.constant 64 : i32
          %mul3A_763 = arith.muli %and3A_761, %mul3A_762 : i32
          %add3A_764 = arith.constant 10 : i32
          %add3A_765 = arith.addi %mul3A_279, %add3A_764 : i32
          %get3A_766 = arith.index_cast %add3A_765 : i32 to index
          %get3A_767 = arith.index_cast %mul3A_763 : i32 to index
          %get3A_768 = tpu.vector_load %arg9[%get3A_766, %get3A_767] {strides = array<i32>} : memref<368x128xf32, #tpu.memory_space<vmem>>, vector<1x16xf32>,
          %get3A_769 = vector.shape_cast %get3A_768 : vector<1x16xf32> to vector<16xf32>
          %add3A_770 = arith.addf %add3A_725, %get3A_769 : vector<16xf32>
          %add3A_771 = arith.constant 10 : i32
          %add3A_772 = arith.addi %mul3A_279, %add3A_771 : i32
          %add3A_773 = arith.constant 16 : i32
          %add3A_774 = arith.addi %mul3A_763, %add3A_773 : i32
          %get3A_775 = arith.index_cast %add3A_772 : i32 to index
          %get3A_776 = arith.index_cast %add3A_774 : i32 to index
          %get3A_777 = tpu.vector_load %arg9[%get3A_775, %get3A_776] {strides = array<i32>} : memref<368x128xf32, #tpu.memory_space<vmem>>, vector<1x16xf32>,
          %get3A_778 = vector.shape_cast %get3A_777 : vector<1x16xf32> to vector<16xf32>
          %add3A_779 = arith.addf %add3A_734, %get3A_778 : vector<16xf32>
          %add3A_780 = arith.constant 10 : i32
          %add3A_781 = arith.addi %mul3A_279, %add3A_780 : i32
          %add3A_782 = arith.constant 32 : i32
          %add3A_783 = arith.addi %mul3A_763, %add3A_782 : i32
          %get3A_784 = arith.index_cast %add3A_781 : i32 to index
          %get3A_785 = arith.index_cast %add3A_783 : i32 to index
          %get3A_786 = tpu.vector_load %arg9[%get3A_784, %get3A_785] {strides = array<i32>} : memref<368x128xf32, #tpu.memory_space<vmem>>, vector<1x16xf32>,
          %get3A_787 = vector.shape_cast %get3A_786 : vector<1x16xf32> to vector<16xf32>
          %add3A_788 = arith.addf %add3A_743, %get3A_787 : vector<16xf32>
          %add3A_789 = arith.constant 10 : i32
          %add3A_790 = arith.addi %mul3A_279, %add3A_789 : i32
          %add3A_791 = arith.constant 48 : i32
          %add3A_792 = arith.addi %mul3A_763, %add3A_791 : i32
          %get3A_793 = arith.index_cast %add3A_790 : i32 to index
          %get3A_794 = arith.index_cast %add3A_792 : i32 to index
          %get3A_795 = tpu.vector_load %arg9[%get3A_793, %get3A_794] {strides = array<i32>} : memref<368x128xf32, #tpu.memory_space<vmem>>, vector<1x16xf32>,
          %get3A_796 = vector.shape_cast %get3A_795 : vector<1x16xf32> to vector<16xf32>
          %add3A_797 = arith.addf %add3A_752, %get3A_796 : vector<16xf32>
          %add3A_798 = arith.constant 11 : i32
          %add3A_799 = arith.addi %add3A_282, %add3A_798 : i32
          %get3A_800 = arith.index_cast %add3A_799 : i32 to index
          %get3A_801 = tpu.vector_load %arg6[%get3A_800] {strides = array<i32>} : memref<11792xi32, #tpu.memory_space<vmem>>, vector<16xi32>,
          %get3A_802 = vector.shape_cast %get3A_801 : vector<16xi32> to vector<16xi32>
          %slice3A_803 = vector.extract_strided_slice %get3A_802 {offsets = [0], sizes = [1], strides = [1]} : vector<16xi32> to vector<1xi32>
          %squeeze3A_804 = vector.extract %slice3A_803[0] : i32 from vector<1xi32>
          %and3A_805 = arith.constant 1 : i32
          %and3A_806 = arith.andi %squeeze3A_804, %and3A_805 : i32
          %mul3A_807 = arith.constant 64 : i32
          %mul3A_808 = arith.muli %and3A_806, %mul3A_807 : i32
          %add3A_809 = arith.constant 11 : i32
          %add3A_810 = arith.addi %mul3A_279, %add3A_809 : i32
          %get3A_811 = arith.index_cast %add3A_810 : i32 to index
          %get3A_812 = arith.index_cast %mul3A_808 : i32 to index
          %get3A_813 = tpu.vector_load %arg9[%get3A_811, %get3A_812] {strides = array<i32>} : memref<368x128xf32, #tpu.memory_space<vmem>>, vector<1x16xf32>,
          %get3A_814 = vector.shape_cast %get3A_813 : vector<1x16xf32> to vector<16xf32>
          %add3A_815 = arith.addf %add3A_770, %get3A_814 : vector<16xf32>
          %add3A_816 = arith.constant 11 : i32
          %add3A_817 = arith.addi %mul3A_279, %add3A_816 : i32
          %add3A_818 = arith.constant 16 : i32
          %add3A_819 = arith.addi %mul3A_808, %add3A_818 : i32
          %get3A_820 = arith.index_cast %add3A_817 : i32 to index
          %get3A_821 = arith.index_cast %add3A_819 : i32 to index
          %get3A_822 = tpu.vector_load %arg9[%get3A_820, %get3A_821] {strides = array<i32>} : memref<368x128xf32, #tpu.memory_space<vmem>>, vector<1x16xf32>,
          %get3A_823 = vector.shape_cast %get3A_822 : vector<1x16xf32> to vector<16xf32>
          %add3A_824 = arith.addf %add3A_779, %get3A_823 : vector<16xf32>
          %add3A_825 = arith.constant 11 : i32
          %add3A_826 = arith.addi %mul3A_279, %add3A_825 : i32
          %add3A_827 = arith.constant 32 : i32
          %add3A_828 = arith.addi %mul3A_808, %add3A_827 : i32
          %get3A_829 = arith.index_cast %add3A_826 : i32 to index
          %get3A_830 = arith.index_cast %add3A_828 : i32 to index
          %get3A_831 = tpu.vector_load %arg9[%get3A_829, %get3A_830] {strides = array<i32>} : memref<368x128xf32, #tpu.memory_space<vmem>>, vector<1x16xf32>,
          %get3A_832 = vector.shape_cast %get3A_831 : vector<1x16xf32> to vector<16xf32>
          %add3A_833 = arith.addf %add3A_788, %get3A_832 : vector<16xf32>
          %add3A_834 = arith.constant 11 : i32
          %add3A_835 = arith.addi %mul3A_279, %add3A_834 : i32
          %add3A_836 = arith.constant 48 : i32
          %add3A_837 = arith.addi %mul3A_808, %add3A_836 : i32
          %get3A_838 = arith.index_cast %add3A_835 : i32 to index
          %get3A_839 = arith.index_cast %add3A_837 : i32 to index
          %get3A_840 = tpu.vector_load %arg9[%get3A_838, %get3A_839] {strides = array<i32>} : memref<368x128xf32, #tpu.memory_space<vmem>>, vector<1x16xf32>,
          %get3A_841 = vector.shape_cast %get3A_840 : vector<1x16xf32> to vector<16xf32>
          %add3A_842 = arith.addf %add3A_797, %get3A_841 : vector<16xf32>
          %add3A_843 = arith.constant 12 : i32
          %add3A_844 = arith.addi %add3A_282, %add3A_843 : i32
          %get3A_845 = arith.index_cast %add3A_844 : i32 to index
          %get3A_846 = tpu.vector_load %arg6[%get3A_845] {strides = array<i32>} : memref<11792xi32, #tpu.memory_space<vmem>>, vector<16xi32>,
          %get3A_847 = vector.shape_cast %get3A_846 : vector<16xi32> to vector<16xi32>
          %slice3A_848 = vector.extract_strided_slice %get3A_847 {offsets = [0], sizes = [1], strides = [1]} : vector<16xi32> to vector<1xi32>
          %squeeze3A_849 = vector.extract %slice3A_848[0] : i32 from vector<1xi32>
          %and3A_850 = arith.constant 1 : i32
          %and3A_851 = arith.andi %squeeze3A_849, %and3A_850 : i32
          %mul3A_852 = arith.constant 64 : i32
          %mul3A_853 = arith.muli %and3A_851, %mul3A_852 : i32
          %add3A_854 = arith.constant 12 : i32
          %add3A_855 = arith.addi %mul3A_279, %add3A_854 : i32
          %get3A_856 = arith.index_cast %add3A_855 : i32 to index
          %get3A_857 = arith.index_cast %mul3A_853 : i32 to index
          %get3A_858 = tpu.vector_load %arg9[%get3A_856, %get3A_857] {strides = array<i32>} : memref<368x128xf32, #tpu.memory_space<vmem>>, vector<1x16xf32>,
          %get3A_859 = vector.shape_cast %get3A_858 : vector<1x16xf32> to vector<16xf32>
          %add3A_860 = arith.addf %add3A_815, %get3A_859 : vector<16xf32>
          %add3A_861 = arith.constant 12 : i32
          %add3A_862 = arith.addi %mul3A_279, %add3A_861 : i32
          %add3A_863 = arith.constant 16 : i32
          %add3A_864 = arith.addi %mul3A_853, %add3A_863 : i32
          %get3A_865 = arith.index_cast %add3A_862 : i32 to index
          %get3A_866 = arith.index_cast %add3A_864 : i32 to index
          %get3A_867 = tpu.vector_load %arg9[%get3A_865, %get3A_866] {strides = array<i32>} : memref<368x128xf32, #tpu.memory_space<vmem>>, vector<1x16xf32>,
          %get3A_868 = vector.shape_cast %get3A_867 : vector<1x16xf32> to vector<16xf32>
          %add3A_869 = arith.addf %add3A_824, %get3A_868 : vector<16xf32>
          %add3A_870 = arith.constant 12 : i32
          %add3A_871 = arith.addi %mul3A_279, %add3A_870 : i32
          %add3A_872 = arith.constant 32 : i32
          %add3A_873 = arith.addi %mul3A_853, %add3A_872 : i32
          %get3A_874 = arith.index_cast %add3A_871 : i32 to index
          %get3A_875 = arith.index_cast %add3A_873 : i32 to index
          %get3A_876 = tpu.vector_load %arg9[%get3A_874, %get3A_875] {strides = array<i32>} : memref<368x128xf32, #tpu.memory_space<vmem>>, vector<1x16xf32>,
          %get3A_877 = vector.shape_cast %get3A_876 : vector<1x16xf32> to vector<16xf32>
          %add3A_878 = arith.addf %add3A_833, %get3A_877 : vector<16xf32>
          %add3A_879 = arith.constant 12 : i32
          %add3A_880 = arith.addi %mul3A_279, %add3A_879 : i32
          %add3A_881 = arith.constant 48 : i32
          %add3A_882 = arith.addi %mul3A_853, %add3A_881 : i32
          %get3A_883 = arith.index_cast %add3A_880 : i32 to index
          %get3A_884 = arith.index_cast %add3A_882 : i32 to index
          %get3A_885 = tpu.vector_load %arg9[%get3A_883, %get3A_884] {strides = array<i32>} : memref<368x128xf32, #tpu.memory_space<vmem>>, vector<1x16xf32>,
          %get3A_886 = vector.shape_cast %get3A_885 : vector<1x16xf32> to vector<16xf32>
          %add3A_887 = arith.addf %add3A_842, %get3A_886 : vector<16xf32>
          %add3A_888 = arith.constant 13 : i32
          %add3A_889 = arith.addi %add3A_282, %add3A_888 : i32
          %get3A_890 = arith.index_cast %add3A_889 : i32 to index
          %get3A_891 = tpu.vector_load %arg6[%get3A_890] {strides = array<i32>} : memref<11792xi32, #tpu.memory_space<vmem>>, vector<16xi32>,
          %get3A_892 = vector.shape_cast %get3A_891 : vector<16xi32> to vector<16xi32>
          %slice3A_893 = vector.extract_strided_slice %get3A_892 {offsets = [0], sizes = [1], strides = [1]} : vector<16xi32> to vector<1xi32>
          %squeeze3A_894 = vector.extract %slice3A_893[0] : i32 from vector<1xi32>
          %and3A_895 = arith.constant 1 : i32
          %and3A_896 = arith.andi %squeeze3A_894, %and3A_895 : i32
          %mul3A_897 = arith.constant 64 : i32
          %mul3A_898 = arith.muli %and3A_896, %mul3A_897 : i32
          %add3A_899 = arith.constant 13 : i32
          %add3A_900 = arith.addi %mul3A_279, %add3A_899 : i32
          %get3A_901 = arith.index_cast %add3A_900 : i32 to index
          %get3A_902 = arith.index_cast %mul3A_898 : i32 to index
          %get3A_903 = tpu.vector_load %arg9[%get3A_901, %get3A_902] {strides = array<i32>} : memref<368x128xf32, #tpu.memory_space<vmem>>, vector<1x16xf32>,
          %get3A_904 = vector.shape_cast %get3A_903 : vector<1x16xf32> to vector<16xf32>
          %add3A_905 = arith.addf %add3A_860, %get3A_904 : vector<16xf32>
          %add3A_906 = arith.constant 13 : i32
          %add3A_907 = arith.addi %mul3A_279, %add3A_906 : i32
          %add3A_908 = arith.constant 16 : i32
          %add3A_909 = arith.addi %mul3A_898, %add3A_908 : i32
          %get3A_910 = arith.index_cast %add3A_907 : i32 to index
          %get3A_911 = arith.index_cast %add3A_909 : i32 to index
          %get3A_912 = tpu.vector_load %arg9[%get3A_910, %get3A_911] {strides = array<i32>} : memref<368x128xf32, #tpu.memory_space<vmem>>, vector<1x16xf32>,
          %get3A_913 = vector.shape_cast %get3A_912 : vector<1x16xf32> to vector<16xf32>
          %add3A_914 = arith.addf %add3A_869, %get3A_913 : vector<16xf32>
          %add3A_915 = arith.constant 13 : i32
          %add3A_916 = arith.addi %mul3A_279, %add3A_915 : i32
          %add3A_917 = arith.constant 32 : i32
          %add3A_918 = arith.addi %mul3A_898, %add3A_917 : i32
          %get3A_919 = arith.index_cast %add3A_916 : i32 to index
          %get3A_920 = arith.index_cast %add3A_918 : i32 to index
          %get3A_921 = tpu.vector_load %arg9[%get3A_919, %get3A_920] {strides = array<i32>} : memref<368x128xf32, #tpu.memory_space<vmem>>, vector<1x16xf32>,
          %get3A_922 = vector.shape_cast %get3A_921 : vector<1x16xf32> to vector<16xf32>
          %add3A_923 = arith.addf %add3A_878, %get3A_922 : vector<16xf32>
          %add3A_924 = arith.constant 13 : i32
          %add3A_925 = arith.addi %mul3A_279, %add3A_924 : i32
          %add3A_926 = arith.constant 48 : i32
          %add3A_927 = arith.addi %mul3A_898, %add3A_926 : i32
          %get3A_928 = arith.index_cast %add3A_925 : i32 to index
          %get3A_929 = arith.index_cast %add3A_927 : i32 to index
          %get3A_930 = tpu.vector_load %arg9[%get3A_928, %get3A_929] {strides = array<i32>} : memref<368x128xf32, #tpu.memory_space<vmem>>, vector<1x16xf32>,
          %get3A_931 = vector.shape_cast %get3A_930 : vector<1x16xf32> to vector<16xf32>
          %add3A_932 = arith.addf %add3A_887, %get3A_931 : vector<16xf32>
          %add3A_933 = arith.constant 14 : i32
          %add3A_934 = arith.addi %add3A_282, %add3A_933 : i32
          %get3A_935 = arith.index_cast %add3A_934 : i32 to index
          %get3A_936 = tpu.vector_load %arg6[%get3A_935] {strides = array<i32>} : memref<11792xi32, #tpu.memory_space<vmem>>, vector<16xi32>,
          %get3A_937 = vector.shape_cast %get3A_936 : vector<16xi32> to vector<16xi32>
          %slice3A_938 = vector.extract_strided_slice %get3A_937 {offsets = [0], sizes = [1], strides = [1]} : vector<16xi32> to vector<1xi32>
          %squeeze3A_939 = vector.extract %slice3A_938[0] : i32 from vector<1xi32>
          %and3A_940 = arith.constant 1 : i32
          %and3A_941 = arith.andi %squeeze3A_939, %and3A_940 : i32
          %mul3A_942 = arith.constant 64 : i32
          %mul3A_943 = arith.muli %and3A_941, %mul3A_942 : i32
          %add3A_944 = arith.constant 14 : i32
          %add3A_945 = arith.addi %mul3A_279, %add3A_944 : i32
          %get3A_946 = arith.index_cast %add3A_945 : i32 to index
          %get3A_947 = arith.index_cast %mul3A_943 : i32 to index
          %get3A_948 = tpu.vector_load %arg9[%get3A_946, %get3A_947] {strides = array<i32>} : memref<368x128xf32, #tpu.memory_space<vmem>>, vector<1x16xf32>,
          %get3A_949 = vector.shape_cast %get3A_948 : vector<1x16xf32> to vector<16xf32>
          %add3A_950 = arith.addf %add3A_905, %get3A_949 : vector<16xf32>
          %add3A_951 = arith.constant 14 : i32
          %add3A_952 = arith.addi %mul3A_279, %add3A_951 : i32
          %add3A_953 = arith.constant 16 : i32
          %add3A_954 = arith.addi %mul3A_943, %add3A_953 : i32
          %get3A_955 = arith.index_cast %add3A_952 : i32 to index
          %get3A_956 = arith.index_cast %add3A_954 : i32 to index
          %get3A_957 = tpu.vector_load %arg9[%get3A_955, %get3A_956] {strides = array<i32>} : memref<368x128xf32, #tpu.memory_space<vmem>>, vector<1x16xf32>,
          %get3A_958 = vector.shape_cast %get3A_957 : vector<1x16xf32> to vector<16xf32>
          %add3A_959 = arith.addf %add3A_914, %get3A_958 : vector<16xf32>
          %add3A_960 = arith.constant 14 : i32
          %add3A_961 = arith.addi %mul3A_279, %add3A_960 : i32
          %add3A_962 = arith.constant 32 : i32
          %add3A_963 = arith.addi %mul3A_943, %add3A_962 : i32
          %get3A_964 = arith.index_cast %add3A_961 : i32 to index
          %get3A_965 = arith.index_cast %add3A_963 : i32 to index
          %get3A_966 = tpu.vector_load %arg9[%get3A_964, %get3A_965] {strides = array<i32>} : memref<368x128xf32, #tpu.memory_space<vmem>>, vector<1x16xf32>,
          %get3A_967 = vector.shape_cast %get3A_966 : vector<1x16xf32> to vector<16xf32>
          %add3A_968 = arith.addf %add3A_923, %get3A_967 : vector<16xf32>
          %add3A_969 = arith.constant 14 : i32
          %add3A_970 = arith.addi %mul3A_279, %add3A_969 : i32
          %add3A_971 = arith.constant 48 : i32
          %add3A_972 = arith.addi %mul3A_943, %add3A_971 : i32
          %get3A_973 = arith.index_cast %add3A_970 : i32 to index
          %get3A_974 = arith.index_cast %add3A_972 : i32 to index
          %get3A_975 = tpu.vector_load %arg9[%get3A_973, %get3A_974] {strides = array<i32>} : memref<368x128xf32, #tpu.memory_space<vmem>>, vector<1x16xf32>,
          %get3A_976 = vector.shape_cast %get3A_975 : vector<1x16xf32> to vector<16xf32>
          %add3A_977 = arith.addf %add3A_932, %get3A_976 : vector<16xf32>
          %add3A_978 = arith.constant 15 : i32
          %add3A_979 = arith.addi %add3A_282, %add3A_978 : i32
          %get3A_980 = arith.index_cast %add3A_979 : i32 to index
          %get3A_981 = tpu.vector_load %arg6[%get3A_980] {strides = array<i32>} : memref<11792xi32, #tpu.memory_space<vmem>>, vector<16xi32>,
          %get3A_982 = vector.shape_cast %get3A_981 : vector<16xi32> to vector<16xi32>
          %slice3A_983 = vector.extract_strided_slice %get3A_982 {offsets = [0], sizes = [1], strides = [1]} : vector<16xi32> to vector<1xi32>
          %squeeze3A_984 = vector.extract %slice3A_983[0] : i32 from vector<1xi32>
          %and3A_985 = arith.constant 1 : i32
          %and3A_986 = arith.andi %squeeze3A_984, %and3A_985 : i32
          %mul3A_987 = arith.constant 64 : i32
          %mul3A_988 = arith.muli %and3A_986, %mul3A_987 : i32
          %add3A_989 = arith.constant 15 : i32
          %add3A_990 = arith.addi %mul3A_279, %add3A_989 : i32
          %get3A_991 = arith.index_cast %add3A_990 : i32 to index
          %get3A_992 = arith.index_cast %mul3A_988 : i32 to index
          %get3A_993 = tpu.vector_load %arg9[%get3A_991, %get3A_992] {strides = array<i32>} : memref<368x128xf32, #tpu.memory_space<vmem>>, vector<1x16xf32>,
          %get3A_994 = vector.shape_cast %get3A_993 : vector<1x16xf32> to vector<16xf32>
          %add3A_995 = arith.addf %add3A_950, %get3A_994 : vector<16xf32>
          %add3A_996 = arith.constant 15 : i32
          %add3A_997 = arith.addi %mul3A_279, %add3A_996 : i32
          %add3A_998 = arith.constant 16 : i32
          %add3A_999 = arith.addi %mul3A_988, %add3A_998 : i32
          %get3A_1000 = arith.index_cast %add3A_997 : i32 to index
          %get3A_1001 = arith.index_cast %add3A_999 : i32 to index
          %get3A_1002 = tpu.vector_load %arg9[%get3A_1000, %get3A_1001] {strides = array<i32>} : memref<368x128xf32, #tpu.memory_space<vmem>>, vector<1x16xf32>,
          %get3A_1003 = vector.shape_cast %get3A_1002 : vector<1x16xf32> to vector<16xf32>
          %add3A_1004 = arith.addf %add3A_959, %get3A_1003 : vector<16xf32>
          %add3A_1005 = arith.constant 15 : i32
          %add3A_1006 = arith.addi %mul3A_279, %add3A_1005 : i32
          %add3A_1007 = arith.constant 32 : i32
          %add3A_1008 = arith.addi %mul3A_988, %add3A_1007 : i32
          %get3A_1009 = arith.index_cast %add3A_1006 : i32 to index
          %get3A_1010 = arith.index_cast %add3A_1008 : i32 to index
          %get3A_1011 = tpu.vector_load %arg9[%get3A_1009, %get3A_1010] {strides = array<i32>} : memref<368x128xf32, #tpu.memory_space<vmem>>, vector<1x16xf32>,
          %get3A_1012 = vector.shape_cast %get3A_1011 : vector<1x16xf32> to vector<16xf32>
          %add3A_1013 = arith.addf %add3A_968, %get3A_1012 : vector<16xf32>
          %add3A_1014 = arith.constant 15 : i32
          %add3A_1015 = arith.addi %mul3A_279, %add3A_1014 : i32
          %add3A_1016 = arith.constant 48 : i32
          %add3A_1017 = arith.addi %mul3A_988, %add3A_1016 : i32
          %get3A_1018 = arith.index_cast %add3A_1015 : i32 to index
          %get3A_1019 = arith.index_cast %add3A_1017 : i32 to index
          %get3A_1020 = tpu.vector_load %arg9[%get3A_1018, %get3A_1019] {strides = array<i32>} : memref<368x128xf32, #tpu.memory_space<vmem>>, vector<1x16xf32>,
          %get3A_1021 = vector.shape_cast %get3A_1020 : vector<1x16xf32> to vector<16xf32>
          %add3A_1022 = arith.addf %add3A_977, %get3A_1021 : vector<16xf32>
          %add3A_1023 = arith.constant 16 : i32
          %add3A_1024 = arith.addi %add3A_282, %add3A_1023 : i32
          %get3A_1025 = arith.index_cast %add3A_1024 : i32 to index
          %get3A_1026 = tpu.vector_load %arg6[%get3A_1025] {strides = array<i32>} : memref<11792xi32, #tpu.memory_space<vmem>>, vector<16xi32>,
          %get3A_1027 = vector.shape_cast %get3A_1026 : vector<16xi32> to vector<16xi32>
          %slice3A_1028 = vector.extract_strided_slice %get3A_1027 {offsets = [0], sizes = [1], strides = [1]} : vector<16xi32> to vector<1xi32>
          %squeeze3A_1029 = vector.extract %slice3A_1028[0] : i32 from vector<1xi32>
          %and3A_1030 = arith.constant 1 : i32
          %and3A_1031 = arith.andi %squeeze3A_1029, %and3A_1030 : i32
          %mul3A_1032 = arith.constant 64 : i32
          %mul3A_1033 = arith.muli %and3A_1031, %mul3A_1032 : i32
          %add3A_1034 = arith.constant 16 : i32
          %add3A_1035 = arith.addi %mul3A_279, %add3A_1034 : i32
          %get3A_1036 = arith.index_cast %add3A_1035 : i32 to index
          %get3A_1037 = arith.index_cast %mul3A_1033 : i32 to index
          %get3A_1038 = tpu.vector_load %arg9[%get3A_1036, %get3A_1037] {strides = array<i32>} : memref<368x128xf32, #tpu.memory_space<vmem>>, vector<1x16xf32>,
          %get3A_1039 = vector.shape_cast %get3A_1038 : vector<1x16xf32> to vector<16xf32>
          %add3A_1040 = arith.addf %add3A_995, %get3A_1039 : vector<16xf32>
          %add3A_1041 = arith.constant 16 : i32
          %add3A_1042 = arith.addi %mul3A_279, %add3A_1041 : i32
          %add3A_1043 = arith.constant 16 : i32
          %add3A_1044 = arith.addi %mul3A_1033, %add3A_1043 : i32
          %get3A_1045 = arith.index_cast %add3A_1042 : i32 to index
          %get3A_1046 = arith.index_cast %add3A_1044 : i32 to index
          %get3A_1047 = tpu.vector_load %arg9[%get3A_1045, %get3A_1046] {strides = array<i32>} : memref<368x128xf32, #tpu.memory_space<vmem>>, vector<1x16xf32>,
          %get3A_1048 = vector.shape_cast %get3A_1047 : vector<1x16xf32> to vector<16xf32>
          %add3A_1049 = arith.addf %add3A_1004, %get3A_1048 : vector<16xf32>
          %add3A_1050 = arith.constant 16 : i32
          %add3A_1051 = arith.addi %mul3A_279, %add3A_1050 : i32
          %add3A_1052 = arith.constant 32 : i32
          %add3A_1053 = arith.addi %mul3A_1033, %add3A_1052 : i32
          %get3A_1054 = arith.index_cast %add3A_1051 : i32 to index
          %get3A_1055 = arith.index_cast %add3A_1053 : i32 to index
          %get3A_1056 = tpu.vector_load %arg9[%get3A_1054, %get3A_1055] {strides = array<i32>} : memref<368x128xf32, #tpu.memory_space<vmem>>, vector<1x16xf32>,
          %get3A_1057 = vector.shape_cast %get3A_1056 : vector<1x16xf32> to vector<16xf32>
          %add3A_1058 = arith.addf %add3A_1013, %get3A_1057 : vector<16xf32>
          %add3A_1059 = arith.constant 16 : i32
          %add3A_1060 = arith.addi %mul3A_279, %add3A_1059 : i32
          %add3A_1061 = arith.constant 48 : i32
          %add3A_1062 = arith.addi %mul3A_1033, %add3A_1061 : i32
          %get3A_1063 = arith.index_cast %add3A_1060 : i32 to index
          %get3A_1064 = arith.index_cast %add3A_1062 : i32 to index
          %get3A_1065 = tpu.vector_load %arg9[%get3A_1063, %get3A_1064] {strides = array<i32>} : memref<368x128xf32, #tpu.memory_space<vmem>>, vector<1x16xf32>,
          %get3A_1066 = vector.shape_cast %get3A_1065 : vector<1x16xf32> to vector<16xf32>
          %add3A_1067 = arith.addf %add3A_1022, %get3A_1066 : vector<16xf32>
          %add3A_1068 = arith.constant 17 : i32
          %add3A_1069 = arith.addi %add3A_282, %add3A_1068 : i32
          %get3A_1070 = arith.index_cast %add3A_1069 : i32 to index
          %get3A_1071 = tpu.vector_load %arg6[%get3A_1070] {strides = array<i32>} : memref<11792xi32, #tpu.memory_space<vmem>>, vector<16xi32>,
          %get3A_1072 = vector.shape_cast %get3A_1071 : vector<16xi32> to vector<16xi32>
          %slice3A_1073 = vector.extract_strided_slice %get3A_1072 {offsets = [0], sizes = [1], strides = [1]} : vector<16xi32> to vector<1xi32>
          %squeeze3A_1074 = vector.extract %slice3A_1073[0] : i32 from vector<1xi32>
          %and3A_1075 = arith.constant 1 : i32
          %and3A_1076 = arith.andi %squeeze3A_1074, %and3A_1075 : i32
          %mul3A_1077 = arith.constant 64 : i32
          %mul3A_1078 = arith.muli %and3A_1076, %mul3A_1077 : i32
          %add3A_1079 = arith.constant 17 : i32
          %add3A_1080 = arith.addi %mul3A_279, %add3A_1079 : i32
          %get3A_1081 = arith.index_cast %add3A_1080 : i32 to index
          %get3A_1082 = arith.index_cast %mul3A_1078 : i32 to index
          %get3A_1083 = tpu.vector_load %arg9[%get3A_1081, %get3A_1082] {strides = array<i32>} : memref<368x128xf32, #tpu.memory_space<vmem>>, vector<1x16xf32>,
          %get3A_1084 = vector.shape_cast %get3A_1083 : vector<1x16xf32> to vector<16xf32>
          %add3A_1085 = arith.addf %add3A_1040, %get3A_1084 : vector<16xf32>
          %add3A_1086 = arith.constant 17 : i32
          %add3A_1087 = arith.addi %mul3A_279, %add3A_1086 : i32
          %add3A_1088 = arith.constant 16 : i32
          %add3A_1089 = arith.addi %mul3A_1078, %add3A_1088 : i32
          %get3A_1090 = arith.index_cast %add3A_1087 : i32 to index
          %get3A_1091 = arith.index_cast %add3A_1089 : i32 to index
          %get3A_1092 = tpu.vector_load %arg9[%get3A_1090, %get3A_1091] {strides = array<i32>} : memref<368x128xf32, #tpu.memory_space<vmem>>, vector<1x16xf32>,
          %get3A_1093 = vector.shape_cast %get3A_1092 : vector<1x16xf32> to vector<16xf32>
          %add3A_1094 = arith.addf %add3A_1049, %get3A_1093 : vector<16xf32>
          %add3A_1095 = arith.constant 17 : i32
          %add3A_1096 = arith.addi %mul3A_279, %add3A_1095 : i32
          %add3A_1097 = arith.constant 32 : i32
          %add3A_1098 = arith.addi %mul3A_1078, %add3A_1097 : i32
          %get3A_1099 = arith.index_cast %add3A_1096 : i32 to index
          %get3A_1100 = arith.index_cast %add3A_1098 : i32 to index
          %get3A_1101 = tpu.vector_load %arg9[%get3A_1099, %get3A_1100] {strides = array<i32>} : memref<368x128xf32, #tpu.memory_space<vmem>>, vector<1x16xf32>,
          %get3A_1102 = vector.shape_cast %get3A_1101 : vector<1x16xf32> to vector<16xf32>
          %add3A_1103 = arith.addf %add3A_1058, %get3A_1102 : vector<16xf32>
          %add3A_1104 = arith.constant 17 : i32
          %add3A_1105 = arith.addi %mul3A_279, %add3A_1104 : i32
          %add3A_1106 = arith.constant 48 : i32
          %add3A_1107 = arith.addi %mul3A_1078, %add3A_1106 : i32
          %get3A_1108 = arith.index_cast %add3A_1105 : i32 to index
          %get3A_1109 = arith.index_cast %add3A_1107 : i32 to index
          %get3A_1110 = tpu.vector_load %arg9[%get3A_1108, %get3A_1109] {strides = array<i32>} : memref<368x128xf32, #tpu.memory_space<vmem>>, vector<1x16xf32>,
          %get3A_1111 = vector.shape_cast %get3A_1110 : vector<1x16xf32> to vector<16xf32>
          %add3A_1112 = arith.addf %add3A_1067, %get3A_1111 : vector<16xf32>
          %add3A_1113 = arith.constant 18 : i32
          %add3A_1114 = arith.addi %add3A_282, %add3A_1113 : i32
          %get3A_1115 = arith.index_cast %add3A_1114 : i32 to index
          %get3A_1116 = tpu.vector_load %arg6[%get3A_1115] {strides = array<i32>} : memref<11792xi32, #tpu.memory_space<vmem>>, vector<16xi32>,
          %get3A_1117 = vector.shape_cast %get3A_1116 : vector<16xi32> to vector<16xi32>
          %slice3A_1118 = vector.extract_strided_slice %get3A_1117 {offsets = [0], sizes = [1], strides = [1]} : vector<16xi32> to vector<1xi32>
          %squeeze3A_1119 = vector.extract %slice3A_1118[0] : i32 from vector<1xi32>
          %and3A_1120 = arith.constant 1 : i32
          %and3A_1121 = arith.andi %squeeze3A_1119, %and3A_1120 : i32
          %mul3A_1122 = arith.constant 64 : i32
          %mul3A_1123 = arith.muli %and3A_1121, %mul3A_1122 : i32
          %add3A_1124 = arith.constant 18 : i32
          %add3A_1125 = arith.addi %mul3A_279, %add3A_1124 : i32
          %get3A_1126 = arith.index_cast %add3A_1125 : i32 to index
          %get3A_1127 = arith.index_cast %mul3A_1123 : i32 to index
          %get3A_1128 = tpu.vector_load %arg9[%get3A_1126, %get3A_1127] {strides = array<i32>} : memref<368x128xf32, #tpu.memory_space<vmem>>, vector<1x16xf32>,
          %get3A_1129 = vector.shape_cast %get3A_1128 : vector<1x16xf32> to vector<16xf32>
          %add3A_1130 = arith.addf %add3A_1085, %get3A_1129 : vector<16xf32>
          %add3A_1131 = arith.constant 18 : i32
          %add3A_1132 = arith.addi %mul3A_279, %add3A_1131 : i32
          %add3A_1133 = arith.constant 16 : i32
          %add3A_1134 = arith.addi %mul3A_1123, %add3A_1133 : i32
          %get3A_1135 = arith.index_cast %add3A_1132 : i32 to index
          %get3A_1136 = arith.index_cast %add3A_1134 : i32 to index
          %get3A_1137 = tpu.vector_load %arg9[%get3A_1135, %get3A_1136] {strides = array<i32>} : memref<368x128xf32, #tpu.memory_space<vmem>>, vector<1x16xf32>,
          %get3A_1138 = vector.shape_cast %get3A_1137 : vector<1x16xf32> to vector<16xf32>
          %add3A_1139 = arith.addf %add3A_1094, %get3A_1138 : vector<16xf32>
          %add3A_1140 = arith.constant 18 : i32
          %add3A_1141 = arith.addi %mul3A_279, %add3A_1140 : i32
          %add3A_1142 = arith.constant 32 : i32
          %add3A_1143 = arith.addi %mul3A_1123, %add3A_1142 : i32
          %get3A_1144 = arith.index_cast %add3A_1141 : i32 to index
          %get3A_1145 = arith.index_cast %add3A_1143 : i32 to index
          %get3A_1146 = tpu.vector_load %arg9[%get3A_1144, %get3A_1145] {strides = array<i32>} : memref<368x128xf32, #tpu.memory_space<vmem>>, vector<1x16xf32>,
          %get3A_1147 = vector.shape_cast %get3A_1146 : vector<1x16xf32> to vector<16xf32>
          %add3A_1148 = arith.addf %add3A_1103, %get3A_1147 : vector<16xf32>
          %add3A_1149 = arith.constant 18 : i32
          %add3A_1150 = arith.addi %mul3A_279, %add3A_1149 : i32
          %add3A_1151 = arith.constant 48 : i32
          %add3A_1152 = arith.addi %mul3A_1123, %add3A_1151 : i32
          %get3A_1153 = arith.index_cast %add3A_1150 : i32 to index
          %get3A_1154 = arith.index_cast %add3A_1152 : i32 to index
          %get3A_1155 = tpu.vector_load %arg9[%get3A_1153, %get3A_1154] {strides = array<i32>} : memref<368x128xf32, #tpu.memory_space<vmem>>, vector<1x16xf32>,
          %get3A_1156 = vector.shape_cast %get3A_1155 : vector<1x16xf32> to vector<16xf32>
          %add3A_1157 = arith.addf %add3A_1112, %get3A_1156 : vector<16xf32>
          %add3A_1158 = arith.constant 19 : i32
          %add3A_1159 = arith.addi %add3A_282, %add3A_1158 : i32
          %get3A_1160 = arith.index_cast %add3A_1159 : i32 to index
          %get3A_1161 = tpu.vector_load %arg6[%get3A_1160] {strides = array<i32>} : memref<11792xi32, #tpu.memory_space<vmem>>, vector<16xi32>,
          %get3A_1162 = vector.shape_cast %get3A_1161 : vector<16xi32> to vector<16xi32>
          %slice3A_1163 = vector.extract_strided_slice %get3A_1162 {offsets = [0], sizes = [1], strides = [1]} : vector<16xi32> to vector<1xi32>
          %squeeze3A_1164 = vector.extract %slice3A_1163[0] : i32 from vector<1xi32>
          %and3A_1165 = arith.constant 1 : i32
          %and3A_1166 = arith.andi %squeeze3A_1164, %and3A_1165 : i32
          %mul3A_1167 = arith.constant 64 : i32
          %mul3A_1168 = arith.muli %and3A_1166, %mul3A_1167 : i32
          %add3A_1169 = arith.constant 19 : i32
          %add3A_1170 = arith.addi %mul3A_279, %add3A_1169 : i32
          %get3A_1171 = arith.index_cast %add3A_1170 : i32 to index
          %get3A_1172 = arith.index_cast %mul3A_1168 : i32 to index
          %get3A_1173 = tpu.vector_load %arg9[%get3A_1171, %get3A_1172] {strides = array<i32>} : memref<368x128xf32, #tpu.memory_space<vmem>>, vector<1x16xf32>,
          %get3A_1174 = vector.shape_cast %get3A_1173 : vector<1x16xf32> to vector<16xf32>
          %add3A_1175 = arith.addf %add3A_1130, %get3A_1174 : vector<16xf32>
          %add3A_1176 = arith.constant 19 : i32
          %add3A_1177 = arith.addi %mul3A_279, %add3A_1176 : i32
          %add3A_1178 = arith.constant 16 : i32
          %add3A_1179 = arith.addi %mul3A_1168, %add3A_1178 : i32
          %get3A_1180 = arith.index_cast %add3A_1177 : i32 to index
          %get3A_1181 = arith.index_cast %add3A_1179 : i32 to index
          %get3A_1182 = tpu.vector_load %arg9[%get3A_1180, %get3A_1181] {strides = array<i32>} : memref<368x128xf32, #tpu.memory_space<vmem>>, vector<1x16xf32>,
          %get3A_1183 = vector.shape_cast %get3A_1182 : vector<1x16xf32> to vector<16xf32>
          %add3A_1184 = arith.addf %add3A_1139, %get3A_1183 : vector<16xf32>
          %add3A_1185 = arith.constant 19 : i32
          %add3A_1186 = arith.addi %mul3A_279, %add3A_1185 : i32
          %add3A_1187 = arith.constant 32 : i32
          %add3A_1188 = arith.addi %mul3A_1168, %add3A_1187 : i32
          %get3A_1189 = arith.index_cast %add3A_1186 : i32 to index
          %get3A_1190 = arith.index_cast %add3A_1188 : i32 to index
          %get3A_1191 = tpu.vector_load %arg9[%get3A_1189, %get3A_1190] {strides = array<i32>} : memref<368x128xf32, #tpu.memory_space<vmem>>, vector<1x16xf32>,
          %get3A_1192 = vector.shape_cast %get3A_1191 : vector<1x16xf32> to vector<16xf32>
          %add3A_1193 = arith.addf %add3A_1148, %get3A_1192 : vector<16xf32>
          %add3A_1194 = arith.constant 19 : i32
          %add3A_1195 = arith.addi %mul3A_279, %add3A_1194 : i32
          %add3A_1196 = arith.constant 48 : i32
          %add3A_1197 = arith.addi %mul3A_1168, %add3A_1196 : i32
          %get3A_1198 = arith.index_cast %add3A_1195 : i32 to index
          %get3A_1199 = arith.index_cast %add3A_1197 : i32 to index
          %get3A_1200 = tpu.vector_load %arg9[%get3A_1198, %get3A_1199] {strides = array<i32>} : memref<368x128xf32, #tpu.memory_space<vmem>>, vector<1x16xf32>,
          %get3A_1201 = vector.shape_cast %get3A_1200 : vector<1x16xf32> to vector<16xf32>
          %add3A_1202 = arith.addf %add3A_1157, %get3A_1201 : vector<16xf32>
          %broadcast_in_dim3A_1203 = arith.constant 0.000000e+00 : f32
          %broadcast_in_dim3A_1204 = vector.broadcast %broadcast_in_dim3A_1203 : f32 to vector<16xf32>
          %broadcast_in_dim3A_1205 = arith.constant 0.000000e+00 : f32
          %broadcast_in_dim3A_1206 = vector.broadcast %broadcast_in_dim3A_1205 : f32 to vector<16xf32>
          %broadcast_in_dim3A_1207 = arith.constant 0.000000e+00 : f32
          %broadcast_in_dim3A_1208 = vector.broadcast %broadcast_in_dim3A_1207 : f32 to vector<16xf32>
          %broadcast_in_dim3A_1209 = arith.constant 0.000000e+00 : f32
          %broadcast_in_dim3A_1210 = vector.broadcast %broadcast_in_dim3A_1209 : f32 to vector<16xf32>
          %add3A_1211 = arith.constant 20 : i32
          %add3A_1212 = arith.addi %add3A_282, %add3A_1211 : i32
          %get3A_1213 = arith.index_cast %add3A_1212 : i32 to index
          %get3A_1214 = tpu.vector_load %arg6[%get3A_1213] {strides = array<i32>} : memref<11792xi32, #tpu.memory_space<vmem>>, vector<16xi32>,
          %get3A_1215 = vector.shape_cast %get3A_1214 : vector<16xi32> to vector<16xi32>
          %slice3A_1216 = vector.extract_strided_slice %get3A_1215 {offsets = [0], sizes = [1], strides = [1]} : vector<16xi32> to vector<1xi32>
          %squeeze3A_1217 = vector.extract %slice3A_1216[0] : i32 from vector<1xi32>
          %and3A_1218 = arith.constant 1 : i32
          %and3A_1219 = arith.andi %squeeze3A_1217, %and3A_1218 : i32
          %mul3A_1220 = arith.constant 64 : i32
          %mul3A_1221 = arith.muli %and3A_1219, %mul3A_1220 : i32
          %add3A_1222 = arith.constant 20 : i32
          %add3A_1223 = arith.addi %mul3A_279, %add3A_1222 : i32
          %get3A_1224 = arith.index_cast %add3A_1223 : i32 to index
          %get3A_1225 = arith.index_cast %mul3A_1221 : i32 to index
          %get3A_1226 = tpu.vector_load %arg9[%get3A_1224, %get3A_1225] {strides = array<i32>} : memref<368x128xf32, #tpu.memory_space<vmem>>, vector<1x16xf32>,
          %get3A_1227 = vector.shape_cast %get3A_1226 : vector<1x16xf32> to vector<16xf32>
          %add3A_1228 = arith.addf %broadcast_in_dim3A_1204, %get3A_1227 : vector<16xf32>
          %add3A_1229 = arith.constant 20 : i32
          %add3A_1230 = arith.addi %mul3A_279, %add3A_1229 : i32
          %add3A_1231 = arith.constant 16 : i32
          %add3A_1232 = arith.addi %mul3A_1221, %add3A_1231 : i32
          %get3A_1233 = arith.index_cast %add3A_1230 : i32 to index
          %get3A_1234 = arith.index_cast %add3A_1232 : i32 to index
          %get3A_1235 = tpu.vector_load %arg9[%get3A_1233, %get3A_1234] {strides = array<i32>} : memref<368x128xf32, #tpu.memory_space<vmem>>, vector<1x16xf32>,
          %get3A_1236 = vector.shape_cast %get3A_1235 : vector<1x16xf32> to vector<16xf32>
          %add3A_1237 = arith.addf %broadcast_in_dim3A_1206, %get3A_1236 : vector<16xf32>
          %add3A_1238 = arith.constant 20 : i32
          %add3A_1239 = arith.addi %mul3A_279, %add3A_1238 : i32
          %add3A_1240 = arith.constant 32 : i32
          %add3A_1241 = arith.addi %mul3A_1221, %add3A_1240 : i32
          %get3A_1242 = arith.index_cast %add3A_1239 : i32 to index
          %get3A_1243 = arith.index_cast %add3A_1241 : i32 to index
          %get3A_1244 = tpu.vector_load %arg9[%get3A_1242, %get3A_1243] {strides = array<i32>} : memref<368x128xf32, #tpu.memory_space<vmem>>, vector<1x16xf32>,
          %get3A_1245 = vector.shape_cast %get3A_1244 : vector<1x16xf32> to vector<16xf32>
          %add3A_1246 = arith.addf %broadcast_in_dim3A_1208, %get3A_1245 : vector<16xf32>
          %add3A_1247 = arith.constant 20 : i32
          %add3A_1248 = arith.addi %mul3A_279, %add3A_1247 : i32
          %add3A_1249 = arith.constant 48 : i32
          %add3A_1250 = arith.addi %mul3A_1221, %add3A_1249 : i32
          %get3A_1251 = arith.index_cast %add3A_1248 : i32 to index
          %get3A_1252 = arith.index_cast %add3A_1250 : i32 to index
          %get3A_1253 = tpu.vector_load %arg9[%get3A_1251, %get3A_1252] {strides = array<i32>} : memref<368x128xf32, #tpu.memory_space<vmem>>, vector<1x16xf32>,
          %get3A_1254 = vector.shape_cast %get3A_1253 : vector<1x16xf32> to vector<16xf32>
          %add3A_1255 = arith.addf %broadcast_in_dim3A_1210, %get3A_1254 : vector<16xf32>
          %add3A_1256 = arith.constant 21 : i32
          %add3A_1257 = arith.addi %add3A_282, %add3A_1256 : i32
          %get3A_1258 = arith.index_cast %add3A_1257 : i32 to index
          %get3A_1259 = tpu.vector_load %arg6[%get3A_1258] {strides = array<i32>} : memref<11792xi32, #tpu.memory_space<vmem>>, vector<16xi32>,
          %get3A_1260 = vector.shape_cast %get3A_1259 : vector<16xi32> to vector<16xi32>
          %slice3A_1261 = vector.extract_strided_slice %get3A_1260 {offsets = [0], sizes = [1], strides = [1]} : vector<16xi32> to vector<1xi32>
          %squeeze3A_1262 = vector.extract %slice3A_1261[0] : i32 from vector<1xi32>
          %and3A_1263 = arith.constant 1 : i32
          %and3A_1264 = arith.andi %squeeze3A_1262, %and3A_1263 : i32
          %mul3A_1265 = arith.constant 64 : i32
          %mul3A_1266 = arith.muli %and3A_1264, %mul3A_1265 : i32
          %add3A_1267 = arith.constant 21 : i32
          %add3A_1268 = arith.addi %mul3A_279, %add3A_1267 : i32
          %get3A_1269 = arith.index_cast %add3A_1268 : i32 to index
          %get3A_1270 = arith.index_cast %mul3A_1266 : i32 to index
          %get3A_1271 = tpu.vector_load %arg9[%get3A_1269, %get3A_1270] {strides = array<i32>} : memref<368x128xf32, #tpu.memory_space<vmem>>, vector<1x16xf32>,
          %get3A_1272 = vector.shape_cast %get3A_1271 : vector<1x16xf32> to vector<16xf32>
          %add3A_1273 = arith.addf %add3A_1228, %get3A_1272 : vector<16xf32>
          %add3A_1274 = arith.constant 21 : i32
          %add3A_1275 = arith.addi %mul3A_279, %add3A_1274 : i32
          %add3A_1276 = arith.constant 16 : i32
          %add3A_1277 = arith.addi %mul3A_1266, %add3A_1276 : i32
          %get3A_1278 = arith.index_cast %add3A_1275 : i32 to index
          %get3A_1279 = arith.index_cast %add3A_1277 : i32 to index
          %get3A_1280 = tpu.vector_load %arg9[%get3A_1278, %get3A_1279] {strides = array<i32>} : memref<368x128xf32, #tpu.memory_space<vmem>>, vector<1x16xf32>,
          %get3A_1281 = vector.shape_cast %get3A_1280 : vector<1x16xf32> to vector<16xf32>
          %add3A_1282 = arith.addf %add3A_1237, %get3A_1281 : vector<16xf32>
          %add3A_1283 = arith.constant 21 : i32
          %add3A_1284 = arith.addi %mul3A_279, %add3A_1283 : i32
          %add3A_1285 = arith.constant 32 : i32
          %add3A_1286 = arith.addi %mul3A_1266, %add3A_1285 : i32
          %get3A_1287 = arith.index_cast %add3A_1284 : i32 to index
          %get3A_1288 = arith.index_cast %add3A_1286 : i32 to index
          %get3A_1289 = tpu.vector_load %arg9[%get3A_1287, %get3A_1288] {strides = array<i32>} : memref<368x128xf32, #tpu.memory_space<vmem>>, vector<1x16xf32>,
          %get3A_1290 = vector.shape_cast %get3A_1289 : vector<1x16xf32> to vector<16xf32>
          %add3A_1291 = arith.addf %add3A_1246, %get3A_1290 : vector<16xf32>
          %add3A_1292 = arith.constant 21 : i32
          %add3A_1293 = arith.addi %mul3A_279, %add3A_1292 : i32
          %add3A_1294 = arith.constant 48 : i32
          %add3A_1295 = arith.addi %mul3A_1266, %add3A_1294 : i32
          %get3A_1296 = arith.index_cast %add3A_1293 : i32 to index
          %get3A_1297 = arith.index_cast %add3A_1295 : i32 to index
          %get3A_1298 = tpu.vector_load %arg9[%get3A_1296, %get3A_1297] {strides = array<i32>} : memref<368x128xf32, #tpu.memory_space<vmem>>, vector<1x16xf32>,
          %get3A_1299 = vector.shape_cast %get3A_1298 : vector<1x16xf32> to vector<16xf32>
          %add3A_1300 = arith.addf %add3A_1255, %get3A_1299 : vector<16xf32>
          %add3A_1301 = arith.constant 22 : i32
          %add3A_1302 = arith.addi %add3A_282, %add3A_1301 : i32
          %get3A_1303 = arith.index_cast %add3A_1302 : i32 to index
          %get3A_1304 = tpu.vector_load %arg6[%get3A_1303] {strides = array<i32>} : memref<11792xi32, #tpu.memory_space<vmem>>, vector<16xi32>,
          %get3A_1305 = vector.shape_cast %get3A_1304 : vector<16xi32> to vector<16xi32>
          %slice3A_1306 = vector.extract_strided_slice %get3A_1305 {offsets = [0], sizes = [1], strides = [1]} : vector<16xi32> to vector<1xi32>
          %squeeze3A_1307 = vector.extract %slice3A_1306[0] : i32 from vector<1xi32>
          %and3A_1308 = arith.constant 1 : i32
          %and3A_1309 = arith.andi %squeeze3A_1307, %and3A_1308 : i32
          %mul3A_1310 = arith.constant 64 : i32
          %mul3A_1311 = arith.muli %and3A_1309, %mul3A_1310 : i32
          %add3A_1312 = arith.constant 22 : i32
          %add3A_1313 = arith.addi %mul3A_279, %add3A_1312 : i32
          %get3A_1314 = arith.index_cast %add3A_1313 : i32 to index
          %get3A_1315 = arith.index_cast %mul3A_1311 : i32 to index
          %get3A_1316 = tpu.vector_load %arg9[%get3A_1314, %get3A_1315] {strides = array<i32>} : memref<368x128xf32, #tpu.memory_space<vmem>>, vector<1x16xf32>,
          %get3A_1317 = vector.shape_cast %get3A_1316 : vector<1x16xf32> to vector<16xf32>
          %add3A_1318 = arith.addf %add3A_1273, %get3A_1317 : vector<16xf32>
          %add3A_1319 = arith.constant 22 : i32
          %add3A_1320 = arith.addi %mul3A_279, %add3A_1319 : i32
          %add3A_1321 = arith.constant 16 : i32
          %add3A_1322 = arith.addi %mul3A_1311, %add3A_1321 : i32
          %get3A_1323 = arith.index_cast %add3A_1320 : i32 to index
          %get3A_1324 = arith.index_cast %add3A_1322 : i32 to index
          %get3A_1325 = tpu.vector_load %arg9[%get3A_1323, %get3A_1324] {strides = array<i32>} : memref<368x128xf32, #tpu.memory_space<vmem>>, vector<1x16xf32>,
          %get3A_1326 = vector.shape_cast %get3A_1325 : vector<1x16xf32> to vector<16xf32>
          %add3A_1327 = arith.addf %add3A_1282, %get3A_1326 : vector<16xf32>
          %add3A_1328 = arith.constant 22 : i32
          %add3A_1329 = arith.addi %mul3A_279, %add3A_1328 : i32
          %add3A_1330 = arith.constant 32 : i32
          %add3A_1331 = arith.addi %mul3A_1311, %add3A_1330 : i32
          %get3A_1332 = arith.index_cast %add3A_1329 : i32 to index
          %get3A_1333 = arith.index_cast %add3A_1331 : i32 to index
          %get3A_1334 = tpu.vector_load %arg9[%get3A_1332, %get3A_1333] {strides = array<i32>} : memref<368x128xf32, #tpu.memory_space<vmem>>, vector<1x16xf32>,
          %get3A_1335 = vector.shape_cast %get3A_1334 : vector<1x16xf32> to vector<16xf32>
          %add3A_1336 = arith.addf %add3A_1291, %get3A_1335 : vector<16xf32>
          %add3A_1337 = arith.constant 22 : i32
          %add3A_1338 = arith.addi %mul3A_279, %add3A_1337 : i32
          %add3A_1339 = arith.constant 48 : i32
          %add3A_1340 = arith.addi %mul3A_1311, %add3A_1339 : i32
          %get3A_1341 = arith.index_cast %add3A_1338 : i32 to index
          %get3A_1342 = arith.index_cast %add3A_1340 : i32 to index
          %get3A_1343 = tpu.vector_load %arg9[%get3A_1341, %get3A_1342] {strides = array<i32>} : memref<368x128xf32, #tpu.memory_space<vmem>>, vector<1x16xf32>,
          %get3A_1344 = vector.shape_cast %get3A_1343 : vector<1x16xf32> to vector<16xf32>
          %add3A_1345 = arith.addf %add3A_1300, %get3A_1344 : vector<16xf32>
          %mul3A_1346 = arith.mulf %add3A_1175, %get3A_286 : vector<16xf32>
          %mul3A_1347 = arith.mulf %add3A_1184, %get3A_290 : vector<16xf32>
          %add3A_1348 = arith.addf %mul3A_1346, %mul3A_1347 : vector<16xf32>
          %mul3A_1349 = arith.mulf %add3A_1193, %get3A_294 : vector<16xf32>
          %add3A_1350 = arith.addf %add3A_1348, %mul3A_1349 : vector<16xf32>
          %mul3A_1351 = arith.mulf %add3A_1202, %get3A_298 : vector<16xf32>
          %add3A_1352 = arith.addf %add3A_1350, %mul3A_1351 : vector<16xf32>
          %mul3A_1353 = arith.mulf %add3A_1318, %get3A_286 : vector<16xf32>
          %mul3A_1354 = arith.mulf %add3A_1327, %get3A_290 : vector<16xf32>
          %add3A_1355 = arith.addf %mul3A_1353, %mul3A_1354 : vector<16xf32>
          %mul3A_1356 = arith.mulf %add3A_1336, %get3A_294 : vector<16xf32>
          %add3A_1357 = arith.addf %add3A_1355, %mul3A_1356 : vector<16xf32>
          %mul3A_1358 = arith.mulf %add3A_1345, %get3A_298 : vector<16xf32>
          %add3A_1359 = arith.addf %add3A_1357, %mul3A_1358 : vector<16xf32>
          %swap3A_1360 = arith.index_cast %scan3A_277 : i32 to index
          %swap3A_1361 = arith.constant 0 : index
          %swap3A_1362 = tpu.vector_load %arg13[%swap3A_1360, %swap3A_1361] {strides = array<i32>} : memref<16x32xf32, #tpu.memory_space<vmem>>, vector<1x16xf32>,
          %swap3A_1363 = vector.shape_cast %swap3A_1362 : vector<1x16xf32> to vector<16xf32>
          %swap3A_1364 = vector.shape_cast %add3A_1352 : vector<16xf32> to vector<1x16xf32>
          tpu.vector_store %arg13[%swap3A_1360, %swap3A_1361], %swap3A_1364 {strides = array<i32>} : memref<16x32xf32, #tpu.memory_space<vmem>>, vector<1x16xf32>,
          %swap3A_1365 = arith.index_cast %scan3A_277 : i32 to index
          %swap3A_1366 = arith.constant 16 : index
          %swap3A_1367 = tpu.vector_load %arg13[%swap3A_1365, %swap3A_1366] {strides = array<i32>} : memref<16x32xf32, #tpu.memory_space<vmem>>, vector<1x16xf32>,
          %swap3A_1368 = vector.shape_cast %swap3A_1367 : vector<1x16xf32> to vector<16xf32>
          %swap3A_1369 = vector.shape_cast %add3A_1359 : vector<16xf32> to vector<1x16xf32>
          tpu.vector_store %arg13[%swap3A_1365, %swap3A_1366], %swap3A_1369 {strides = array<i32>} : memref<16x32xf32, #tpu.memory_space<vmem>>, vector<1x16xf32>,
        }
        %scan3A_276 = arith.constant 16 : i32
        "tpu.region"() ({
          %run_scoped3A = tpu.sem_alloc : memref<!tpu.dma_semaphore, #tpu.memory_space<semaphore_mem>>
          %dma_start3A_277 = arith.constant 0 : i32
          %dma_start3A_278 = tpu.memref_slice %arg5[%add3A_256, %dma_start3A_277] : memref<16384x32xf32, #tpu.memory_space<hbm>> -> memref<16x32xf32, #tpu.memory_space<hbm>>
          %dma_start3A_279 = arith.constant 0 : i32
          %dma_start3A_280 = tpu.memref_slice %arg5[%add3A_256, %dma_start3A_279] : memref<16384x32xf32, #tpu.memory_space<hbm>> -> memref<16x32xf32, #tpu.memory_space<hbm>>
          tpu.enqueue_dma source(%arg13 : memref<16x32xf32, #tpu.memory_space<vmem>>) target(%dma_start3A_280 : memref<16x32xf32, #tpu.memory_space<hbm>>) target_semaphore(%run_scoped3A : memref<!tpu.dma_semaphore, #tpu.memory_space<semaphore_mem>>)
          %dma_wait3A_281 = arith.constant 0 : i32
          %dma_wait3A_282 = tpu.memref_slice %arg5[%add3A_256, %dma_wait3A_281] : memref<16384x32xf32, #tpu.memory_space<hbm>> -> memref<16x32xf32, #tpu.memory_space<hbm>>
          %dma_wait3A_283 = arith.constant 0 : i32
          %dma_wait3A_284 = tpu.memref_slice %arg5[%add3A_256, %dma_wait3A_283] : memref<16384x32xf32, #tpu.memory_space<hbm>> -> memref<16x32xf32, #tpu.memory_space<hbm>>
          tpu.wait_dma2 semaphore(%run_scoped3A : memref<!tpu.dma_semaphore, #tpu.memory_space<semaphore_mem>>) src(%arg13 : memref<16x32xf32, #tpu.memory_space<vmem>>) dst(%dma_wait3A_284 : memref<16x32xf32, #tpu.memory_space<hbm>>)
          tpu.yield
        }) : () -> ()
      } else {
      }
      %eq3A_249 = arith.constant 1 : i32
      %eq3A_250 = arith.cmpi eq, %rem3A_246, %eq3A_249 : i32
      %convert_element_type3A_251 = arith.extui %eq3A_250 : i1 to i32
      %cond3A_252 = arith.constant 0 : i32
      %cond3A_253 = arith.cmpi ne, %convert_element_type3A_251, %cond3A_252 : i32
      scf.if %cond3A_253 {
        %mul3A_254 = arith.constant 16 : i32
        %mul3A_255 = arith.muli %scan3A_245, %mul3A_254 : i32
        %add3A_256 = arith.addi %mul3A_2, %mul3A_255 : i32
        %add3A_257 = arith.constant 1 : i32
        %add3A_258 = arith.addi %scan3A_245, %add3A_257 : i32
        %lt3A = arith.constant 32 : i32
        %lt3A_259 = arith.cmpi slt, %add3A_258, %lt3A : i32
        %convert_element_type3A_260 = arith.extui %lt3A_259 : i1 to i32
        %cond3A_261 = arith.constant 0 : i32
        %cond3A_262 = arith.cmpi ne, %convert_element_type3A_260, %cond3A_261 : i32
        scf.if %cond3A_262 {
          %add3A_277 = arith.constant 1 : i32
          %add3A_278 = arith.addi %scan3A_245, %add3A_277 : i32
          %mul3A_279 = arith.constant 368 : i32
          %mul3A_280 = arith.muli %add3A_278, %mul3A_279 : i32
          %add3A_281 = arith.constant 0 : i32
          %add3A_282 = arith.addi %mul3A_280, %add3A_281 : i32
          %get3A_283 = arith.index_cast %add3A_282 : i32 to index
          %get3A_284 = tpu.vector_load %arg6[%get3A_283] {strides = array<i32>} : memref<11792xi32, #tpu.memory_space<vmem>>, vector<16xi32>,
          %get3A_285 = vector.shape_cast %get3A_284 : vector<16xi32> to vector<16xi32>
          %shift_right_logical3A_286 = arith.constant 1 : i32
          %shift_right_logical3A_287 = vector.broadcast %shift_right_logical3A_286 : i32 to vector<16xi32>
          %shift_right_logical3A_288 = arith.shrui %get3A_285, %shift_right_logical3A_287 : vector<16xi32>
          %swap3A_289 = arith.constant 0 : index
          %swap3A_290 = tpu.vector_load %arg7[%swap3A_289] {strides = array<i32>} : memref<368xi32, #tpu.memory_space<vmem>>, vector<16xi32>,
          %swap3A_291 = vector.shape_cast %swap3A_290 : vector<16xi32> to vector<16xi32>
          %swap3A_292 = vector.shape_cast %shift_right_logical3A_288 : vector<16xi32> to vector<16xi32>
          tpu.vector_store %arg7[%swap3A_289], %swap3A_292 {strides = array<i32>} : memref<368xi32, #tpu.memory_space<vmem>>, vector<16xi32>,
          %add3A_293 = arith.constant 16 : i32
          %add3A_294 = arith.addi %mul3A_280, %add3A_293 : i32
          %get3A_295 = arith.index_cast %add3A_294 : i32 to index
          %get3A_296 = tpu.vector_load %arg6[%get3A_295] {strides = array<i32>} : memref<11792xi32, #tpu.memory_space<vmem>>, vector<16xi32>,
          %get3A_297 = vector.shape_cast %get3A_296 : vector<16xi32> to vector<16xi32>
          %shift_right_logical3A_298 = arith.constant 1 : i32
          %shift_right_logical3A_299 = vector.broadcast %shift_right_logical3A_298 : i32 to vector<16xi32>
          %shift_right_logical3A_300 = arith.shrui %get3A_297, %shift_right_logical3A_299 : vector<16xi32>
          %swap3A_301 = arith.constant 16 : index
          %swap3A_302 = tpu.vector_load %arg7[%swap3A_301] {strides = array<i32>} : memref<368xi32, #tpu.memory_space<vmem>>, vector<16xi32>,
          %swap3A_303 = vector.shape_cast %swap3A_302 : vector<16xi32> to vector<16xi32>
          %swap3A_304 = vector.shape_cast %shift_right_logical3A_300 : vector<16xi32> to vector<16xi32>
          tpu.vector_store %arg7[%swap3A_301], %swap3A_304 {strides = array<i32>} : memref<368xi32, #tpu.memory_space<vmem>>, vector<16xi32>,
          %add3A_305 = arith.constant 32 : i32
          %add3A_306 = arith.addi %mul3A_280, %add3A_305 : i32
          %get3A_307 = arith.index_cast %add3A_306 : i32 to index
          %get3A_308 = tpu.vector_load %arg6[%get3A_307] {strides = array<i32>} : memref<11792xi32, #tpu.memory_space<vmem>>, vector<16xi32>,
          %get3A_309 = vector.shape_cast %get3A_308 : vector<16xi32> to vector<16xi32>
          %shift_right_logical3A_310 = arith.constant 1 : i32
          %shift_right_logical3A_311 = vector.broadcast %shift_right_logical3A_310 : i32 to vector<16xi32>
          %shift_right_logical3A_312 = arith.shrui %get3A_309, %shift_right_logical3A_311 : vector<16xi32>
          %swap3A_313 = arith.constant 32 : index
          %swap3A_314 = tpu.vector_load %arg7[%swap3A_313] {strides = array<i32>} : memref<368xi32, #tpu.memory_space<vmem>>, vector<16xi32>,
          %swap3A_315 = vector.shape_cast %swap3A_314 : vector<16xi32> to vector<16xi32>
          %swap3A_316 = vector.shape_cast %shift_right_logical3A_312 : vector<16xi32> to vector<16xi32>
          tpu.vector_store %arg7[%swap3A_313], %swap3A_316 {strides = array<i32>} : memref<368xi32, #tpu.memory_space<vmem>>, vector<16xi32>,
          %add3A_317 = arith.constant 48 : i32
          %add3A_318 = arith.addi %mul3A_280, %add3A_317 : i32
          %get3A_319 = arith.index_cast %add3A_318 : i32 to index
          %get3A_320 = tpu.vector_load %arg6[%get3A_319] {strides = array<i32>} : memref<11792xi32, #tpu.memory_space<vmem>>, vector<16xi32>,
          %get3A_321 = vector.shape_cast %get3A_320 : vector<16xi32> to vector<16xi32>
          %shift_right_logical3A_322 = arith.constant 1 : i32
          %shift_right_logical3A_323 = vector.broadcast %shift_right_logical3A_322 : i32 to vector<16xi32>
          %shift_right_logical3A_324 = arith.shrui %get3A_321, %shift_right_logical3A_323 : vector<16xi32>
          %swap3A_325 = arith.constant 48 : index
          %swap3A_326 = tpu.vector_load %arg7[%swap3A_325] {strides = array<i32>} : memref<368xi32, #tpu.memory_space<vmem>>, vector<16xi32>,
          %swap3A_327 = vector.shape_cast %swap3A_326 : vector<16xi32> to vector<16xi32>
          %swap3A_328 = vector.shape_cast %shift_right_logical3A_324 : vector<16xi32> to vector<16xi32>
          tpu.vector_store %arg7[%swap3A_325], %swap3A_328 {strides = array<i32>} : memref<368xi32, #tpu.memory_space<vmem>>, vector<16xi32>,
          %add3A_329 = arith.constant 64 : i32
          %add3A_330 = arith.addi %mul3A_280, %add3A_329 : i32
          %get3A_331 = arith.index_cast %add3A_330 : i32 to index
          %get3A_332 = tpu.vector_load %arg6[%get3A_331] {strides = array<i32>} : memref<11792xi32, #tpu.memory_space<vmem>>, vector<16xi32>,
          %get3A_333 = vector.shape_cast %get3A_332 : vector<16xi32> to vector<16xi32>
          %shift_right_logical3A_334 = arith.constant 1 : i32
          %shift_right_logical3A_335 = vector.broadcast %shift_right_logical3A_334 : i32 to vector<16xi32>
          %shift_right_logical3A_336 = arith.shrui %get3A_333, %shift_right_logical3A_335 : vector<16xi32>
          %swap3A_337 = arith.constant 64 : index
          %swap3A_338 = tpu.vector_load %arg7[%swap3A_337] {strides = array<i32>} : memref<368xi32, #tpu.memory_space<vmem>>, vector<16xi32>,
          %swap3A_339 = vector.shape_cast %swap3A_338 : vector<16xi32> to vector<16xi32>
          %swap3A_340 = vector.shape_cast %shift_right_logical3A_336 : vector<16xi32> to vector<16xi32>
          tpu.vector_store %arg7[%swap3A_337], %swap3A_340 {strides = array<i32>} : memref<368xi32, #tpu.memory_space<vmem>>, vector<16xi32>,
          %add3A_341 = arith.constant 80 : i32
          %add3A_342 = arith.addi %mul3A_280, %add3A_341 : i32
          %get3A_343 = arith.index_cast %add3A_342 : i32 to index
          %get3A_344 = tpu.vector_load %arg6[%get3A_343] {strides = array<i32>} : memref<11792xi32, #tpu.memory_space<vmem>>, vector<16xi32>,
          %get3A_345 = vector.shape_cast %get3A_344 : vector<16xi32> to vector<16xi32>
          %shift_right_logical3A_346 = arith.constant 1 : i32
          %shift_right_logical3A_347 = vector.broadcast %shift_right_logical3A_346 : i32 to vector<16xi32>
          %shift_right_logical3A_348 = arith.shrui %get3A_345, %shift_right_logical3A_347 : vector<16xi32>
          %swap3A_349 = arith.constant 80 : index
          %swap3A_350 = tpu.vector_load %arg7[%swap3A_349] {strides = array<i32>} : memref<368xi32, #tpu.memory_space<vmem>>, vector<16xi32>,
          %swap3A_351 = vector.shape_cast %swap3A_350 : vector<16xi32> to vector<16xi32>
          %swap3A_352 = vector.shape_cast %shift_right_logical3A_348 : vector<16xi32> to vector<16xi32>
          tpu.vector_store %arg7[%swap3A_349], %swap3A_352 {strides = array<i32>} : memref<368xi32, #tpu.memory_space<vmem>>, vector<16xi32>,
          %add3A_353 = arith.constant 96 : i32
          %add3A_354 = arith.addi %mul3A_280, %add3A_353 : i32
          %get3A_355 = arith.index_cast %add3A_354 : i32 to index
          %get3A_356 = tpu.vector_load %arg6[%get3A_355] {strides = array<i32>} : memref<11792xi32, #tpu.memory_space<vmem>>, vector<16xi32>,
          %get3A_357 = vector.shape_cast %get3A_356 : vector<16xi32> to vector<16xi32>
          %shift_right_logical3A_358 = arith.constant 1 : i32
          %shift_right_logical3A_359 = vector.broadcast %shift_right_logical3A_358 : i32 to vector<16xi32>
          %shift_right_logical3A_360 = arith.shrui %get3A_357, %shift_right_logical3A_359 : vector<16xi32>
          %swap3A_361 = arith.constant 96 : index
          %swap3A_362 = tpu.vector_load %arg7[%swap3A_361] {strides = array<i32>} : memref<368xi32, #tpu.memory_space<vmem>>, vector<16xi32>,
          %swap3A_363 = vector.shape_cast %swap3A_362 : vector<16xi32> to vector<16xi32>
          %swap3A_364 = vector.shape_cast %shift_right_logical3A_360 : vector<16xi32> to vector<16xi32>
          tpu.vector_store %arg7[%swap3A_361], %swap3A_364 {strides = array<i32>} : memref<368xi32, #tpu.memory_space<vmem>>, vector<16xi32>,
          %add3A_365 = arith.constant 112 : i32
          %add3A_366 = arith.addi %mul3A_280, %add3A_365 : i32
          %get3A_367 = arith.index_cast %add3A_366 : i32 to index
          %get3A_368 = tpu.vector_load %arg6[%get3A_367] {strides = array<i32>} : memref<11792xi32, #tpu.memory_space<vmem>>, vector<16xi32>,
          %get3A_369 = vector.shape_cast %get3A_368 : vector<16xi32> to vector<16xi32>
          %shift_right_logical3A_370 = arith.constant 1 : i32
          %shift_right_logical3A_371 = vector.broadcast %shift_right_logical3A_370 : i32 to vector<16xi32>
          %shift_right_logical3A_372 = arith.shrui %get3A_369, %shift_right_logical3A_371 : vector<16xi32>
          %swap3A_373 = arith.constant 112 : index
          %swap3A_374 = tpu.vector_load %arg7[%swap3A_373] {strides = array<i32>} : memref<368xi32, #tpu.memory_space<vmem>>, vector<16xi32>,
          %swap3A_375 = vector.shape_cast %swap3A_374 : vector<16xi32> to vector<16xi32>
          %swap3A_376 = vector.shape_cast %shift_right_logical3A_372 : vector<16xi32> to vector<16xi32>
          tpu.vector_store %arg7[%swap3A_373], %swap3A_376 {strides = array<i32>} : memref<368xi32, #tpu.memory_space<vmem>>, vector<16xi32>,
          %add3A_377 = arith.constant 128 : i32
          %add3A_378 = arith.addi %mul3A_280, %add3A_377 : i32
          %get3A_379 = arith.index_cast %add3A_378 : i32 to index
          %get3A_380 = tpu.vector_load %arg6[%get3A_379] {strides = array<i32>} : memref<11792xi32, #tpu.memory_space<vmem>>, vector<16xi32>,
          %get3A_381 = vector.shape_cast %get3A_380 : vector<16xi32> to vector<16xi32>
          %shift_right_logical3A_382 = arith.constant 1 : i32
          %shift_right_logical3A_383 = vector.broadcast %shift_right_logical3A_382 : i32 to vector<16xi32>
          %shift_right_logical3A_384 = arith.shrui %get3A_381, %shift_right_logical3A_383 : vector<16xi32>
          %swap3A_385 = arith.constant 128 : index
          %swap3A_386 = tpu.vector_load %arg7[%swap3A_385] {strides = array<i32>} : memref<368xi32, #tpu.memory_space<vmem>>, vector<16xi32>,
          %swap3A_387 = vector.shape_cast %swap3A_386 : vector<16xi32> to vector<16xi32>
          %swap3A_388 = vector.shape_cast %shift_right_logical3A_384 : vector<16xi32> to vector<16xi32>
          tpu.vector_store %arg7[%swap3A_385], %swap3A_388 {strides = array<i32>} : memref<368xi32, #tpu.memory_space<vmem>>, vector<16xi32>,
          %add3A_389 = arith.constant 144 : i32
          %add3A_390 = arith.addi %mul3A_280, %add3A_389 : i32
          %get3A_391 = arith.index_cast %add3A_390 : i32 to index
          %get3A_392 = tpu.vector_load %arg6[%get3A_391] {strides = array<i32>} : memref<11792xi32, #tpu.memory_space<vmem>>, vector<16xi32>,
          %get3A_393 = vector.shape_cast %get3A_392 : vector<16xi32> to vector<16xi32>
          %shift_right_logical3A_394 = arith.constant 1 : i32
          %shift_right_logical3A_395 = vector.broadcast %shift_right_logical3A_394 : i32 to vector<16xi32>
          %shift_right_logical3A_396 = arith.shrui %get3A_393, %shift_right_logical3A_395 : vector<16xi32>
          %swap3A_397 = arith.constant 144 : index
          %swap3A_398 = tpu.vector_load %arg7[%swap3A_397] {strides = array<i32>} : memref<368xi32, #tpu.memory_space<vmem>>, vector<16xi32>,
          %swap3A_399 = vector.shape_cast %swap3A_398 : vector<16xi32> to vector<16xi32>
          %swap3A_400 = vector.shape_cast %shift_right_logical3A_396 : vector<16xi32> to vector<16xi32>
          tpu.vector_store %arg7[%swap3A_397], %swap3A_400 {strides = array<i32>} : memref<368xi32, #tpu.memory_space<vmem>>, vector<16xi32>,
          %add3A_401 = arith.constant 160 : i32
          %add3A_402 = arith.addi %mul3A_280, %add3A_401 : i32
          %get3A_403 = arith.index_cast %add3A_402 : i32 to index
          %get3A_404 = tpu.vector_load %arg6[%get3A_403] {strides = array<i32>} : memref<11792xi32, #tpu.memory_space<vmem>>, vector<16xi32>,
          %get3A_405 = vector.shape_cast %get3A_404 : vector<16xi32> to vector<16xi32>
          %shift_right_logical3A_406 = arith.constant 1 : i32
          %shift_right_logical3A_407 = vector.broadcast %shift_right_logical3A_406 : i32 to vector<16xi32>
          %shift_right_logical3A_408 = arith.shrui %get3A_405, %shift_right_logical3A_407 : vector<16xi32>
          %swap3A_409 = arith.constant 160 : index
          %swap3A_410 = tpu.vector_load %arg7[%swap3A_409] {strides = array<i32>} : memref<368xi32, #tpu.memory_space<vmem>>, vector<16xi32>,
          %swap3A_411 = vector.shape_cast %swap3A_410 : vector<16xi32> to vector<16xi32>
          %swap3A_412 = vector.shape_cast %shift_right_logical3A_408 : vector<16xi32> to vector<16xi32>
          tpu.vector_store %arg7[%swap3A_409], %swap3A_412 {strides = array<i32>} : memref<368xi32, #tpu.memory_space<vmem>>, vector<16xi32>,
          %add3A_413 = arith.constant 176 : i32
          %add3A_414 = arith.addi %mul3A_280, %add3A_413 : i32
          %get3A_415 = arith.index_cast %add3A_414 : i32 to index
          %get3A_416 = tpu.vector_load %arg6[%get3A_415] {strides = array<i32>} : memref<11792xi32, #tpu.memory_space<vmem>>, vector<16xi32>,
          %get3A_417 = vector.shape_cast %get3A_416 : vector<16xi32> to vector<16xi32>
          %shift_right_logical3A_418 = arith.constant 1 : i32
          %shift_right_logical3A_419 = vector.broadcast %shift_right_logical3A_418 : i32 to vector<16xi32>
          %shift_right_logical3A_420 = arith.shrui %get3A_417, %shift_right_logical3A_419 : vector<16xi32>
          %swap3A_421 = arith.constant 176 : index
          %swap3A_422 = tpu.vector_load %arg7[%swap3A_421] {strides = array<i32>} : memref<368xi32, #tpu.memory_space<vmem>>, vector<16xi32>,
          %swap3A_423 = vector.shape_cast %swap3A_422 : vector<16xi32> to vector<16xi32>
          %swap3A_424 = vector.shape_cast %shift_right_logical3A_420 : vector<16xi32> to vector<16xi32>
          tpu.vector_store %arg7[%swap3A_421], %swap3A_424 {strides = array<i32>} : memref<368xi32, #tpu.memory_space<vmem>>, vector<16xi32>,
          %add3A_425 = arith.constant 192 : i32
          %add3A_426 = arith.addi %mul3A_280, %add3A_425 : i32
          %get3A_427 = arith.index_cast %add3A_426 : i32 to index
          %get3A_428 = tpu.vector_load %arg6[%get3A_427] {strides = array<i32>} : memref<11792xi32, #tpu.memory_space<vmem>>, vector<16xi32>,
          %get3A_429 = vector.shape_cast %get3A_428 : vector<16xi32> to vector<16xi32>
          %shift_right_logical3A_430 = arith.constant 1 : i32
          %shift_right_logical3A_431 = vector.broadcast %shift_right_logical3A_430 : i32 to vector<16xi32>
          %shift_right_logical3A_432 = arith.shrui %get3A_429, %shift_right_logical3A_431 : vector<16xi32>
          %swap3A_433 = arith.constant 192 : index
          %swap3A_434 = tpu.vector_load %arg7[%swap3A_433] {strides = array<i32>} : memref<368xi32, #tpu.memory_space<vmem>>, vector<16xi32>,
          %swap3A_435 = vector.shape_cast %swap3A_434 : vector<16xi32> to vector<16xi32>
          %swap3A_436 = vector.shape_cast %shift_right_logical3A_432 : vector<16xi32> to vector<16xi32>
          tpu.vector_store %arg7[%swap3A_433], %swap3A_436 {strides = array<i32>} : memref<368xi32, #tpu.memory_space<vmem>>, vector<16xi32>,
          %add3A_437 = arith.constant 208 : i32
          %add3A_438 = arith.addi %mul3A_280, %add3A_437 : i32
          %get3A_439 = arith.index_cast %add3A_438 : i32 to index
          %get3A_440 = tpu.vector_load %arg6[%get3A_439] {strides = array<i32>} : memref<11792xi32, #tpu.memory_space<vmem>>, vector<16xi32>,
          %get3A_441 = vector.shape_cast %get3A_440 : vector<16xi32> to vector<16xi32>
          %shift_right_logical3A_442 = arith.constant 1 : i32
          %shift_right_logical3A_443 = vector.broadcast %shift_right_logical3A_442 : i32 to vector<16xi32>
          %shift_right_logical3A_444 = arith.shrui %get3A_441, %shift_right_logical3A_443 : vector<16xi32>
          %swap3A_445 = arith.constant 208 : index
          %swap3A_446 = tpu.vector_load %arg7[%swap3A_445] {strides = array<i32>} : memref<368xi32, #tpu.memory_space<vmem>>, vector<16xi32>,
          %swap3A_447 = vector.shape_cast %swap3A_446 : vector<16xi32> to vector<16xi32>
          %swap3A_448 = vector.shape_cast %shift_right_logical3A_444 : vector<16xi32> to vector<16xi32>
          tpu.vector_store %arg7[%swap3A_445], %swap3A_448 {strides = array<i32>} : memref<368xi32, #tpu.memory_space<vmem>>, vector<16xi32>,
          %add3A_449 = arith.constant 224 : i32
          %add3A_450 = arith.addi %mul3A_280, %add3A_449 : i32
          %get3A_451 = arith.index_cast %add3A_450 : i32 to index
          %get3A_452 = tpu.vector_load %arg6[%get3A_451] {strides = array<i32>} : memref<11792xi32, #tpu.memory_space<vmem>>, vector<16xi32>,
          %get3A_453 = vector.shape_cast %get3A_452 : vector<16xi32> to vector<16xi32>
          %shift_right_logical3A_454 = arith.constant 1 : i32
          %shift_right_logical3A_455 = vector.broadcast %shift_right_logical3A_454 : i32 to vector<16xi32>
          %shift_right_logical3A_456 = arith.shrui %get3A_453, %shift_right_logical3A_455 : vector<16xi32>
          %swap3A_457 = arith.constant 224 : index
          %swap3A_458 = tpu.vector_load %arg7[%swap3A_457] {strides = array<i32>} : memref<368xi32, #tpu.memory_space<vmem>>, vector<16xi32>,
          %swap3A_459 = vector.shape_cast %swap3A_458 : vector<16xi32> to vector<16xi32>
          %swap3A_460 = vector.shape_cast %shift_right_logical3A_456 : vector<16xi32> to vector<16xi32>
          tpu.vector_store %arg7[%swap3A_457], %swap3A_460 {strides = array<i32>} : memref<368xi32, #tpu.memory_space<vmem>>, vector<16xi32>,
          %add3A_461 = arith.constant 240 : i32
          %add3A_462 = arith.addi %mul3A_280, %add3A_461 : i32
          %get3A_463 = arith.index_cast %add3A_462 : i32 to index
          %get3A_464 = tpu.vector_load %arg6[%get3A_463] {strides = array<i32>} : memref<11792xi32, #tpu.memory_space<vmem>>, vector<16xi32>,
          %get3A_465 = vector.shape_cast %get3A_464 : vector<16xi32> to vector<16xi32>
          %shift_right_logical3A_466 = arith.constant 1 : i32
          %shift_right_logical3A_467 = vector.broadcast %shift_right_logical3A_466 : i32 to vector<16xi32>
          %shift_right_logical3A_468 = arith.shrui %get3A_465, %shift_right_logical3A_467 : vector<16xi32>
          %swap3A_469 = arith.constant 240 : index
          %swap3A_470 = tpu.vector_load %arg7[%swap3A_469] {strides = array<i32>} : memref<368xi32, #tpu.memory_space<vmem>>, vector<16xi32>,
          %swap3A_471 = vector.shape_cast %swap3A_470 : vector<16xi32> to vector<16xi32>
          %swap3A_472 = vector.shape_cast %shift_right_logical3A_468 : vector<16xi32> to vector<16xi32>
          tpu.vector_store %arg7[%swap3A_469], %swap3A_472 {strides = array<i32>} : memref<368xi32, #tpu.memory_space<vmem>>, vector<16xi32>,
          %add3A_473 = arith.constant 256 : i32
          %add3A_474 = arith.addi %mul3A_280, %add3A_473 : i32
          %get3A_475 = arith.index_cast %add3A_474 : i32 to index
          %get3A_476 = tpu.vector_load %arg6[%get3A_475] {strides = array<i32>} : memref<11792xi32, #tpu.memory_space<vmem>>, vector<16xi32>,
          %get3A_477 = vector.shape_cast %get3A_476 : vector<16xi32> to vector<16xi32>
          %shift_right_logical3A_478 = arith.constant 1 : i32
          %shift_right_logical3A_479 = vector.broadcast %shift_right_logical3A_478 : i32 to vector<16xi32>
          %shift_right_logical3A_480 = arith.shrui %get3A_477, %shift_right_logical3A_479 : vector<16xi32>
          %swap3A_481 = arith.constant 256 : index
          %swap3A_482 = tpu.vector_load %arg7[%swap3A_481] {strides = array<i32>} : memref<368xi32, #tpu.memory_space<vmem>>, vector<16xi32>,
          %swap3A_483 = vector.shape_cast %swap3A_482 : vector<16xi32> to vector<16xi32>
          %swap3A_484 = vector.shape_cast %shift_right_logical3A_480 : vector<16xi32> to vector<16xi32>
          tpu.vector_store %arg7[%swap3A_481], %swap3A_484 {strides = array<i32>} : memref<368xi32, #tpu.memory_space<vmem>>, vector<16xi32>,
          %add3A_485 = arith.constant 272 : i32
          %add3A_486 = arith.addi %mul3A_280, %add3A_485 : i32
          %get3A_487 = arith.index_cast %add3A_486 : i32 to index
          %get3A_488 = tpu.vector_load %arg6[%get3A_487] {strides = array<i32>} : memref<11792xi32, #tpu.memory_space<vmem>>, vector<16xi32>,
          %get3A_489 = vector.shape_cast %get3A_488 : vector<16xi32> to vector<16xi32>
          %shift_right_logical3A_490 = arith.constant 1 : i32
          %shift_right_logical3A_491 = vector.broadcast %shift_right_logical3A_490 : i32 to vector<16xi32>
          %shift_right_logical3A_492 = arith.shrui %get3A_489, %shift_right_logical3A_491 : vector<16xi32>
          %swap3A_493 = arith.constant 272 : index
          %swap3A_494 = tpu.vector_load %arg7[%swap3A_493] {strides = array<i32>} : memref<368xi32, #tpu.memory_space<vmem>>, vector<16xi32>,
          %swap3A_495 = vector.shape_cast %swap3A_494 : vector<16xi32> to vector<16xi32>
          %swap3A_496 = vector.shape_cast %shift_right_logical3A_492 : vector<16xi32> to vector<16xi32>
          tpu.vector_store %arg7[%swap3A_493], %swap3A_496 {strides = array<i32>} : memref<368xi32, #tpu.memory_space<vmem>>, vector<16xi32>,
          %add3A_497 = arith.constant 288 : i32
          %add3A_498 = arith.addi %mul3A_280, %add3A_497 : i32
          %get3A_499 = arith.index_cast %add3A_498 : i32 to index
          %get3A_500 = tpu.vector_load %arg6[%get3A_499] {strides = array<i32>} : memref<11792xi32, #tpu.memory_space<vmem>>, vector<16xi32>,
          %get3A_501 = vector.shape_cast %get3A_500 : vector<16xi32> to vector<16xi32>
          %shift_right_logical3A_502 = arith.constant 1 : i32
          %shift_right_logical3A_503 = vector.broadcast %shift_right_logical3A_502 : i32 to vector<16xi32>
          %shift_right_logical3A_504 = arith.shrui %get3A_501, %shift_right_logical3A_503 : vector<16xi32>
          %swap3A_505 = arith.constant 288 : index
          %swap3A_506 = tpu.vector_load %arg7[%swap3A_505] {strides = array<i32>} : memref<368xi32, #tpu.memory_space<vmem>>, vector<16xi32>,
          %swap3A_507 = vector.shape_cast %swap3A_506 : vector<16xi32> to vector<16xi32>
          %swap3A_508 = vector.shape_cast %shift_right_logical3A_504 : vector<16xi32> to vector<16xi32>
          tpu.vector_store %arg7[%swap3A_505], %swap3A_508 {strides = array<i32>} : memref<368xi32, #tpu.memory_space<vmem>>, vector<16xi32>,
          %add3A_509 = arith.constant 304 : i32
          %add3A_510 = arith.addi %mul3A_280, %add3A_509 : i32
          %get3A_511 = arith.index_cast %add3A_510 : i32 to index
          %get3A_512 = tpu.vector_load %arg6[%get3A_511] {strides = array<i32>} : memref<11792xi32, #tpu.memory_space<vmem>>, vector<16xi32>,
          %get3A_513 = vector.shape_cast %get3A_512 : vector<16xi32> to vector<16xi32>
          %shift_right_logical3A_514 = arith.constant 1 : i32
          %shift_right_logical3A_515 = vector.broadcast %shift_right_logical3A_514 : i32 to vector<16xi32>
          %shift_right_logical3A_516 = arith.shrui %get3A_513, %shift_right_logical3A_515 : vector<16xi32>
          %swap3A_517 = arith.constant 304 : index
          %swap3A_518 = tpu.vector_load %arg7[%swap3A_517] {strides = array<i32>} : memref<368xi32, #tpu.memory_space<vmem>>, vector<16xi32>,
          %swap3A_519 = vector.shape_cast %swap3A_518 : vector<16xi32> to vector<16xi32>
          %swap3A_520 = vector.shape_cast %shift_right_logical3A_516 : vector<16xi32> to vector<16xi32>
          tpu.vector_store %arg7[%swap3A_517], %swap3A_520 {strides = array<i32>} : memref<368xi32, #tpu.memory_space<vmem>>, vector<16xi32>,
          %add3A_521 = arith.constant 320 : i32
          %add3A_522 = arith.addi %mul3A_280, %add3A_521 : i32
          %get3A_523 = arith.index_cast %add3A_522 : i32 to index
          %get3A_524 = tpu.vector_load %arg6[%get3A_523] {strides = array<i32>} : memref<11792xi32, #tpu.memory_space<vmem>>, vector<16xi32>,
          %get3A_525 = vector.shape_cast %get3A_524 : vector<16xi32> to vector<16xi32>
          %shift_right_logical3A_526 = arith.constant 1 : i32
          %shift_right_logical3A_527 = vector.broadcast %shift_right_logical3A_526 : i32 to vector<16xi32>
          %shift_right_logical3A_528 = arith.shrui %get3A_525, %shift_right_logical3A_527 : vector<16xi32>
          %swap3A_529 = arith.constant 320 : index
          %swap3A_530 = tpu.vector_load %arg7[%swap3A_529] {strides = array<i32>} : memref<368xi32, #tpu.memory_space<vmem>>, vector<16xi32>,
          %swap3A_531 = vector.shape_cast %swap3A_530 : vector<16xi32> to vector<16xi32>
          %swap3A_532 = vector.shape_cast %shift_right_logical3A_528 : vector<16xi32> to vector<16xi32>
          tpu.vector_store %arg7[%swap3A_529], %swap3A_532 {strides = array<i32>} : memref<368xi32, #tpu.memory_space<vmem>>, vector<16xi32>,
          %add3A_533 = arith.constant 336 : i32
          %add3A_534 = arith.addi %mul3A_280, %add3A_533 : i32
          %get3A_535 = arith.index_cast %add3A_534 : i32 to index
          %get3A_536 = tpu.vector_load %arg6[%get3A_535] {strides = array<i32>} : memref<11792xi32, #tpu.memory_space<vmem>>, vector<16xi32>,
          %get3A_537 = vector.shape_cast %get3A_536 : vector<16xi32> to vector<16xi32>
          %shift_right_logical3A_538 = arith.constant 1 : i32
          %shift_right_logical3A_539 = vector.broadcast %shift_right_logical3A_538 : i32 to vector<16xi32>
          %shift_right_logical3A_540 = arith.shrui %get3A_537, %shift_right_logical3A_539 : vector<16xi32>
          %swap3A_541 = arith.constant 336 : index
          %swap3A_542 = tpu.vector_load %arg7[%swap3A_541] {strides = array<i32>} : memref<368xi32, #tpu.memory_space<vmem>>, vector<16xi32>,
          %swap3A_543 = vector.shape_cast %swap3A_542 : vector<16xi32> to vector<16xi32>
          %swap3A_544 = vector.shape_cast %shift_right_logical3A_540 : vector<16xi32> to vector<16xi32>
          tpu.vector_store %arg7[%swap3A_541], %swap3A_544 {strides = array<i32>} : memref<368xi32, #tpu.memory_space<vmem>>, vector<16xi32>,
          %add3A_545 = arith.constant 352 : i32
          %add3A_546 = arith.addi %mul3A_280, %add3A_545 : i32
          %get3A_547 = arith.index_cast %add3A_546 : i32 to index
          %get3A_548 = tpu.vector_load %arg6[%get3A_547] {strides = array<i32>} : memref<11792xi32, #tpu.memory_space<vmem>>, vector<16xi32>,
          %get3A_549 = vector.shape_cast %get3A_548 : vector<16xi32> to vector<16xi32>
          %shift_right_logical3A_550 = arith.constant 1 : i32
          %shift_right_logical3A_551 = vector.broadcast %shift_right_logical3A_550 : i32 to vector<16xi32>
          %shift_right_logical3A_552 = arith.shrui %get3A_549, %shift_right_logical3A_551 : vector<16xi32>
          %swap3A_553 = arith.constant 352 : index
          %swap3A_554 = tpu.vector_load %arg7[%swap3A_553] {strides = array<i32>} : memref<368xi32, #tpu.memory_space<vmem>>, vector<16xi32>,
          %swap3A_555 = vector.shape_cast %swap3A_554 : vector<16xi32> to vector<16xi32>
          %swap3A_556 = vector.shape_cast %shift_right_logical3A_552 : vector<16xi32> to vector<16xi32>
          tpu.vector_store %arg7[%swap3A_553], %swap3A_556 {strides = array<i32>} : memref<368xi32, #tpu.memory_space<vmem>>, vector<16xi32>,
          %dma_start3A_557 = arith.constant 0 : i32
          %dma_start3A_558 = arith.constant 0 : i32
          %dma_start3A_559 = tpu.memref_slice %arg3[%dma_start3A_557, %dma_start3A_558] : memref<500000x128xf32, #tpu.memory_space<hbm>> -> memref<500000x128xf32, #tpu.memory_space<hbm>>
          tpu.enqueue_indirect_dma source(%dma_start3A_559 : memref<500000x128xf32, #tpu.memory_space<hbm>>) target(%arg9 : memref<368x128xf32, #tpu.memory_space<vmem>>) offsets(%arg7 : memref<368xi32, #tpu.memory_space<vmem>>) semaphore(%arg15 : memref<!tpu.dma_semaphore, #tpu.memory_space<semaphore_mem>>)
          %mul3A_560 = arith.constant 16 : i32
          %mul3A_561 = arith.muli %add3A_278, %mul3A_560 : i32
          %add3A_562 = arith.addi %mul3A_2, %mul3A_561 : i32
          %dma_start3A_563 = arith.constant 0 : i32
          %dma_start3A_564 = tpu.memref_slice %arg4[%add3A_562, %dma_start3A_563] : memref<16384x64xf32, #tpu.memory_space<hbm>> -> memref<16x64xf32, #tpu.memory_space<hbm>>
          %dma_start3A_565 = arith.constant 0 : i32
          %dma_start3A_566 = tpu.memref_slice %arg4[%add3A_562, %dma_start3A_565] : memref<16384x64xf32, #tpu.memory_space<hbm>> -> memref<16x64xf32, #tpu.memory_space<hbm>>
          tpu.enqueue_dma source(%dma_start3A_566 : memref<16x64xf32, #tpu.memory_space<hbm>>) target(%arg11 : memref<16x64xf32, #tpu.memory_space<vmem>>) target_semaphore(%arg17 : memref<!tpu.dma_semaphore, #tpu.memory_space<semaphore_mem>>)
        } else {
        }
        %dma_wait3A = arith.constant 0 : i32
        %dma_wait3A_263 = arith.constant 0 : i32
        %dma_wait3A_264 = tpu.memref_slice %arg3[%dma_wait3A, %dma_wait3A_263] : memref<500000x128xf32, #tpu.memory_space<hbm>> -> memref<500000x128xf32, #tpu.memory_space<hbm>>
        tpu.wait_indirect_dma semaphore(%arg16 : memref<!tpu.dma_semaphore, #tpu.memory_space<semaphore_mem>>) src(%dma_wait3A_264 : memref<500000x128xf32, #tpu.memory_space<hbm>>) dst(%arg10 : memref<368x128xf32, #tpu.memory_space<vmem>>)
        %dma_wait3A_265 = arith.constant 0 : i32
        %dma_wait3A_266 = arith.constant 0 : i32
        %dma_wait3A_267 = tpu.memref_slice %arg4[%dma_wait3A_265, %dma_wait3A_266] : memref<16384x64xf32, #tpu.memory_space<hbm>> -> memref<16x64xf32, #tpu.memory_space<hbm>>
        %dma_wait3A_268 = arith.constant 0 : i32
        %dma_wait3A_269 = arith.constant 0 : i32
        %dma_wait3A_270 = tpu.memref_slice %arg4[%dma_wait3A_268, %dma_wait3A_269] : memref<16384x64xf32, #tpu.memory_space<hbm>> -> memref<16x64xf32, #tpu.memory_space<hbm>>
        tpu.wait_dma2 semaphore(%arg18 : memref<!tpu.dma_semaphore, #tpu.memory_space<semaphore_mem>>) src(%dma_wait3A_270 : memref<16x64xf32, #tpu.memory_space<hbm>>) dst(%arg12 : memref<16x64xf32, #tpu.memory_space<vmem>>)
        %scan3A_271 = arith.constant 0 : i32
        %scan3A_272 = arith.constant 0 : i32
        %scan3A_273 = arith.constant 16 : i32
        %scan3A_274 = arith.addi %scan3A_272, %scan3A_273 : i32
        %scan3A_275 = arith.constant 1 : i32
        scf.for %scan3A_277 = %scan3A_272 to %scan3A_274 step %scan3A_275  : i32 {
          %mul3A_278 = arith.constant 23 : i32
          %mul3A_279 = arith.muli %scan3A_277, %mul3A_278 : i32
          %mul3A_280 = arith.constant 368 : i32
          %mul3A_281 = arith.muli %scan3A_245, %mul3A_280 : i32
          %add3A_282 = arith.addi %mul3A_281, %mul3A_279 : i32
          %get3A_283 = arith.index_cast %scan3A_277 : i32 to index
          %get3A_284 = arith.constant 0 : index
          %get3A_285 = tpu.vector_load %arg12[%get3A_283, %get3A_284] {strides = array<i32>} : memref<16x64xf32, #tpu.memory_space<vmem>>, vector<1x16xf32>,
          %get3A_286 = vector.shape_cast %get3A_285 : vector<1x16xf32> to vector<16xf32>
          %get3A_287 = arith.index_cast %scan3A_277 : i32 to index
          %get3A_288 = arith.constant 16 : index
          %get3A_289 = tpu.vector_load %arg12[%get3A_287, %get3A_288] {strides = array<i32>} : memref<16x64xf32, #tpu.memory_space<vmem>>, vector<1x16xf32>,
          %get3A_290 = vector.shape_cast %get3A_289 : vector<1x16xf32> to vector<16xf32>
          %get3A_291 = arith.index_cast %scan3A_277 : i32 to index
          %get3A_292 = arith.constant 32 : index
          %get3A_293 = tpu.vector_load %arg12[%get3A_291, %get3A_292] {strides = array<i32>} : memref<16x64xf32, #tpu.memory_space<vmem>>, vector<1x16xf32>,
          %get3A_294 = vector.shape_cast %get3A_293 : vector<1x16xf32> to vector<16xf32>
          %get3A_295 = arith.index_cast %scan3A_277 : i32 to index
          %get3A_296 = arith.constant 48 : index
          %get3A_297 = tpu.vector_load %arg12[%get3A_295, %get3A_296] {strides = array<i32>} : memref<16x64xf32, #tpu.memory_space<vmem>>, vector<1x16xf32>,
          %get3A_298 = vector.shape_cast %get3A_297 : vector<1x16xf32> to vector<16xf32>
          %broadcast_in_dim3A = arith.constant 0.000000e+00 : f32
          %broadcast_in_dim3A_299 = vector.broadcast %broadcast_in_dim3A : f32 to vector<16xf32>
          %broadcast_in_dim3A_300 = arith.constant 0.000000e+00 : f32
          %broadcast_in_dim3A_301 = vector.broadcast %broadcast_in_dim3A_300 : f32 to vector<16xf32>
          %broadcast_in_dim3A_302 = arith.constant 0.000000e+00 : f32
          %broadcast_in_dim3A_303 = vector.broadcast %broadcast_in_dim3A_302 : f32 to vector<16xf32>
          %broadcast_in_dim3A_304 = arith.constant 0.000000e+00 : f32
          %broadcast_in_dim3A_305 = vector.broadcast %broadcast_in_dim3A_304 : f32 to vector<16xf32>
          %add3A_306 = arith.constant 0 : i32
          %add3A_307 = arith.addi %add3A_282, %add3A_306 : i32
          %get3A_308 = arith.index_cast %add3A_307 : i32 to index
          %get3A_309 = tpu.vector_load %arg6[%get3A_308] {strides = array<i32>} : memref<11792xi32, #tpu.memory_space<vmem>>, vector<16xi32>,
          %get3A_310 = vector.shape_cast %get3A_309 : vector<16xi32> to vector<16xi32>
          %slice3A = vector.extract_strided_slice %get3A_310 {offsets = [0], sizes = [1], strides = [1]} : vector<16xi32> to vector<1xi32>
          %squeeze3A = vector.extract %slice3A[0] : i32 from vector<1xi32>
          %and3A = arith.constant 1 : i32
          %and3A_311 = arith.andi %squeeze3A, %and3A : i32
          %mul3A_312 = arith.constant 64 : i32
          %mul3A_313 = arith.muli %and3A_311, %mul3A_312 : i32
          %add3A_314 = arith.constant 0 : i32
          %add3A_315 = arith.addi %mul3A_279, %add3A_314 : i32
          %get3A_316 = arith.index_cast %add3A_315 : i32 to index
          %get3A_317 = arith.index_cast %mul3A_313 : i32 to index
          %get3A_318 = tpu.vector_load %arg10[%get3A_316, %get3A_317] {strides = array<i32>} : memref<368x128xf32, #tpu.memory_space<vmem>>, vector<1x16xf32>,
          %get3A_319 = vector.shape_cast %get3A_318 : vector<1x16xf32> to vector<16xf32>
          %add3A_320 = arith.addf %broadcast_in_dim3A_299, %get3A_319 : vector<16xf32>
          %add3A_321 = arith.constant 0 : i32
          %add3A_322 = arith.addi %mul3A_279, %add3A_321 : i32
          %add3A_323 = arith.constant 16 : i32
          %add3A_324 = arith.addi %mul3A_313, %add3A_323 : i32
          %get3A_325 = arith.index_cast %add3A_322 : i32 to index
          %get3A_326 = arith.index_cast %add3A_324 : i32 to index
          %get3A_327 = tpu.vector_load %arg10[%get3A_325, %get3A_326] {strides = array<i32>} : memref<368x128xf32, #tpu.memory_space<vmem>>, vector<1x16xf32>,
          %get3A_328 = vector.shape_cast %get3A_327 : vector<1x16xf32> to vector<16xf32>
          %add3A_329 = arith.addf %broadcast_in_dim3A_301, %get3A_328 : vector<16xf32>
          %add3A_330 = arith.constant 0 : i32
          %add3A_331 = arith.addi %mul3A_279, %add3A_330 : i32
          %add3A_332 = arith.constant 32 : i32
          %add3A_333 = arith.addi %mul3A_313, %add3A_332 : i32
          %get3A_334 = arith.index_cast %add3A_331 : i32 to index
          %get3A_335 = arith.index_cast %add3A_333 : i32 to index
          %get3A_336 = tpu.vector_load %arg10[%get3A_334, %get3A_335] {strides = array<i32>} : memref<368x128xf32, #tpu.memory_space<vmem>>, vector<1x16xf32>,
          %get3A_337 = vector.shape_cast %get3A_336 : vector<1x16xf32> to vector<16xf32>
          %add3A_338 = arith.addf %broadcast_in_dim3A_303, %get3A_337 : vector<16xf32>
          %add3A_339 = arith.constant 0 : i32
          %add3A_340 = arith.addi %mul3A_279, %add3A_339 : i32
          %add3A_341 = arith.constant 48 : i32
          %add3A_342 = arith.addi %mul3A_313, %add3A_341 : i32
          %get3A_343 = arith.index_cast %add3A_340 : i32 to index
          %get3A_344 = arith.index_cast %add3A_342 : i32 to index
          %get3A_345 = tpu.vector_load %arg10[%get3A_343, %get3A_344] {strides = array<i32>} : memref<368x128xf32, #tpu.memory_space<vmem>>, vector<1x16xf32>,
          %get3A_346 = vector.shape_cast %get3A_345 : vector<1x16xf32> to vector<16xf32>
          %add3A_347 = arith.addf %broadcast_in_dim3A_305, %get3A_346 : vector<16xf32>
          %add3A_348 = arith.constant 1 : i32
          %add3A_349 = arith.addi %add3A_282, %add3A_348 : i32
          %get3A_350 = arith.index_cast %add3A_349 : i32 to index
          %get3A_351 = tpu.vector_load %arg6[%get3A_350] {strides = array<i32>} : memref<11792xi32, #tpu.memory_space<vmem>>, vector<16xi32>,
          %get3A_352 = vector.shape_cast %get3A_351 : vector<16xi32> to vector<16xi32>
          %slice3A_353 = vector.extract_strided_slice %get3A_352 {offsets = [0], sizes = [1], strides = [1]} : vector<16xi32> to vector<1xi32>
          %squeeze3A_354 = vector.extract %slice3A_353[0] : i32 from vector<1xi32>
          %and3A_355 = arith.constant 1 : i32
          %and3A_356 = arith.andi %squeeze3A_354, %and3A_355 : i32
          %mul3A_357 = arith.constant 64 : i32
          %mul3A_358 = arith.muli %and3A_356, %mul3A_357 : i32
          %add3A_359 = arith.constant 1 : i32
          %add3A_360 = arith.addi %mul3A_279, %add3A_359 : i32
          %get3A_361 = arith.index_cast %add3A_360 : i32 to index
          %get3A_362 = arith.index_cast %mul3A_358 : i32 to index
          %get3A_363 = tpu.vector_load %arg10[%get3A_361, %get3A_362] {strides = array<i32>} : memref<368x128xf32, #tpu.memory_space<vmem>>, vector<1x16xf32>,
          %get3A_364 = vector.shape_cast %get3A_363 : vector<1x16xf32> to vector<16xf32>
          %add3A_365 = arith.addf %add3A_320, %get3A_364 : vector<16xf32>
          %add3A_366 = arith.constant 1 : i32
          %add3A_367 = arith.addi %mul3A_279, %add3A_366 : i32
          %add3A_368 = arith.constant 16 : i32
          %add3A_369 = arith.addi %mul3A_358, %add3A_368 : i32
          %get3A_370 = arith.index_cast %add3A_367 : i32 to index
          %get3A_371 = arith.index_cast %add3A_369 : i32 to index
          %get3A_372 = tpu.vector_load %arg10[%get3A_370, %get3A_371] {strides = array<i32>} : memref<368x128xf32, #tpu.memory_space<vmem>>, vector<1x16xf32>,
          %get3A_373 = vector.shape_cast %get3A_372 : vector<1x16xf32> to vector<16xf32>
          %add3A_374 = arith.addf %add3A_329, %get3A_373 : vector<16xf32>
          %add3A_375 = arith.constant 1 : i32
          %add3A_376 = arith.addi %mul3A_279, %add3A_375 : i32
          %add3A_377 = arith.constant 32 : i32
          %add3A_378 = arith.addi %mul3A_358, %add3A_377 : i32
          %get3A_379 = arith.index_cast %add3A_376 : i32 to index
          %get3A_380 = arith.index_cast %add3A_378 : i32 to index
          %get3A_381 = tpu.vector_load %arg10[%get3A_379, %get3A_380] {strides = array<i32>} : memref<368x128xf32, #tpu.memory_space<vmem>>, vector<1x16xf32>,
          %get3A_382 = vector.shape_cast %get3A_381 : vector<1x16xf32> to vector<16xf32>
          %add3A_383 = arith.addf %add3A_338, %get3A_382 : vector<16xf32>
          %add3A_384 = arith.constant 1 : i32
          %add3A_385 = arith.addi %mul3A_279, %add3A_384 : i32
          %add3A_386 = arith.constant 48 : i32
          %add3A_387 = arith.addi %mul3A_358, %add3A_386 : i32
          %get3A_388 = arith.index_cast %add3A_385 : i32 to index
          %get3A_389 = arith.index_cast %add3A_387 : i32 to index
          %get3A_390 = tpu.vector_load %arg10[%get3A_388, %get3A_389] {strides = array<i32>} : memref<368x128xf32, #tpu.memory_space<vmem>>, vector<1x16xf32>,
          %get3A_391 = vector.shape_cast %get3A_390 : vector<1x16xf32> to vector<16xf32>
          %add3A_392 = arith.addf %add3A_347, %get3A_391 : vector<16xf32>
          %add3A_393 = arith.constant 2 : i32
          %add3A_394 = arith.addi %add3A_282, %add3A_393 : i32
          %get3A_395 = arith.index_cast %add3A_394 : i32 to index
          %get3A_396 = tpu.vector_load %arg6[%get3A_395] {strides = array<i32>} : memref<11792xi32, #tpu.memory_space<vmem>>, vector<16xi32>,
          %get3A_397 = vector.shape_cast %get3A_396 : vector<16xi32> to vector<16xi32>
          %slice3A_398 = vector.extract_strided_slice %get3A_397 {offsets = [0], sizes = [1], strides = [1]} : vector<16xi32> to vector<1xi32>
          %squeeze3A_399 = vector.extract %slice3A_398[0] : i32 from vector<1xi32>
          %and3A_400 = arith.constant 1 : i32
          %and3A_401 = arith.andi %squeeze3A_399, %and3A_400 : i32
          %mul3A_402 = arith.constant 64 : i32
          %mul3A_403 = arith.muli %and3A_401, %mul3A_402 : i32
          %add3A_404 = arith.constant 2 : i32
          %add3A_405 = arith.addi %mul3A_279, %add3A_404 : i32
          %get3A_406 = arith.index_cast %add3A_405 : i32 to index
          %get3A_407 = arith.index_cast %mul3A_403 : i32 to index
          %get3A_408 = tpu.vector_load %arg10[%get3A_406, %get3A_407] {strides = array<i32>} : memref<368x128xf32, #tpu.memory_space<vmem>>, vector<1x16xf32>,
          %get3A_409 = vector.shape_cast %get3A_408 : vector<1x16xf32> to vector<16xf32>
          %add3A_410 = arith.addf %add3A_365, %get3A_409 : vector<16xf32>
          %add3A_411 = arith.constant 2 : i32
          %add3A_412 = arith.addi %mul3A_279, %add3A_411 : i32
          %add3A_413 = arith.constant 16 : i32
          %add3A_414 = arith.addi %mul3A_403, %add3A_413 : i32
          %get3A_415 = arith.index_cast %add3A_412 : i32 to index
          %get3A_416 = arith.index_cast %add3A_414 : i32 to index
          %get3A_417 = tpu.vector_load %arg10[%get3A_415, %get3A_416] {strides = array<i32>} : memref<368x128xf32, #tpu.memory_space<vmem>>, vector<1x16xf32>,
          %get3A_418 = vector.shape_cast %get3A_417 : vector<1x16xf32> to vector<16xf32>
          %add3A_419 = arith.addf %add3A_374, %get3A_418 : vector<16xf32>
          %add3A_420 = arith.constant 2 : i32
          %add3A_421 = arith.addi %mul3A_279, %add3A_420 : i32
          %add3A_422 = arith.constant 32 : i32
          %add3A_423 = arith.addi %mul3A_403, %add3A_422 : i32
          %get3A_424 = arith.index_cast %add3A_421 : i32 to index
          %get3A_425 = arith.index_cast %add3A_423 : i32 to index
          %get3A_426 = tpu.vector_load %arg10[%get3A_424, %get3A_425] {strides = array<i32>} : memref<368x128xf32, #tpu.memory_space<vmem>>, vector<1x16xf32>,
          %get3A_427 = vector.shape_cast %get3A_426 : vector<1x16xf32> to vector<16xf32>
          %add3A_428 = arith.addf %add3A_383, %get3A_427 : vector<16xf32>
          %add3A_429 = arith.constant 2 : i32
          %add3A_430 = arith.addi %mul3A_279, %add3A_429 : i32
          %add3A_431 = arith.constant 48 : i32
          %add3A_432 = arith.addi %mul3A_403, %add3A_431 : i32
          %get3A_433 = arith.index_cast %add3A_430 : i32 to index
          %get3A_434 = arith.index_cast %add3A_432 : i32 to index
          %get3A_435 = tpu.vector_load %arg10[%get3A_433, %get3A_434] {strides = array<i32>} : memref<368x128xf32, #tpu.memory_space<vmem>>, vector<1x16xf32>,
          %get3A_436 = vector.shape_cast %get3A_435 : vector<1x16xf32> to vector<16xf32>
          %add3A_437 = arith.addf %add3A_392, %get3A_436 : vector<16xf32>
          %add3A_438 = arith.constant 3 : i32
          %add3A_439 = arith.addi %add3A_282, %add3A_438 : i32
          %get3A_440 = arith.index_cast %add3A_439 : i32 to index
          %get3A_441 = tpu.vector_load %arg6[%get3A_440] {strides = array<i32>} : memref<11792xi32, #tpu.memory_space<vmem>>, vector<16xi32>,
          %get3A_442 = vector.shape_cast %get3A_441 : vector<16xi32> to vector<16xi32>
          %slice3A_443 = vector.extract_strided_slice %get3A_442 {offsets = [0], sizes = [1], strides = [1]} : vector<16xi32> to vector<1xi32>
          %squeeze3A_444 = vector.extract %slice3A_443[0] : i32 from vector<1xi32>
          %and3A_445 = arith.constant 1 : i32
          %and3A_446 = arith.andi %squeeze3A_444, %and3A_445 : i32
          %mul3A_447 = arith.constant 64 : i32
          %mul3A_448 = arith.muli %and3A_446, %mul3A_447 : i32
          %add3A_449 = arith.constant 3 : i32
          %add3A_450 = arith.addi %mul3A_279, %add3A_449 : i32
          %get3A_451 = arith.index_cast %add3A_450 : i32 to index
          %get3A_452 = arith.index_cast %mul3A_448 : i32 to index
          %get3A_453 = tpu.vector_load %arg10[%get3A_451, %get3A_452] {strides = array<i32>} : memref<368x128xf32, #tpu.memory_space<vmem>>, vector<1x16xf32>,
          %get3A_454 = vector.shape_cast %get3A_453 : vector<1x16xf32> to vector<16xf32>
          %add3A_455 = arith.addf %add3A_410, %get3A_454 : vector<16xf32>
          %add3A_456 = arith.constant 3 : i32
          %add3A_457 = arith.addi %mul3A_279, %add3A_456 : i32
          %add3A_458 = arith.constant 16 : i32
          %add3A_459 = arith.addi %mul3A_448, %add3A_458 : i32
          %get3A_460 = arith.index_cast %add3A_457 : i32 to index
          %get3A_461 = arith.index_cast %add3A_459 : i32 to index
          %get3A_462 = tpu.vector_load %arg10[%get3A_460, %get3A_461] {strides = array<i32>} : memref<368x128xf32, #tpu.memory_space<vmem>>, vector<1x16xf32>,
          %get3A_463 = vector.shape_cast %get3A_462 : vector<1x16xf32> to vector<16xf32>
          %add3A_464 = arith.addf %add3A_419, %get3A_463 : vector<16xf32>
          %add3A_465 = arith.constant 3 : i32
          %add3A_466 = arith.addi %mul3A_279, %add3A_465 : i32
          %add3A_467 = arith.constant 32 : i32
          %add3A_468 = arith.addi %mul3A_448, %add3A_467 : i32
          %get3A_469 = arith.index_cast %add3A_466 : i32 to index
          %get3A_470 = arith.index_cast %add3A_468 : i32 to index
          %get3A_471 = tpu.vector_load %arg10[%get3A_469, %get3A_470] {strides = array<i32>} : memref<368x128xf32, #tpu.memory_space<vmem>>, vector<1x16xf32>,
          %get3A_472 = vector.shape_cast %get3A_471 : vector<1x16xf32> to vector<16xf32>
          %add3A_473 = arith.addf %add3A_428, %get3A_472 : vector<16xf32>
          %add3A_474 = arith.constant 3 : i32
          %add3A_475 = arith.addi %mul3A_279, %add3A_474 : i32
          %add3A_476 = arith.constant 48 : i32
          %add3A_477 = arith.addi %mul3A_448, %add3A_476 : i32
          %get3A_478 = arith.index_cast %add3A_475 : i32 to index
          %get3A_479 = arith.index_cast %add3A_477 : i32 to index
          %get3A_480 = tpu.vector_load %arg10[%get3A_478, %get3A_479] {strides = array<i32>} : memref<368x128xf32, #tpu.memory_space<vmem>>, vector<1x16xf32>,
          %get3A_481 = vector.shape_cast %get3A_480 : vector<1x16xf32> to vector<16xf32>
          %add3A_482 = arith.addf %add3A_437, %get3A_481 : vector<16xf32>
          %add3A_483 = arith.constant 4 : i32
          %add3A_484 = arith.addi %add3A_282, %add3A_483 : i32
          %get3A_485 = arith.index_cast %add3A_484 : i32 to index
          %get3A_486 = tpu.vector_load %arg6[%get3A_485] {strides = array<i32>} : memref<11792xi32, #tpu.memory_space<vmem>>, vector<16xi32>,
          %get3A_487 = vector.shape_cast %get3A_486 : vector<16xi32> to vector<16xi32>
          %slice3A_488 = vector.extract_strided_slice %get3A_487 {offsets = [0], sizes = [1], strides = [1]} : vector<16xi32> to vector<1xi32>
          %squeeze3A_489 = vector.extract %slice3A_488[0] : i32 from vector<1xi32>
          %and3A_490 = arith.constant 1 : i32
          %and3A_491 = arith.andi %squeeze3A_489, %and3A_490 : i32
          %mul3A_492 = arith.constant 64 : i32
          %mul3A_493 = arith.muli %and3A_491, %mul3A_492 : i32
          %add3A_494 = arith.constant 4 : i32
          %add3A_495 = arith.addi %mul3A_279, %add3A_494 : i32
          %get3A_496 = arith.index_cast %add3A_495 : i32 to index
          %get3A_497 = arith.index_cast %mul3A_493 : i32 to index
          %get3A_498 = tpu.vector_load %arg10[%get3A_496, %get3A_497] {strides = array<i32>} : memref<368x128xf32, #tpu.memory_space<vmem>>, vector<1x16xf32>,
          %get3A_499 = vector.shape_cast %get3A_498 : vector<1x16xf32> to vector<16xf32>
          %add3A_500 = arith.addf %add3A_455, %get3A_499 : vector<16xf32>
          %add3A_501 = arith.constant 4 : i32
          %add3A_502 = arith.addi %mul3A_279, %add3A_501 : i32
          %add3A_503 = arith.constant 16 : i32
          %add3A_504 = arith.addi %mul3A_493, %add3A_503 : i32
          %get3A_505 = arith.index_cast %add3A_502 : i32 to index
          %get3A_506 = arith.index_cast %add3A_504 : i32 to index
          %get3A_507 = tpu.vector_load %arg10[%get3A_505, %get3A_506] {strides = array<i32>} : memref<368x128xf32, #tpu.memory_space<vmem>>, vector<1x16xf32>,
          %get3A_508 = vector.shape_cast %get3A_507 : vector<1x16xf32> to vector<16xf32>
          %add3A_509 = arith.addf %add3A_464, %get3A_508 : vector<16xf32>
          %add3A_510 = arith.constant 4 : i32
          %add3A_511 = arith.addi %mul3A_279, %add3A_510 : i32
          %add3A_512 = arith.constant 32 : i32
          %add3A_513 = arith.addi %mul3A_493, %add3A_512 : i32
          %get3A_514 = arith.index_cast %add3A_511 : i32 to index
          %get3A_515 = arith.index_cast %add3A_513 : i32 to index
          %get3A_516 = tpu.vector_load %arg10[%get3A_514, %get3A_515] {strides = array<i32>} : memref<368x128xf32, #tpu.memory_space<vmem>>, vector<1x16xf32>,
          %get3A_517 = vector.shape_cast %get3A_516 : vector<1x16xf32> to vector<16xf32>
          %add3A_518 = arith.addf %add3A_473, %get3A_517 : vector<16xf32>
          %add3A_519 = arith.constant 4 : i32
          %add3A_520 = arith.addi %mul3A_279, %add3A_519 : i32
          %add3A_521 = arith.constant 48 : i32
          %add3A_522 = arith.addi %mul3A_493, %add3A_521 : i32
          %get3A_523 = arith.index_cast %add3A_520 : i32 to index
          %get3A_524 = arith.index_cast %add3A_522 : i32 to index
          %get3A_525 = tpu.vector_load %arg10[%get3A_523, %get3A_524] {strides = array<i32>} : memref<368x128xf32, #tpu.memory_space<vmem>>, vector<1x16xf32>,
          %get3A_526 = vector.shape_cast %get3A_525 : vector<1x16xf32> to vector<16xf32>
          %add3A_527 = arith.addf %add3A_482, %get3A_526 : vector<16xf32>
          %add3A_528 = arith.constant 5 : i32
          %add3A_529 = arith.addi %add3A_282, %add3A_528 : i32
          %get3A_530 = arith.index_cast %add3A_529 : i32 to index
          %get3A_531 = tpu.vector_load %arg6[%get3A_530] {strides = array<i32>} : memref<11792xi32, #tpu.memory_space<vmem>>, vector<16xi32>,
          %get3A_532 = vector.shape_cast %get3A_531 : vector<16xi32> to vector<16xi32>
          %slice3A_533 = vector.extract_strided_slice %get3A_532 {offsets = [0], sizes = [1], strides = [1]} : vector<16xi32> to vector<1xi32>
          %squeeze3A_534 = vector.extract %slice3A_533[0] : i32 from vector<1xi32>
          %and3A_535 = arith.constant 1 : i32
          %and3A_536 = arith.andi %squeeze3A_534, %and3A_535 : i32
          %mul3A_537 = arith.constant 64 : i32
          %mul3A_538 = arith.muli %and3A_536, %mul3A_537 : i32
          %add3A_539 = arith.constant 5 : i32
          %add3A_540 = arith.addi %mul3A_279, %add3A_539 : i32
          %get3A_541 = arith.index_cast %add3A_540 : i32 to index
          %get3A_542 = arith.index_cast %mul3A_538 : i32 to index
          %get3A_543 = tpu.vector_load %arg10[%get3A_541, %get3A_542] {strides = array<i32>} : memref<368x128xf32, #tpu.memory_space<vmem>>, vector<1x16xf32>,
          %get3A_544 = vector.shape_cast %get3A_543 : vector<1x16xf32> to vector<16xf32>
          %add3A_545 = arith.addf %add3A_500, %get3A_544 : vector<16xf32>
          %add3A_546 = arith.constant 5 : i32
          %add3A_547 = arith.addi %mul3A_279, %add3A_546 : i32
          %add3A_548 = arith.constant 16 : i32
          %add3A_549 = arith.addi %mul3A_538, %add3A_548 : i32
          %get3A_550 = arith.index_cast %add3A_547 : i32 to index
          %get3A_551 = arith.index_cast %add3A_549 : i32 to index
          %get3A_552 = tpu.vector_load %arg10[%get3A_550, %get3A_551] {strides = array<i32>} : memref<368x128xf32, #tpu.memory_space<vmem>>, vector<1x16xf32>,
          %get3A_553 = vector.shape_cast %get3A_552 : vector<1x16xf32> to vector<16xf32>
          %add3A_554 = arith.addf %add3A_509, %get3A_553 : vector<16xf32>
          %add3A_555 = arith.constant 5 : i32
          %add3A_556 = arith.addi %mul3A_279, %add3A_555 : i32
          %add3A_557 = arith.constant 32 : i32
          %add3A_558 = arith.addi %mul3A_538, %add3A_557 : i32
          %get3A_559 = arith.index_cast %add3A_556 : i32 to index
          %get3A_560 = arith.index_cast %add3A_558 : i32 to index
          %get3A_561 = tpu.vector_load %arg10[%get3A_559, %get3A_560] {strides = array<i32>} : memref<368x128xf32, #tpu.memory_space<vmem>>, vector<1x16xf32>,
          %get3A_562 = vector.shape_cast %get3A_561 : vector<1x16xf32> to vector<16xf32>
          %add3A_563 = arith.addf %add3A_518, %get3A_562 : vector<16xf32>
          %add3A_564 = arith.constant 5 : i32
          %add3A_565 = arith.addi %mul3A_279, %add3A_564 : i32
          %add3A_566 = arith.constant 48 : i32
          %add3A_567 = arith.addi %mul3A_538, %add3A_566 : i32
          %get3A_568 = arith.index_cast %add3A_565 : i32 to index
          %get3A_569 = arith.index_cast %add3A_567 : i32 to index
          %get3A_570 = tpu.vector_load %arg10[%get3A_568, %get3A_569] {strides = array<i32>} : memref<368x128xf32, #tpu.memory_space<vmem>>, vector<1x16xf32>,
          %get3A_571 = vector.shape_cast %get3A_570 : vector<1x16xf32> to vector<16xf32>
          %add3A_572 = arith.addf %add3A_527, %get3A_571 : vector<16xf32>
          %add3A_573 = arith.constant 6 : i32
          %add3A_574 = arith.addi %add3A_282, %add3A_573 : i32
          %get3A_575 = arith.index_cast %add3A_574 : i32 to index
          %get3A_576 = tpu.vector_load %arg6[%get3A_575] {strides = array<i32>} : memref<11792xi32, #tpu.memory_space<vmem>>, vector<16xi32>,
          %get3A_577 = vector.shape_cast %get3A_576 : vector<16xi32> to vector<16xi32>
          %slice3A_578 = vector.extract_strided_slice %get3A_577 {offsets = [0], sizes = [1], strides = [1]} : vector<16xi32> to vector<1xi32>
          %squeeze3A_579 = vector.extract %slice3A_578[0] : i32 from vector<1xi32>
          %and3A_580 = arith.constant 1 : i32
          %and3A_581 = arith.andi %squeeze3A_579, %and3A_580 : i32
          %mul3A_582 = arith.constant 64 : i32
          %mul3A_583 = arith.muli %and3A_581, %mul3A_582 : i32
          %add3A_584 = arith.constant 6 : i32
          %add3A_585 = arith.addi %mul3A_279, %add3A_584 : i32
          %get3A_586 = arith.index_cast %add3A_585 : i32 to index
          %get3A_587 = arith.index_cast %mul3A_583 : i32 to index
          %get3A_588 = tpu.vector_load %arg10[%get3A_586, %get3A_587] {strides = array<i32>} : memref<368x128xf32, #tpu.memory_space<vmem>>, vector<1x16xf32>,
          %get3A_589 = vector.shape_cast %get3A_588 : vector<1x16xf32> to vector<16xf32>
          %add3A_590 = arith.addf %add3A_545, %get3A_589 : vector<16xf32>
          %add3A_591 = arith.constant 6 : i32
          %add3A_592 = arith.addi %mul3A_279, %add3A_591 : i32
          %add3A_593 = arith.constant 16 : i32
          %add3A_594 = arith.addi %mul3A_583, %add3A_593 : i32
          %get3A_595 = arith.index_cast %add3A_592 : i32 to index
          %get3A_596 = arith.index_cast %add3A_594 : i32 to index
          %get3A_597 = tpu.vector_load %arg10[%get3A_595, %get3A_596] {strides = array<i32>} : memref<368x128xf32, #tpu.memory_space<vmem>>, vector<1x16xf32>,
          %get3A_598 = vector.shape_cast %get3A_597 : vector<1x16xf32> to vector<16xf32>
          %add3A_599 = arith.addf %add3A_554, %get3A_598 : vector<16xf32>
          %add3A_600 = arith.constant 6 : i32
          %add3A_601 = arith.addi %mul3A_279, %add3A_600 : i32
          %add3A_602 = arith.constant 32 : i32
          %add3A_603 = arith.addi %mul3A_583, %add3A_602 : i32
          %get3A_604 = arith.index_cast %add3A_601 : i32 to index
          %get3A_605 = arith.index_cast %add3A_603 : i32 to index
          %get3A_606 = tpu.vector_load %arg10[%get3A_604, %get3A_605] {strides = array<i32>} : memref<368x128xf32, #tpu.memory_space<vmem>>, vector<1x16xf32>,
          %get3A_607 = vector.shape_cast %get3A_606 : vector<1x16xf32> to vector<16xf32>
          %add3A_608 = arith.addf %add3A_563, %get3A_607 : vector<16xf32>
          %add3A_609 = arith.constant 6 : i32
          %add3A_610 = arith.addi %mul3A_279, %add3A_609 : i32
          %add3A_611 = arith.constant 48 : i32
          %add3A_612 = arith.addi %mul3A_583, %add3A_611 : i32
          %get3A_613 = arith.index_cast %add3A_610 : i32 to index
          %get3A_614 = arith.index_cast %add3A_612 : i32 to index
          %get3A_615 = tpu.vector_load %arg10[%get3A_613, %get3A_614] {strides = array<i32>} : memref<368x128xf32, #tpu.memory_space<vmem>>, vector<1x16xf32>,
          %get3A_616 = vector.shape_cast %get3A_615 : vector<1x16xf32> to vector<16xf32>
          %add3A_617 = arith.addf %add3A_572, %get3A_616 : vector<16xf32>
          %add3A_618 = arith.constant 7 : i32
          %add3A_619 = arith.addi %add3A_282, %add3A_618 : i32
          %get3A_620 = arith.index_cast %add3A_619 : i32 to index
          %get3A_621 = tpu.vector_load %arg6[%get3A_620] {strides = array<i32>} : memref<11792xi32, #tpu.memory_space<vmem>>, vector<16xi32>,
          %get3A_622 = vector.shape_cast %get3A_621 : vector<16xi32> to vector<16xi32>
          %slice3A_623 = vector.extract_strided_slice %get3A_622 {offsets = [0], sizes = [1], strides = [1]} : vector<16xi32> to vector<1xi32>
          %squeeze3A_624 = vector.extract %slice3A_623[0] : i32 from vector<1xi32>
          %and3A_625 = arith.constant 1 : i32
          %and3A_626 = arith.andi %squeeze3A_624, %and3A_625 : i32
          %mul3A_627 = arith.constant 64 : i32
          %mul3A_628 = arith.muli %and3A_626, %mul3A_627 : i32
          %add3A_629 = arith.constant 7 : i32
          %add3A_630 = arith.addi %mul3A_279, %add3A_629 : i32
          %get3A_631 = arith.index_cast %add3A_630 : i32 to index
          %get3A_632 = arith.index_cast %mul3A_628 : i32 to index
          %get3A_633 = tpu.vector_load %arg10[%get3A_631, %get3A_632] {strides = array<i32>} : memref<368x128xf32, #tpu.memory_space<vmem>>, vector<1x16xf32>,
          %get3A_634 = vector.shape_cast %get3A_633 : vector<1x16xf32> to vector<16xf32>
          %add3A_635 = arith.addf %add3A_590, %get3A_634 : vector<16xf32>
          %add3A_636 = arith.constant 7 : i32
          %add3A_637 = arith.addi %mul3A_279, %add3A_636 : i32
          %add3A_638 = arith.constant 16 : i32
          %add3A_639 = arith.addi %mul3A_628, %add3A_638 : i32
          %get3A_640 = arith.index_cast %add3A_637 : i32 to index
          %get3A_641 = arith.index_cast %add3A_639 : i32 to index
          %get3A_642 = tpu.vector_load %arg10[%get3A_640, %get3A_641] {strides = array<i32>} : memref<368x128xf32, #tpu.memory_space<vmem>>, vector<1x16xf32>,
          %get3A_643 = vector.shape_cast %get3A_642 : vector<1x16xf32> to vector<16xf32>
          %add3A_644 = arith.addf %add3A_599, %get3A_643 : vector<16xf32>
          %add3A_645 = arith.constant 7 : i32
          %add3A_646 = arith.addi %mul3A_279, %add3A_645 : i32
          %add3A_647 = arith.constant 32 : i32
          %add3A_648 = arith.addi %mul3A_628, %add3A_647 : i32
          %get3A_649 = arith.index_cast %add3A_646 : i32 to index
          %get3A_650 = arith.index_cast %add3A_648 : i32 to index
          %get3A_651 = tpu.vector_load %arg10[%get3A_649, %get3A_650] {strides = array<i32>} : memref<368x128xf32, #tpu.memory_space<vmem>>, vector<1x16xf32>,
          %get3A_652 = vector.shape_cast %get3A_651 : vector<1x16xf32> to vector<16xf32>
          %add3A_653 = arith.addf %add3A_608, %get3A_652 : vector<16xf32>
          %add3A_654 = arith.constant 7 : i32
          %add3A_655 = arith.addi %mul3A_279, %add3A_654 : i32
          %add3A_656 = arith.constant 48 : i32
          %add3A_657 = arith.addi %mul3A_628, %add3A_656 : i32
          %get3A_658 = arith.index_cast %add3A_655 : i32 to index
          %get3A_659 = arith.index_cast %add3A_657 : i32 to index
          %get3A_660 = tpu.vector_load %arg10[%get3A_658, %get3A_659] {strides = array<i32>} : memref<368x128xf32, #tpu.memory_space<vmem>>, vector<1x16xf32>,
          %get3A_661 = vector.shape_cast %get3A_660 : vector<1x16xf32> to vector<16xf32>
          %add3A_662 = arith.addf %add3A_617, %get3A_661 : vector<16xf32>
          %add3A_663 = arith.constant 8 : i32
          %add3A_664 = arith.addi %add3A_282, %add3A_663 : i32
          %get3A_665 = arith.index_cast %add3A_664 : i32 to index
          %get3A_666 = tpu.vector_load %arg6[%get3A_665] {strides = array<i32>} : memref<11792xi32, #tpu.memory_space<vmem>>, vector<16xi32>,
          %get3A_667 = vector.shape_cast %get3A_666 : vector<16xi32> to vector<16xi32>
          %slice3A_668 = vector.extract_strided_slice %get3A_667 {offsets = [0], sizes = [1], strides = [1]} : vector<16xi32> to vector<1xi32>
          %squeeze3A_669 = vector.extract %slice3A_668[0] : i32 from vector<1xi32>
          %and3A_670 = arith.constant 1 : i32
          %and3A_671 = arith.andi %squeeze3A_669, %and3A_670 : i32
          %mul3A_672 = arith.constant 64 : i32
          %mul3A_673 = arith.muli %and3A_671, %mul3A_672 : i32
          %add3A_674 = arith.constant 8 : i32
          %add3A_675 = arith.addi %mul3A_279, %add3A_674 : i32
          %get3A_676 = arith.index_cast %add3A_675 : i32 to index
          %get3A_677 = arith.index_cast %mul3A_673 : i32 to index
          %get3A_678 = tpu.vector_load %arg10[%get3A_676, %get3A_677] {strides = array<i32>} : memref<368x128xf32, #tpu.memory_space<vmem>>, vector<1x16xf32>,
          %get3A_679 = vector.shape_cast %get3A_678 : vector<1x16xf32> to vector<16xf32>
          %add3A_680 = arith.addf %add3A_635, %get3A_679 : vector<16xf32>
          %add3A_681 = arith.constant 8 : i32
          %add3A_682 = arith.addi %mul3A_279, %add3A_681 : i32
          %add3A_683 = arith.constant 16 : i32
          %add3A_684 = arith.addi %mul3A_673, %add3A_683 : i32
          %get3A_685 = arith.index_cast %add3A_682 : i32 to index
          %get3A_686 = arith.index_cast %add3A_684 : i32 to index
          %get3A_687 = tpu.vector_load %arg10[%get3A_685, %get3A_686] {strides = array<i32>} : memref<368x128xf32, #tpu.memory_space<vmem>>, vector<1x16xf32>,
          %get3A_688 = vector.shape_cast %get3A_687 : vector<1x16xf32> to vector<16xf32>
          %add3A_689 = arith.addf %add3A_644, %get3A_688 : vector<16xf32>
          %add3A_690 = arith.constant 8 : i32
          %add3A_691 = arith.addi %mul3A_279, %add3A_690 : i32
          %add3A_692 = arith.constant 32 : i32
          %add3A_693 = arith.addi %mul3A_673, %add3A_692 : i32
          %get3A_694 = arith.index_cast %add3A_691 : i32 to index
          %get3A_695 = arith.index_cast %add3A_693 : i32 to index
          %get3A_696 = tpu.vector_load %arg10[%get3A_694, %get3A_695] {strides = array<i32>} : memref<368x128xf32, #tpu.memory_space<vmem>>, vector<1x16xf32>,
          %get3A_697 = vector.shape_cast %get3A_696 : vector<1x16xf32> to vector<16xf32>
          %add3A_698 = arith.addf %add3A_653, %get3A_697 : vector<16xf32>
          %add3A_699 = arith.constant 8 : i32
          %add3A_700 = arith.addi %mul3A_279, %add3A_699 : i32
          %add3A_701 = arith.constant 48 : i32
          %add3A_702 = arith.addi %mul3A_673, %add3A_701 : i32
          %get3A_703 = arith.index_cast %add3A_700 : i32 to index
          %get3A_704 = arith.index_cast %add3A_702 : i32 to index
          %get3A_705 = tpu.vector_load %arg10[%get3A_703, %get3A_704] {strides = array<i32>} : memref<368x128xf32, #tpu.memory_space<vmem>>, vector<1x16xf32>,
          %get3A_706 = vector.shape_cast %get3A_705 : vector<1x16xf32> to vector<16xf32>
          %add3A_707 = arith.addf %add3A_662, %get3A_706 : vector<16xf32>
          %add3A_708 = arith.constant 9 : i32
          %add3A_709 = arith.addi %add3A_282, %add3A_708 : i32
          %get3A_710 = arith.index_cast %add3A_709 : i32 to index
          %get3A_711 = tpu.vector_load %arg6[%get3A_710] {strides = array<i32>} : memref<11792xi32, #tpu.memory_space<vmem>>, vector<16xi32>,
          %get3A_712 = vector.shape_cast %get3A_711 : vector<16xi32> to vector<16xi32>
          %slice3A_713 = vector.extract_strided_slice %get3A_712 {offsets = [0], sizes = [1], strides = [1]} : vector<16xi32> to vector<1xi32>
          %squeeze3A_714 = vector.extract %slice3A_713[0] : i32 from vector<1xi32>
          %and3A_715 = arith.constant 1 : i32
          %and3A_716 = arith.andi %squeeze3A_714, %and3A_715 : i32
          %mul3A_717 = arith.constant 64 : i32
          %mul3A_718 = arith.muli %and3A_716, %mul3A_717 : i32
          %add3A_719 = arith.constant 9 : i32
          %add3A_720 = arith.addi %mul3A_279, %add3A_719 : i32
          %get3A_721 = arith.index_cast %add3A_720 : i32 to index
          %get3A_722 = arith.index_cast %mul3A_718 : i32 to index
          %get3A_723 = tpu.vector_load %arg10[%get3A_721, %get3A_722] {strides = array<i32>} : memref<368x128xf32, #tpu.memory_space<vmem>>, vector<1x16xf32>,
          %get3A_724 = vector.shape_cast %get3A_723 : vector<1x16xf32> to vector<16xf32>
          %add3A_725 = arith.addf %add3A_680, %get3A_724 : vector<16xf32>
          %add3A_726 = arith.constant 9 : i32
          %add3A_727 = arith.addi %mul3A_279, %add3A_726 : i32
          %add3A_728 = arith.constant 16 : i32
          %add3A_729 = arith.addi %mul3A_718, %add3A_728 : i32
          %get3A_730 = arith.index_cast %add3A_727 : i32 to index
          %get3A_731 = arith.index_cast %add3A_729 : i32 to index
          %get3A_732 = tpu.vector_load %arg10[%get3A_730, %get3A_731] {strides = array<i32>} : memref<368x128xf32, #tpu.memory_space<vmem>>, vector<1x16xf32>,
          %get3A_733 = vector.shape_cast %get3A_732 : vector<1x16xf32> to vector<16xf32>
          %add3A_734 = arith.addf %add3A_689, %get3A_733 : vector<16xf32>
          %add3A_735 = arith.constant 9 : i32
          %add3A_736 = arith.addi %mul3A_279, %add3A_735 : i32
          %add3A_737 = arith.constant 32 : i32
          %add3A_738 = arith.addi %mul3A_718, %add3A_737 : i32
          %get3A_739 = arith.index_cast %add3A_736 : i32 to index
          %get3A_740 = arith.index_cast %add3A_738 : i32 to index
          %get3A_741 = tpu.vector_load %arg10[%get3A_739, %get3A_740] {strides = array<i32>} : memref<368x128xf32, #tpu.memory_space<vmem>>, vector<1x16xf32>,
          %get3A_742 = vector.shape_cast %get3A_741 : vector<1x16xf32> to vector<16xf32>
          %add3A_743 = arith.addf %add3A_698, %get3A_742 : vector<16xf32>
          %add3A_744 = arith.constant 9 : i32
          %add3A_745 = arith.addi %mul3A_279, %add3A_744 : i32
          %add3A_746 = arith.constant 48 : i32
          %add3A_747 = arith.addi %mul3A_718, %add3A_746 : i32
          %get3A_748 = arith.index_cast %add3A_745 : i32 to index
          %get3A_749 = arith.index_cast %add3A_747 : i32 to index
          %get3A_750 = tpu.vector_load %arg10[%get3A_748, %get3A_749] {strides = array<i32>} : memref<368x128xf32, #tpu.memory_space<vmem>>, vector<1x16xf32>,
          %get3A_751 = vector.shape_cast %get3A_750 : vector<1x16xf32> to vector<16xf32>
          %add3A_752 = arith.addf %add3A_707, %get3A_751 : vector<16xf32>
          %add3A_753 = arith.constant 10 : i32
          %add3A_754 = arith.addi %add3A_282, %add3A_753 : i32
          %get3A_755 = arith.index_cast %add3A_754 : i32 to index
          %get3A_756 = tpu.vector_load %arg6[%get3A_755] {strides = array<i32>} : memref<11792xi32, #tpu.memory_space<vmem>>, vector<16xi32>,
          %get3A_757 = vector.shape_cast %get3A_756 : vector<16xi32> to vector<16xi32>
          %slice3A_758 = vector.extract_strided_slice %get3A_757 {offsets = [0], sizes = [1], strides = [1]} : vector<16xi32> to vector<1xi32>
          %squeeze3A_759 = vector.extract %slice3A_758[0] : i32 from vector<1xi32>
          %and3A_760 = arith.constant 1 : i32
          %and3A_761 = arith.andi %squeeze3A_759, %and3A_760 : i32
          %mul3A_762 = arith.constant 64 : i32
          %mul3A_763 = arith.muli %and3A_761, %mul3A_762 : i32
          %add3A_764 = arith.constant 10 : i32
          %add3A_765 = arith.addi %mul3A_279, %add3A_764 : i32
          %get3A_766 = arith.index_cast %add3A_765 : i32 to index
          %get3A_767 = arith.index_cast %mul3A_763 : i32 to index
          %get3A_768 = tpu.vector_load %arg10[%get3A_766, %get3A_767] {strides = array<i32>} : memref<368x128xf32, #tpu.memory_space<vmem>>, vector<1x16xf32>,
          %get3A_769 = vector.shape_cast %get3A_768 : vector<1x16xf32> to vector<16xf32>
          %add3A_770 = arith.addf %add3A_725, %get3A_769 : vector<16xf32>
          %add3A_771 = arith.constant 10 : i32
          %add3A_772 = arith.addi %mul3A_279, %add3A_771 : i32
          %add3A_773 = arith.constant 16 : i32
          %add3A_774 = arith.addi %mul3A_763, %add3A_773 : i32
          %get3A_775 = arith.index_cast %add3A_772 : i32 to index
          %get3A_776 = arith.index_cast %add3A_774 : i32 to index
          %get3A_777 = tpu.vector_load %arg10[%get3A_775, %get3A_776] {strides = array<i32>} : memref<368x128xf32, #tpu.memory_space<vmem>>, vector<1x16xf32>,
          %get3A_778 = vector.shape_cast %get3A_777 : vector<1x16xf32> to vector<16xf32>
          %add3A_779 = arith.addf %add3A_734, %get3A_778 : vector<16xf32>
          %add3A_780 = arith.constant 10 : i32
          %add3A_781 = arith.addi %mul3A_279, %add3A_780 : i32
          %add3A_782 = arith.constant 32 : i32
          %add3A_783 = arith.addi %mul3A_763, %add3A_782 : i32
          %get3A_784 = arith.index_cast %add3A_781 : i32 to index
          %get3A_785 = arith.index_cast %add3A_783 : i32 to index
          %get3A_786 = tpu.vector_load %arg10[%get3A_784, %get3A_785] {strides = array<i32>} : memref<368x128xf32, #tpu.memory_space<vmem>>, vector<1x16xf32>,
          %get3A_787 = vector.shape_cast %get3A_786 : vector<1x16xf32> to vector<16xf32>
          %add3A_788 = arith.addf %add3A_743, %get3A_787 : vector<16xf32>
          %add3A_789 = arith.constant 10 : i32
          %add3A_790 = arith.addi %mul3A_279, %add3A_789 : i32
          %add3A_791 = arith.constant 48 : i32
          %add3A_792 = arith.addi %mul3A_763, %add3A_791 : i32
          %get3A_793 = arith.index_cast %add3A_790 : i32 to index
          %get3A_794 = arith.index_cast %add3A_792 : i32 to index
          %get3A_795 = tpu.vector_load %arg10[%get3A_793, %get3A_794] {strides = array<i32>} : memref<368x128xf32, #tpu.memory_space<vmem>>, vector<1x16xf32>,
          %get3A_796 = vector.shape_cast %get3A_795 : vector<1x16xf32> to vector<16xf32>
          %add3A_797 = arith.addf %add3A_752, %get3A_796 : vector<16xf32>
          %add3A_798 = arith.constant 11 : i32
          %add3A_799 = arith.addi %add3A_282, %add3A_798 : i32
          %get3A_800 = arith.index_cast %add3A_799 : i32 to index
          %get3A_801 = tpu.vector_load %arg6[%get3A_800] {strides = array<i32>} : memref<11792xi32, #tpu.memory_space<vmem>>, vector<16xi32>,
          %get3A_802 = vector.shape_cast %get3A_801 : vector<16xi32> to vector<16xi32>
          %slice3A_803 = vector.extract_strided_slice %get3A_802 {offsets = [0], sizes = [1], strides = [1]} : vector<16xi32> to vector<1xi32>
          %squeeze3A_804 = vector.extract %slice3A_803[0] : i32 from vector<1xi32>
          %and3A_805 = arith.constant 1 : i32
          %and3A_806 = arith.andi %squeeze3A_804, %and3A_805 : i32
          %mul3A_807 = arith.constant 64 : i32
          %mul3A_808 = arith.muli %and3A_806, %mul3A_807 : i32
          %add3A_809 = arith.constant 11 : i32
          %add3A_810 = arith.addi %mul3A_279, %add3A_809 : i32
          %get3A_811 = arith.index_cast %add3A_810 : i32 to index
          %get3A_812 = arith.index_cast %mul3A_808 : i32 to index
          %get3A_813 = tpu.vector_load %arg10[%get3A_811, %get3A_812] {strides = array<i32>} : memref<368x128xf32, #tpu.memory_space<vmem>>, vector<1x16xf32>,
          %get3A_814 = vector.shape_cast %get3A_813 : vector<1x16xf32> to vector<16xf32>
          %add3A_815 = arith.addf %add3A_770, %get3A_814 : vector<16xf32>
          %add3A_816 = arith.constant 11 : i32
          %add3A_817 = arith.addi %mul3A_279, %add3A_816 : i32
          %add3A_818 = arith.constant 16 : i32
          %add3A_819 = arith.addi %mul3A_808, %add3A_818 : i32
          %get3A_820 = arith.index_cast %add3A_817 : i32 to index
          %get3A_821 = arith.index_cast %add3A_819 : i32 to index
          %get3A_822 = tpu.vector_load %arg10[%get3A_820, %get3A_821] {strides = array<i32>} : memref<368x128xf32, #tpu.memory_space<vmem>>, vector<1x16xf32>,
          %get3A_823 = vector.shape_cast %get3A_822 : vector<1x16xf32> to vector<16xf32>
          %add3A_824 = arith.addf %add3A_779, %get3A_823 : vector<16xf32>
          %add3A_825 = arith.constant 11 : i32
          %add3A_826 = arith.addi %mul3A_279, %add3A_825 : i32
          %add3A_827 = arith.constant 32 : i32
          %add3A_828 = arith.addi %mul3A_808, %add3A_827 : i32
          %get3A_829 = arith.index_cast %add3A_826 : i32 to index
          %get3A_830 = arith.index_cast %add3A_828 : i32 to index
          %get3A_831 = tpu.vector_load %arg10[%get3A_829, %get3A_830] {strides = array<i32>} : memref<368x128xf32, #tpu.memory_space<vmem>>, vector<1x16xf32>,
          %get3A_832 = vector.shape_cast %get3A_831 : vector<1x16xf32> to vector<16xf32>
          %add3A_833 = arith.addf %add3A_788, %get3A_832 : vector<16xf32>
          %add3A_834 = arith.constant 11 : i32
          %add3A_835 = arith.addi %mul3A_279, %add3A_834 : i32
          %add3A_836 = arith.constant 48 : i32
          %add3A_837 = arith.addi %mul3A_808, %add3A_836 : i32
          %get3A_838 = arith.index_cast %add3A_835 : i32 to index
          %get3A_839 = arith.index_cast %add3A_837 : i32 to index
          %get3A_840 = tpu.vector_load %arg10[%get3A_838, %get3A_839] {strides = array<i32>} : memref<368x128xf32, #tpu.memory_space<vmem>>, vector<1x16xf32>,
          %get3A_841 = vector.shape_cast %get3A_840 : vector<1x16xf32> to vector<16xf32>
          %add3A_842 = arith.addf %add3A_797, %get3A_841 : vector<16xf32>
          %add3A_843 = arith.constant 12 : i32
          %add3A_844 = arith.addi %add3A_282, %add3A_843 : i32
          %get3A_845 = arith.index_cast %add3A_844 : i32 to index
          %get3A_846 = tpu.vector_load %arg6[%get3A_845] {strides = array<i32>} : memref<11792xi32, #tpu.memory_space<vmem>>, vector<16xi32>,
          %get3A_847 = vector.shape_cast %get3A_846 : vector<16xi32> to vector<16xi32>
          %slice3A_848 = vector.extract_strided_slice %get3A_847 {offsets = [0], sizes = [1], strides = [1]} : vector<16xi32> to vector<1xi32>
          %squeeze3A_849 = vector.extract %slice3A_848[0] : i32 from vector<1xi32>
          %and3A_850 = arith.constant 1 : i32
          %and3A_851 = arith.andi %squeeze3A_849, %and3A_850 : i32
          %mul3A_852 = arith.constant 64 : i32
          %mul3A_853 = arith.muli %and3A_851, %mul3A_852 : i32
          %add3A_854 = arith.constant 12 : i32
          %add3A_855 = arith.addi %mul3A_279, %add3A_854 : i32
          %get3A_856 = arith.index_cast %add3A_855 : i32 to index
          %get3A_857 = arith.index_cast %mul3A_853 : i32 to index
          %get3A_858 = tpu.vector_load %arg10[%get3A_856, %get3A_857] {strides = array<i32>} : memref<368x128xf32, #tpu.memory_space<vmem>>, vector<1x16xf32>,
          %get3A_859 = vector.shape_cast %get3A_858 : vector<1x16xf32> to vector<16xf32>
          %add3A_860 = arith.addf %add3A_815, %get3A_859 : vector<16xf32>
          %add3A_861 = arith.constant 12 : i32
          %add3A_862 = arith.addi %mul3A_279, %add3A_861 : i32
          %add3A_863 = arith.constant 16 : i32
          %add3A_864 = arith.addi %mul3A_853, %add3A_863 : i32
          %get3A_865 = arith.index_cast %add3A_862 : i32 to index
          %get3A_866 = arith.index_cast %add3A_864 : i32 to index
          %get3A_867 = tpu.vector_load %arg10[%get3A_865, %get3A_866] {strides = array<i32>} : memref<368x128xf32, #tpu.memory_space<vmem>>, vector<1x16xf32>,
          %get3A_868 = vector.shape_cast %get3A_867 : vector<1x16xf32> to vector<16xf32>
          %add3A_869 = arith.addf %add3A_824, %get3A_868 : vector<16xf32>
          %add3A_870 = arith.constant 12 : i32
          %add3A_871 = arith.addi %mul3A_279, %add3A_870 : i32
          %add3A_872 = arith.constant 32 : i32
          %add3A_873 = arith.addi %mul3A_853, %add3A_872 : i32
          %get3A_874 = arith.index_cast %add3A_871 : i32 to index
          %get3A_875 = arith.index_cast %add3A_873 : i32 to index
          %get3A_876 = tpu.vector_load %arg10[%get3A_874, %get3A_875] {strides = array<i32>} : memref<368x128xf32, #tpu.memory_space<vmem>>, vector<1x16xf32>,
          %get3A_877 = vector.shape_cast %get3A_876 : vector<1x16xf32> to vector<16xf32>
          %add3A_878 = arith.addf %add3A_833, %get3A_877 : vector<16xf32>
          %add3A_879 = arith.constant 12 : i32
          %add3A_880 = arith.addi %mul3A_279, %add3A_879 : i32
          %add3A_881 = arith.constant 48 : i32
          %add3A_882 = arith.addi %mul3A_853, %add3A_881 : i32
          %get3A_883 = arith.index_cast %add3A_880 : i32 to index
          %get3A_884 = arith.index_cast %add3A_882 : i32 to index
          %get3A_885 = tpu.vector_load %arg10[%get3A_883, %get3A_884] {strides = array<i32>} : memref<368x128xf32, #tpu.memory_space<vmem>>, vector<1x16xf32>,
          %get3A_886 = vector.shape_cast %get3A_885 : vector<1x16xf32> to vector<16xf32>
          %add3A_887 = arith.addf %add3A_842, %get3A_886 : vector<16xf32>
          %add3A_888 = arith.constant 13 : i32
          %add3A_889 = arith.addi %add3A_282, %add3A_888 : i32
          %get3A_890 = arith.index_cast %add3A_889 : i32 to index
          %get3A_891 = tpu.vector_load %arg6[%get3A_890] {strides = array<i32>} : memref<11792xi32, #tpu.memory_space<vmem>>, vector<16xi32>,
          %get3A_892 = vector.shape_cast %get3A_891 : vector<16xi32> to vector<16xi32>
          %slice3A_893 = vector.extract_strided_slice %get3A_892 {offsets = [0], sizes = [1], strides = [1]} : vector<16xi32> to vector<1xi32>
          %squeeze3A_894 = vector.extract %slice3A_893[0] : i32 from vector<1xi32>
          %and3A_895 = arith.constant 1 : i32
          %and3A_896 = arith.andi %squeeze3A_894, %and3A_895 : i32
          %mul3A_897 = arith.constant 64 : i32
          %mul3A_898 = arith.muli %and3A_896, %mul3A_897 : i32
          %add3A_899 = arith.constant 13 : i32
          %add3A_900 = arith.addi %mul3A_279, %add3A_899 : i32
          %get3A_901 = arith.index_cast %add3A_900 : i32 to index
          %get3A_902 = arith.index_cast %mul3A_898 : i32 to index
          %get3A_903 = tpu.vector_load %arg10[%get3A_901, %get3A_902] {strides = array<i32>} : memref<368x128xf32, #tpu.memory_space<vmem>>, vector<1x16xf32>,
          %get3A_904 = vector.shape_cast %get3A_903 : vector<1x16xf32> to vector<16xf32>
          %add3A_905 = arith.addf %add3A_860, %get3A_904 : vector<16xf32>
          %add3A_906 = arith.constant 13 : i32
          %add3A_907 = arith.addi %mul3A_279, %add3A_906 : i32
          %add3A_908 = arith.constant 16 : i32
          %add3A_909 = arith.addi %mul3A_898, %add3A_908 : i32
          %get3A_910 = arith.index_cast %add3A_907 : i32 to index
          %get3A_911 = arith.index_cast %add3A_909 : i32 to index
          %get3A_912 = tpu.vector_load %arg10[%get3A_910, %get3A_911] {strides = array<i32>} : memref<368x128xf32, #tpu.memory_space<vmem>>, vector<1x16xf32>,
          %get3A_913 = vector.shape_cast %get3A_912 : vector<1x16xf32> to vector<16xf32>
          %add3A_914 = arith.addf %add3A_869, %get3A_913 : vector<16xf32>
          %add3A_915 = arith.constant 13 : i32
          %add3A_916 = arith.addi %mul3A_279, %add3A_915 : i32
          %add3A_917 = arith.constant 32 : i32
          %add3A_918 = arith.addi %mul3A_898, %add3A_917 : i32
          %get3A_919 = arith.index_cast %add3A_916 : i32 to index
          %get3A_920 = arith.index_cast %add3A_918 : i32 to index
          %get3A_921 = tpu.vector_load %arg10[%get3A_919, %get3A_920] {strides = array<i32>} : memref<368x128xf32, #tpu.memory_space<vmem>>, vector<1x16xf32>,
          %get3A_922 = vector.shape_cast %get3A_921 : vector<1x16xf32> to vector<16xf32>
          %add3A_923 = arith.addf %add3A_878, %get3A_922 : vector<16xf32>
          %add3A_924 = arith.constant 13 : i32
          %add3A_925 = arith.addi %mul3A_279, %add3A_924 : i32
          %add3A_926 = arith.constant 48 : i32
          %add3A_927 = arith.addi %mul3A_898, %add3A_926 : i32
          %get3A_928 = arith.index_cast %add3A_925 : i32 to index
          %get3A_929 = arith.index_cast %add3A_927 : i32 to index
          %get3A_930 = tpu.vector_load %arg10[%get3A_928, %get3A_929] {strides = array<i32>} : memref<368x128xf32, #tpu.memory_space<vmem>>, vector<1x16xf32>,
          %get3A_931 = vector.shape_cast %get3A_930 : vector<1x16xf32> to vector<16xf32>
          %add3A_932 = arith.addf %add3A_887, %get3A_931 : vector<16xf32>
          %add3A_933 = arith.constant 14 : i32
          %add3A_934 = arith.addi %add3A_282, %add3A_933 : i32
          %get3A_935 = arith.index_cast %add3A_934 : i32 to index
          %get3A_936 = tpu.vector_load %arg6[%get3A_935] {strides = array<i32>} : memref<11792xi32, #tpu.memory_space<vmem>>, vector<16xi32>,
          %get3A_937 = vector.shape_cast %get3A_936 : vector<16xi32> to vector<16xi32>
          %slice3A_938 = vector.extract_strided_slice %get3A_937 {offsets = [0], sizes = [1], strides = [1]} : vector<16xi32> to vector<1xi32>
          %squeeze3A_939 = vector.extract %slice3A_938[0] : i32 from vector<1xi32>
          %and3A_940 = arith.constant 1 : i32
          %and3A_941 = arith.andi %squeeze3A_939, %and3A_940 : i32
          %mul3A_942 = arith.constant 64 : i32
          %mul3A_943 = arith.muli %and3A_941, %mul3A_942 : i32
          %add3A_944 = arith.constant 14 : i32
          %add3A_945 = arith.addi %mul3A_279, %add3A_944 : i32
          %get3A_946 = arith.index_cast %add3A_945 : i32 to index
          %get3A_947 = arith.index_cast %mul3A_943 : i32 to index
          %get3A_948 = tpu.vector_load %arg10[%get3A_946, %get3A_947] {strides = array<i32>} : memref<368x128xf32, #tpu.memory_space<vmem>>, vector<1x16xf32>,
          %get3A_949 = vector.shape_cast %get3A_948 : vector<1x16xf32> to vector<16xf32>
          %add3A_950 = arith.addf %add3A_905, %get3A_949 : vector<16xf32>
          %add3A_951 = arith.constant 14 : i32
          %add3A_952 = arith.addi %mul3A_279, %add3A_951 : i32
          %add3A_953 = arith.constant 16 : i32
          %add3A_954 = arith.addi %mul3A_943, %add3A_953 : i32
          %get3A_955 = arith.index_cast %add3A_952 : i32 to index
          %get3A_956 = arith.index_cast %add3A_954 : i32 to index
          %get3A_957 = tpu.vector_load %arg10[%get3A_955, %get3A_956] {strides = array<i32>} : memref<368x128xf32, #tpu.memory_space<vmem>>, vector<1x16xf32>,
          %get3A_958 = vector.shape_cast %get3A_957 : vector<1x16xf32> to vector<16xf32>
          %add3A_959 = arith.addf %add3A_914, %get3A_958 : vector<16xf32>
          %add3A_960 = arith.constant 14 : i32
          %add3A_961 = arith.addi %mul3A_279, %add3A_960 : i32
          %add3A_962 = arith.constant 32 : i32
          %add3A_963 = arith.addi %mul3A_943, %add3A_962 : i32
          %get3A_964 = arith.index_cast %add3A_961 : i32 to index
          %get3A_965 = arith.index_cast %add3A_963 : i32 to index
          %get3A_966 = tpu.vector_load %arg10[%get3A_964, %get3A_965] {strides = array<i32>} : memref<368x128xf32, #tpu.memory_space<vmem>>, vector<1x16xf32>,
          %get3A_967 = vector.shape_cast %get3A_966 : vector<1x16xf32> to vector<16xf32>
          %add3A_968 = arith.addf %add3A_923, %get3A_967 : vector<16xf32>
          %add3A_969 = arith.constant 14 : i32
          %add3A_970 = arith.addi %mul3A_279, %add3A_969 : i32
          %add3A_971 = arith.constant 48 : i32
          %add3A_972 = arith.addi %mul3A_943, %add3A_971 : i32
          %get3A_973 = arith.index_cast %add3A_970 : i32 to index
          %get3A_974 = arith.index_cast %add3A_972 : i32 to index
          %get3A_975 = tpu.vector_load %arg10[%get3A_973, %get3A_974] {strides = array<i32>} : memref<368x128xf32, #tpu.memory_space<vmem>>, vector<1x16xf32>,
          %get3A_976 = vector.shape_cast %get3A_975 : vector<1x16xf32> to vector<16xf32>
          %add3A_977 = arith.addf %add3A_932, %get3A_976 : vector<16xf32>
          %add3A_978 = arith.constant 15 : i32
          %add3A_979 = arith.addi %add3A_282, %add3A_978 : i32
          %get3A_980 = arith.index_cast %add3A_979 : i32 to index
          %get3A_981 = tpu.vector_load %arg6[%get3A_980] {strides = array<i32>} : memref<11792xi32, #tpu.memory_space<vmem>>, vector<16xi32>,
          %get3A_982 = vector.shape_cast %get3A_981 : vector<16xi32> to vector<16xi32>
          %slice3A_983 = vector.extract_strided_slice %get3A_982 {offsets = [0], sizes = [1], strides = [1]} : vector<16xi32> to vector<1xi32>
          %squeeze3A_984 = vector.extract %slice3A_983[0] : i32 from vector<1xi32>
          %and3A_985 = arith.constant 1 : i32
          %and3A_986 = arith.andi %squeeze3A_984, %and3A_985 : i32
          %mul3A_987 = arith.constant 64 : i32
          %mul3A_988 = arith.muli %and3A_986, %mul3A_987 : i32
          %add3A_989 = arith.constant 15 : i32
          %add3A_990 = arith.addi %mul3A_279, %add3A_989 : i32
          %get3A_991 = arith.index_cast %add3A_990 : i32 to index
          %get3A_992 = arith.index_cast %mul3A_988 : i32 to index
          %get3A_993 = tpu.vector_load %arg10[%get3A_991, %get3A_992] {strides = array<i32>} : memref<368x128xf32, #tpu.memory_space<vmem>>, vector<1x16xf32>,
          %get3A_994 = vector.shape_cast %get3A_993 : vector<1x16xf32> to vector<16xf32>
          %add3A_995 = arith.addf %add3A_950, %get3A_994 : vector<16xf32>
          %add3A_996 = arith.constant 15 : i32
          %add3A_997 = arith.addi %mul3A_279, %add3A_996 : i32
          %add3A_998 = arith.constant 16 : i32
          %add3A_999 = arith.addi %mul3A_988, %add3A_998 : i32
          %get3A_1000 = arith.index_cast %add3A_997 : i32 to index
          %get3A_1001 = arith.index_cast %add3A_999 : i32 to index
          %get3A_1002 = tpu.vector_load %arg10[%get3A_1000, %get3A_1001] {strides = array<i32>} : memref<368x128xf32, #tpu.memory_space<vmem>>, vector<1x16xf32>,
          %get3A_1003 = vector.shape_cast %get3A_1002 : vector<1x16xf32> to vector<16xf32>
          %add3A_1004 = arith.addf %add3A_959, %get3A_1003 : vector<16xf32>
          %add3A_1005 = arith.constant 15 : i32
          %add3A_1006 = arith.addi %mul3A_279, %add3A_1005 : i32
          %add3A_1007 = arith.constant 32 : i32
          %add3A_1008 = arith.addi %mul3A_988, %add3A_1007 : i32
          %get3A_1009 = arith.index_cast %add3A_1006 : i32 to index
          %get3A_1010 = arith.index_cast %add3A_1008 : i32 to index
          %get3A_1011 = tpu.vector_load %arg10[%get3A_1009, %get3A_1010] {strides = array<i32>} : memref<368x128xf32, #tpu.memory_space<vmem>>, vector<1x16xf32>,
          %get3A_1012 = vector.shape_cast %get3A_1011 : vector<1x16xf32> to vector<16xf32>
          %add3A_1013 = arith.addf %add3A_968, %get3A_1012 : vector<16xf32>
          %add3A_1014 = arith.constant 15 : i32
          %add3A_1015 = arith.addi %mul3A_279, %add3A_1014 : i32
          %add3A_1016 = arith.constant 48 : i32
          %add3A_1017 = arith.addi %mul3A_988, %add3A_1016 : i32
          %get3A_1018 = arith.index_cast %add3A_1015 : i32 to index
          %get3A_1019 = arith.index_cast %add3A_1017 : i32 to index
          %get3A_1020 = tpu.vector_load %arg10[%get3A_1018, %get3A_1019] {strides = array<i32>} : memref<368x128xf32, #tpu.memory_space<vmem>>, vector<1x16xf32>,
          %get3A_1021 = vector.shape_cast %get3A_1020 : vector<1x16xf32> to vector<16xf32>
          %add3A_1022 = arith.addf %add3A_977, %get3A_1021 : vector<16xf32>
          %add3A_1023 = arith.constant 16 : i32
          %add3A_1024 = arith.addi %add3A_282, %add3A_1023 : i32
          %get3A_1025 = arith.index_cast %add3A_1024 : i32 to index
          %get3A_1026 = tpu.vector_load %arg6[%get3A_1025] {strides = array<i32>} : memref<11792xi32, #tpu.memory_space<vmem>>, vector<16xi32>,
          %get3A_1027 = vector.shape_cast %get3A_1026 : vector<16xi32> to vector<16xi32>
          %slice3A_1028 = vector.extract_strided_slice %get3A_1027 {offsets = [0], sizes = [1], strides = [1]} : vector<16xi32> to vector<1xi32>
          %squeeze3A_1029 = vector.extract %slice3A_1028[0] : i32 from vector<1xi32>
          %and3A_1030 = arith.constant 1 : i32
          %and3A_1031 = arith.andi %squeeze3A_1029, %and3A_1030 : i32
          %mul3A_1032 = arith.constant 64 : i32
          %mul3A_1033 = arith.muli %and3A_1031, %mul3A_1032 : i32
          %add3A_1034 = arith.constant 16 : i32
          %add3A_1035 = arith.addi %mul3A_279, %add3A_1034 : i32
          %get3A_1036 = arith.index_cast %add3A_1035 : i32 to index
          %get3A_1037 = arith.index_cast %mul3A_1033 : i32 to index
          %get3A_1038 = tpu.vector_load %arg10[%get3A_1036, %get3A_1037] {strides = array<i32>} : memref<368x128xf32, #tpu.memory_space<vmem>>, vector<1x16xf32>,
          %get3A_1039 = vector.shape_cast %get3A_1038 : vector<1x16xf32> to vector<16xf32>
          %add3A_1040 = arith.addf %add3A_995, %get3A_1039 : vector<16xf32>
          %add3A_1041 = arith.constant 16 : i32
          %add3A_1042 = arith.addi %mul3A_279, %add3A_1041 : i32
          %add3A_1043 = arith.constant 16 : i32
          %add3A_1044 = arith.addi %mul3A_1033, %add3A_1043 : i32
          %get3A_1045 = arith.index_cast %add3A_1042 : i32 to index
          %get3A_1046 = arith.index_cast %add3A_1044 : i32 to index
          %get3A_1047 = tpu.vector_load %arg10[%get3A_1045, %get3A_1046] {strides = array<i32>} : memref<368x128xf32, #tpu.memory_space<vmem>>, vector<1x16xf32>,
          %get3A_1048 = vector.shape_cast %get3A_1047 : vector<1x16xf32> to vector<16xf32>
          %add3A_1049 = arith.addf %add3A_1004, %get3A_1048 : vector<16xf32>
          %add3A_1050 = arith.constant 16 : i32
          %add3A_1051 = arith.addi %mul3A_279, %add3A_1050 : i32
          %add3A_1052 = arith.constant 32 : i32
          %add3A_1053 = arith.addi %mul3A_1033, %add3A_1052 : i32
          %get3A_1054 = arith.index_cast %add3A_1051 : i32 to index
          %get3A_1055 = arith.index_cast %add3A_1053 : i32 to index
          %get3A_1056 = tpu.vector_load %arg10[%get3A_1054, %get3A_1055] {strides = array<i32>} : memref<368x128xf32, #tpu.memory_space<vmem>>, vector<1x16xf32>,
          %get3A_1057 = vector.shape_cast %get3A_1056 : vector<1x16xf32> to vector<16xf32>
          %add3A_1058 = arith.addf %add3A_1013, %get3A_1057 : vector<16xf32>
          %add3A_1059 = arith.constant 16 : i32
          %add3A_1060 = arith.addi %mul3A_279, %add3A_1059 : i32
          %add3A_1061 = arith.constant 48 : i32
          %add3A_1062 = arith.addi %mul3A_1033, %add3A_1061 : i32
          %get3A_1063 = arith.index_cast %add3A_1060 : i32 to index
          %get3A_1064 = arith.index_cast %add3A_1062 : i32 to index
          %get3A_1065 = tpu.vector_load %arg10[%get3A_1063, %get3A_1064] {strides = array<i32>} : memref<368x128xf32, #tpu.memory_space<vmem>>, vector<1x16xf32>,
          %get3A_1066 = vector.shape_cast %get3A_1065 : vector<1x16xf32> to vector<16xf32>
          %add3A_1067 = arith.addf %add3A_1022, %get3A_1066 : vector<16xf32>
          %add3A_1068 = arith.constant 17 : i32
          %add3A_1069 = arith.addi %add3A_282, %add3A_1068 : i32
          %get3A_1070 = arith.index_cast %add3A_1069 : i32 to index
          %get3A_1071 = tpu.vector_load %arg6[%get3A_1070] {strides = array<i32>} : memref<11792xi32, #tpu.memory_space<vmem>>, vector<16xi32>,
          %get3A_1072 = vector.shape_cast %get3A_1071 : vector<16xi32> to vector<16xi32>
          %slice3A_1073 = vector.extract_strided_slice %get3A_1072 {offsets = [0], sizes = [1], strides = [1]} : vector<16xi32> to vector<1xi32>
          %squeeze3A_1074 = vector.extract %slice3A_1073[0] : i32 from vector<1xi32>
          %and3A_1075 = arith.constant 1 : i32
          %and3A_1076 = arith.andi %squeeze3A_1074, %and3A_1075 : i32
          %mul3A_1077 = arith.constant 64 : i32
          %mul3A_1078 = arith.muli %and3A_1076, %mul3A_1077 : i32
          %add3A_1079 = arith.constant 17 : i32
          %add3A_1080 = arith.addi %mul3A_279, %add3A_1079 : i32
          %get3A_1081 = arith.index_cast %add3A_1080 : i32 to index
          %get3A_1082 = arith.index_cast %mul3A_1078 : i32 to index
          %get3A_1083 = tpu.vector_load %arg10[%get3A_1081, %get3A_1082] {strides = array<i32>} : memref<368x128xf32, #tpu.memory_space<vmem>>, vector<1x16xf32>,
          %get3A_1084 = vector.shape_cast %get3A_1083 : vector<1x16xf32> to vector<16xf32>
          %add3A_1085 = arith.addf %add3A_1040, %get3A_1084 : vector<16xf32>
          %add3A_1086 = arith.constant 17 : i32
          %add3A_1087 = arith.addi %mul3A_279, %add3A_1086 : i32
          %add3A_1088 = arith.constant 16 : i32
          %add3A_1089 = arith.addi %mul3A_1078, %add3A_1088 : i32
          %get3A_1090 = arith.index_cast %add3A_1087 : i32 to index
          %get3A_1091 = arith.index_cast %add3A_1089 : i32 to index
          %get3A_1092 = tpu.vector_load %arg10[%get3A_1090, %get3A_1091] {strides = array<i32>} : memref<368x128xf32, #tpu.memory_space<vmem>>, vector<1x16xf32>,
          %get3A_1093 = vector.shape_cast %get3A_1092 : vector<1x16xf32> to vector<16xf32>
          %add3A_1094 = arith.addf %add3A_1049, %get3A_1093 : vector<16xf32>
          %add3A_1095 = arith.constant 17 : i32
          %add3A_1096 = arith.addi %mul3A_279, %add3A_1095 : i32
          %add3A_1097 = arith.constant 32 : i32
          %add3A_1098 = arith.addi %mul3A_1078, %add3A_1097 : i32
          %get3A_1099 = arith.index_cast %add3A_1096 : i32 to index
          %get3A_1100 = arith.index_cast %add3A_1098 : i32 to index
          %get3A_1101 = tpu.vector_load %arg10[%get3A_1099, %get3A_1100] {strides = array<i32>} : memref<368x128xf32, #tpu.memory_space<vmem>>, vector<1x16xf32>,
          %get3A_1102 = vector.shape_cast %get3A_1101 : vector<1x16xf32> to vector<16xf32>
          %add3A_1103 = arith.addf %add3A_1058, %get3A_1102 : vector<16xf32>
          %add3A_1104 = arith.constant 17 : i32
          %add3A_1105 = arith.addi %mul3A_279, %add3A_1104 : i32
          %add3A_1106 = arith.constant 48 : i32
          %add3A_1107 = arith.addi %mul3A_1078, %add3A_1106 : i32
          %get3A_1108 = arith.index_cast %add3A_1105 : i32 to index
          %get3A_1109 = arith.index_cast %add3A_1107 : i32 to index
          %get3A_1110 = tpu.vector_load %arg10[%get3A_1108, %get3A_1109] {strides = array<i32>} : memref<368x128xf32, #tpu.memory_space<vmem>>, vector<1x16xf32>,
          %get3A_1111 = vector.shape_cast %get3A_1110 : vector<1x16xf32> to vector<16xf32>
          %add3A_1112 = arith.addf %add3A_1067, %get3A_1111 : vector<16xf32>
          %add3A_1113 = arith.constant 18 : i32
          %add3A_1114 = arith.addi %add3A_282, %add3A_1113 : i32
          %get3A_1115 = arith.index_cast %add3A_1114 : i32 to index
          %get3A_1116 = tpu.vector_load %arg6[%get3A_1115] {strides = array<i32>} : memref<11792xi32, #tpu.memory_space<vmem>>, vector<16xi32>,
          %get3A_1117 = vector.shape_cast %get3A_1116 : vector<16xi32> to vector<16xi32>
          %slice3A_1118 = vector.extract_strided_slice %get3A_1117 {offsets = [0], sizes = [1], strides = [1]} : vector<16xi32> to vector<1xi32>
          %squeeze3A_1119 = vector.extract %slice3A_1118[0] : i32 from vector<1xi32>
          %and3A_1120 = arith.constant 1 : i32
          %and3A_1121 = arith.andi %squeeze3A_1119, %and3A_1120 : i32
          %mul3A_1122 = arith.constant 64 : i32
          %mul3A_1123 = arith.muli %and3A_1121, %mul3A_1122 : i32
          %add3A_1124 = arith.constant 18 : i32
          %add3A_1125 = arith.addi %mul3A_279, %add3A_1124 : i32
          %get3A_1126 = arith.index_cast %add3A_1125 : i32 to index
          %get3A_1127 = arith.index_cast %mul3A_1123 : i32 to index
          %get3A_1128 = tpu.vector_load %arg10[%get3A_1126, %get3A_1127] {strides = array<i32>} : memref<368x128xf32, #tpu.memory_space<vmem>>, vector<1x16xf32>,
          %get3A_1129 = vector.shape_cast %get3A_1128 : vector<1x16xf32> to vector<16xf32>
          %add3A_1130 = arith.addf %add3A_1085, %get3A_1129 : vector<16xf32>
          %add3A_1131 = arith.constant 18 : i32
          %add3A_1132 = arith.addi %mul3A_279, %add3A_1131 : i32
          %add3A_1133 = arith.constant 16 : i32
          %add3A_1134 = arith.addi %mul3A_1123, %add3A_1133 : i32
          %get3A_1135 = arith.index_cast %add3A_1132 : i32 to index
          %get3A_1136 = arith.index_cast %add3A_1134 : i32 to index
          %get3A_1137 = tpu.vector_load %arg10[%get3A_1135, %get3A_1136] {strides = array<i32>} : memref<368x128xf32, #tpu.memory_space<vmem>>, vector<1x16xf32>,
          %get3A_1138 = vector.shape_cast %get3A_1137 : vector<1x16xf32> to vector<16xf32>
          %add3A_1139 = arith.addf %add3A_1094, %get3A_1138 : vector<16xf32>
          %add3A_1140 = arith.constant 18 : i32
          %add3A_1141 = arith.addi %mul3A_279, %add3A_1140 : i32
          %add3A_1142 = arith.constant 32 : i32
          %add3A_1143 = arith.addi %mul3A_1123, %add3A_1142 : i32
          %get3A_1144 = arith.index_cast %add3A_1141 : i32 to index
          %get3A_1145 = arith.index_cast %add3A_1143 : i32 to index
          %get3A_1146 = tpu.vector_load %arg10[%get3A_1144, %get3A_1145] {strides = array<i32>} : memref<368x128xf32, #tpu.memory_space<vmem>>, vector<1x16xf32>,
          %get3A_1147 = vector.shape_cast %get3A_1146 : vector<1x16xf32> to vector<16xf32>
          %add3A_1148 = arith.addf %add3A_1103, %get3A_1147 : vector<16xf32>
          %add3A_1149 = arith.constant 18 : i32
          %add3A_1150 = arith.addi %mul3A_279, %add3A_1149 : i32
          %add3A_1151 = arith.constant 48 : i32
          %add3A_1152 = arith.addi %mul3A_1123, %add3A_1151 : i32
          %get3A_1153 = arith.index_cast %add3A_1150 : i32 to index
          %get3A_1154 = arith.index_cast %add3A_1152 : i32 to index
          %get3A_1155 = tpu.vector_load %arg10[%get3A_1153, %get3A_1154] {strides = array<i32>} : memref<368x128xf32, #tpu.memory_space<vmem>>, vector<1x16xf32>,
          %get3A_1156 = vector.shape_cast %get3A_1155 : vector<1x16xf32> to vector<16xf32>
          %add3A_1157 = arith.addf %add3A_1112, %get3A_1156 : vector<16xf32>
          %add3A_1158 = arith.constant 19 : i32
          %add3A_1159 = arith.addi %add3A_282, %add3A_1158 : i32
          %get3A_1160 = arith.index_cast %add3A_1159 : i32 to index
          %get3A_1161 = tpu.vector_load %arg6[%get3A_1160] {strides = array<i32>} : memref<11792xi32, #tpu.memory_space<vmem>>, vector<16xi32>,
          %get3A_1162 = vector.shape_cast %get3A_1161 : vector<16xi32> to vector<16xi32>
          %slice3A_1163 = vector.extract_strided_slice %get3A_1162 {offsets = [0], sizes = [1], strides = [1]} : vector<16xi32> to vector<1xi32>
          %squeeze3A_1164 = vector.extract %slice3A_1163[0] : i32 from vector<1xi32>
          %and3A_1165 = arith.constant 1 : i32
          %and3A_1166 = arith.andi %squeeze3A_1164, %and3A_1165 : i32
          %mul3A_1167 = arith.constant 64 : i32
          %mul3A_1168 = arith.muli %and3A_1166, %mul3A_1167 : i32
          %add3A_1169 = arith.constant 19 : i32
          %add3A_1170 = arith.addi %mul3A_279, %add3A_1169 : i32
          %get3A_1171 = arith.index_cast %add3A_1170 : i32 to index
          %get3A_1172 = arith.index_cast %mul3A_1168 : i32 to index
          %get3A_1173 = tpu.vector_load %arg10[%get3A_1171, %get3A_1172] {strides = array<i32>} : memref<368x128xf32, #tpu.memory_space<vmem>>, vector<1x16xf32>,
          %get3A_1174 = vector.shape_cast %get3A_1173 : vector<1x16xf32> to vector<16xf32>
          %add3A_1175 = arith.addf %add3A_1130, %get3A_1174 : vector<16xf32>
          %add3A_1176 = arith.constant 19 : i32
          %add3A_1177 = arith.addi %mul3A_279, %add3A_1176 : i32
          %add3A_1178 = arith.constant 16 : i32
          %add3A_1179 = arith.addi %mul3A_1168, %add3A_1178 : i32
          %get3A_1180 = arith.index_cast %add3A_1177 : i32 to index
          %get3A_1181 = arith.index_cast %add3A_1179 : i32 to index
          %get3A_1182 = tpu.vector_load %arg10[%get3A_1180, %get3A_1181] {strides = array<i32>} : memref<368x128xf32, #tpu.memory_space<vmem>>, vector<1x16xf32>,
          %get3A_1183 = vector.shape_cast %get3A_1182 : vector<1x16xf32> to vector<16xf32>
          %add3A_1184 = arith.addf %add3A_1139, %get3A_1183 : vector<16xf32>
          %add3A_1185 = arith.constant 19 : i32
          %add3A_1186 = arith.addi %mul3A_279, %add3A_1185 : i32
          %add3A_1187 = arith.constant 32 : i32
          %add3A_1188 = arith.addi %mul3A_1168, %add3A_1187 : i32
          %get3A_1189 = arith.index_cast %add3A_1186 : i32 to index
          %get3A_1190 = arith.index_cast %add3A_1188 : i32 to index
          %get3A_1191 = tpu.vector_load %arg10[%get3A_1189, %get3A_1190] {strides = array<i32>} : memref<368x128xf32, #tpu.memory_space<vmem>>, vector<1x16xf32>,
          %get3A_1192 = vector.shape_cast %get3A_1191 : vector<1x16xf32> to vector<16xf32>
          %add3A_1193 = arith.addf %add3A_1148, %get3A_1192 : vector<16xf32>
          %add3A_1194 = arith.constant 19 : i32
          %add3A_1195 = arith.addi %mul3A_279, %add3A_1194 : i32
          %add3A_1196 = arith.constant 48 : i32
          %add3A_1197 = arith.addi %mul3A_1168, %add3A_1196 : i32
          %get3A_1198 = arith.index_cast %add3A_1195 : i32 to index
          %get3A_1199 = arith.index_cast %add3A_1197 : i32 to index
          %get3A_1200 = tpu.vector_load %arg10[%get3A_1198, %get3A_1199] {strides = array<i32>} : memref<368x128xf32, #tpu.memory_space<vmem>>, vector<1x16xf32>,
          %get3A_1201 = vector.shape_cast %get3A_1200 : vector<1x16xf32> to vector<16xf32>
          %add3A_1202 = arith.addf %add3A_1157, %get3A_1201 : vector<16xf32>
          %broadcast_in_dim3A_1203 = arith.constant 0.000000e+00 : f32
          %broadcast_in_dim3A_1204 = vector.broadcast %broadcast_in_dim3A_1203 : f32 to vector<16xf32>
          %broadcast_in_dim3A_1205 = arith.constant 0.000000e+00 : f32
          %broadcast_in_dim3A_1206 = vector.broadcast %broadcast_in_dim3A_1205 : f32 to vector<16xf32>
          %broadcast_in_dim3A_1207 = arith.constant 0.000000e+00 : f32
          %broadcast_in_dim3A_1208 = vector.broadcast %broadcast_in_dim3A_1207 : f32 to vector<16xf32>
          %broadcast_in_dim3A_1209 = arith.constant 0.000000e+00 : f32
          %broadcast_in_dim3A_1210 = vector.broadcast %broadcast_in_dim3A_1209 : f32 to vector<16xf32>
          %add3A_1211 = arith.constant 20 : i32
          %add3A_1212 = arith.addi %add3A_282, %add3A_1211 : i32
          %get3A_1213 = arith.index_cast %add3A_1212 : i32 to index
          %get3A_1214 = tpu.vector_load %arg6[%get3A_1213] {strides = array<i32>} : memref<11792xi32, #tpu.memory_space<vmem>>, vector<16xi32>,
          %get3A_1215 = vector.shape_cast %get3A_1214 : vector<16xi32> to vector<16xi32>
          %slice3A_1216 = vector.extract_strided_slice %get3A_1215 {offsets = [0], sizes = [1], strides = [1]} : vector<16xi32> to vector<1xi32>
          %squeeze3A_1217 = vector.extract %slice3A_1216[0] : i32 from vector<1xi32>
          %and3A_1218 = arith.constant 1 : i32
          %and3A_1219 = arith.andi %squeeze3A_1217, %and3A_1218 : i32
          %mul3A_1220 = arith.constant 64 : i32
          %mul3A_1221 = arith.muli %and3A_1219, %mul3A_1220 : i32
          %add3A_1222 = arith.constant 20 : i32
          %add3A_1223 = arith.addi %mul3A_279, %add3A_1222 : i32
          %get3A_1224 = arith.index_cast %add3A_1223 : i32 to index
          %get3A_1225 = arith.index_cast %mul3A_1221 : i32 to index
          %get3A_1226 = tpu.vector_load %arg10[%get3A_1224, %get3A_1225] {strides = array<i32>} : memref<368x128xf32, #tpu.memory_space<vmem>>, vector<1x16xf32>,
          %get3A_1227 = vector.shape_cast %get3A_1226 : vector<1x16xf32> to vector<16xf32>
          %add3A_1228 = arith.addf %broadcast_in_dim3A_1204, %get3A_1227 : vector<16xf32>
          %add3A_1229 = arith.constant 20 : i32
          %add3A_1230 = arith.addi %mul3A_279, %add3A_1229 : i32
          %add3A_1231 = arith.constant 16 : i32
          %add3A_1232 = arith.addi %mul3A_1221, %add3A_1231 : i32
          %get3A_1233 = arith.index_cast %add3A_1230 : i32 to index
          %get3A_1234 = arith.index_cast %add3A_1232 : i32 to index
          %get3A_1235 = tpu.vector_load %arg10[%get3A_1233, %get3A_1234] {strides = array<i32>} : memref<368x128xf32, #tpu.memory_space<vmem>>, vector<1x16xf32>,
          %get3A_1236 = vector.shape_cast %get3A_1235 : vector<1x16xf32> to vector<16xf32>
          %add3A_1237 = arith.addf %broadcast_in_dim3A_1206, %get3A_1236 : vector<16xf32>
          %add3A_1238 = arith.constant 20 : i32
          %add3A_1239 = arith.addi %mul3A_279, %add3A_1238 : i32
          %add3A_1240 = arith.constant 32 : i32
          %add3A_1241 = arith.addi %mul3A_1221, %add3A_1240 : i32
          %get3A_1242 = arith.index_cast %add3A_1239 : i32 to index
          %get3A_1243 = arith.index_cast %add3A_1241 : i32 to index
          %get3A_1244 = tpu.vector_load %arg10[%get3A_1242, %get3A_1243] {strides = array<i32>} : memref<368x128xf32, #tpu.memory_space<vmem>>, vector<1x16xf32>,
          %get3A_1245 = vector.shape_cast %get3A_1244 : vector<1x16xf32> to vector<16xf32>
          %add3A_1246 = arith.addf %broadcast_in_dim3A_1208, %get3A_1245 : vector<16xf32>
          %add3A_1247 = arith.constant 20 : i32
          %add3A_1248 = arith.addi %mul3A_279, %add3A_1247 : i32
          %add3A_1249 = arith.constant 48 : i32
          %add3A_1250 = arith.addi %mul3A_1221, %add3A_1249 : i32
          %get3A_1251 = arith.index_cast %add3A_1248 : i32 to index
          %get3A_1252 = arith.index_cast %add3A_1250 : i32 to index
          %get3A_1253 = tpu.vector_load %arg10[%get3A_1251, %get3A_1252] {strides = array<i32>} : memref<368x128xf32, #tpu.memory_space<vmem>>, vector<1x16xf32>,
          %get3A_1254 = vector.shape_cast %get3A_1253 : vector<1x16xf32> to vector<16xf32>
          %add3A_1255 = arith.addf %broadcast_in_dim3A_1210, %get3A_1254 : vector<16xf32>
          %add3A_1256 = arith.constant 21 : i32
          %add3A_1257 = arith.addi %add3A_282, %add3A_1256 : i32
          %get3A_1258 = arith.index_cast %add3A_1257 : i32 to index
          %get3A_1259 = tpu.vector_load %arg6[%get3A_1258] {strides = array<i32>} : memref<11792xi32, #tpu.memory_space<vmem>>, vector<16xi32>,
          %get3A_1260 = vector.shape_cast %get3A_1259 : vector<16xi32> to vector<16xi32>
          %slice3A_1261 = vector.extract_strided_slice %get3A_1260 {offsets = [0], sizes = [1], strides = [1]} : vector<16xi32> to vector<1xi32>
          %squeeze3A_1262 = vector.extract %slice3A_1261[0] : i32 from vector<1xi32>
          %and3A_1263 = arith.constant 1 : i32
          %and3A_1264 = arith.andi %squeeze3A_1262, %and3A_1263 : i32
          %mul3A_1265 = arith.constant 64 : i32
          %mul3A_1266 = arith.muli %and3A_1264, %mul3A_1265 : i32
          %add3A_1267 = arith.constant 21 : i32
          %add3A_1268 = arith.addi %mul3A_279, %add3A_1267 : i32
          %get3A_1269 = arith.index_cast %add3A_1268 : i32 to index
          %get3A_1270 = arith.index_cast %mul3A_1266 : i32 to index
          %get3A_1271 = tpu.vector_load %arg10[%get3A_1269, %get3A_1270] {strides = array<i32>} : memref<368x128xf32, #tpu.memory_space<vmem>>, vector<1x16xf32>,
          %get3A_1272 = vector.shape_cast %get3A_1271 : vector<1x16xf32> to vector<16xf32>
          %add3A_1273 = arith.addf %add3A_1228, %get3A_1272 : vector<16xf32>
          %add3A_1274 = arith.constant 21 : i32
          %add3A_1275 = arith.addi %mul3A_279, %add3A_1274 : i32
          %add3A_1276 = arith.constant 16 : i32
          %add3A_1277 = arith.addi %mul3A_1266, %add3A_1276 : i32
          %get3A_1278 = arith.index_cast %add3A_1275 : i32 to index
          %get3A_1279 = arith.index_cast %add3A_1277 : i32 to index
          %get3A_1280 = tpu.vector_load %arg10[%get3A_1278, %get3A_1279] {strides = array<i32>} : memref<368x128xf32, #tpu.memory_space<vmem>>, vector<1x16xf32>,
          %get3A_1281 = vector.shape_cast %get3A_1280 : vector<1x16xf32> to vector<16xf32>
          %add3A_1282 = arith.addf %add3A_1237, %get3A_1281 : vector<16xf32>
          %add3A_1283 = arith.constant 21 : i32
          %add3A_1284 = arith.addi %mul3A_279, %add3A_1283 : i32
          %add3A_1285 = arith.constant 32 : i32
          %add3A_1286 = arith.addi %mul3A_1266, %add3A_1285 : i32
          %get3A_1287 = arith.index_cast %add3A_1284 : i32 to index
          %get3A_1288 = arith.index_cast %add3A_1286 : i32 to index
          %get3A_1289 = tpu.vector_load %arg10[%get3A_1287, %get3A_1288] {strides = array<i32>} : memref<368x128xf32, #tpu.memory_space<vmem>>, vector<1x16xf32>,
          %get3A_1290 = vector.shape_cast %get3A_1289 : vector<1x16xf32> to vector<16xf32>
          %add3A_1291 = arith.addf %add3A_1246, %get3A_1290 : vector<16xf32>
          %add3A_1292 = arith.constant 21 : i32
          %add3A_1293 = arith.addi %mul3A_279, %add3A_1292 : i32
          %add3A_1294 = arith.constant 48 : i32
          %add3A_1295 = arith.addi %mul3A_1266, %add3A_1294 : i32
          %get3A_1296 = arith.index_cast %add3A_1293 : i32 to index
          %get3A_1297 = arith.index_cast %add3A_1295 : i32 to index
          %get3A_1298 = tpu.vector_load %arg10[%get3A_1296, %get3A_1297] {strides = array<i32>} : memref<368x128xf32, #tpu.memory_space<vmem>>, vector<1x16xf32>,
          %get3A_1299 = vector.shape_cast %get3A_1298 : vector<1x16xf32> to vector<16xf32>
          %add3A_1300 = arith.addf %add3A_1255, %get3A_1299 : vector<16xf32>
          %add3A_1301 = arith.constant 22 : i32
          %add3A_1302 = arith.addi %add3A_282, %add3A_1301 : i32
          %get3A_1303 = arith.index_cast %add3A_1302 : i32 to index
          %get3A_1304 = tpu.vector_load %arg6[%get3A_1303] {strides = array<i32>} : memref<11792xi32, #tpu.memory_space<vmem>>, vector<16xi32>,
          %get3A_1305 = vector.shape_cast %get3A_1304 : vector<16xi32> to vector<16xi32>
          %slice3A_1306 = vector.extract_strided_slice %get3A_1305 {offsets = [0], sizes = [1], strides = [1]} : vector<16xi32> to vector<1xi32>
          %squeeze3A_1307 = vector.extract %slice3A_1306[0] : i32 from vector<1xi32>
          %and3A_1308 = arith.constant 1 : i32
          %and3A_1309 = arith.andi %squeeze3A_1307, %and3A_1308 : i32
          %mul3A_1310 = arith.constant 64 : i32
          %mul3A_1311 = arith.muli %and3A_1309, %mul3A_1310 : i32
          %add3A_1312 = arith.constant 22 : i32
          %add3A_1313 = arith.addi %mul3A_279, %add3A_1312 : i32
          %get3A_1314 = arith.index_cast %add3A_1313 : i32 to index
          %get3A_1315 = arith.index_cast %mul3A_1311 : i32 to index
          %get3A_1316 = tpu.vector_load %arg10[%get3A_1314, %get3A_1315] {strides = array<i32>} : memref<368x128xf32, #tpu.memory_space<vmem>>, vector<1x16xf32>,
          %get3A_1317 = vector.shape_cast %get3A_1316 : vector<1x16xf32> to vector<16xf32>
          %add3A_1318 = arith.addf %add3A_1273, %get3A_1317 : vector<16xf32>
          %add3A_1319 = arith.constant 22 : i32
          %add3A_1320 = arith.addi %mul3A_279, %add3A_1319 : i32
          %add3A_1321 = arith.constant 16 : i32
          %add3A_1322 = arith.addi %mul3A_1311, %add3A_1321 : i32
          %get3A_1323 = arith.index_cast %add3A_1320 : i32 to index
          %get3A_1324 = arith.index_cast %add3A_1322 : i32 to index
          %get3A_1325 = tpu.vector_load %arg10[%get3A_1323, %get3A_1324] {strides = array<i32>} : memref<368x128xf32, #tpu.memory_space<vmem>>, vector<1x16xf32>,
          %get3A_1326 = vector.shape_cast %get3A_1325 : vector<1x16xf32> to vector<16xf32>
          %add3A_1327 = arith.addf %add3A_1282, %get3A_1326 : vector<16xf32>
          %add3A_1328 = arith.constant 22 : i32
          %add3A_1329 = arith.addi %mul3A_279, %add3A_1328 : i32
          %add3A_1330 = arith.constant 32 : i32
          %add3A_1331 = arith.addi %mul3A_1311, %add3A_1330 : i32
          %get3A_1332 = arith.index_cast %add3A_1329 : i32 to index
          %get3A_1333 = arith.index_cast %add3A_1331 : i32 to index
          %get3A_1334 = tpu.vector_load %arg10[%get3A_1332, %get3A_1333] {strides = array<i32>} : memref<368x128xf32, #tpu.memory_space<vmem>>, vector<1x16xf32>,
          %get3A_1335 = vector.shape_cast %get3A_1334 : vector<1x16xf32> to vector<16xf32>
          %add3A_1336 = arith.addf %add3A_1291, %get3A_1335 : vector<16xf32>
          %add3A_1337 = arith.constant 22 : i32
          %add3A_1338 = arith.addi %mul3A_279, %add3A_1337 : i32
          %add3A_1339 = arith.constant 48 : i32
          %add3A_1340 = arith.addi %mul3A_1311, %add3A_1339 : i32
          %get3A_1341 = arith.index_cast %add3A_1338 : i32 to index
          %get3A_1342 = arith.index_cast %add3A_1340 : i32 to index
          %get3A_1343 = tpu.vector_load %arg10[%get3A_1341, %get3A_1342] {strides = array<i32>} : memref<368x128xf32, #tpu.memory_space<vmem>>, vector<1x16xf32>,
          %get3A_1344 = vector.shape_cast %get3A_1343 : vector<1x16xf32> to vector<16xf32>
          %add3A_1345 = arith.addf %add3A_1300, %get3A_1344 : vector<16xf32>
          %mul3A_1346 = arith.mulf %add3A_1175, %get3A_286 : vector<16xf32>
          %mul3A_1347 = arith.mulf %add3A_1184, %get3A_290 : vector<16xf32>
          %add3A_1348 = arith.addf %mul3A_1346, %mul3A_1347 : vector<16xf32>
          %mul3A_1349 = arith.mulf %add3A_1193, %get3A_294 : vector<16xf32>
          %add3A_1350 = arith.addf %add3A_1348, %mul3A_1349 : vector<16xf32>
          %mul3A_1351 = arith.mulf %add3A_1202, %get3A_298 : vector<16xf32>
          %add3A_1352 = arith.addf %add3A_1350, %mul3A_1351 : vector<16xf32>
          %mul3A_1353 = arith.mulf %add3A_1318, %get3A_286 : vector<16xf32>
          %mul3A_1354 = arith.mulf %add3A_1327, %get3A_290 : vector<16xf32>
          %add3A_1355 = arith.addf %mul3A_1353, %mul3A_1354 : vector<16xf32>
          %mul3A_1356 = arith.mulf %add3A_1336, %get3A_294 : vector<16xf32>
          %add3A_1357 = arith.addf %add3A_1355, %mul3A_1356 : vector<16xf32>
          %mul3A_1358 = arith.mulf %add3A_1345, %get3A_298 : vector<16xf32>
          %add3A_1359 = arith.addf %add3A_1357, %mul3A_1358 : vector<16xf32>
          %swap3A_1360 = arith.index_cast %scan3A_277 : i32 to index
          %swap3A_1361 = arith.constant 0 : index
          %swap3A_1362 = tpu.vector_load %arg14[%swap3A_1360, %swap3A_1361] {strides = array<i32>} : memref<16x32xf32, #tpu.memory_space<vmem>>, vector<1x16xf32>,
          %swap3A_1363 = vector.shape_cast %swap3A_1362 : vector<1x16xf32> to vector<16xf32>
          %swap3A_1364 = vector.shape_cast %add3A_1352 : vector<16xf32> to vector<1x16xf32>
          tpu.vector_store %arg14[%swap3A_1360, %swap3A_1361], %swap3A_1364 {strides = array<i32>} : memref<16x32xf32, #tpu.memory_space<vmem>>, vector<1x16xf32>,
          %swap3A_1365 = arith.index_cast %scan3A_277 : i32 to index
          %swap3A_1366 = arith.constant 16 : index
          %swap3A_1367 = tpu.vector_load %arg14[%swap3A_1365, %swap3A_1366] {strides = array<i32>} : memref<16x32xf32, #tpu.memory_space<vmem>>, vector<1x16xf32>,
          %swap3A_1368 = vector.shape_cast %swap3A_1367 : vector<1x16xf32> to vector<16xf32>
          %swap3A_1369 = vector.shape_cast %add3A_1359 : vector<16xf32> to vector<1x16xf32>
          tpu.vector_store %arg14[%swap3A_1365, %swap3A_1366], %swap3A_1369 {strides = array<i32>} : memref<16x32xf32, #tpu.memory_space<vmem>>, vector<1x16xf32>,
        }
        %scan3A_276 = arith.constant 16 : i32
        "tpu.region"() ({
          %run_scoped3A = tpu.sem_alloc : memref<!tpu.dma_semaphore, #tpu.memory_space<semaphore_mem>>
          %dma_start3A_277 = arith.constant 0 : i32
          %dma_start3A_278 = tpu.memref_slice %arg5[%add3A_256, %dma_start3A_277] : memref<16384x32xf32, #tpu.memory_space<hbm>> -> memref<16x32xf32, #tpu.memory_space<hbm>>
          %dma_start3A_279 = arith.constant 0 : i32
          %dma_start3A_280 = tpu.memref_slice %arg5[%add3A_256, %dma_start3A_279] : memref<16384x32xf32, #tpu.memory_space<hbm>> -> memref<16x32xf32, #tpu.memory_space<hbm>>
          tpu.enqueue_dma source(%arg14 : memref<16x32xf32, #tpu.memory_space<vmem>>) target(%dma_start3A_280 : memref<16x32xf32, #tpu.memory_space<hbm>>) target_semaphore(%run_scoped3A : memref<!tpu.dma_semaphore, #tpu.memory_space<semaphore_mem>>)
          %dma_wait3A_281 = arith.constant 0 : i32
          %dma_wait3A_282 = tpu.memref_slice %arg5[%add3A_256, %dma_wait3A_281] : memref<16384x32xf32, #tpu.memory_space<hbm>> -> memref<16x32xf32, #tpu.memory_space<hbm>>
          %dma_wait3A_283 = arith.constant 0 : i32
          %dma_wait3A_284 = tpu.memref_slice %arg5[%add3A_256, %dma_wait3A_283] : memref<16384x32xf32, #tpu.memory_space<hbm>> -> memref<16x32xf32, #tpu.memory_space<hbm>>
          tpu.wait_dma2 semaphore(%run_scoped3A : memref<!tpu.dma_semaphore, #tpu.memory_space<semaphore_mem>>) src(%arg14 : memref<16x32xf32, #tpu.memory_space<vmem>>) dst(%dma_wait3A_284 : memref<16x32xf32, #tpu.memory_space<hbm>>)
          tpu.yield
        }) : () -> ()
      } else {
      }
    }
    %scan3A_244 = arith.constant 32 : i32
    return
  }
}

module attributes {stable_mosaic.version = 14 : i64} {
  func.func @_tc_body(%arg0: memref<16384x32xf32, #tpu.memory_space<vmem>>, %arg1: memref<1x1xf32, #tpu.memory_space<smem>>) attributes {dimension_semantics = [], scalar_prefetch = 0 : i64, scratch_operands = 0 : i64, tpu.core_type = #tpu.core_type<tc>} {
    %get3A = arith.constant 0 : index
    %get3A_0 = arith.constant 0 : index
    %get3A_1 = vector.load %arg0[%get3A, %get3A_0] : memref<16384x32xf32, #tpu.memory_space<vmem>>, vector<16384x32xf32>
    %slice3A = vector.extract_strided_slice %get3A_1 {offsets = [0, 0], sizes = [16384, 16], strides = [1, 1]} : vector<16384x32xf32> to vector<16384x16xf32>
    %reduce_sum3A = arith.constant dense<0.000000e+00> : vector<16384xf32>
    %reduce_sum3A_2 = vector.multi_reduction <add>, %slice3A, %reduce_sum3A [1] : vector<16384x16xf32> to vector<16384xf32>
    %mul3A = arith.constant 5.000000e-02 : f32
    %mul3A_3 = vector.broadcast %mul3A : f32 to vector<16384xf32>
    %mul3A_4 = arith.mulf %reduce_sum3A_2, %mul3A_3 : vector<16384xf32>
    %slice3A_5 = vector.extract_strided_slice %get3A_1 {offsets = [0, 16], sizes = [16384, 16], strides = [1, 1]} : vector<16384x32xf32> to vector<16384x16xf32>
    %reduce_sum3A_6 = arith.constant dense<0.000000e+00> : vector<16384xf32>
    %reduce_sum3A_7 = vector.multi_reduction <add>, %slice3A_5, %reduce_sum3A_6 [1] : vector<16384x16xf32> to vector<16384xf32>
    %neg3A = arith.constant 0.000000e+00 : f32
    %neg3A_8 = vector.broadcast %neg3A : f32 to vector<16384xf32>
    %neg3A_9 = arith.subf %neg3A_8, %reduce_sum3A_7 : vector<16384xf32>
    %min3A = arith.constant 0.000000e+00 : f32
    %min3A_10 = vector.broadcast %min3A : f32 to vector<16384xf32>
    %min3A_11 = arith.minimumf %mul3A_4, %min3A_10 : vector<16384xf32>
    %abs3A = math.absf %mul3A_4 : vector<16384xf32>
    %neg3A_12 = arith.constant 0.000000e+00 : f32
    %neg3A_13 = vector.broadcast %neg3A_12 : f32 to vector<16384xf32>
    %neg3A_14 = arith.subf %neg3A_13, %abs3A : vector<16384xf32>
    %exp3A = math.exp %neg3A_14 : vector<16384xf32>
    %log1p3A = math.log1p %exp3A : vector<16384xf32>
    %sub3A = arith.subf %min3A_11, %log1p3A : vector<16384xf32>
    %min3A_15 = arith.constant 0.000000e+00 : f32
    %min3A_16 = vector.broadcast %min3A_15 : f32 to vector<16384xf32>
    %min3A_17 = arith.minimumf %neg3A_9, %min3A_16 : vector<16384xf32>
    %abs3A_18 = math.absf %neg3A_9 : vector<16384xf32>
    %neg3A_19 = arith.constant 0.000000e+00 : f32
    %neg3A_20 = vector.broadcast %neg3A_19 : f32 to vector<16384xf32>
    %neg3A_21 = arith.subf %neg3A_20, %abs3A_18 : vector<16384xf32>
    %exp3A_22 = math.exp %neg3A_21 : vector<16384xf32>
    %log1p3A_23 = math.log1p %exp3A_22 : vector<16384xf32>
    %sub3A_24 = arith.subf %min3A_17, %log1p3A_23 : vector<16384xf32>
    %add3A = arith.addf %sub3A, %sub3A_24 : vector<16384xf32>
    %reduce_sum3A_25 = vector.shape_cast %add3A : vector<16384xf32> to vector<1x16384xf32>
    %reduce_sum3A_26 = arith.constant dense<0.000000e+00> : vector<1xf32>
    %reduce_sum3A_27 = vector.multi_reduction <add>, %reduce_sum3A_25, %reduce_sum3A_26 [1] : vector<1x16384xf32> to vector<1xf32>
    %reduce_sum3A_28 = vector.shape_cast %reduce_sum3A_27 : vector<1xf32> to vector<1x1xf32>
    %reduce_sum3A_29 = vector.extract %reduce_sum3A_28[0, 0] : f32 from vector<1x1xf32>
    %neg3A_30 = arith.constant 0.000000e+00 : f32
    %neg3A_31 = arith.subf %neg3A_30, %reduce_sum3A_29 : f32
    %mul3A_32 = arith.constant 6.10351563E-5 : f32
    %mul3A_33 = arith.mulf %neg3A_31, %mul3A_32 : f32
    %swap3A = arith.constant 0 : index
    %swap3A_34 = arith.constant 0 : index
    %swap3A_35 = memref.load %arg1[%swap3A, %swap3A_34] : memref<1x1xf32, #tpu.memory_space<smem>>
    memref.store %mul3A_33, %arg1[%swap3A, %swap3A_34] : memref<1x1xf32, #tpu.memory_space<smem>>
    return
  }
}

</mosaic_0001>

<sc_bundles>
// kernel: gather_offload_async_start
scs
__scs_entry_jumppad:
0x0: {  	(pc) =	sbr.rel $0x88, $3  }
0x1: {  	(tag) =	ssettag $0x0;
	lr =	simm.s32 $0x1  }
0x2: {  	[smem:$0x3F9C] =	sst lr;
	_ =	strace $0xD0000000  }
0x3: {  	_ = 	snop  }
0x4: {  	_ = 	snop  }
0x5: {  	_ = 	snop  }
0x6: {  	_ = 	snop  }
0x7: {  	_ = 	snop  }
__scs_overlays_trampoline_lowered:
0x8: {  	[smem:$0x3FAB] =	sst s0  }
0x9: {  	[smem:$0x3FAC] =	sst s1  }
0xa: {  	[smem:$0x3FAD] =	sst s2  }
0xb: {  	[smem:$0x3FAE] =	sst s3  }
0xc: {  	[smem:$0x3FAF] =	sst s4  }
0xd: {  	[smem:$0x3FB0] =	sst s5  }
0xe: {  	[smem:$0x3FB1] =	sst s6  }
0xf: {  	[smem:$0x3FB2] =	sst s7  }
0x10: {  	[smem:$0x3FB3] =	sst s8  }
0x11: {  	[smem:$0x3FB4] =	sst s9;
	s0 =	simm.s32 @!p0 $0x0  }
0x12: {  	s1 =	sld [smem:$0x3F9A];
	s0 =	simm.s32 @p0 $0x1  }
0x13: {  	[smem:$0x3FB5] =	sst s0;
	s0 =	simm.s32 @!p1 $0x0  }
0x14: {  	s2 =	sld [smem:$0x3F99];
	s0 =	simm.s32 @p1 $0x1  }
0x15: {  	[smem:$0x3FB6] =	sst s0;
	s0 =	simm.s32 @!p2 $0x0  }
0x16: {  	s3 =	sld [smem:$0x3FDB];
	s0 =	simm.s32 @p2 $0x1  }
0x17: {  	s4 =	simm.s32 $0x1BF5;
	[smem:$0x3FB8] =	sst s0  }
0x18: {  	s0 =	sld [smem:$0x3F9B];
	_ =	swait.ge [sflag:s4], $0x0  }
0x19: {  	s7 =	sld [smem:$0x3F9C]  }
0x1a: {  	s8 =	sadd.s32 $0xFFFFE003, lr  }
0x1b: {  	s9 =	sadd.s32 $0xFFFFFEF7, lr;
	s5 =	simm.s32 $0xFFFFFFFF;
	p2 =	slt.u32 s8, $0xFFFFF086  }
0x1c: {  	p1 =	slt.u32 s9, $0xF7A;
	s5 =	simm.s32 @!p2 $0x0  }
0x1d: {  	s5 =	simm.s32 @p1 $0x1;
	p0 =	seq.s32 s7, s2  }
0x1e: {  	s7 =	smul.u32 @!p0 $0xF7A, s2;
	p2 =	seq.s32 @!p0 s5, $0x0  }
0x1f: {  	s9 =	smul.u32 $0xF7A, s1;
	s8 =	simm.s32 @!p0 $0x1BF5;
	p2 =	por !p2, p0  }
0x20: {  	[sflag:s8] =	ssyncset.s32 @!p0 $0xFFFFF086;
	s6 =	sadd.s32 @!p0 s3, s7;
	s7 =	simm.s32 @!p0 $0x108  }
0x21: {  	s3 =	sadd.s32 s3, s9;
	s6 =	sadd.s32 @!p0 $0x88, s6;
	s7 =	simm.s32 @p2 $0x1082  }
0x22: {  	[simem:s7], [sflag:s8] =	dma.local @!p0 [hbm:s6], $0xF7A  }
0x23: {  	s9 =	sor.u32 $0xD0000000, s2;
	s6 =	simm.s32 $0x108;
	_ =	swait.ge @!p0 [sflag:s8], $0x0  }
0x24: {  	s3 =	sadd.s32 $0x88, s3;
	s6 =	simm.s32 @!p1 $0x1082;
	[sflag:s4] =	ssyncset.s32 $0xFFFFF086  }
0x25: {  	[simem:s6], [sflag:s4] =	dma.local [hbm:s3], $0xF7A  }
0x26: {  	[smem:$0x3F9C] =	sst s1;
	(tag) =	ssettag s2;
	_ =	strace s9  }
0x27: {  	s1 =	sld [smem:$0x3FAC]  }
0x28: {  	s2 =	sld [smem:$0x3FAD]  }
0x29: {  	s4 =	sld [smem:$0x3FAF]  }
0x2a: {  	p0 =	seq.s32 s5, $0x0;
	s5 =	sld [smem:$0x3FB0]  }
0x2b: {  	s6 =	sld [smem:$0x3FB1]  }
0x2c: {  	s7 =	sld [smem:$0x3FB2]  }
0x2d: {  	s3 =	simm.s32 $0x108;
	s8 =	sld [smem:$0x3FB3]  }
0x2e: {  	s3 =	simm.s32 @!p0 $0x1082;
	s9 =	sld [smem:$0x3FB4]  }
0x2f: {  	lr =	sadd.s32 s0, s3;
	s0 =	sld [smem:$0x3FAB]  }
0x30: {  	s3 =	sld [smem:$0x3FAE]  }
0x31: {  	[smem:$0x3FB7] =	sst s10  }
0x32: {  	s10 =	sld [smem:$0x3FB5];
	_ =	sdelay $0x3  }
0x33: {  	p0 =	seq.s32 s10, $0x1;
	s10 =	sld [smem:$0x3FB7];
	_ =	sdelay $0x3  }
0x34: {  	[smem:$0x3FB7] =	sst s10  }
0x35: {  	s10 =	sld [smem:$0x3FB6];
	_ =	sdelay $0x3  }
0x36: {  	p1 =	seq.s32 s10, $0x1;
	s10 =	sld [smem:$0x3FB7];
	_ =	sdelay $0x3  }
0x37: {  	[smem:$0x3FB7] =	sst s10  }
0x38: {  	s10 =	sld [smem:$0x3FB8]  }
0x39: {  	_ = 	snop;
	(pc) =	sbr.ind lr, $3  }
0x3a: {  	_ = 	snop  }
0x3b: {  	_ = 	snop  }
0x3c: {  	p2 =	seq.s32 s10, $0x1;
	s10 =	sld [smem:$0x3FB7]  }
0x3d: {  	_ =	shalt  }
0x3e: {  	_ =	shalt  }
0x3f: {  	_ =	shalt  }
0x40: {  	_ =	shalt  }
0x41: {  	_ =	shalt  }
0x42: {  	_ =	shalt  }
0x43: {  	_ =	shalt  }
0x44: {  	_ =	shalt  }
0x45: {  	_ =	shalt  }
0x46: {  	_ =	shalt  }
0x47: {  	_ =	shalt  }
0x48: {  	_ =	shalt  }
0x49: {  	_ =	shalt  }
0x4a: {  	_ =	shalt  }
0x4b: {  	_ =	shalt  }
0x4c: {  	_ =	shalt  }
0x4d: {  	_ =	shalt  }
0x4e: {  	_ =	shalt  }
0x4f: {  	_ =	shalt  }
0x50: {  	_ =	shalt  }
0x51: {  	_ =	shalt  }
0x52: {  	_ =	shalt  }
0x53: {  	_ =	shalt  }
0x54: {  	_ =	shalt  }
0x55: {  	_ =	shalt  }
0x56: {  	_ =	shalt  }
0x57: {  	_ =	shalt  }
0x58: {  	_ =	shalt  }
0x59: {  	_ =	shalt  }
0x5a: {  	_ =	shalt  }
0x5b: {  	_ =	shalt  }
0x5c: {  	_ =	shalt  }
0x5d: {  	_ =	shalt  }
0x5e: {  	_ =	shalt  }
0x5f: {  	_ =	shalt  }
0x60: {  	_ =	shalt  }
0x61: {  	_ =	shalt  }
0x62: {  	_ =	shalt  }
0x63: {  	_ =	shalt  }
0x64: {  	_ =	shalt  }
0x65: {  	_ =	shalt  }
0x66: {  	_ =	shalt  }
0x67: {  	_ =	shalt  }
0x68: {  	_ =	shalt  }
0x69: {  	_ =	shalt  }
0x6a: {  	_ =	shalt  }
0x6b: {  	_ =	shalt  }
0x6c: {  	_ =	shalt  }
0x6d: {  	_ =	shalt  }
0x6e: {  	_ =	shalt  }
0x6f: {  	_ =	shalt  }
0x70: {  	_ =	shalt  }
0x71: {  	_ =	shalt  }
0x72: {  	_ =	shalt  }
0x73: {  	_ =	shalt  }
0x74: {  	_ =	shalt  }
0x75: {  	_ =	shalt  }
0x76: {  	_ =	shalt  }
0x77: {  	_ =	shalt  }
0x78: {  	_ =	shalt  }
0x79: {  	_ =	shalt  }
0x7a: {  	_ =	shalt  }
0x7b: {  	_ =	shalt  }
0x7c: {  	_ =	shalt  }
0x7d: {  	_ =	shalt  }
0x7e: {  	_ =	shalt  }
0x7f: {  	_ =	shalt  }
0x80: {  	_ =	shalt  }
0x81: {  	_ =	shalt  }
0x82: {  	_ =	shalt  }
0x83: {  	_ =	shalt  }
0x84: {  	_ =	shalt  }
0x85: {  	_ =	shalt  }
0x86: {  	_ =	shalt  }
0x87: {  	_ =	shalt  }
.Lfunc_end0:
.L_simem_size_0:
called_computation_lowered:
.L_overlay_start_0:
0x88: {  	s2 =	sld [smem:$0x3FD9]  }
0x89: {  	s3 =	sld [smem:$0x3FFE];
	_ =	sdelay $0x1  }
0x8a: {  	s1 =	srdreg.scid  }
0x8b: {  	s0 =	sand.u32 $0x1, s1  }
0x8c: {  	s16 =	sshll.u32 s0, $0xA;
	s2 =	sadd.s32 s3, s2  }
0x8d: {  	s2 =	sadd.s32 s2, s16  }
0x8e: {  	[smem:$0x3FC3] =	sst s2  }
0x8f: {  	_ = 	snop  }
0x90: {  	(tm) =	ssettm $0x1  }
0x91: {  	s17 =	sld [smem:$0x3FFB];
	_ =	sdelay $0x3  }
0x92: {  	_ =	strace s17  }
0x93: {  	s2 =	sld [smem:$0x3FFC];
	_ =	sdelay $0x3  }
0x94: {  	_ =	strace s2  }
0x95: {  	s2 =	sld [smem:$0x3FFD];
	_ =	sdelay $0x3  }
0x96: {  	_ =	strace s2  }
0x97: {  	_ =	strace $0x8FFFFFFF  }
0x98: {  	s18 =	sld [smem:$0x3FDB];
	_ =	sdelay $0x1  }
0x99: {  	s19 =	simm.s32 $_scs_section_size  }
0x9a: {  	s4 =	simm.s32 $_size__tile_overlayer_lowered;
	s5 =	simm.s32 $_tile_overlayer_lowered  }
0x9b: {  	s22 =	simm.s32 $0x1BFF;
	s21 =	sshll.u32 s5, $0x1;
	s2 =	sadd.s32 s19, s18  }
0x9c: {  	s6 =	simm.s32 $0x0;
	s20 =	sshll.u32 s4, $0x1;
	s4 =	sadd.s32 s21, s2  }
0x9d: {  	[timem:s6], [sflag:s22] =	dma.local [hbm:s4], s20  }
0x9e: {  	_ =	swait.ge [sflag:s22], s20  }
0x9f: {  	s3 =	ssub.s32 $0x0, s20;
	[sflag:s22] =	ssyncset.done $0x0  }
0xa0: {  	[sflag:s22] =	ssyncadd.s32 s3;
	_ =	sdelay $0x1  }
0xa1: {  	s23 =	simm.s32 $0x1B8B  }
0xa2: {  	_ =	swait.ge [sflag:s23], $0x1  }
0xa3: {  	[sflag:s23] =	ssyncset.done $0x0  }
0xa4: {  	s25 =	simm.s32 $0x1B8E;
	s24 =	sld [smem:$0x3FFE];
	[sflag:s23] =	ssyncadd.s32 $0xFFFFFFFF  }
0xa5: {  	s26 =	simm.s32 $execute0_lowered;
	[smem:$0x3FD2] =	sst s25  }
0xa6: {  	s4 =	sshll.u32 s26, $0x1;
	_ =	strace $0x80000046;
	[dreg:$0x1] =	wrdreg $0xFFFFFFFF  }
0xa7: {  	s28 =	simm.s32 $_size_execute0_lowered;
	s2 =	sadd.s32 s2, s4;
	[dreg:$0x0] =	wrdreg $0x0  }
0xa8: {  	s4 =	sshll.u32 s28, $0x1;
	[dreg:$0x2] =	wrdreg s2  }
0xa9: {  	[dreg:$0x3] =	wrdreg s4  }
0xaa: {  	[dreg:$0x4] =	wrdreg $0xC0  }
0xab: {  	_ =	task [dreg:s6], $0x5FFFF  }
0xac: {  	[dreg:$0x1] =	wrdreg $0xFFFFFFFF  }
0xad: {  	[dreg:$0x0] =	wrdreg $0x60  }
0xae: {  	[dreg:$0x2] =	wrdreg s24  }
0xaf: {  	[dreg:$0x3] =	wrdreg $0x9  }
0xb0: {  	_ =	task.clear_ibuf [dreg:s6], $0x4FFFF;
	_ =	strace $0x90000046  }
0xb1: {  	s29 =	simm.s32 $0x9;
	_ =	strace $0x80000048  }
0xb2: {  	_ =	swait.ge [sflag:s29], $0x1  }
0xb3: {  	[sflag:s29] =	ssyncadd.s32 $0xFFFFFFFF  }
0xb4: {  	_ =	strace $0x90000048  }
0xb5: {  	_ =	sfence  }
0xb6: {  	s30 =	sld [smem:$0x0];
	_ =	sdelay $0x2  }
0xb7: {  	s31 =	sshll.u32 s1, $0xD;
	s1 =	sshrl.u32 s1, $0x2  }
0xb8: {  	s3 =	sand.u32 $0x4000, s31;
	s1 =	sadd.s32 s1, s30  }
0xb9: {  	s0 =	sor.u32 s3, s0;
	s1 =	sshll.u32 s1, $0x11  }
0xba: {  	s0 =	sor.u32 s1, s0  }
0xbb: {  	s0 =	sadd.s32 $0x8F2B, s0  }
0xbc: {  	[sflag:s0] =	ssyncadd.remote.s32 $0x1  }
0xbd: {  	_ =	sfence.sel $0xFFFF  }
0xbe: {  	[dreg:$0x0] =	wrdreg $0xFFFFFFFF;
	(pc) =	sbr.abs _section_cstart, $3  }
0xbf: {  	[dreg:$0x1] =	wrdreg $0xFFFFFFFF  }
0xc0: {  	_ =	task.clear_ibuf [dreg:s6], $0x2FFFF;
	_ =	strace $0x9FFFFFFF  }
0xc1: {  	(tm) =	ssettm $0x7FFFFFFF  }
tec
execute0_lowered:
.L_overlay_start_1:
0x0: {  	(tag) =	ssettag $0x1  }
0x1: {  	s7 =	rddreg [dreg:$0x0]  }
0x2: {  	s0 =	rddreg [dreg:$0x1];
	_ =	strace $0x80000047  }
0x3: {  	s1 =	srdreg.scid;
	s4 =	simm.s32 $0x1;
	s9 =	simm.s32 $0x3  }
0x4: {  	s11 =	simm.s32 $0x0;
	p0 =	por $0x0, $0x0;
	s5 =	sshll.u32 s1, $0x4  }
.Ltmp0:
0x5: {  	s1 =	stileid.u32;
	s5 =	sand.u32 $0x10, s5;
	(pc) =	sbr.rel .LBB2_1-.Ltmp0, $4  }
0x6: {  	s2 =	sadd.s32 $0x1200, s7;
	s3 =	sadd.s32 $0xF43600, s7;
	s6 =	sor.u32 s1, s5  }
0x7: {  	[sflag:s4] =	ssyncpa.u1 $0x0;
	s5 =	simm.s32 $0x2;
	s6 =	sshll.u32 s6, $0x9  }
0x8: {  	s7 =	sadd.s32 $0xF43E00, s7;
	[sflag:s5] =	ssyncpa.u1 $0x0;
	s8 =	sadd.s32 $0x200, s6  }
0x9: {  	vm0 =	vmmov $0xff;
	vm1 =	vcmask $0x3F20;
	[sflag:s9] =	ssyncpa.u1 $0x0;
	s10 =	smov.u32 s6;
	s9 =	simm.s32 $0x0  }
.LBB2_7:
0xa: {  	p1 =	slt.u32 s9, $0x2;
	s11 =	sadd.s32 $0x100, s10  }
0xb: {  	s13 =	smov.u32 s6;
	s9 =	sadd.s32 $0x1, s9;
	p2 =	slt.s32 s11, s8  }
0xc: {  	s13 =	smov.u32 @p2 s11;
	p2 =	sne.s32 s9, $0x4  }
.Ltmp1:
0xd: {  	_ = 	snop;
	(pc) =	sbr.rel @!p2 .LBB2_8-.Ltmp1, $4  }
0xe: {  	s12 =	simm.s32 @!p1 $0x3  }
0xf: {  	_ =	swait.ge @!p1 [sflag:s12], $0x8000  }
0x10: {  	p0 =	por !p0, !p0;
	[sflag:s12] =	ssyncset.done @!p1 $0x0  }
0x11: {  	s11 =	smov.u32 s10;
	s10 =	smov.u32 s13;
	[sflag:s12] =	ssyncadd.s32 @!p1 $0xFFFF8000  }
.LBB2_1:
0x12: {  	p1 =	sgt.u32 s9, $0x1  }
0x13: {  	s12 =	sshll.u32 @!p1 s9, $0x8;
	s13 =	sshrl.u32 @!p1 s10, $0x3  }
0x14: {  	s14 =	sand.u32 @!p1 $0x7, s10;
	s12 =	sxor.u32 @!p1 $0x100, s12;
	s13 =	sadd.s32 @!p1 s3, s13  }
0x15: {  	[tilespmem:s12], [sflag:$0x2] =	stream.linear.gather @!p1 [hbm4b:s13+s14], $0x100, $0x38;
	[tilespmem:$0x10200] =	vst v63  }
0x16: {  	p1 =	seq.s32 s9, $0x0  }
0x17: {  	p2 =	seq.s32 @!p1 s9, $0x3  }
0x18: {  	p1 =	por p1, p2  }
.Ltmp2:
0x19: {  	_ = 	snop;
	(pc) =	sbr.rel @p1 .LBB2_7-.Ltmp2, $1  }
0x1a: {  	_ =	sdelay $0x3  }
0x1b: {  	s12 =	simm.s32 $0x1  }
0x1c: {  	_ =	swait.ge [sflag:s5], $0x100;
	s12 =	simm.s32 @!p0 $0x0  }
0x1d: {  	[sflag:s5] =	ssyncset.done $0x0;
	s14 =	sshll.u32 s12, $0x8  }
0x1e: {  	[sflag:s5] =	ssyncadd.s32 $0xFFFFFF00;
	s13 =	sadd.s32 $0x0, s14  }
0x1f: {  	v0 =	vld.msk [tilespmem:s13+$0x0 ss:$0x1], $0xffff;
	_ =	sdelay $0x4  }
0x20: {  	vm2 =	vgt.s32 v0, $0x0  }
0x21: {  	v0 =	vnsel vm2, $0x0, v0  }
0x22: {  	v0 =	vmin.u32 v0, $0xF423F  }
0x23: {  	v0 =	vshll.u32 v0, $0x4;
	_ =	sdelay $0x2  }
0x24: {  	s12 =	sshll.u32 s12, $0xF  }
0x25: {  	s12 =	sor.u32 $0x200, s12  }
0x26: {  	[tilespmem:s12], [sflag:$0x1] =	stream.indirect_vreg.gather [hbm:s2], $0x80, v0, vm0, $0x38;
	[tilespmem:$0x10200] =	vst v63  }
0x27: {  	s15 =	sadd.s32 $0x10, s14;
	s13 =	sadd.s32 $0x400, s12  }
0x28: {  	[tilespmem:s13], [sflag:$0x1] =	stream.indirect_vreg.gather [hbm:s2], $0x80, v0, vm1, $0x38;
	[tilespmem:$0x10200] =	vst v63  }
0x29: {  	s16 =	simm.s32 $0x80;
	v0 =	vld.msk [tilespmem:s15+$0x0 ss:$0x1], $0xffff;
	s15 =	smov.u32 s12  }
.LBB2_3:
0x2a: {  	p1 =	sne.s32 s16, $0x3C0;
	_ =	sdelay $0x4  }
0x2b: {  	vm2 =	vgt.s32 v0, $0x0  }
0x2c: {  	v0 =	vnsel vm2, $0x0, v0  }
0x2d: {  	v0 =	vmin.u32 v0, $0xF423F  }
0x2e: {  	v0 =	vshll.u32 v0, $0x4;
	_ =	sdelay $0x3  }
.Ltmp3:
0x2f: {  	s17 =	sshra.s32 s16, $0x2;
	s15 =	sadd.s32 $0x800, s15;
	(pc) =	sbr.rel @p1 .LBB2_3-.Ltmp3, $4  }
0x30: {  	[tilespmem:s15], [sflag:$0x1] =	stream.indirect_vreg.gather [hbm:s2], $0x80, v0, vm0, $0x38;
	[tilespmem:$0x10200] =	vst v63  }
0x31: {  	s17 =	sadd.s32 s17, s14;
	s18 =	sadd.s32 $0x400, s15  }
0x32: {  	[tilespmem:s18], [sflag:$0x1] =	stream.indirect_vreg.gather [hbm:s2], $0x80, v0, vm1, $0x38;
	[tilespmem:$0x10200] =	vst v63  }
0x33: {  	s16 =	sadd.s32 $0x40, s16;
	v0 =	vld.msk [tilespmem:s17+$0x0 ss:$0x1], $0xffff  }
0x34: {  	_ =	sdelay $0x3  }
0x35: {  	vm2 =	vgt.s32 v0, $0x0  }
0x36: {  	v0 =	vnsel vm2, $0x0, v0  }
0x37: {  	v0 =	vmin.u32 v0, $0xF423F  }
0x38: {  	v0 =	vshll.u32 v0, $0x4;
	_ =	sdelay $0x3  }
0x39: {  	s14 =	sadd.s32 $0x800, s15  }
0x3a: {  	[tilespmem:s14], [sflag:$0x1] =	stream.indirect_vreg.gather [hbm:s2], $0x80, v0, vm0, $0x38;
	[tilespmem:$0x10200] =	vst v63  }
0x3b: {  	s14 =	sadd.s32 $0x400, s14  }
0x3c: {  	[tilespmem:s14], [sflag:$0x1] =	stream.indirect_vreg.gather [hbm:s2], $0x80, v0, vm1, $0x38;
	[tilespmem:$0x10200] =	vst v63  }
0x3d: {  	s11 =	sshll.u32 s11, $0x4;
	_ =	swait.ge [sflag:s4], $0x8000  }
0x3e: {  	s11 =	sadd.s32 s11, s7;
	[sflag:s4] =	ssyncset.done $0x0  }
0x3f: {  	s15 =	sadd.s32 $0x0, s11;
	s14 =	simm.s32 $0x80;
	[sflag:s4] =	ssyncadd.s32 $0xFFFF8000  }
.LBB2_5:
0x40: {  	[hbm:s15] =	stream.linear.scatter [tilespmem:s12], [sflag:$0x3], $0x400, $0x38;
	[tilespmem:$0x10200] =	vst v63  }
0x41: {  	s15 =	smov.u32 s14;
	s12 =	smov.u32 s13;
	p1 =	sne.s32 s14, $0xF80  }
.Ltmp4:
0x42: {  	s14 =	sadd.s32 $0x80, s14;
	(pc) =	sbr.rel @p1 .LBB2_5-.Ltmp4, $2  }
0x43: {  	_ =	sdelay $0x2  }
0x44: {  	s13 =	sadd.s32 $0x400, s13;
	s15 =	sadd.s32 s15, s11  }
.Ltmp5:
0x45: {  	(pc) =	sbr.rel .LBB2_7-.Ltmp5, $2  }
0x46: {  	_ =	sdelay $0x2  }
0x47: {  	[hbm:s15] =	stream.linear.scatter [tilespmem:s12], [sflag:$0x3], $0x400, $0x38;
	[tilespmem:$0x10200] =	vst v63  }
.LBB2_8:
0x48: {  	_ =	sfence.sel $0x180000  }
0x49: {  	s2 =	simm.s32 $0x2;
	[bflag:$0x0] =	sbarrier.arrive $0xFFFF  }
0x4a: {  	s30 =	simm.s32 $0x3;
	[sflag:s2] =	ssyncpa.u1 $0x1  }
0x4b: {  	s31 =	simm.s32 $0x1;
	[sflag:s30] =	ssyncpa.u1 $0x1  }
0x4c: {  	[sflag:s31] =	ssyncpa.u1 $0x1  }
0x4d: {  	p0 =	sne.s32 s1, $0x0;
	_ =	strace $0x90000047  }
0x4e: {  	s0 =	sadd.s32 @!p0 $0x100000, s0;
	[bflag:$0x2] =	sbarrier.arrive $0xFFFF  }
0x4f: {  	[sflag:s0] =	ssyncadd.tile.s32 @!p0 $0x1;
	_ =	shalt  }
.Lfunc_end2:
_tile_overlayer_lowered:
.L_overlay_start_2:
0x50: {  	(tag) =	ssettag $0x2  }
0x51: {  	s0 =	rddreg [dreg:$0x0];
	s2 =	stileid.u32  }
0x52: {  	s1 =	rddreg [dreg:$0x1];
	p0 =	sne.s32 s2, $0x0  }
0x53: {  	s3 =	rddreg [dreg:$0x2];
	[bflag:$0x3] =	sbarrier.arrive $0xFFFF;
	s2 =	simm.s32 @!p0 $0x1C01  }
0x54: {  	[timem:s3], [sflag:s2] =	dma.local @!p0 [hbm:s0], s1  }
0x55: {  	s0 =	simm.s32 @!p0 $0x1  }
0x56: {  	_ =	swait.ge @!p0 [sflag:s0], s1  }
0x57: {  	s1 =	ssub.s32 @!p0 $0x0, s1;
	[sflag:s0] =	ssyncset.done @!p0 $0x0  }
0x58: {  	[sflag:s0] =	ssyncadd.s32 @!p0 s1  }
0x59: {  	[bflag:$0x3] =	sbarrier.arrive $0xFFFF  }
0x5a: {  	_ =	shalt  }

// kernel: kernel.4.cloned.1.call-start
scs
__scs_entry_jumppad:
0x0: {  	(pc) =	sbr.rel $0x88, $3  }
0x1: {  	(tag) =	ssettag $0x0;
	lr =	simm.s32 $0x1  }
0x2: {  	[smem:$0x3F9C] =	sst lr;
	_ =	strace $0xD0000000  }
0x3: {  	_ = 	snop  }
0x4: {  	_ = 	snop  }
0x5: {  	_ = 	snop  }
0x6: {  	_ = 	snop  }
0x7: {  	_ = 	snop  }
__scs_overlays_trampoline_lowered:
0x8: {  	[smem:$0x3FAB] =	sst s0  }
0x9: {  	[smem:$0x3FAC] =	sst s1  }
0xa: {  	[smem:$0x3FAD] =	sst s2  }
0xb: {  	[smem:$0x3FAE] =	sst s3  }
0xc: {  	[smem:$0x3FAF] =	sst s4  }
0xd: {  	[smem:$0x3FB0] =	sst s5  }
0xe: {  	[smem:$0x3FB1] =	sst s6  }
0xf: {  	[smem:$0x3FB2] =	sst s7  }
0x10: {  	[smem:$0x3FB3] =	sst s8  }
0x11: {  	[smem:$0x3FB4] =	sst s9;
	s0 =	simm.s32 @!p0 $0x0  }
0x12: {  	s1 =	sld [smem:$0x3F9A];
	s0 =	simm.s32 @p0 $0x1  }
0x13: {  	[smem:$0x3FB5] =	sst s0;
	s0 =	simm.s32 @!p1 $0x0  }
0x14: {  	s2 =	sld [smem:$0x3F99];
	s0 =	simm.s32 @p1 $0x1  }
0x15: {  	[smem:$0x3FB6] =	sst s0;
	s0 =	simm.s32 @!p2 $0x0  }
0x16: {  	s3 =	sld [smem:$0x3FDB];
	s0 =	simm.s32 @p2 $0x1  }
0x17: {  	s4 =	simm.s32 $0x1BF5;
	[smem:$0x3FB8] =	sst s0  }
0x18: {  	s0 =	sld [smem:$0x3F9B];
	_ =	swait.ge [sflag:s4], $0x0  }
0x19: {  	s7 =	sld [smem:$0x3F9C]  }
0x1a: {  	s8 =	sadd.s32 $0xFFFFE003, lr  }
0x1b: {  	s9 =	sadd.s32 $0xFFFFFEF7, lr;
	s5 =	simm.s32 $0xFFFFFFFF;
	p2 =	slt.u32 s8, $0xFFFFF086  }
0x1c: {  	p1 =	slt.u32 s9, $0xF7A;
	s5 =	simm.s32 @!p2 $0x0  }
0x1d: {  	s5 =	simm.s32 @p1 $0x1;
	p0 =	seq.s32 s7, s2  }
0x1e: {  	s7 =	smul.u32 @!p0 $0xF7A, s2;
	p2 =	seq.s32 @!p0 s5, $0x0  }
0x1f: {  	s9 =	smul.u32 $0xF7A, s1;
	s8 =	simm.s32 @!p0 $0x1BF5;
	p2 =	por !p2, p0  }
0x20: {  	[sflag:s8] =	ssyncset.s32 @!p0 $0xFFFFF086;
	s6 =	sadd.s32 @!p0 s3, s7;
	s7 =	simm.s32 @!p0 $0x108  }
0x21: {  	s3 =	sadd.s32 s3, s9;
	s6 =	sadd.s32 @!p0 $0x88, s6;
	s7 =	simm.s32 @p2 $0x1082  }
0x22: {  	[simem:s7], [sflag:s8] =	dma.local @!p0 [hbm:s6], $0xF7A  }
0x23: {  	s9 =	sor.u32 $0xD0000000, s2;
	s6 =	simm.s32 $0x108;
	_ =	swait.ge @!p0 [sflag:s8], $0x0  }
0x24: {  	s3 =	sadd.s32 $0x88, s3;
	s6 =	simm.s32 @!p1 $0x1082;
	[sflag:s4] =	ssyncset.s32 $0xFFFFF086  }
0x25: {  	[simem:s6], [sflag:s4] =	dma.local [hbm:s3], $0xF7A  }
0x26: {  	[smem:$0x3F9C] =	sst s1;
	(tag) =	ssettag s2;
	_ =	strace s9  }
0x27: {  	s1 =	sld [smem:$0x3FAC]  }
0x28: {  	s2 =	sld [smem:$0x3FAD]  }
0x29: {  	s4 =	sld [smem:$0x3FAF]  }
0x2a: {  	p0 =	seq.s32 s5, $0x0;
	s5 =	sld [smem:$0x3FB0]  }
0x2b: {  	s6 =	sld [smem:$0x3FB1]  }
0x2c: {  	s7 =	sld [smem:$0x3FB2]  }
0x2d: {  	s3 =	simm.s32 $0x108;
	s8 =	sld [smem:$0x3FB3]  }
0x2e: {  	s3 =	simm.s32 @!p0 $0x1082;
	s9 =	sld [smem:$0x3FB4]  }
0x2f: {  	lr =	sadd.s32 s0, s3;
	s0 =	sld [smem:$0x3FAB]  }
0x30: {  	s3 =	sld [smem:$0x3FAE]  }
0x31: {  	[smem:$0x3FB7] =	sst s10  }
0x32: {  	s10 =	sld [smem:$0x3FB5];
	_ =	sdelay $0x3  }
0x33: {  	p0 =	seq.s32 s10, $0x1;
	s10 =	sld [smem:$0x3FB7];
	_ =	sdelay $0x3  }
0x34: {  	[smem:$0x3FB7] =	sst s10  }
0x35: {  	s10 =	sld [smem:$0x3FB6];
	_ =	sdelay $0x3  }
0x36: {  	p1 =	seq.s32 s10, $0x1;
	s10 =	sld [smem:$0x3FB7];
	_ =	sdelay $0x3  }
0x37: {  	[smem:$0x3FB7] =	sst s10  }
0x38: {  	s10 =	sld [smem:$0x3FB8]  }
0x39: {  	_ = 	snop;
	(pc) =	sbr.ind lr, $3  }
0x3a: {  	_ = 	snop  }
0x3b: {  	_ = 	snop  }
0x3c: {  	p2 =	seq.s32 s10, $0x1;
	s10 =	sld [smem:$0x3FB7]  }
0x3d: {  	_ =	shalt  }
0x3e: {  	_ =	shalt  }
0x3f: {  	_ =	shalt  }
0x40: {  	_ =	shalt  }
0x41: {  	_ =	shalt  }
0x42: {  	_ =	shalt  }
0x43: {  	_ =	shalt  }
0x44: {  	_ =	shalt  }
0x45: {  	_ =	shalt  }
0x46: {  	_ =	shalt  }
0x47: {  	_ =	shalt  }
0x48: {  	_ =	shalt  }
0x49: {  	_ =	shalt  }
0x4a: {  	_ =	shalt  }
0x4b: {  	_ =	shalt  }
0x4c: {  	_ =	shalt  }
0x4d: {  	_ =	shalt  }
0x4e: {  	_ =	shalt  }
0x4f: {  	_ =	shalt  }
0x50: {  	_ =	shalt  }
0x51: {  	_ =	shalt  }
0x52: {  	_ =	shalt  }
0x53: {  	_ =	shalt  }
0x54: {  	_ =	shalt  }
0x55: {  	_ =	shalt  }
0x56: {  	_ =	shalt  }
0x57: {  	_ =	shalt  }
0x58: {  	_ =	shalt  }
0x59: {  	_ =	shalt  }
0x5a: {  	_ =	shalt  }
0x5b: {  	_ =	shalt  }
0x5c: {  	_ =	shalt  }
0x5d: {  	_ =	shalt  }
0x5e: {  	_ =	shalt  }
0x5f: {  	_ =	shalt  }
0x60: {  	_ =	shalt  }
0x61: {  	_ =	shalt  }
0x62: {  	_ =	shalt  }
0x63: {  	_ =	shalt  }
0x64: {  	_ =	shalt  }
0x65: {  	_ =	shalt  }
0x66: {  	_ =	shalt  }
0x67: {  	_ =	shalt  }
0x68: {  	_ =	shalt  }
0x69: {  	_ =	shalt  }
0x6a: {  	_ =	shalt  }
0x6b: {  	_ =	shalt  }
0x6c: {  	_ =	shalt  }
0x6d: {  	_ =	shalt  }
0x6e: {  	_ =	shalt  }
0x6f: {  	_ =	shalt  }
0x70: {  	_ =	shalt  }
0x71: {  	_ =	shalt  }
0x72: {  	_ =	shalt  }
0x73: {  	_ =	shalt  }
0x74: {  	_ =	shalt  }
0x75: {  	_ =	shalt  }
0x76: {  	_ =	shalt  }
0x77: {  	_ =	shalt  }
0x78: {  	_ =	shalt  }
0x79: {  	_ =	shalt  }
0x7a: {  	_ =	shalt  }
0x7b: {  	_ =	shalt  }
0x7c: {  	_ =	shalt  }
0x7d: {  	_ =	shalt  }
0x7e: {  	_ =	shalt  }
0x7f: {  	_ =	shalt  }
0x80: {  	_ =	shalt  }
0x81: {  	_ =	shalt  }
0x82: {  	_ =	shalt  }
0x83: {  	_ =	shalt  }
0x84: {  	_ =	shalt  }
0x85: {  	_ =	shalt  }
0x86: {  	_ =	shalt  }
0x87: {  	_ =	shalt  }
.Lfunc_end0:
.L_simem_size_0:
called_computation.1_lowered:
.L_overlay_start_0:
0x88: {  	s2 =	sld [smem:$0x3FD9]  }
0x89: {  	s3 =	sld [smem:$0x3FFE];
	_ =	sdelay $0x1  }
0x8a: {  	s1 =	srdreg.scid  }
0x8b: {  	s0 =	sand.u32 $0x1, s1  }
0x8c: {  	s16 =	sshll.u32 s0, $0xA;
	s2 =	sadd.s32 s3, s2  }
0x8d: {  	s2 =	sadd.s32 s2, s16  }
0x8e: {  	[smem:$0x3FC3] =	sst s2  }
0x8f: {  	_ = 	snop  }
0x90: {  	(tm) =	ssettm $0x1  }
0x91: {  	s17 =	sld [smem:$0x3FFB];
	_ =	sdelay $0x3  }
0x92: {  	_ =	strace s17  }
0x93: {  	s2 =	sld [smem:$0x3FFC];
	_ =	sdelay $0x3  }
0x94: {  	_ =	strace s2  }
0x95: {  	s2 =	sld [smem:$0x3FFD];
	_ =	sdelay $0x3  }
0x96: {  	_ =	strace s2  }
0x97: {  	_ =	strace $0x8FFFFFFF  }
0x98: {  	s18 =	sld [smem:$0x3FDB];
	_ =	sdelay $0x1  }
0x99: {  	s19 =	simm.s32 $_scs_section_size  }
0x9a: {  	s4 =	simm.s32 $_size__tile_overlayer_lowered;
	s5 =	simm.s32 $_tile_overlayer_lowered  }
0x9b: {  	s22 =	simm.s32 $0x1BFF;
	s21 =	sshll.u32 s5, $0x1;
	s2 =	sadd.s32 s19, s18  }
0x9c: {  	s6 =	simm.s32 $0x0;
	s20 =	sshll.u32 s4, $0x1;
	s4 =	sadd.s32 s21, s2  }
0x9d: {  	[timem:s6], [sflag:s22] =	dma.local [hbm:s4], s20  }
0x9e: {  	_ =	swait.ge [sflag:s22], s20  }
0x9f: {  	s3 =	ssub.s32 $0x0, s20;
	[sflag:s22] =	ssyncset.done $0x0  }
0xa0: {  	[sflag:s22] =	ssyncadd.s32 s3;
	_ =	sdelay $0x1  }
0xa1: {  	s23 =	simm.s32 $0x1B8B  }
0xa2: {  	_ =	swait.ge [sflag:s23], $0x1  }
0xa3: {  	[sflag:s23] =	ssyncset.done $0x0  }
0xa4: {  	s25 =	simm.s32 $0x1B8E;
	s24 =	sld [smem:$0x3FFE];
	[sflag:s23] =	ssyncadd.s32 $0xFFFFFFFF  }
0xa5: {  	s26 =	simm.s32 $execute0_lowered;
	[smem:$0x3FD2] =	sst s25  }
0xa6: {  	s4 =	sshll.u32 s26, $0x1;
	_ =	strace $0x80000049;
	[dreg:$0x1] =	wrdreg $0xFFFFFFFF  }
0xa7: {  	s28 =	simm.s32 $_size_execute0_lowered;
	s2 =	sadd.s32 s2, s4;
	[dreg:$0x0] =	wrdreg $0x0  }
0xa8: {  	s4 =	sshll.u32 s28, $0x1;
	[dreg:$0x2] =	wrdreg s2  }
0xa9: {  	[dreg:$0x3] =	wrdreg s4  }
0xaa: {  	[dreg:$0x4] =	wrdreg $0xC0  }
0xab: {  	_ =	task [dreg:s6], $0x5FFFF  }
0xac: {  	[dreg:$0x1] =	wrdreg $0xFFFFFFFF  }
0xad: {  	[dreg:$0x0] =	wrdreg $0x60  }
0xae: {  	[dreg:$0x2] =	wrdreg s24  }
0xaf: {  	[dreg:$0x3] =	wrdreg $0x9  }
0xb0: {  	_ =	task.clear_ibuf [dreg:s6], $0x4FFFF;
	_ =	strace $0x90000049  }
0xb1: {  	s29 =	simm.s32 $0x9;
	_ =	strace $0x8000004B  }
0xb2: {  	_ =	swait.ge [sflag:s29], $0x1  }
0xb3: {  	[sflag:s29] =	ssyncadd.s32 $0xFFFFFFFF  }
0xb4: {  	_ =	strace $0x9000004B  }
0xb5: {  	_ =	sfence  }
0xb6: {  	s30 =	sld [smem:$0x0];
	_ =	sdelay $0x2  }
0xb7: {  	s31 =	sshll.u32 s1, $0xD;
	s1 =	sshrl.u32 s1, $0x2  }
0xb8: {  	s3 =	sand.u32 $0x4000, s31;
	s1 =	sadd.s32 s1, s30  }
0xb9: {  	s0 =	sor.u32 s3, s0;
	s1 =	sshll.u32 s1, $0x11  }
0xba: {  	s0 =	sor.u32 s1, s0  }
0xbb: {  	s0 =	sadd.s32 $0x8F2B, s0  }
0xbc: {  	[sflag:s0] =	ssyncadd.remote.s32 $0x1  }
0xbd: {  	_ =	sfence.sel $0xFFFF  }
0xbe: {  	[dreg:$0x0] =	wrdreg $0xFFFFFFFF;
	(pc) =	sbr.abs _section_cstart, $3  }
0xbf: {  	[dreg:$0x1] =	wrdreg $0xFFFFFFFF  }
0xc0: {  	_ =	task.clear_ibuf [dreg:s6], $0x2FFFF;
	_ =	strace $0x9FFFFFFF  }
0xc1: {  	(tm) =	ssettm $0x7FFFFFFF  }
tec
execute0_lowered:
.L_overlay_start_1:
0x0: {  	(tag) =	ssettag $0x1  }
0x1: {  	s0 =	srdreg.scid  }
0x2: {  	s1 =	stileid.u32;
	s4 =	rddreg [dreg:$0x0];
	s2 =	simm.s32 $0x0  }
0x3: {  	s9 =	simm.s32 $0x170;
	s10 =	simm.s32 $0x2E10;
	s11 =	simm.s32 $0x30F0  }
0x4: {  	s12 =	simm.s32 $0x1A0F0;
	s13 =	simm.s32 $0x2F80;
	s14 =	simm.s32 $0xE8F0  }
0x5: {  	s15 =	simm.s32 $0x1A4F0;
	s16 =	simm.s32 $0x1;
	s17 =	simm.s32 $0x3  }
0x6: {  	s18 =	simm.s32 $0x1A8F0;
	s19 =	simm.s32 $0x2;
	s20 =	simm.s32 $0x4  }
0x7: {  	s21 =	simm.s32 $0x1AAF0;
	s0 =	sand.u32 $0x1, s0;
	s1 =	sshll.u32 s1, $0x1  }
0x8: {  	s22 =	simm.s32 $0x0;
	[smem:$0x7FF] =	sst s2;
	s1 =	sor.u32 s0, s1  }
0x9: {  	_ =	strace $0x8000004A;
	s0 =	ssub.s32 $0x2, s0;
	s3 =	smul.u32 $0x5C0, s1  }
.Ltmp0:
0xa: {  	s6 =	sshll.u32 s1, $0xC;
	s7 =	sshrl.u32 s0, $0x1;
	(pc) =	sbr.rel .LBB2_1-.Ltmp0, $4  }
0xb: {  	s1 =	sshll.u32 s1, $0xB;
	s6 =	sadd.s32 s6, s4;
	s0 =	ssub.s32 s0, s7  }
0xc: {  	s1 =	sadd.s32 s1, s4;
	s5 =	sadd.s32 s3, s4;
	s0 =	smax.u32 s0, $0x1  }
0xd: {  	s3 =	sadd.s32 $0x1ED2200, s4;
	s31 =	sadd.s32 $0xF83E00, s5;
	[dreg:$0x3] =	wrdreg s0  }
0xe: {  	s5 =	sadd.s32 $0xF8F600, s6;
	s6 =	sadd.s32 $0xFAF600, s1;
	[dreg:$0x2] =	wrdreg s31  }
.LBB2_12:
0xf: {  	s22 =	sadd.s32 $0x1, s22;
	s0 =	rddreg [dreg:$0x3]  }
0x10: {  	p0 =	sne.s32 s22, s0  }
.Ltmp1:
0x11: {  	_ = 	snop;
	(pc) =	sbr.rel @!p0 .LBB2_13-.Ltmp1, $1  }
0x12: {  	_ =	sdelay $0x3  }
.LBB2_1:
0x13: {  	s0 =	rddreg [dreg:$0x2];
	s31 =	simm.s32 $0x5  }
0x14: {  	[tilespmem:s2], [sflag:$0x5] =	stream.linear.gather [hbm4b:s0+s2], $0x2E00, $0x38;
	[tilespmem:$0x1ACF0] =	vst v63  }
0x15: {  	_ =	swait.ge [sflag:s31], $0x2E00  }
0x16: {  	[sflag:s31] =	ssyncset.done $0x0  }
0x17: {  	[sflag:s31] =	ssyncadd.s32 $0xFFFFD200  }
0x18: {  	v0 =	vld [tilespmem:$0x0]  }
0x19: {  	v1 =	vld [tilespmem:$0x10]  }
0x1a: {  	v2 =	vld [tilespmem:$0x20]  }
0x1b: {  	v3 =	vld [tilespmem:$0x30]  }
0x1c: {  	v4 =	vld [tilespmem:$0x40]  }
0x1d: {  	v5 =	vld [tilespmem:$0x50];
	v0 =	vshrl.u32 v0, $0x1  }
0x1e: {  	v26 =	vld [tilespmem:$0x60];
	v25 =	vshrl.u32 v1, $0x1;
	[tilespmem:$0x2E10] =	vst v0  }
0x1f: {  	v28 =	vld [tilespmem:$0x70];
	v27 =	vshrl.u32 v2, $0x1;
	[tilespmem:$0x2E20] =	vst v25  }
0x20: {  	v30 =	vld [tilespmem:$0x80];
	v29 =	vshrl.u32 v3, $0x1;
	[tilespmem:$0x2E30] =	vst v27  }
0x21: {  	v32 =	vld [tilespmem:$0x90];
	v31 =	vshrl.u32 v4, $0x1;
	[tilespmem:$0x2E40] =	vst v29  }
0x22: {  	v34 =	vld [tilespmem:$0xA0];
	v33 =	vshrl.u32 v5, $0x1;
	[tilespmem:$0x2E50] =	vst v31  }
0x23: {  	v36 =	vld [tilespmem:$0xB0];
	v35 =	vshrl.u32 v26, $0x1;
	[tilespmem:$0x2E60] =	vst v33  }
0x24: {  	v38 =	vld [tilespmem:$0xC0];
	v37 =	vshrl.u32 v28, $0x1;
	[tilespmem:$0x2E70] =	vst v35  }
0x25: {  	v40 =	vld [tilespmem:$0xD0];
	v39 =	vshrl.u32 v30, $0x1;
	[tilespmem:$0x2E80] =	vst v37  }
0x26: {  	v42 =	vld [tilespmem:$0xE0];
	v41 =	vshrl.u32 v32, $0x1;
	[tilespmem:$0x2E90] =	vst v39  }
0x27: {  	v44 =	vld [tilespmem:$0xF0];
	v43 =	vshrl.u32 v34, $0x1;
	[tilespmem:$0x2EA0] =	vst v41  }
0x28: {  	v46 =	vld [tilespmem:$0x100];
	v45 =	vshrl.u32 v36, $0x1;
	[tilespmem:$0x2EB0] =	vst v43  }
0x29: {  	v48 =	vld [tilespmem:$0x110];
	v47 =	vshrl.u32 v38, $0x1;
	[tilespmem:$0x2EC0] =	vst v45  }
0x2a: {  	v50 =	vld [tilespmem:$0x120];
	v49 =	vshrl.u32 v40, $0x1;
	[tilespmem:$0x2ED0] =	vst v47  }
0x2b: {  	v52 =	vld [tilespmem:$0x130];
	v51 =	vshrl.u32 v42, $0x1;
	[tilespmem:$0x2EE0] =	vst v49  }
0x2c: {  	v54 =	vld [tilespmem:$0x140];
	v53 =	vshrl.u32 v44, $0x1;
	[tilespmem:$0x2EF0] =	vst v51  }
0x2d: {  	v56 =	vld [tilespmem:$0x150];
	v55 =	vshrl.u32 v46, $0x1;
	[tilespmem:$0x2F00] =	vst v53  }
0x2e: {  	v58 =	vld [tilespmem:$0x160];
	v57 =	vshrl.u32 v48, $0x1;
	[tilespmem:$0x2F10] =	vst v55  }
0x2f: {  	v59 =	vshrl.u32 v50, $0x1;
	[tilespmem:$0x2F20] =	vst v57  }
0x30: {  	v60 =	vshrl.u32 v52, $0x1;
	[tilespmem:$0x2F30] =	vst v59  }
0x31: {  	v61 =	vshrl.u32 v54, $0x1;
	[tilespmem:$0x2F40] =	vst v60  }
0x32: {  	v62 =	vshrl.u32 v56, $0x1;
	[tilespmem:$0x2F50] =	vst v61  }
.Ltmp2:
0x33: {  	v63 =	vshrl.u32 v58, $0x1;
	[tilespmem:$0x2F60] =	vst v62;
	(pc) =	sbr.rel .LBB2_2-.Ltmp2, $4  }
0x34: {  	[tilespmem:$0x2F70] =	vst v63  }
0x35: {  	[tilespmem:s11], [sflag:$0x1] =	stream.indirect.gather [hbm4b:s3+s9], $0x80, s10, s9, $0xb8;
	[tilespmem:$0x1ACF0] =	vst v63  }
0x36: {  	s23 =	simm.s32 $0xB;
	s24 =	simm.s32 $0x0;
	s25 =	simm.s32 $0x0  }
0x37: {  	[tilespmem:s12], [sflag:$0x3] =	stream.linear.gather [hbm4b:s5+s2], $0x400, $0x38;
	[tilespmem:$0x1ACF0] =	vst v63  }
.LBB2_10:
0x38: {  	s0 =	sadd.s32 s26, s6  }
0x39: {  	[hbm4b:s0+s2] =	stream.linear.scatter [tilespmem:s21], [sflag:$0x5], $0x200, $0x38;
	[tilespmem:$0x1ACF0] =	vst v63  }
0x3a: {  	s0 =	simm.s32 $0x5  }
.LBB2_11:
0x3b: {  	s25 =	sadd.s32 $0x1, s25  }
0x3c: {  	p0 =	sne.s32 s25, $0x20  }
.Ltmp3:
0x3d: {  	_ = 	snop;
	(pc) =	sbr.rel @!p0 .LBB2_12-.Ltmp3, $4  }
0x3e: {  	_ = 	snop  }
0x3f: {  	_ =	swait.ge [sflag:s0], $0x200  }
0x40: {  	[sflag:s0] =	ssyncset.done $0x0  }
0x41: {  	s24 =	sadd.s32 $0x170, s24;
	s23 =	sadd.s32 $0x170, s23;
	[sflag:s0] =	ssyncadd.s32 $0xFFFFFE00  }
.LBB2_2:
0x42: {  	s0 =	sand.u32 $0x1, s25  }
0x43: {  	p0 =	seq.s32 s0, $0x1  }
.Ltmp4:
0x44: {  	_ = 	snop;
	(pc) =	sbr.rel @p0 .LBB2_6-.Ltmp4, $1  }
0x45: {  	_ =	sdelay $0x3  }
0x46: {  	s0 =	sor.u32 $0x1, s25  }
0x47: {  	s1 =	smul.u32 $0x5C0, s0;
	_ =	sdelay $0x1  }
0x48: {  	s1 =	sshra.s32 s1, $0x2  }
0x49: {  	v0 =	vld [tilespmem:s1+$0x0];
	_ =	sdelay $0x4  }
0x4a: {  	v0 =	vshrl.u32 v0, $0x1  }
0x4b: {  	[tilespmem:$0x2F80] =	vst v0  }
0x4c: {  	v0 =	vld [tilespmem:s1+$0x10];
	_ =	sdelay $0x4  }
0x4d: {  	v0 =	vshrl.u32 v0, $0x1  }
0x4e: {  	[tilespmem:$0x2F90] =	vst v0  }
0x4f: {  	v0 =	vld [tilespmem:s1+$0x20];
	_ =	sdelay $0x4  }
0x50: {  	v0 =	vshrl.u32 v0, $0x1  }
0x51: {  	[tilespmem:$0x2FA0] =	vst v0  }
0x52: {  	v0 =	vld [tilespmem:s1+$0x30];
	_ =	sdelay $0x4  }
0x53: {  	v0 =	vshrl.u32 v0, $0x1  }
0x54: {  	[tilespmem:$0x2FB0] =	vst v0  }
0x55: {  	v0 =	vld [tilespmem:s1+$0x40];
	_ =	sdelay $0x4  }
0x56: {  	v0 =	vshrl.u32 v0, $0x1  }
0x57: {  	[tilespmem:$0x2FC0] =	vst v0  }
0x58: {  	v0 =	vld [tilespmem:s1+$0x50];
	_ =	sdelay $0x4  }
0x59: {  	v0 =	vshrl.u32 v0, $0x1  }
0x5a: {  	[tilespmem:$0x2FD0] =	vst v0  }
0x5b: {  	v0 =	vld [tilespmem:s1+$0x60];
	_ =	sdelay $0x4  }
0x5c: {  	v0 =	vshrl.u32 v0, $0x1  }
0x5d: {  	[tilespmem:$0x2FE0] =	vst v0  }
0x5e: {  	v0 =	vld [tilespmem:s1+$0x70];
	_ =	sdelay $0x4  }
0x5f: {  	v0 =	vshrl.u32 v0, $0x1  }
0x60: {  	[tilespmem:$0x2FF0] =	vst v0  }
0x61: {  	v0 =	vld [tilespmem:s1+$0x80];
	_ =	sdelay $0x4  }
0x62: {  	v0 =	vshrl.u32 v0, $0x1  }
0x63: {  	[tilespmem:$0x3000] =	vst v0  }
0x64: {  	v0 =	vld [tilespmem:s1+$0x90];
	_ =	sdelay $0x4  }
0x65: {  	v0 =	vshrl.u32 v0, $0x1  }
0x66: {  	[tilespmem:$0x3010] =	vst v0  }
0x67: {  	v0 =	vld [tilespmem:s1+$0xA0];
	_ =	sdelay $0x4  }
0x68: {  	v0 =	vshrl.u32 v0, $0x1  }
0x69: {  	[tilespmem:$0x3020] =	vst v0  }
0x6a: {  	v0 =	vld [tilespmem:s1+$0xB0];
	_ =	sdelay $0x4  }
0x6b: {  	v0 =	vshrl.u32 v0, $0x1  }
0x6c: {  	[tilespmem:$0x3030] =	vst v0  }
0x6d: {  	v0 =	vld [tilespmem:s1+$0xC0];
	_ =	sdelay $0x4  }
0x6e: {  	v0 =	vshrl.u32 v0, $0x1  }
0x6f: {  	[tilespmem:$0x3040] =	vst v0  }
0x70: {  	v0 =	vld [tilespmem:s1+$0xD0];
	_ =	sdelay $0x4  }
0x71: {  	v0 =	vshrl.u32 v0, $0x1  }
0x72: {  	[tilespmem:$0x3050] =	vst v0  }
0x73: {  	v0 =	vld [tilespmem:s1+$0xE0];
	_ =	sdelay $0x4  }
0x74: {  	v0 =	vshrl.u32 v0, $0x1  }
0x75: {  	[tilespmem:$0x3060] =	vst v0  }
0x76: {  	v0 =	vld [tilespmem:s1+$0xF0];
	_ =	sdelay $0x4  }
0x77: {  	v0 =	vshrl.u32 v0, $0x1  }
0x78: {  	[tilespmem:$0x3070] =	vst v0  }
0x79: {  	v0 =	vld [tilespmem:s1+$0x100];
	_ =	sdelay $0x4  }
0x7a: {  	v0 =	vshrl.u32 v0, $0x1  }
0x7b: {  	[tilespmem:$0x3080] =	vst v0  }
0x7c: {  	v0 =	vld [tilespmem:s1+$0x110];
	_ =	sdelay $0x4  }
0x7d: {  	v0 =	vshrl.u32 v0, $0x1  }
0x7e: {  	[tilespmem:$0x3090] =	vst v0  }
0x7f: {  	v0 =	vld [tilespmem:s1+$0x120];
	_ =	sdelay $0x4  }
0x80: {  	v0 =	vshrl.u32 v0, $0x1  }
0x81: {  	[tilespmem:$0x30A0] =	vst v0  }
0x82: {  	v0 =	vld [tilespmem:s1+$0x130];
	_ =	sdelay $0x4  }
0x83: {  	v0 =	vshrl.u32 v0, $0x1  }
0x84: {  	[tilespmem:$0x30B0] =	vst v0  }
0x85: {  	v0 =	vld [tilespmem:s1+$0x140];
	_ =	sdelay $0x4  }
0x86: {  	v0 =	vshrl.u32 v0, $0x1  }
0x87: {  	[tilespmem:$0x30C0] =	vst v0  }
0x88: {  	v0 =	vld [tilespmem:s1+$0x150];
	_ =	sdelay $0x4  }
0x89: {  	v0 =	vshrl.u32 v0, $0x1  }
0x8a: {  	[tilespmem:$0x30D0] =	vst v0  }
0x8b: {  	v0 =	vld [tilespmem:s1+$0x160];
	_ =	sdelay $0x4  }
0x8c: {  	v0 =	vshrl.u32 v0, $0x1  }
0x8d: {  	s0 =	sshll.u32 s0, $0x7;
	[tilespmem:$0x30E0] =	vst v0  }
0x8e: {  	[tilespmem:s14], [sflag:$0x2] =	stream.indirect.gather [hbm4b:s3+s9], $0x80, s13, s9, $0xb8;
	[tilespmem:$0x1ACF0] =	vst v63  }
0x8f: {  	s26 =	simm.s32 $0x0;
	s0 =	sadd.s32 s0, s5  }
0x90: {  	[tilespmem:s15], [sflag:$0x4] =	stream.linear.gather [hbm4b:s0+s26], $0x400, $0x38;
	[tilespmem:$0x1ACF0] =	vst v63  }
0x91: {  	_ =	swait.ge [sflag:s16], $0xB800  }
0x92: {  	[sflag:s16] =	ssyncset.done $0x0  }
0x93: {  	[sflag:s16] =	ssyncadd.s32 $0xFFFF4800  }
0x94: {  	_ =	swait.ge [sflag:s17], $0x400  }
0x95: {  	s28 =	simm.s32 $0x1A900;
	s29 =	simm.s32 $0x1A110;
	[sflag:s17] =	ssyncset.done $0x0  }
0x96: {  	s30 =	smov.u32 s23;
	s31 =	simm.s32 $0x0;
	[sflag:s17] =	ssyncadd.s32 $0xFFFFFC00  }
.LBB2_4:
0x97: {  	v0 =	vld [tilespmem:s30+$0xFFFFFFF5];
	_ =	sdelay $0x2  }
0x98: {  	v60 =	vld [tilespmem:s30+$0xFFFFFFF6];
	_ =	sdelay $0x1  }
0x99: {  	(v2sf) =	vpush v0, $0x0  }
0x9a: {  	v61 =	vld [tilespmem:s30+$0xFFFFFFF7];
	_ =	sdelay $0x1  }
0x9b: {  	(v2sf) =	vpush v60, $0x0;
	_ =	sdelay $0x1  }
0x9c: {  	v62 =	vld [tilespmem:s30+$0xFFFFFFF8]  }
0x9d: {  	(v2sf) =	vpush v61, $0x0  }
0x9e: {  	v3 =	vld [tilespmem:s30+$0xFFFFFFF9]  }
0x9f: {  	v1 =	vld [tilespmem:s29+$0xFFFFFFE0]  }
0xa0: {  	v2 =	vld [tilespmem:s29+$0xFFFFFFF0]  }
0xa1: {  	v7 =	vld [tilespmem:s30+$0xFFFFFFFA];
	(v2sf) =	vpush v62, $0x0  }
0xa2: {  	v51 =	vld [tilespmem:s30+$0xFFFFFFFB]  }
0xa3: {  	v52 =	vld [tilespmem:s30+$0xFFFFFFFC]  }
0xa4: {  	v54 =	vld [tilespmem:s30+$0xFFFFFFFE]  }
0xa5: {  	v55 =	vld [tilespmem:s30+$0xFFFFFFFF]  }
0xa6: {  	v56 =	vld [tilespmem:s30+$0x0];
	s0 =	spop (v2sf)  }
0xa7: {  	v57 =	vld [tilespmem:s30+$0x1];
	(v2sf) =	vpush v3, $0x0;
	s0 =	sand.u32 $0x1, s0  }
0xa8: {  	v58 =	vld [tilespmem:s30+$0x2];
	s1 =	sshll.u32 s0, $0x6;
	s0 =	sshra.s32 s31, $0x2  }
0xa9: {  	v59 =	vld [tilespmem:s30+$0x3];
	s4 =	spop (v2sf);
	s1 =	sadd.s32 s0, s1  }
0xaa: {  	s4 =	sand.u32 $0x1, s4;
	v5 =	vld [tilespmem:s1+$0x30F0]  }
0xab: {  	s4 =	sshll.u32 s4, $0x6;
	v6 =	vld [tilespmem:s1+$0x3100]  }
0xac: {  	s7 =	spop (v2sf);
	(v2sf) =	vpush v7, $0x0;
	v4 =	vld [tilespmem:s1+$0x3110];
	s8 =	sadd.s32 s0, s4  }
0xad: {  	v8 =	vld [tilespmem:s8+$0x3170]  }
0xae: {  	v9 =	vld [tilespmem:s8+$0x3180]  }
0xaf: {  	s4 =	sand.u32 $0x1, s7;
	v10 =	vld [tilespmem:s8+$0x3190]  }
0xb0: {  	s4 =	sshll.u32 s4, $0x6;
	v11 =	vld [tilespmem:s8+$0x31A0];
	s8 =	spop (v2sf);
	(v2sf) =	vpush v51, $0x0  }
0xb1: {  	v63 =	vld [tilespmem:s1+$0x3120];
	s1 =	sadd.s32 s0, s4  }
0xb2: {  	v12 =	vld [tilespmem:s1+$0x31F0]  }
0xb3: {  	s7 =	sadd.s32 s26, s24;
	v13 =	vld [tilespmem:s1+$0x3200]  }
0xb4: {  	s7 =	sand.u32 $0x7FF8, s7;
	s4 =	sand.u32 $0x1, s8;
	s8 =	sand.u32 $0x7, s26;
	v14 =	vld [tilespmem:s1+$0x3210]  }
0xb5: {  	v15 =	vld [tilespmem:s1+$0x3220];
	s1 =	sor.u32 s8, s7  }
0xb6: {  	s8 =	spop (v2sf);
	(v2sf) =	vpush v52, $0x0;
	v53 =	vld [tilespmem:s1+$0x8]  }
0xb7: {  	v0 =	vld [tilespmem:s29+$0x0]  }
0xb8: {  	v60 =	vld [tilespmem:s30+$0x4]  }
0xb9: {  	v62 =	vld [tilespmem:s30+$0x7];
	s4 =	sshll.u32 s4, $0x6  }
0xba: {  	s4 =	sadd.s32 s0, s4;
	v61 =	vld [tilespmem:s1+$0x10]  }
0xbb: {  	s7 =	sand.u32 $0x1, s8;
	v16 =	vld [tilespmem:s4+$0x3270];
	s8 =	spop (v2sf);
	(v2sf) =	vpush v53, $0x0  }
0xbc: {  	v17 =	vld [tilespmem:s4+$0x3280];
	v6 =	vadd.f32 $0.0e+00, v6  }
0xbd: {  	v18 =	vld [tilespmem:s4+$0x3290];
	s7 =	sshll.u32 s7, $0x6  }
0xbe: {  	v19 =	vld [tilespmem:s4+$0x32A0];
	s4 =	sadd.s32 s0, s7;
	v6 =	vadd.f32 v9, v6  }
0xbf: {  	v21 =	vld [tilespmem:s4+$0x3300];
	s7 =	sand.u32 $0x1, s8;
	s8 =	spop (v2sf);
	(v2sf) =	vpush v54, $0x0  }
0xc0: {  	v3 =	vadd.f32 $0.0e+00, v63;
	v63 =	vld [tilespmem:s30+$0x8];
	v6 =	vadd.f32 v13, v6  }
0xc1: {  	v20 =	vld [tilespmem:s4+$0x32F0]  }
0xc2: {  	v22 =	vld [tilespmem:s4+$0x3310];
	v6 =	vadd.f32 v17, v6  }
0xc3: {  	v23 =	vld [tilespmem:s4+$0x3320]  }
0xc4: {  	v6 =	vadd.f32 v21, v6;
	v21 =	vld [tilespmem:s30+$0x9];
	s7 =	sshll.u32 s7, $0x6  }
0xc5: {  	s4 =	sadd.s32 s0, s7;
	v54 =	vld [tilespmem:s30+$0x6];
	s7 =	sand.u32 $0x1, s8;
	s8 =	spop (v2sf);
	(v2sf) =	vpush v55, $0x0  }
0xc6: {  	v24 =	vld [tilespmem:s4+$0x3370]  }
0xc7: {  	v25 =	vld [tilespmem:s4+$0x3380]  }
0xc8: {  	v26 =	vld [tilespmem:s4+$0x3390];
	s7 =	sshll.u32 s7, $0x6  }
0xc9: {  	v27 =	vld [tilespmem:s4+$0x33A0];
	s4 =	sadd.s32 s0, s7  }
0xca: {  	s7 =	sand.u32 $0x1, s8;
	v28 =	vld [tilespmem:s4+$0x33F0];
	s8 =	spop (v2sf);
	(v2sf) =	vpush v56, $0x0  }
0xcb: {  	v29 =	vld [tilespmem:s4+$0x3400]  }
0xcc: {  	v30 =	vld [tilespmem:s4+$0x3410];
	s7 =	sshll.u32 s7, $0x6  }
0xcd: {  	v31 =	vld [tilespmem:s4+$0x3420];
	s4 =	sadd.s32 s0, s7  }
0xce: {  	v32 =	vld [tilespmem:s4+$0x3470];
	s7 =	sand.u32 $0x1, s8;
	s8 =	spop (v2sf);
	(v2sf) =	vpush v57, $0x0  }
0xcf: {  	v33 =	vld [tilespmem:s4+$0x3480]  }
0xd0: {  	v34 =	vld [tilespmem:s4+$0x3490];
	s7 =	sshll.u32 s7, $0x6  }
0xd1: {  	v35 =	vld [tilespmem:s4+$0x34A0];
	s4 =	sadd.s32 s0, s7  }
0xd2: {  	v36 =	vld [tilespmem:s4+$0x34F0]  }
0xd3: {  	v37 =	vld [tilespmem:s4+$0x3500]  }
0xd4: {  	s7 =	sand.u32 $0x1, s8;
	v38 =	vld [tilespmem:s4+$0x3510];
	s8 =	spop (v2sf);
	(v2sf) =	vpush v58, $0x0  }
0xd5: {  	v39 =	vld [tilespmem:s4+$0x3520];
	s7 =	sshll.u32 s7, $0x6  }
0xd6: {  	v58 =	vld [tilespmem:s30+$0xB];
	s4 =	sadd.s32 s0, s7  }
0xd7: {  	v40 =	vld [tilespmem:s4+$0x3570]  }
0xd8: {  	s7 =	sand.u32 $0x1, s8;
	v41 =	vld [tilespmem:s4+$0x3580]  }
0xd9: {  	v42 =	vld [tilespmem:s4+$0x3590];
	s7 =	sshll.u32 s7, $0x6;
	s8 =	spop (v2sf);
	(v2sf) =	vpush v59, $0x0  }
0xda: {  	v43 =	vld [tilespmem:s4+$0x35A0];
	s4 =	sadd.s32 s0, s7  }
0xdb: {  	v44 =	vld [tilespmem:s4+$0x35F0]  }
0xdc: {  	v45 =	vld [tilespmem:s4+$0x3600];
	s7 =	sand.u32 $0x1, s8  }
0xdd: {  	v46 =	vld [tilespmem:s4+$0x3610];
	s7 =	sshll.u32 s7, $0x6;
	s8 =	spop (v2sf);
	(v2sf) =	vpush v60, $0x0  }
0xde: {  	v47 =	vld [tilespmem:s4+$0x3620];
	s4 =	sadd.s32 s0, s7  }
0xdf: {  	v48 =	vld [tilespmem:s4+$0x3670]  }
0xe0: {  	v49 =	vld [tilespmem:s4+$0x3680];
	s7 =	sand.u32 $0x1, s8  }
0xe1: {  	v50 =	vld [tilespmem:s4+$0x3690];
	(v2sf) =	vpush v61, $0x0;
	s7 =	sshll.u32 s7, $0x6  }
0xe2: {  	v51 =	vld [tilespmem:s4+$0x36A0];
	s7 =	sadd.s32 s0, s7  }
0xe3: {  	v5 =	vadd.f32 $0.0e+00, v5;
	s8 =	spop (v2sf);
	v52 =	vld [tilespmem:s7+$0x36F0]  }
0xe4: {  	v4 =	vadd.f32 $0.0e+00, v4;
	s4 =	sand.u32 $0x1, s8;
	v53 =	vld [tilespmem:s7+$0x3700]  }
0xe5: {  	v5 =	vadd.f32 v8, v5;
	(v2sf) =	vpush v54, $0x0;
	v55 =	vld [tilespmem:s7+$0x3710];
	s4 =	sshll.u32 s4, $0x6  }
0xe6: {  	v4 =	vadd.f32 v10, v4;
	v3 =	vadd.f32 v11, v3;
	v7 =	vld [tilespmem:s7+$0x3720];
	s7 =	sadd.s32 s0, s4  }
0xe7: {  	v5 =	vadd.f32 v12, v5;
	v8 =	vld [tilespmem:s7+$0x3770]  }
0xe8: {  	v4 =	vadd.f32 v14, v4;
	v3 =	vadd.f32 v15, v3;
	v10 =	vld [tilespmem:s7+$0x3780];
	s8 =	spop (v2sf)  }
0xe9: {  	v5 =	vadd.f32 v16, v5;
	v11 =	vld [tilespmem:s7+$0x3790];
	(v2sf) =	vpush v62, $0x0;
	s4 =	sand.u32 $0x1, s8  }
0xea: {  	v4 =	vadd.f32 v18, v4;
	v3 =	vadd.f32 v19, v3;
	v12 =	vld [tilespmem:s7+$0x37A0];
	s7 =	sshll.u32 s4, $0x6  }
0xeb: {  	v5 =	vadd.f32 v20, v5;
	v54 =	vld [tilespmem:s30+$0xA];
	s1 =	sadd.s32 s0, s7  }
0xec: {  	v4 =	vadd.f32 v22, v4;
	v3 =	vadd.f32 v23, v3;
	s8 =	spop (v2sf);
	v9 =	vld [tilespmem:s1+$0x37F0]  }
0xed: {  	v5 =	vadd.f32 v24, v5;
	(v2sf) =	vpush v63, $0x0;
	v14 =	vld [tilespmem:s1+$0x3800];
	s4 =	sand.u32 $0x1, s8  }
0xee: {  	v6 =	vadd.f32 v25, v6;
	v4 =	vadd.f32 v26, v4;
	v16 =	vld [tilespmem:s1+$0x3810];
	s4 =	sshll.u32 s4, $0x6  }
0xef: {  	v3 =	vadd.f32 v27, v3;
	v5 =	vadd.f32 v28, v5;
	v13 =	vld [tilespmem:s1+$0x3820];
	s7 =	sadd.s32 s0, s4  }
0xf0: {  	v6 =	vadd.f32 v29, v6;
	(v2sf) =	vpush v21, $0x0;
	s8 =	spop (v2sf);
	v17 =	vld [tilespmem:s7+$0x3870]  }
0xf1: {  	v4 =	vadd.f32 v30, v4;
	v3 =	vadd.f32 v31, v3;
	s4 =	sand.u32 $0x1, s8;
	v56 =	vld [tilespmem:s7+$0x3880]  }
0xf2: {  	v5 =	vadd.f32 v32, v5;
	v6 =	vadd.f32 v33, v6;
	v57 =	vld [tilespmem:s7+$0x3890];
	s4 =	sshll.u32 s4, $0x6  }
0xf3: {  	v4 =	vadd.f32 v34, v4;
	v3 =	vadd.f32 v35, v3;
	v59 =	vld [tilespmem:s7+$0x38A0];
	s7 =	sadd.s32 s0, s4  }
0xf4: {  	v5 =	vadd.f32 v36, v5;
	(v2sf) =	vpush v54, $0x0;
	s8 =	spop (v2sf);
	v60 =	vld [tilespmem:s7+$0x38F0]  }
0xf5: {  	v6 =	vadd.f32 v37, v6;
	v4 =	vadd.f32 v38, v4;
	s4 =	sand.u32 $0x1, s8;
	v61 =	vld [tilespmem:s7+$0x3900]  }
0xf6: {  	v3 =	vadd.f32 v39, v3;
	v5 =	vadd.f32 v40, v5;
	v62 =	vld [tilespmem:s7+$0x3910];
	s4 =	sshll.u32 s4, $0x6  }
0xf7: {  	v6 =	vadd.f32 v41, v6;
	(v2sf) =	vpush v58, $0x0;
	v63 =	vld [tilespmem:s7+$0x3920];
	s7 =	sadd.s32 s0, s4  }
0xf8: {  	v4 =	vadd.f32 v42, v4;
	v3 =	vadd.f32 v43, v3;
	v32 =	vld [tilespmem:s7+$0x3970];
	s8 =	spop (v2sf)  }
0xf9: {  	v5 =	vadd.f32 v44, v5;
	v6 =	vadd.f32 v45, v6;
	v33 =	vld [tilespmem:s7+$0x3980];
	s4 =	sand.u32 $0x1, s8  }
0xfa: {  	v4 =	vadd.f32 v46, v4;
	v3 =	vadd.f32 v47, v3;
	v34 =	vld [tilespmem:s7+$0x3990];
	s4 =	sshll.u32 s4, $0x6  }
0xfb: {  	v5 =	vadd.f32 v48, v5;
	v6 =	vadd.f32 v49, v6;
	v35 =	vld [tilespmem:s7+$0x39A0];
	s1 =	sadd.s32 s0, s4  }
0xfc: {  	v4 =	vadd.f32 v50, v4;
	v3 =	vadd.f32 v51, v3;
	s7 =	spop (v2sf);
	v36 =	vld [tilespmem:s1+$0x39F0]  }
0xfd: {  	v5 =	vadd.f32 v52, v5;
	v6 =	vadd.f32 v53, v6;
	s4 =	sand.u32 $0x1, s7;
	v37 =	vld [tilespmem:s1+$0x3A00]  }
0xfe: {  	v4 =	vadd.f32 v55, v4;
	v3 =	vadd.f32 v7, v3;
	v38 =	vld [tilespmem:s1+$0x3A10];
	s4 =	sshll.u32 s4, $0x6  }
0xff: {  	v5 =	vadd.f32 v8, v5;
	v6 =	vadd.f32 v10, v6;
	s8 =	spop (v2sf);
	v39 =	vld [tilespmem:s1+$0x3A20];
	s1 =	sadd.s32 s0, s4  }
0x100: {  	v4 =	vadd.f32 v11, v4;
	v3 =	vadd.f32 v12, v3;
	s7 =	sand.u32 $0x1, s8;
	v40 =	vld [tilespmem:s1+$0x3A70]  }
0x101: {  	v5 =	vadd.f32 v9, v5;
	v6 =	vadd.f32 v14, v6;
	s4 =	sshll.u32 s7, $0x6;
	v41 =	vld [tilespmem:s1+$0x3A80]  }
0x102: {  	v4 =	vadd.f32 v16, v4;
	v3 =	vadd.f32 v13, v3;
	v42 =	vld [tilespmem:s1+$0x3A90];
	s4 =	sadd.s32 s0, s4  }
0x103: {  	v5 =	vadd.f32 v17, v5;
	v6 =	vadd.f32 v56, v6;
	s8 =	spop (v2sf);
	v43 =	vld [tilespmem:s4+$0x3AF0]  }
0x104: {  	v4 =	vadd.f32 v57, v4;
	v3 =	vadd.f32 v59, v3;
	s7 =	sand.u32 $0x1, s8;
	v44 =	vld [tilespmem:s4+$0x3B00]  }
0x105: {  	v5 =	vadd.f32 v60, v5;
	v6 =	vadd.f32 v61, v6;
	s7 =	sshll.u32 s7, $0x6;
	v45 =	vld [tilespmem:s4+$0x3B10]  }
0x106: {  	v4 =	vadd.f32 v62, v4;
	v3 =	vadd.f32 v63, v3;
	s8 =	spop (v2sf);
	v46 =	vld [tilespmem:s4+$0x3B20];
	s4 =	sadd.s32 s0, s7  }
0x107: {  	v5 =	vadd.f32 v32, v5;
	v6 =	vadd.f32 v33, v6;
	s7 =	sand.u32 $0x1, s8;
	v47 =	vld [tilespmem:s4+$0x3B70]  }
0x108: {  	v4 =	vadd.f32 v34, v4;
	v3 =	vadd.f32 v35, v3;
	v48 =	vld [tilespmem:s4+$0x3B80];
	s7 =	sshll.u32 s7, $0x6  }
0x109: {  	v49 =	vld [tilespmem:s4+$0x3B90];
	s0 =	sadd.s32 s0, s7;
	v5 =	vadd.f32 v36, v5;
	v6 =	vadd.f32 v37, v6  }
0x10a: {  	v4 =	vadd.f32 v38, v4;
	v3 =	vadd.f32 v39, v3;
	v50 =	vld [tilespmem:s0+$0x3BF0]  }
0x10b: {  	v51 =	vld [tilespmem:s0+$0x3C00];
	v5 =	vadd.f32 v40, v5;
	v6 =	vadd.f32 v41, v6  }
0x10c: {  	v54 =	vld [tilespmem:s4+$0x3BA0];
	v52 =	vadd.f32 $0.0e+00, v43;
	v53 =	vadd.f32 $0.0e+00, v44  }
0x10d: {  	v56 =	vld [tilespmem:s0+$0x3C10];
	v4 =	vadd.f32 v42, v4;
	v55 =	vadd.f32 $0.0e+00, v45  }
0x10e: {  	v57 =	vld [tilespmem:s1+$0x3AA0];
	v9 =	vadd.f32 v47, v52;
	v10 =	vadd.f32 v48, v53  }
0x10f: {  	v58 =	vld [tilespmem:s0+$0x3C20];
	v15 =	vadd.f32 $0.0e+00, v46;
	v11 =	vadd.f32 v49, v55  }
0x110: {  	v59 =	vld [tilespmem:s29+$0x10];
	v7 =	vadd.f32 v50, v9;
	v8 =	vadd.f32 v51, v10  }
0x111: {  	v5 =	vmul.f32 v5, v1;
	v6 =	vmul.f32 v6, v2;
	v60 =	vadd.f32 v54, v15  }
0x112: {  	v11 =	vadd.f32 v56, v11;
	v1 =	vmul.f32 v7, v1;
	v2 =	vmul.f32 v8, v2  }
0x113: {  	v3 =	vadd.f32 v57, v3;
	v4 =	vmul.f32 v4, v0;
	v5 =	vadd.f32 v6, v5  }
0x114: {  	v61 =	vadd.f32 v58, v60;
	v0 =	vmul.f32 v11, v0;
	v1 =	vadd.f32 v2, v1  }
0x115: {  	p0 =	sne.s32 s31, $0x2B200;
	v3 =	vmul.f32 v3, v59;
	v62 =	vadd.f32 v4, v5  }
.Ltmp5:
0x116: {  	v63 =	vmul.f32 v61, v59;
	v0 =	vadd.f32 v0, v1;
	(pc) =	sbr.rel @p0 .LBB2_4-.Ltmp5, $4  }
0x117: {  	v2 =	vadd.f32 v3, v62  }
0x118: {  	v0 =	vadd.f32 v63, v0  }
0x119: {  	s31 =	sadd.s32 $0x2E00, s31;
	s26 =	sadd.s32 $0x17, s26;
	[tilespmem:s28+$0xFFFFFFF0] =	vst v2  }
0x11a: {  	s30 =	sadd.s32 $0x17, s30;
	s29 =	sadd.s32 $0x40, s29;
	[tilespmem:s28+$0x0] =	vst v0;
	s28 =	sadd.s32 $0x20, s28  }
.Ltmp6:
0x11b: {  	(pc) =	sbr.rel .LBB2_11-.Ltmp6, $4  }
0x11c: {  	s0 =	sshll.u32 s25, $0x6  }
0x11d: {  	s0 =	sadd.s32 s0, s6  }
0x11e: {  	[hbm4b:s0+s2] =	stream.linear.scatter [tilespmem:s18], [sflag:$0x6], $0x200, $0x38;
	[tilespmem:$0x1ACF0] =	vst v63  }
0x11f: {  	s0 =	simm.s32 $0x6  }
.LBB2_6:
0x120: {  	p0 =	seq.s32 s25, $0x1F  }
.Ltmp7:
0x121: {  	_ = 	snop;
	(pc) =	sbr.rel @p0 .LBB2_8-.Ltmp7, $1  }
0x122: {  	_ =	sdelay $0x3  }
0x123: {  	s0 =	sadd.s32 $0x1, s25  }
0x124: {  	s1 =	smul.u32 $0x5C0, s0;
	_ =	sdelay $0x1  }
0x125: {  	s1 =	sshra.s32 s1, $0x2  }
0x126: {  	v0 =	vld [tilespmem:s1+$0x0];
	_ =	sdelay $0x4  }
0x127: {  	v0 =	vshrl.u32 v0, $0x1  }
0x128: {  	[tilespmem:$0x2E10] =	vst v0  }
0x129: {  	v0 =	vld [tilespmem:s1+$0x10];
	_ =	sdelay $0x4  }
0x12a: {  	v0 =	vshrl.u32 v0, $0x1  }
0x12b: {  	[tilespmem:$0x2E20] =	vst v0  }
0x12c: {  	v0 =	vld [tilespmem:s1+$0x20];
	_ =	sdelay $0x4  }
0x12d: {  	v0 =	vshrl.u32 v0, $0x1  }
0x12e: {  	[tilespmem:$0x2E30] =	vst v0  }
0x12f: {  	v0 =	vld [tilespmem:s1+$0x30];
	_ =	sdelay $0x4  }
0x130: {  	v0 =	vshrl.u32 v0, $0x1  }
0x131: {  	[tilespmem:$0x2E40] =	vst v0  }
0x132: {  	v0 =	vld [tilespmem:s1+$0x40];
	_ =	sdelay $0x4  }
0x133: {  	v0 =	vshrl.u32 v0, $0x1  }
0x134: {  	[tilespmem:$0x2E50] =	vst v0  }
0x135: {  	v0 =	vld [tilespmem:s1+$0x50];
	_ =	sdelay $0x4  }
0x136: {  	v0 =	vshrl.u32 v0, $0x1  }
0x137: {  	[tilespmem:$0x2E60] =	vst v0  }
0x138: {  	v0 =	vld [tilespmem:s1+$0x60];
	_ =	sdelay $0x4  }
0x139: {  	v0 =	vshrl.u32 v0, $0x1  }
0x13a: {  	[tilespmem:$0x2E70] =	vst v0  }
0x13b: {  	v0 =	vld [tilespmem:s1+$0x70];
	_ =	sdelay $0x4  }
0x13c: {  	v0 =	vshrl.u32 v0, $0x1  }
0x13d: {  	[tilespmem:$0x2E80] =	vst v0  }
0x13e: {  	v0 =	vld [tilespmem:s1+$0x80];
	_ =	sdelay $0x4  }
0x13f: {  	v0 =	vshrl.u32 v0, $0x1  }
0x140: {  	[tilespmem:$0x2E90] =	vst v0  }
0x141: {  	v0 =	vld [tilespmem:s1+$0x90];
	_ =	sdelay $0x4  }
0x142: {  	v0 =	vshrl.u32 v0, $0x1  }
0x143: {  	[tilespmem:$0x2EA0] =	vst v0  }
0x144: {  	v0 =	vld [tilespmem:s1+$0xA0];
	_ =	sdelay $0x4  }
0x145: {  	v0 =	vshrl.u32 v0, $0x1  }
0x146: {  	[tilespmem:$0x2EB0] =	vst v0  }
0x147: {  	v0 =	vld [tilespmem:s1+$0xB0];
	_ =	sdelay $0x4  }
0x148: {  	v0 =	vshrl.u32 v0, $0x1  }
0x149: {  	[tilespmem:$0x2EC0] =	vst v0  }
0x14a: {  	v0 =	vld [tilespmem:s1+$0xC0];
	_ =	sdelay $0x4  }
0x14b: {  	v0 =	vshrl.u32 v0, $0x1  }
0x14c: {  	[tilespmem:$0x2ED0] =	vst v0  }
0x14d: {  	v0 =	vld [tilespmem:s1+$0xD0];
	_ =	sdelay $0x4  }
0x14e: {  	v0 =	vshrl.u32 v0, $0x1  }
0x14f: {  	[tilespmem:$0x2EE0] =	vst v0  }
0x150: {  	v0 =	vld [tilespmem:s1+$0xE0];
	_ =	sdelay $0x4  }
0x151: {  	v0 =	vshrl.u32 v0, $0x1  }
0x152: {  	[tilespmem:$0x2EF0] =	vst v0  }
0x153: {  	v0 =	vld [tilespmem:s1+$0xF0];
	_ =	sdelay $0x4  }
0x154: {  	v0 =	vshrl.u32 v0, $0x1  }
0x155: {  	[tilespmem:$0x2F00] =	vst v0  }
0x156: {  	v0 =	vld [tilespmem:s1+$0x100];
	_ =	sdelay $0x4  }
0x157: {  	v0 =	vshrl.u32 v0, $0x1  }
0x158: {  	[tilespmem:$0x2F10] =	vst v0  }
0x159: {  	v0 =	vld [tilespmem:s1+$0x110];
	_ =	sdelay $0x4  }
0x15a: {  	v0 =	vshrl.u32 v0, $0x1  }
0x15b: {  	[tilespmem:$0x2F20] =	vst v0  }
0x15c: {  	v0 =	vld [tilespmem:s1+$0x120];
	_ =	sdelay $0x4  }
0x15d: {  	v0 =	vshrl.u32 v0, $0x1  }
0x15e: {  	[tilespmem:$0x2F30] =	vst v0  }
0x15f: {  	v0 =	vld [tilespmem:s1+$0x130];
	_ =	sdelay $0x4  }
0x160: {  	v0 =	vshrl.u32 v0, $0x1  }
0x161: {  	[tilespmem:$0x2F40] =	vst v0  }
0x162: {  	v0 =	vld [tilespmem:s1+$0x140];
	_ =	sdelay $0x4  }
0x163: {  	v0 =	vshrl.u32 v0, $0x1  }
0x164: {  	[tilespmem:$0x2F50] =	vst v0  }
0x165: {  	v0 =	vld [tilespmem:s1+$0x150];
	_ =	sdelay $0x4  }
0x166: {  	v0 =	vshrl.u32 v0, $0x1  }
0x167: {  	[tilespmem:$0x2F60] =	vst v0  }
0x168: {  	v0 =	vld [tilespmem:s1+$0x160];
	_ =	sdelay $0x4  }
0x169: {  	v0 =	vshrl.u32 v0, $0x1  }
0x16a: {  	s0 =	sshll.u32 s0, $0x7;
	[tilespmem:$0x2F70] =	vst v0  }
0x16b: {  	[tilespmem:s11], [sflag:$0x1] =	stream.indirect.gather [hbm4b:s3+s9], $0x80, s10, s9, $0xb8;
	[tilespmem:$0x1ACF0] =	vst v63  }
0x16c: {  	s0 =	sadd.s32 s0, s5  }
0x16d: {  	[tilespmem:s12], [sflag:$0x3] =	stream.linear.gather [hbm4b:s0+s2], $0x400, $0x38;
	[tilespmem:$0x1ACF0] =	vst v63  }
.LBB2_8:
0x16e: {  	_ =	swait.ge [sflag:s19], $0xB800  }
0x16f: {  	[sflag:s19] =	ssyncset.done $0x0  }
0x170: {  	[sflag:s19] =	ssyncadd.s32 $0xFFFF4800  }
0x171: {  	s26 =	sshll.u32 s25, $0x6;
	s28 =	simm.s32 $0x0;
	_ =	swait.ge [sflag:s20], $0x400  }
0x172: {  	s29 =	simm.s32 $0x1AB00;
	s30 =	simm.s32 $0x1A510;
	[sflag:s20] =	ssyncset.done $0x0  }
0x173: {  	s31 =	smov.u32 s23;
	s1 =	simm.s32 $0x0;
	[sflag:s20] =	ssyncadd.s32 $0xFFFFFC00  }
.LBB2_9:
0x174: {  	v0 =	vld [tilespmem:s31+$0xFFFFFFF5];
	_ =	sdelay $0x3  }
0x175: {  	v60 =	vld [tilespmem:s31+$0xFFFFFFF6]  }
0x176: {  	(v2sf) =	vpush v0, $0x0;
	_ =	sdelay $0x1  }
0x177: {  	v61 =	vld [tilespmem:s31+$0xFFFFFFF7];
	_ =	sdelay $0x1  }
0x178: {  	(v2sf) =	vpush v60, $0x0;
	_ =	sdelay $0x1  }
0x179: {  	v62 =	vld [tilespmem:s31+$0xFFFFFFF8]  }
0x17a: {  	(v2sf) =	vpush v61, $0x0  }
0x17b: {  	v3 =	vld [tilespmem:s31+$0xFFFFFFF9]  }
0x17c: {  	v1 =	vld [tilespmem:s30+$0xFFFFFFE0]  }
0x17d: {  	v2 =	vld [tilespmem:s30+$0xFFFFFFF0]  }
0x17e: {  	v7 =	vld [tilespmem:s31+$0xFFFFFFFA];
	(v2sf) =	vpush v62, $0x0  }
0x17f: {  	v51 =	vld [tilespmem:s31+$0xFFFFFFFB]  }
0x180: {  	v52 =	vld [tilespmem:s31+$0xFFFFFFFC]  }
0x181: {  	v54 =	vld [tilespmem:s31+$0xFFFFFFFE]  }
0x182: {  	v55 =	vld [tilespmem:s31+$0xFFFFFFFF];
	s0 =	spop (v2sf)  }
0x183: {  	v56 =	vld [tilespmem:s31+$0x0];
	s0 =	sand.u32 $0x1, s0  }
0x184: {  	v57 =	vld [tilespmem:s31+$0x1];
	(v2sf) =	vpush v3, $0x0;
	s4 =	sshll.u32 s0, $0x6;
	s0 =	sshra.s32 s1, $0x2  }
0x185: {  	v58 =	vld [tilespmem:s31+$0x2];
	s4 =	sadd.s32 s0, s4  }
0x186: {  	s7 =	spop (v2sf);
	v5 =	vld [tilespmem:s4+$0xE8F0]  }
0x187: {  	s7 =	sand.u32 $0x1, s7;
	v6 =	vld [tilespmem:s4+$0xE900]  }
0x188: {  	s7 =	sshll.u32 s7, $0x6;
	v4 =	vld [tilespmem:s4+$0xE910]  }
0x189: {  	s8 =	spop (v2sf);
	(v2sf) =	vpush v7, $0x0;
	v63 =	vld [tilespmem:s4+$0xE920];
	s4 =	sadd.s32 s0, s7  }
0x18a: {  	v8 =	vld [tilespmem:s4+$0xE970]  }
0x18b: {  	s7 =	sand.u32 $0x1, s8;
	v9 =	vld [tilespmem:s4+$0xE980]  }
0x18c: {  	v10 =	vld [tilespmem:s4+$0xE990];
	s7 =	sshll.u32 s7, $0x6  }
0x18d: {  	s8 =	spop (v2sf);
	(v2sf) =	vpush v51, $0x0;
	v11 =	vld [tilespmem:s4+$0xE9A0];
	s4 =	sadd.s32 s0, s7  }
0x18e: {  	v12 =	vld [tilespmem:s4+$0xE9F0]  }
0x18f: {  	v13 =	vld [tilespmem:s4+$0xEA00]  }
0x190: {  	s7 =	sand.u32 $0x1, s8;
	s8 =	sadd.s32 s28, s24;
	v14 =	vld [tilespmem:s4+$0xEA10]  }
0x191: {  	v15 =	vld [tilespmem:s4+$0xEA20];
	s4 =	sand.u32 $0x7FF8, s8;
	s8 =	sand.u32 $0x7, s28  }
0x192: {  	v59 =	vld [tilespmem:s31+$0x3];
	s4 =	sor.u32 s8, s4  }
0x193: {  	s7 =	sshll.u32 s7, $0x6;
	s8 =	spop (v2sf);
	(v2sf) =	vpush v52, $0x0;
	v53 =	vld [tilespmem:s4+$0x8]  }
0x194: {  	v0 =	vld [tilespmem:s30+$0x0];
	s7 =	sadd.s32 s0, s7  }
0x195: {  	v16 =	vld [tilespmem:s7+$0xEA70]  }
0x196: {  	v17 =	vld [tilespmem:s7+$0xEA80];
	s8 =	sand.u32 $0x1, s8  }
0x197: {  	v18 =	vld [tilespmem:s7+$0xEA90];
	s8 =	sshll.u32 s8, $0x6  }
0x198: {  	v19 =	vld [tilespmem:s7+$0xEAA0];
	s7 =	sadd.s32 s0, s8;
	s8 =	spop (v2sf);
	(v2sf) =	vpush v53, $0x0  }
0x199: {  	v20 =	vld [tilespmem:s7+$0xEAF0]  }
0x19a: {  	v21 =	vld [tilespmem:s7+$0xEB00];
	s8 =	sand.u32 $0x1, s8  }
0x19b: {  	v22 =	vld [tilespmem:s7+$0xEB10];
	s8 =	sshll.u32 s8, $0x6  }
0x19c: {  	v23 =	vld [tilespmem:s7+$0xEB20];
	s7 =	sadd.s32 s0, s8;
	s8 =	spop (v2sf);
	(v2sf) =	vpush v54, $0x0  }
0x19d: {  	v60 =	vld [tilespmem:s31+$0x4]  }
0x19e: {  	v62 =	vld [tilespmem:s31+$0x7]  }
0x19f: {  	v24 =	vld [tilespmem:s7+$0xEB70]  }
0x1a0: {  	v25 =	vld [tilespmem:s7+$0xEB80];
	s8 =	sand.u32 $0x1, s8  }
0x1a1: {  	v26 =	vld [tilespmem:s7+$0xEB90];
	s8 =	sshll.u32 s8, $0x6  }
0x1a2: {  	v27 =	vld [tilespmem:s7+$0xEBA0];
	s7 =	sadd.s32 s0, s8;
	s8 =	spop (v2sf);
	(v2sf) =	vpush v55, $0x0  }
0x1a3: {  	v61 =	vld [tilespmem:s4+$0x10]  }
0x1a4: {  	v28 =	vld [tilespmem:s7+$0xEBF0]  }
0x1a5: {  	v6 =	vadd.f32 $0.0e+00, v6;
	v29 =	vld [tilespmem:s7+$0xEC00];
	s8 =	sand.u32 $0x1, s8  }
0x1a6: {  	v30 =	vld [tilespmem:s7+$0xEC10];
	s8 =	sshll.u32 s8, $0x6  }
0x1a7: {  	v6 =	vadd.f32 v9, v6;
	v31 =	vld [tilespmem:s7+$0xEC20];
	s7 =	sadd.s32 s0, s8;
	s8 =	spop (v2sf);
	(v2sf) =	vpush v56, $0x0  }
0x1a8: {  	v32 =	vld [tilespmem:s7+$0xEC70]  }
0x1a9: {  	v6 =	vadd.f32 v13, v6;
	v33 =	vld [tilespmem:s7+$0xEC80];
	s8 =	sand.u32 $0x1, s8  }
0x1aa: {  	v34 =	vld [tilespmem:s7+$0xEC90];
	s8 =	sshll.u32 s8, $0x6  }
0x1ab: {  	v6 =	vadd.f32 v17, v6;
	v35 =	vld [tilespmem:s7+$0xECA0];
	s7 =	sadd.s32 s0, s8;
	s8 =	spop (v2sf);
	(v2sf) =	vpush v57, $0x0  }
0x1ac: {  	v3 =	vadd.f32 $0.0e+00, v63;
	v63 =	vld [tilespmem:s31+$0x8]  }
0x1ad: {  	v6 =	vadd.f32 v21, v6;
	v21 =	vld [tilespmem:s31+$0x9]  }
0x1ae: {  	v36 =	vld [tilespmem:s7+$0xECF0]  }
0x1af: {  	v37 =	vld [tilespmem:s7+$0xED00];
	s8 =	sand.u32 $0x1, s8  }
0x1b0: {  	v38 =	vld [tilespmem:s7+$0xED10];
	s8 =	sshll.u32 s8, $0x6  }
0x1b1: {  	v39 =	vld [tilespmem:s7+$0xED20];
	s7 =	sadd.s32 s0, s8;
	s8 =	spop (v2sf);
	(v2sf) =	vpush v58, $0x0  }
0x1b2: {  	v54 =	vld [tilespmem:s31+$0x6]  }
0x1b3: {  	v40 =	vld [tilespmem:s7+$0xED70]  }
0x1b4: {  	v41 =	vld [tilespmem:s7+$0xED80];
	s8 =	sand.u32 $0x1, s8  }
0x1b5: {  	v42 =	vld [tilespmem:s7+$0xED90];
	s8 =	sshll.u32 s8, $0x6  }
0x1b6: {  	v43 =	vld [tilespmem:s7+$0xEDA0];
	s7 =	sadd.s32 s0, s8;
	s8 =	spop (v2sf);
	(v2sf) =	vpush v59, $0x0  }
0x1b7: {  	v44 =	vld [tilespmem:s7+$0xEDF0]  }
0x1b8: {  	v45 =	vld [tilespmem:s7+$0xEE00];
	s8 =	sand.u32 $0x1, s8  }
0x1b9: {  	v46 =	vld [tilespmem:s7+$0xEE10];
	s8 =	sshll.u32 s8, $0x6  }
0x1ba: {  	v47 =	vld [tilespmem:s7+$0xEE20];
	s7 =	sadd.s32 s0, s8;
	s8 =	spop (v2sf);
	(v2sf) =	vpush v60, $0x0  }
0x1bb: {  	v58 =	vld [tilespmem:s31+$0xB]  }
0x1bc: {  	v48 =	vld [tilespmem:s7+$0xEE70]  }
0x1bd: {  	v49 =	vld [tilespmem:s7+$0xEE80]  }
0x1be: {  	v50 =	vld [tilespmem:s7+$0xEE90];
	s8 =	sand.u32 $0x1, s8;
	(v2sf) =	vpush v61, $0x0  }
0x1bf: {  	v51 =	vld [tilespmem:s7+$0xEEA0];
	s8 =	sshll.u32 s8, $0x6  }
0x1c0: {  	v5 =	vadd.f32 $0.0e+00, v5;
	s4 =	sadd.s32 s0, s8;
	s8 =	spop (v2sf);
	(v2sf) =	vpush v54, $0x0;
	v54 =	vld [tilespmem:s31+$0xA]  }
0x1c1: {  	v4 =	vadd.f32 $0.0e+00, v4;
	v52 =	vld [tilespmem:s4+$0xEEF0]  }
0x1c2: {  	v5 =	vadd.f32 v8, v5;
	v53 =	vld [tilespmem:s4+$0xEF00];
	s7 =	sand.u32 $0x1, s8  }
0x1c3: {  	v4 =	vadd.f32 v10, v4;
	v3 =	vadd.f32 v11, v3;
	v55 =	vld [tilespmem:s4+$0xEF10];
	s7 =	sshll.u32 s7, $0x6  }
0x1c4: {  	v5 =	vadd.f32 v12, v5;
	v7 =	vld [tilespmem:s4+$0xEF20];
	s4 =	sadd.s32 s0, s7  }
0x1c5: {  	v4 =	vadd.f32 v14, v4;
	v3 =	vadd.f32 v15, v3;
	v8 =	vld [tilespmem:s4+$0xEF70];
	s8 =	spop (v2sf)  }
0x1c6: {  	v5 =	vadd.f32 v16, v5;
	v10 =	vld [tilespmem:s4+$0xEF80];
	(v2sf) =	vpush v62, $0x0;
	s7 =	sand.u32 $0x1, s8  }
0x1c7: {  	v4 =	vadd.f32 v18, v4;
	v3 =	vadd.f32 v19, v3;
	v11 =	vld [tilespmem:s4+$0xEF90];
	s7 =	sshll.u32 s7, $0x6  }
0x1c8: {  	v5 =	vadd.f32 v20, v5;
	v12 =	vld [tilespmem:s4+$0xEFA0];
	s4 =	sadd.s32 s0, s7  }
0x1c9: {  	v4 =	vadd.f32 v22, v4;
	v3 =	vadd.f32 v23, v3;
	s8 =	spop (v2sf);
	v9 =	vld [tilespmem:s4+$0xEFF0]  }
0x1ca: {  	v5 =	vadd.f32 v24, v5;
	(v2sf) =	vpush v63, $0x0;
	v14 =	vld [tilespmem:s4+$0xF000];
	s7 =	sand.u32 $0x1, s8  }
0x1cb: {  	v6 =	vadd.f32 v25, v6;
	v4 =	vadd.f32 v26, v4;
	v16 =	vld [tilespmem:s4+$0xF010];
	s7 =	sshll.u32 s7, $0x6  }
0x1cc: {  	v3 =	vadd.f32 v27, v3;
	v5 =	vadd.f32 v28, v5;
	v13 =	vld [tilespmem:s4+$0xF020];
	s4 =	sadd.s32 s0, s7  }
0x1cd: {  	v6 =	vadd.f32 v29, v6;
	(v2sf) =	vpush v21, $0x0;
	s8 =	spop (v2sf);
	v17 =	vld [tilespmem:s4+$0xF070]  }
0x1ce: {  	v4 =	vadd.f32 v30, v4;
	v3 =	vadd.f32 v31, v3;
	s7 =	sand.u32 $0x1, s8;
	v56 =	vld [tilespmem:s4+$0xF080]  }
0x1cf: {  	v5 =	vadd.f32 v32, v5;
	v6 =	vadd.f32 v33, v6;
	v57 =	vld [tilespmem:s4+$0xF090];
	s7 =	sshll.u32 s7, $0x6  }
0x1d0: {  	v4 =	vadd.f32 v34, v4;
	v3 =	vadd.f32 v35, v3;
	v59 =	vld [tilespmem:s4+$0xF0A0];
	s4 =	sadd.s32 s0, s7  }
0x1d1: {  	v5 =	vadd.f32 v36, v5;
	(v2sf) =	vpush v54, $0x0;
	s8 =	spop (v2sf);
	v60 =	vld [tilespmem:s4+$0xF0F0]  }
0x1d2: {  	v6 =	vadd.f32 v37, v6;
	v4 =	vadd.f32 v38, v4;
	s7 =	sand.u32 $0x1, s8;
	v61 =	vld [tilespmem:s4+$0xF100]  }
0x1d3: {  	v3 =	vadd.f32 v39, v3;
	v5 =	vadd.f32 v40, v5;
	v62 =	vld [tilespmem:s4+$0xF110];
	s7 =	sshll.u32 s7, $0x6  }
0x1d4: {  	v6 =	vadd.f32 v41, v6;
	(v2sf) =	vpush v58, $0x0;
	v63 =	vld [tilespmem:s4+$0xF120];
	s4 =	sadd.s32 s0, s7  }
0x1d5: {  	v4 =	vadd.f32 v42, v4;
	v3 =	vadd.f32 v43, v3;
	v32 =	vld [tilespmem:s4+$0xF170];
	s8 =	spop (v2sf)  }
0x1d6: {  	v5 =	vadd.f32 v44, v5;
	v6 =	vadd.f32 v45, v6;
	v33 =	vld [tilespmem:s4+$0xF180];
	s7 =	sand.u32 $0x1, s8  }
0x1d7: {  	v4 =	vadd.f32 v46, v4;
	v3 =	vadd.f32 v47, v3;
	v34 =	vld [tilespmem:s4+$0xF190];
	s7 =	sshll.u32 s7, $0x6  }
0x1d8: {  	v5 =	vadd.f32 v48, v5;
	v6 =	vadd.f32 v49, v6;
	v35 =	vld [tilespmem:s4+$0xF1A0];
	s4 =	sadd.s32 s0, s7  }
0x1d9: {  	v4 =	vadd.f32 v50, v4;
	v3 =	vadd.f32 v51, v3;
	s8 =	spop (v2sf);
	v36 =	vld [tilespmem:s4+$0xF1F0]  }
0x1da: {  	v5 =	vadd.f32 v52, v5;
	v6 =	vadd.f32 v53, v6;
	s7 =	sand.u32 $0x1, s8;
	v37 =	vld [tilespmem:s4+$0xF200]  }
0x1db: {  	v4 =	vadd.f32 v55, v4;
	v3 =	vadd.f32 v7, v3;
	v38 =	vld [tilespmem:s4+$0xF210];
	s7 =	sshll.u32 s7, $0x6  }
0x1dc: {  	v5 =	vadd.f32 v8, v5;
	v6 =	vadd.f32 v10, v6;
	s8 =	spop (v2sf);
	v39 =	vld [tilespmem:s4+$0xF220];
	s4 =	sadd.s32 s0, s7  }
0x1dd: {  	v4 =	vadd.f32 v11, v4;
	v3 =	vadd.f32 v12, v3;
	s8 =	sand.u32 $0x1, s8;
	v40 =	vld [tilespmem:s4+$0xF270]  }
0x1de: {  	v5 =	vadd.f32 v9, v5;
	v6 =	vadd.f32 v14, v6;
	s7 =	sshll.u32 s8, $0x6;
	v41 =	vld [tilespmem:s4+$0xF280]  }
0x1df: {  	v4 =	vadd.f32 v16, v4;
	v3 =	vadd.f32 v13, v3;
	v42 =	vld [tilespmem:s4+$0xF290];
	s7 =	sadd.s32 s0, s7  }
0x1e0: {  	v5 =	vadd.f32 v17, v5;
	v6 =	vadd.f32 v56, v6;
	s8 =	spop (v2sf);
	v43 =	vld [tilespmem:s7+$0xF2F0]  }
0x1e1: {  	v4 =	vadd.f32 v57, v4;
	v3 =	vadd.f32 v59, v3;
	s8 =	sand.u32 $0x1, s8;
	v44 =	vld [tilespmem:s7+$0xF300]  }
0x1e2: {  	v5 =	vadd.f32 v60, v5;
	v6 =	vadd.f32 v61, v6;
	v45 =	vld [tilespmem:s7+$0xF310];
	s8 =	sshll.u32 s8, $0x6  }
0x1e3: {  	v4 =	vadd.f32 v62, v4;
	v3 =	vadd.f32 v63, v3;
	v46 =	vld [tilespmem:s7+$0xF320];
	s7 =	sadd.s32 s0, s8;
	s8 =	spop (v2sf)  }
0x1e4: {  	v5 =	vadd.f32 v32, v5;
	v6 =	vadd.f32 v33, v6;
	v47 =	vld [tilespmem:s7+$0xF370];
	s8 =	sand.u32 $0x1, s8  }
0x1e5: {  	v4 =	vadd.f32 v34, v4;
	v3 =	vadd.f32 v35, v3;
	v48 =	vld [tilespmem:s7+$0xF380];
	s8 =	sshll.u32 s8, $0x6  }
0x1e6: {  	v5 =	vadd.f32 v36, v5;
	v6 =	vadd.f32 v37, v6;
	v49 =	vld [tilespmem:s7+$0xF390];
	s0 =	sadd.s32 s0, s8  }
0x1e7: {  	v4 =	vadd.f32 v38, v4;
	v3 =	vadd.f32 v39, v3;
	v50 =	vld [tilespmem:s0+$0xF3F0]  }
0x1e8: {  	v5 =	vadd.f32 v40, v5;
	v6 =	vadd.f32 v41, v6;
	v51 =	vld [tilespmem:s0+$0xF400]  }
0x1e9: {  	v54 =	vld [tilespmem:s7+$0xF3A0];
	v52 =	vadd.f32 $0.0e+00, v43;
	v53 =	vadd.f32 $0.0e+00, v44  }
0x1ea: {  	v4 =	vadd.f32 v42, v4;
	v55 =	vadd.f32 $0.0e+00, v45;
	v56 =	vld [tilespmem:s0+$0xF410]  }
0x1eb: {  	v57 =	vld [tilespmem:s4+$0xF2A0];
	v9 =	vadd.f32 v47, v52;
	v10 =	vadd.f32 v48, v53  }
0x1ec: {  	v15 =	vadd.f32 $0.0e+00, v46;
	v58 =	vld [tilespmem:s0+$0xF420];
	v11 =	vadd.f32 v49, v55  }
0x1ed: {  	v59 =	vld [tilespmem:s30+$0x10];
	v7 =	vadd.f32 v50, v9;
	v8 =	vadd.f32 v51, v10  }
0x1ee: {  	v5 =	vmul.f32 v5, v1;
	v6 =	vmul.f32 v6, v2;
	v60 =	vadd.f32 v54, v15  }
0x1ef: {  	v11 =	vadd.f32 v56, v11;
	v1 =	vmul.f32 v7, v1;
	v2 =	vmul.f32 v8, v2  }
0x1f0: {  	v3 =	vadd.f32 v57, v3;
	v4 =	vmul.f32 v4, v0;
	v5 =	vadd.f32 v6, v5  }
0x1f1: {  	v61 =	vadd.f32 v58, v60;
	v0 =	vmul.f32 v11, v0;
	v1 =	vadd.f32 v2, v1  }
0x1f2: {  	p0 =	sne.s32 s1, $0x2B200;
	v3 =	vmul.f32 v3, v59;
	v62 =	vadd.f32 v4, v5  }
.Ltmp8:
0x1f3: {  	v63 =	vmul.f32 v61, v59;
	v0 =	vadd.f32 v0, v1;
	(pc) =	sbr.rel @p0 .LBB2_9-.Ltmp8, $4  }
0x1f4: {  	v2 =	vadd.f32 v3, v62  }
0x1f5: {  	v0 =	vadd.f32 v63, v0  }
0x1f6: {  	s1 =	sadd.s32 $0x2E00, s1;
	s28 =	sadd.s32 $0x17, s28;
	[tilespmem:s29+$0xFFFFFFF0] =	vst v2  }
0x1f7: {  	s31 =	sadd.s32 $0x17, s31;
	s30 =	sadd.s32 $0x40, s30;
	[tilespmem:s29+$0x0] =	vst v0;
	s29 =	sadd.s32 $0x20, s29  }
.Ltmp9:
0x1f8: {  	_ = 	snop;
	(pc) =	sbr.rel .LBB2_10-.Ltmp9, $1  }
0x1f9: {  	_ =	sdelay $0x3  }
.LBB2_13:
0x1fa: {  	_ =	sfence.sel $0x180000  }
0x1fb: {  	[bflag:$0x0] =	sbarrier.arrive $0xFFFF  }
0x1fc: {  	_ =	strace $0x9000004A  }
0x1fd: {  	s0 =	stileid.u32;
	[bflag:$0x2] =	sbarrier.arrive $0xFFFF  }
0x1fe: {  	p0 =	sne.s32 s0, $0x0;
	s0 =	rddreg [dreg:$0x1]  }
0x1ff: {  	s0 =	sadd.s32 @!p0 $0x100000, s0  }
0x200: {  	[sflag:s0] =	ssyncadd.tile.s32 @!p0 $0x1;
	_ =	shalt  }
.Lfunc_end2:
_tile_overlayer_lowered:
.L_overlay_start_2:
0x201: {  	(tag) =	ssettag $0x2  }
0x202: {  	s0 =	rddreg [dreg:$0x0];
	s2 =	stileid.u32  }
0x203: {  	s1 =	rddreg [dreg:$0x1];
	p0 =	sne.s32 s2, $0x0  }
0x204: {  	s3 =	rddreg [dreg:$0x2];
	[bflag:$0x3] =	sbarrier.arrive $0xFFFF;
	s2 =	simm.s32 @!p0 $0x1C05  }
0x205: {  	[timem:s3], [sflag:s2] =	dma.local @!p0 [hbm:s0], s1  }
0x206: {  	s0 =	simm.s32 @!p0 $0x5  }
0x207: {  	_ =	swait.ge @!p0 [sflag:s0], s1  }
0x208: {  	s1 =	ssub.s32 @!p0 $0x0, s1;
	[sflag:s0] =	ssyncset.done @!p0 $0x0  }
0x209: {  	[sflag:s0] =	ssyncadd.s32 @!p0 s1  }
0x20a: {  	[bflag:$0x3] =	sbarrier.arrive $0xFFFF  }
0x20b: {  	_ =	shalt  }

</sc_bundles>
